<compile_context>
chip_gen: v7x
topology: tpu7x:2x2x1
jax: 0.10.2.dev20260603
libtpu: 0.0.44.dev20260713+nightly
codegen_flags: <defaults>
</compile_context>

<pallas_src>
import jax
import jax.numpy as jnp
import numpy as np
from jax import lax
from jax.experimental import pallas as pl
from jax.experimental.pallas import tpu as pltpu
from jax.experimental.pallas import tpu_sc as plsc

B = 8
FW = 20000
FWP = 20096
NBLK = 157
NBLK_P = 160
BLK = 128
MAX_OUT = 50
NEG = np.float32(-1e30)
NEG_HALF = np.float32(-5e29)
DIST = np.float32(16.0)
THR = np.float32(0.7)
LOG2E = np.float32(1.4426950408889634)
SEL_PAD = np.float32(3e38)


KM = NBLK
KP0 = NBLK
KP1 = NBLK
KBM = 2
KTOT = 3 * NBLK + KBM


def _prep_body(logit_ref, d0_ref, d1_ref, wl_ref, out_ref):
    x = logit_ref[...]
    e = jnp.exp2(x * (-LOG2E))
    s = 1.0 / (1.0 + e)
    iot = lax.broadcasted_iota(jnp.int32, (B, FW), 1).astype(jnp.float32)
    ic = (iot + 0.5) * 16.0
    p0 = d0_ref[...] * 16.0 + ic
    p1 = d1_ref[...] * 16.0 + ic
    wl = wl_ref[0]
    valid = (p0 >= 0.0) & (p0 <= wl) & (p1 >= 0.0) & (p1 <= wl) & (s >= THR)
    mm = jnp.where(valid, s, NEG)
    negpad = jnp.full((B, FWP - FW), NEG, jnp.float32)
    zpad = jnp.zeros((B, FWP - FW), jnp.float32)
    mp = jnp.concatenate([mm, negpad], axis=1)
    p0p = jnp.concatenate([p0, zpad], axis=1)
    p1p = jnp.concatenate([p1, zpad], axis=1)
    bm = jnp.max(mp.reshape(B, NBLK, BLK), axis=2)
    bmp = jnp.concatenate(
        [bm, jnp.full((B, 256 - NBLK), NEG, jnp.float32)], axis=1)
    for k in range(NBLK):
        out_ref[k] = mp[:, k * BLK:(k + 1) * BLK]
    for k in range(NBLK):
        out_ref[KM + k] = p0p[:, k * BLK:(k + 1) * BLK]
    for k in range(NBLK):
        out_ref[KM + KP0 + k] = p1p[:, k * BLK:(k + 1) * BLK]
    out_ref[3 * NBLK] = bmp[:, :BLK]
    out_ref[3 * NBLK + 1] = bmp[:, BLK:]


def _st1(ref, idx, val):
    iota = lax.broadcasted_iota(jnp.int32, (16,), 0)
    idxv = jnp.zeros((16,), jnp.int32) + idx
    valv = jnp.zeros((16,), jnp.float32) + val
    plsc.store_scatter(ref, [idxv], valv, mask=iota == 0)


def _st1_2d(ref, r, c, val):
    iota = lax.broadcasted_iota(jnp.int32, (16,), 0)
    rv = jnp.zeros((16,), jnp.int32) + r
    cv = jnp.zeros((16,), jnp.int32) + c
    valv = jnp.zeros((16,), jnp.float32) + val
    plsc.store_scatter(ref, [rv, cv], valv, mask=iota == 0)


def _nms_walk_body(prep_hbm, out_hbm,
                   m_loc, p0_loc, p1_loc, bm_loc, selc_loc,
                   out_loc, sem):
    wid = lax.axis_index("s") * 2 + lax.axis_index("c")

    @pl.when(wid < B)
    def _run():
        b = wid
        cp_m = pltpu.make_async_copy(
            prep_hbm.at[pl.ds(0, NBLK), b], m_loc, sem)
        cp_p0 = pltpu.make_async_copy(
            prep_hbm.at[pl.ds(KM, NBLK), b], p0_loc, sem)
        cp_p1 = pltpu.make_async_copy(
            prep_hbm.at[pl.ds(2 * NBLK, NBLK), b], p1_loc, sem)
        cp_bm = pltpu.make_async_copy(
            prep_hbm.at[pl.ds(3 * NBLK, KBM), b], bm_loc, sem)
        cp_m.start()
        cp_p0.start()
        cp_p1.start()
        cp_bm.start()

        zero16 = jnp.zeros((16,), jnp.float32)
        for i in range(24):
            out_loc[pl.ds(i * 16, 16)] = zero16
        for i in range(4):
            selc_loc[pl.ds(i * 16, 16)] = jnp.full((16,), SEL_PAD, jnp.float32)

        cp_m.wait()
        cp_p0.wait()
        cp_p1.wait()
        cp_bm.wait()

        iota16 = lax.broadcasted_iota(jnp.int32, (16,), 0)
        big = jnp.int32(10**9)

        def _cond(carry):
            cnt, done = carry
            return (cnt < MAX_OUT) & jnp.logical_not(done)

        def _step(carry):
            cnt, _ = carry
            gmv = [bm_loc[(j * 16) // BLK, pl.ds((j * 16) % BLK, 16)]
                   for j in range(10)]
            gm = gmv[0]
            for j in range(1, 10):
                gm = jnp.maximum(gm, gmv[j])
            mval = jnp.max(gm)
            exhausted = mval <= NEG_HALF
            b_star = jnp.int32(big)
            for j in range(9, -1, -1):
                fj = plsc.all_reduce_ffs(gmv[j] == mval)
                if fj.ndim:
                    fj = fj[0]
                b_star = jnp.where((fj >= 0) & (fj < 16),
                                   j * 16 + fj, b_star)
            mv = [m_loc[b_star, pl.ds(j * 16, 16)] for j in range(8)]
            qc = jnp.int32(big)
            for j in range(7, -1, -1):
                fj = plsc.all_reduce_ffs(mv[j] == mval)
                if fj.ndim:
                    fj = fj[0]
                qc = jnp.where((fj >= 0) & (fj < 16), j * 16 + fj, qc)
            zeros16 = jnp.zeros((16,), jnp.int32)
            bsv = b_star + zeros16
            qcv = qc + zeros16
            p0v = plsc.load_gather(p0_loc, [bsv, qcv])
            p1v = plsc.load_gather(p1_loc, [bsv, qcv])
            cvec = (p0v + p1v) * 0.5
            near = jnp.abs(selc_loc[pl.ds(0, 16)] - cvec) <= DIST
            for j in range(1, 4):
                near = near | (
                    jnp.abs(selc_loc[pl.ds(j * 16, 16)] - cvec) <= DIST)
            nearcnt = plsc.all_reduce_population_count(near)
            if nearcnt.ndim:
                nearcnt = nearcnt[0]
            keep = (nearcnt == 0) & jnp.logical_not(exhausted)

            @pl.when(jnp.logical_not(exhausted))
            def _pop():
                _st1_2d(m_loc, b_star, qc, NEG)
                acc = jnp.full((16,), NEG, jnp.float32)
                for j in range(8):
                    acc = jnp.maximum(
                        acc, jnp.where(j * 16 + iota16 == qc, NEG, mv[j]))
                _st1_2d(bm_loc, b_star >> 7, b_star & 127, jnp.max(acc))

            @pl.when(keep)
            def _emit():
                iotav = jnp.zeros((16,), jnp.int32) + cnt
                plsc.store_scatter(selc_loc, [iotav], cvec, mask=iota16 == 0)
                posv = jnp.where(iota16 == 0, p0v,
                                 jnp.where(iota16 == 1, p1v, 1.0))
                plsc.store_scatter(out_loc, [4 * cnt + iota16], posv,
                                   mask=iota16 < 3)
                scv = jnp.where(iota16 == 0, mval, 1.0)
                plsc.store_scatter(out_loc, [256 + 2 * cnt + iota16], scv,
                                   mask=iota16 < 2)

            cnt_next = cnt + jnp.where(keep, 1, 0).astype(jnp.int32)
            return cnt_next, exhausted

        lax.while_loop(_cond, _step, (jnp.int32(0), jnp.bool_(False)))

        pltpu.sync_copy(out_loc,
                        out_hbm.at[pl.ds(pl.multiple_of(b * 384, 8), 384)])


def kernel(pred_cls_logit, pred_delta, img_width):
    wl = (jnp.float32(img_width) - 1.0).reshape(1)
    d0 = pred_delta[:, :, 0]
    d1 = pred_delta[:, :, 1]

    prep = pl.pallas_call(
        _prep_body,
        out_shape=jax.ShapeDtypeStruct((KTOT, B, BLK), jnp.float32),
        in_specs=[
            pl.BlockSpec(memory_space=pltpu.VMEM),
            pl.BlockSpec(memory_space=pltpu.VMEM),
            pl.BlockSpec(memory_space=pltpu.VMEM),
            pl.BlockSpec(memory_space=pltpu.SMEM),
        ],
        out_specs=pl.BlockSpec(memory_space=pltpu.VMEM),
    )(pred_cls_logit, d0, d1, wl)

    mesh = plsc.VectorSubcoreMesh(core_axis_name="c", subcore_axis_name="s",
                                  num_cores=2)
    out_flat = pl.kernel(
        _nms_walk_body,
        out_type=jax.ShapeDtypeStruct((B * 384,), jnp.float32),
        mesh=mesh,
        compiler_params=pltpu.CompilerParams(needs_layout_passes=False,
                                             skip_device_barrier=True),
        scratch_types=[
            pltpu.VMEM((NBLK, BLK), jnp.float32),
            pltpu.VMEM((NBLK, BLK), jnp.float32),
            pltpu.VMEM((NBLK, BLK), jnp.float32),
            pltpu.VMEM((KBM, BLK), jnp.float32),
            pltpu.VMEM((64,), jnp.float32),
            pltpu.VMEM((384,), jnp.float32),
            pltpu.SemaphoreType.DMA,
        ],
    )(prep)

    buf = out_flat.reshape(B, 384)
    nms_positions = buf[:, :256].reshape(B, 64, 4)[:, :MAX_OUT, :3]
    nms_scores = buf[:, 256:].reshape(B, 64, 2)[:, :MAX_OUT, :]
    return nms_positions, nms_scores

# --- scband reference (transcript-rebuilt; emitter-appended) ---
"""Pipeline reference for scband-extract-split-position-73607149519526 (READ-ONLY COPY).

The authoritative reference and input builder live on the scoring server;
editing this copy changes nothing except your own understanding.
"""

import jax, jax.numpy as jnp
import numpy as np

FEAT_STRIDE = 16
SCORE_THRESH = 0.7
DIST_THRESH = 16.0
MAX_OUT = 50
NEG = -1e30


def setup_inputs(seed: int = 0) -> dict:
    key = jax.random.key(seed)
    k1, k2 = jax.random.split(key)
    B, FW = 8, 20000
    return {
        "pred_cls_logit": jax.random.normal(k1, (B, FW), dtype=jnp.float32),
        "pred_delta": jax.random.normal(k2, (B, FW, 2), dtype=jnp.float32),
        "img_width": 320000,
    }


def _nms_single(split_positions, scores, img_width):
    # filter candidates inside image and above score threshold
    valid = (split_positions[:, 0] >= 0) & (split_positions[:, 0] <= img_width - 1.0)
    valid = valid & (split_positions[:, 1] >= 0) & (split_positions[:, 1] <= img_width - 1.0)
    valid = valid & (scores >= SCORE_THRESH)
    centers = jnp.mean(split_positions, axis=1)
    masked = jnp.where(valid, scores, NEG)

    def step(m, _):
        idx = jnp.argmax(m)  # highest remaining score (== sort + pop front)
        cur = m[idx]
        is_valid = cur > NEG * 0.5
        sel_score = scores[idx]
        sel_pos = split_positions[idx]
        keep = jnp.abs(centers - centers[idx]) > DIST_THRESH
        new_m = jnp.where(is_valid, jnp.where(keep, m, NEG), m)
        out_pos = jnp.where(is_valid, sel_pos, jnp.zeros_like(sel_pos))
        out_score = jnp.where(is_valid, sel_score, jnp.float32(0.0))
        flag = is_valid.astype(jnp.float32)
        return new_m, (out_pos, out_score, flag)

    _, (pos, sc, fl) = jax.lax.scan(step, masked, None, length=MAX_OUT)
    # pad_to_fixed_size: append flag column (1 for real rows), zero rows for padding
    nms_positions = jnp.concatenate([pos, fl[:, None]], axis=1)  # [MAX_OUT, 3]
    nms_scores = jnp.stack([sc, fl], axis=1)  # [MAX_OUT, 2]
    return nms_positions, nms_scores


def reference(pred_cls_logit, pred_delta, img_width):
    feat_width = pred_delta.shape[1]
    iw = jnp.float32(img_width)
    interval_center = (jnp.arange(feat_width, dtype=jnp.float32) + 0.5) * FEAT_STRIDE
    interval_center = jnp.tile(interval_center[:, None], (1, 2))[None, ...]
    pred_split_positions = pred_delta * FEAT_STRIDE + interval_center
    scores = jax.nn.sigmoid(pred_cls_logit)
    f = jax.vmap(lambda p, s: _nms_single(p, s, iw))
    nms_positions, nms_scores = f(pred_split_positions, scores)
    return nms_positions, nms_scores

if __name__ == "__main__":
    import jax
    _d = setup_inputs()
    print(jax.jit(kernel)(*tuple(_d.values())))

</pallas_src>

<mosaic_0001>
#map = affine_map<(d0, d1) -> (0, 0, 0)>
#map1 = affine_map<(d0, d1) -> (0)>
module attributes {stable_mosaic.version = 14 : i64} {
  func.func @_nms_walk_body(%arg0: i32, %arg1: i32, %arg2: memref<473x8x128xf32, #tpu.memory_space<hbm>>, %arg3: memref<3072xf32, #tpu.memory_space<hbm>>, %arg4: memref<157x128xf32, #tpu.memory_space<vmem>>, %arg5: memref<157x128xf32, #tpu.memory_space<vmem>>, %arg6: memref<157x128xf32, #tpu.memory_space<vmem>>, %arg7: memref<2x128xf32, #tpu.memory_space<vmem>>, %arg8: memref<64xf32, #tpu.memory_space<vmem>>, %arg9: memref<384xf32, #tpu.memory_space<vmem>>, %arg10: memref<!tpu.dma_semaphore, #tpu.memory_space<semaphore_mem>>) attributes {dimension_semantics = [#tpu.dimension_semantics<core_parallel>, #tpu.dimension_semantics<subcore_parallel>], iteration_bounds = array<i64: 2, 16>, scalar_prefetch = 0 : i64, scratch_operands = 7 : i64, tpu.core_type = #tpu.core_type<sc_vector_subcore>, window_params = [{transform_indices = #map}, {transform_indices = #map1}]} {
    %mul3A = arith.constant 2 : i32
    %mul3A_0 = arith.muli %arg1, %mul3A : i32
    %add3A = arith.addi %mul3A_0, %arg0 : i32
    %lt3A = arith.constant 8 : i32
    %lt3A_1 = arith.cmpi slt, %add3A, %lt3A : i32
    %convert_element_type3A = arith.extui %lt3A_1 : i1 to i32
    %cond3A = arith.constant 0 : i32
    %cond3A_2 = arith.cmpi ne, %convert_element_type3A, %cond3A : i32
    scf.if %cond3A_2 {
      %dma_start3A = arith.constant 0 : i32
      %dma_start3A_3 = arith.constant 0 : i32
      %dma_start3A_4 = tpu.memref_slice %arg2[%dma_start3A, %add3A, %dma_start3A_3] : memref<473x8x128xf32, #tpu.memory_space<hbm>> -> memref<157x1x128xf32, #tpu.memory_space<hbm>>
      %dma_start3A_5 = tpu.memref_squeeze %dma_start3A_4 : memref<157x1x128xf32, #tpu.memory_space<hbm>> -> memref<157x128xf32, #tpu.memory_space<hbm>>
      %dma_start3A_6 = arith.constant 0 : i32
      %dma_start3A_7 = arith.constant 0 : i32
      %dma_start3A_8 = tpu.memref_slice %arg2[%dma_start3A_6, %add3A, %dma_start3A_7] : memref<473x8x128xf32, #tpu.memory_space<hbm>> -> memref<157x1x128xf32, #tpu.memory_space<hbm>>
      %dma_start3A_9 = tpu.memref_squeeze %dma_start3A_8 : memref<157x1x128xf32, #tpu.memory_space<hbm>> -> memref<157x128xf32, #tpu.memory_space<hbm>>
      tpu.enqueue_dma source(%dma_start3A_9 : memref<157x128xf32, #tpu.memory_space<hbm>>) target(%arg4 : memref<157x128xf32, #tpu.memory_space<vmem>>) target_semaphore(%arg10 : memref<!tpu.dma_semaphore, #tpu.memory_space<semaphore_mem>>)
      %dma_start3A_10 = arith.constant 157 : i32
      %dma_start3A_11 = arith.constant 0 : i32
      %dma_start3A_12 = tpu.memref_slice %arg2[%dma_start3A_10, %add3A, %dma_start3A_11] : memref<473x8x128xf32, #tpu.memory_space<hbm>> -> memref<157x1x128xf32, #tpu.memory_space<hbm>>
      %dma_start3A_13 = tpu.memref_squeeze %dma_start3A_12 : memref<157x1x128xf32, #tpu.memory_space<hbm>> -> memref<157x128xf32, #tpu.memory_space<hbm>>
      %dma_start3A_14 = arith.constant 157 : i32
      %dma_start3A_15 = arith.constant 0 : i32
      %dma_start3A_16 = tpu.memref_slice %arg2[%dma_start3A_14, %add3A, %dma_start3A_15] : memref<473x8x128xf32, #tpu.memory_space<hbm>> -> memref<157x1x128xf32, #tpu.memory_space<hbm>>
      %dma_start3A_17 = tpu.memref_squeeze %dma_start3A_16 : memref<157x1x128xf32, #tpu.memory_space<hbm>> -> memref<157x128xf32, #tpu.memory_space<hbm>>
      tpu.enqueue_dma source(%dma_start3A_17 : memref<157x128xf32, #tpu.memory_space<hbm>>) target(%arg5 : memref<157x128xf32, #tpu.memory_space<vmem>>) target_semaphore(%arg10 : memref<!tpu.dma_semaphore, #tpu.memory_space<semaphore_mem>>)
      %dma_start3A_18 = arith.constant 314 : i32
      %dma_start3A_19 = arith.constant 0 : i32
      %dma_start3A_20 = tpu.memref_slice %arg2[%dma_start3A_18, %add3A, %dma_start3A_19] : memref<473x8x128xf32, #tpu.memory_space<hbm>> -> memref<157x1x128xf32, #tpu.memory_space<hbm>>
      %dma_start3A_21 = tpu.memref_squeeze %dma_start3A_20 : memref<157x1x128xf32, #tpu.memory_space<hbm>> -> memref<157x128xf32, #tpu.memory_space<hbm>>
      %dma_start3A_22 = arith.constant 314 : i32
      %dma_start3A_23 = arith.constant 0 : i32
      %dma_start3A_24 = tpu.memref_slice %arg2[%dma_start3A_22, %add3A, %dma_start3A_23] : memref<473x8x128xf32, #tpu.memory_space<hbm>> -> memref<157x1x128xf32, #tpu.memory_space<hbm>>
      %dma_start3A_25 = tpu.memref_squeeze %dma_start3A_24 : memref<157x1x128xf32, #tpu.memory_space<hbm>> -> memref<157x128xf32, #tpu.memory_space<hbm>>
      tpu.enqueue_dma source(%dma_start3A_25 : memref<157x128xf32, #tpu.memory_space<hbm>>) target(%arg6 : memref<157x128xf32, #tpu.memory_space<vmem>>) target_semaphore(%arg10 : memref<!tpu.dma_semaphore, #tpu.memory_space<semaphore_mem>>)
      %dma_start3A_26 = arith.constant 471 : i32
      %dma_start3A_27 = arith.constant 0 : i32
      %dma_start3A_28 = tpu.memref_slice %arg2[%dma_start3A_26, %add3A, %dma_start3A_27] : memref<473x8x128xf32, #tpu.memory_space<hbm>> -> memref<2x1x128xf32, #tpu.memory_space<hbm>>
      %dma_start3A_29 = tpu.memref_squeeze %dma_start3A_28 : memref<2x1x128xf32, #tpu.memory_space<hbm>> -> memref<2x128xf32, #tpu.memory_space<hbm>>
      %dma_start3A_30 = arith.constant 471 : i32
      %dma_start3A_31 = arith.constant 0 : i32
      %dma_start3A_32 = tpu.memref_slice %arg2[%dma_start3A_30, %add3A, %dma_start3A_31] : memref<473x8x128xf32, #tpu.memory_space<hbm>> -> memref<2x1x128xf32, #tpu.memory_space<hbm>>
      %dma_start3A_33 = tpu.memref_squeeze %dma_start3A_32 : memref<2x1x128xf32, #tpu.memory_space<hbm>> -> memref<2x128xf32, #tpu.memory_space<hbm>>
      tpu.enqueue_dma source(%dma_start3A_33 : memref<2x128xf32, #tpu.memory_space<hbm>>) target(%arg7 : memref<2x128xf32, #tpu.memory_space<vmem>>) target_semaphore(%arg10 : memref<!tpu.dma_semaphore, #tpu.memory_space<semaphore_mem>>)
      %broadcast_in_dim3A = arith.constant 0.000000e+00 : f32
      %broadcast_in_dim3A_34 = vector.broadcast %broadcast_in_dim3A : f32 to vector<16xf32>
      %swap3A = arith.constant 0 : index
      %swap3A_35 = tpu.vector_load %arg9[%swap3A] {strides = array<i32>} : memref<384xf32, #tpu.memory_space<vmem>>, vector<16xf32>,
      tpu.vector_store %arg9[%swap3A], %broadcast_in_dim3A_34 {strides = array<i32>} : memref<384xf32, #tpu.memory_space<vmem>>, vector<16xf32>,
      %swap3A_36 = arith.constant 16 : index
      %swap3A_37 = tpu.vector_load %arg9[%swap3A_36] {strides = array<i32>} : memref<384xf32, #tpu.memory_space<vmem>>, vector<16xf32>,
      tpu.vector_store %arg9[%swap3A_36], %broadcast_in_dim3A_34 {strides = array<i32>} : memref<384xf32, #tpu.memory_space<vmem>>, vector<16xf32>,
      %swap3A_38 = arith.constant 32 : index
      %swap3A_39 = tpu.vector_load %arg9[%swap3A_38] {strides = array<i32>} : memref<384xf32, #tpu.memory_space<vmem>>, vector<16xf32>,
      tpu.vector_store %arg9[%swap3A_38], %broadcast_in_dim3A_34 {strides = array<i32>} : memref<384xf32, #tpu.memory_space<vmem>>, vector<16xf32>,
      %swap3A_40 = arith.constant 48 : index
      %swap3A_41 = tpu.vector_load %arg9[%swap3A_40] {strides = array<i32>} : memref<384xf32, #tpu.memory_space<vmem>>, vector<16xf32>,
      tpu.vector_store %arg9[%swap3A_40], %broadcast_in_dim3A_34 {strides = array<i32>} : memref<384xf32, #tpu.memory_space<vmem>>, vector<16xf32>,
      %swap3A_42 = arith.constant 64 : index
      %swap3A_43 = tpu.vector_load %arg9[%swap3A_42] {strides = array<i32>} : memref<384xf32, #tpu.memory_space<vmem>>, vector<16xf32>,
      tpu.vector_store %arg9[%swap3A_42], %broadcast_in_dim3A_34 {strides = array<i32>} : memref<384xf32, #tpu.memory_space<vmem>>, vector<16xf32>,
      %swap3A_44 = arith.constant 80 : index
      %swap3A_45 = tpu.vector_load %arg9[%swap3A_44] {strides = array<i32>} : memref<384xf32, #tpu.memory_space<vmem>>, vector<16xf32>,
      tpu.vector_store %arg9[%swap3A_44], %broadcast_in_dim3A_34 {strides = array<i32>} : memref<384xf32, #tpu.memory_space<vmem>>, vector<16xf32>,
      %swap3A_46 = arith.constant 96 : index
      %swap3A_47 = tpu.vector_load %arg9[%swap3A_46] {strides = array<i32>} : memref<384xf32, #tpu.memory_space<vmem>>, vector<16xf32>,
      tpu.vector_store %arg9[%swap3A_46], %broadcast_in_dim3A_34 {strides = array<i32>} : memref<384xf32, #tpu.memory_space<vmem>>, vector<16xf32>,
      %swap3A_48 = arith.constant 112 : index
      %swap3A_49 = tpu.vector_load %arg9[%swap3A_48] {strides = array<i32>} : memref<384xf32, #tpu.memory_space<vmem>>, vector<16xf32>,
      tpu.vector_store %arg9[%swap3A_48], %broadcast_in_dim3A_34 {strides = array<i32>} : memref<384xf32, #tpu.memory_space<vmem>>, vector<16xf32>,
      %swap3A_50 = arith.constant 128 : index
      %swap3A_51 = tpu.vector_load %arg9[%swap3A_50] {strides = array<i32>} : memref<384xf32, #tpu.memory_space<vmem>>, vector<16xf32>,
      tpu.vector_store %arg9[%swap3A_50], %broadcast_in_dim3A_34 {strides = array<i32>} : memref<384xf32, #tpu.memory_space<vmem>>, vector<16xf32>,
      %swap3A_52 = arith.constant 144 : index
      %swap3A_53 = tpu.vector_load %arg9[%swap3A_52] {strides = array<i32>} : memref<384xf32, #tpu.memory_space<vmem>>, vector<16xf32>,
      tpu.vector_store %arg9[%swap3A_52], %broadcast_in_dim3A_34 {strides = array<i32>} : memref<384xf32, #tpu.memory_space<vmem>>, vector<16xf32>,
      %swap3A_54 = arith.constant 160 : index
      %swap3A_55 = tpu.vector_load %arg9[%swap3A_54] {strides = array<i32>} : memref<384xf32, #tpu.memory_space<vmem>>, vector<16xf32>,
      tpu.vector_store %arg9[%swap3A_54], %broadcast_in_dim3A_34 {strides = array<i32>} : memref<384xf32, #tpu.memory_space<vmem>>, vector<16xf32>,
      %swap3A_56 = arith.constant 176 : index
      %swap3A_57 = tpu.vector_load %arg9[%swap3A_56] {strides = array<i32>} : memref<384xf32, #tpu.memory_space<vmem>>, vector<16xf32>,
      tpu.vector_store %arg9[%swap3A_56], %broadcast_in_dim3A_34 {strides = array<i32>} : memref<384xf32, #tpu.memory_space<vmem>>, vector<16xf32>,
      %swap3A_58 = arith.constant 192 : index
      %swap3A_59 = tpu.vector_load %arg9[%swap3A_58] {strides = array<i32>} : memref<384xf32, #tpu.memory_space<vmem>>, vector<16xf32>,
      tpu.vector_store %arg9[%swap3A_58], %broadcast_in_dim3A_34 {strides = array<i32>} : memref<384xf32, #tpu.memory_space<vmem>>, vector<16xf32>,
      %swap3A_60 = arith.constant 208 : index
      %swap3A_61 = tpu.vector_load %arg9[%swap3A_60] {strides = array<i32>} : memref<384xf32, #tpu.memory_space<vmem>>, vector<16xf32>,
      tpu.vector_store %arg9[%swap3A_60], %broadcast_in_dim3A_34 {strides = array<i32>} : memref<384xf32, #tpu.memory_space<vmem>>, vector<16xf32>,
      %swap3A_62 = arith.constant 224 : index
      %swap3A_63 = tpu.vector_load %arg9[%swap3A_62] {strides = array<i32>} : memref<384xf32, #tpu.memory_space<vmem>>, vector<16xf32>,
      tpu.vector_store %arg9[%swap3A_62], %broadcast_in_dim3A_34 {strides = array<i32>} : memref<384xf32, #tpu.memory_space<vmem>>, vector<16xf32>,
      %swap3A_64 = arith.constant 240 : index
      %swap3A_65 = tpu.vector_load %arg9[%swap3A_64] {strides = array<i32>} : memref<384xf32, #tpu.memory_space<vmem>>, vector<16xf32>,
      tpu.vector_store %arg9[%swap3A_64], %broadcast_in_dim3A_34 {strides = array<i32>} : memref<384xf32, #tpu.memory_space<vmem>>, vector<16xf32>,
      %swap3A_66 = arith.constant 256 : index
      %swap3A_67 = tpu.vector_load %arg9[%swap3A_66] {strides = array<i32>} : memref<384xf32, #tpu.memory_space<vmem>>, vector<16xf32>,
      tpu.vector_store %arg9[%swap3A_66], %broadcast_in_dim3A_34 {strides = array<i32>} : memref<384xf32, #tpu.memory_space<vmem>>, vector<16xf32>,
      %swap3A_68 = arith.constant 272 : index
      %swap3A_69 = tpu.vector_load %arg9[%swap3A_68] {strides = array<i32>} : memref<384xf32, #tpu.memory_space<vmem>>, vector<16xf32>,
      tpu.vector_store %arg9[%swap3A_68], %broadcast_in_dim3A_34 {strides = array<i32>} : memref<384xf32, #tpu.memory_space<vmem>>, vector<16xf32>,
      %swap3A_70 = arith.constant 288 : index
      %swap3A_71 = tpu.vector_load %arg9[%swap3A_70] {strides = array<i32>} : memref<384xf32, #tpu.memory_space<vmem>>, vector<16xf32>,
      tpu.vector_store %arg9[%swap3A_70], %broadcast_in_dim3A_34 {strides = array<i32>} : memref<384xf32, #tpu.memory_space<vmem>>, vector<16xf32>,
      %swap3A_72 = arith.constant 304 : index
      %swap3A_73 = tpu.vector_load %arg9[%swap3A_72] {strides = array<i32>} : memref<384xf32, #tpu.memory_space<vmem>>, vector<16xf32>,
      tpu.vector_store %arg9[%swap3A_72], %broadcast_in_dim3A_34 {strides = array<i32>} : memref<384xf32, #tpu.memory_space<vmem>>, vector<16xf32>,
      %swap3A_74 = arith.constant 320 : index
      %swap3A_75 = tpu.vector_load %arg9[%swap3A_74] {strides = array<i32>} : memref<384xf32, #tpu.memory_space<vmem>>, vector<16xf32>,
      tpu.vector_store %arg9[%swap3A_74], %broadcast_in_dim3A_34 {strides = array<i32>} : memref<384xf32, #tpu.memory_space<vmem>>, vector<16xf32>,
      %swap3A_76 = arith.constant 336 : index
      %swap3A_77 = tpu.vector_load %arg9[%swap3A_76] {strides = array<i32>} : memref<384xf32, #tpu.memory_space<vmem>>, vector<16xf32>,
      tpu.vector_store %arg9[%swap3A_76], %broadcast_in_dim3A_34 {strides = array<i32>} : memref<384xf32, #tpu.memory_space<vmem>>, vector<16xf32>,
      %swap3A_78 = arith.constant 352 : index
      %swap3A_79 = tpu.vector_load %arg9[%swap3A_78] {strides = array<i32>} : memref<384xf32, #tpu.memory_space<vmem>>, vector<16xf32>,
      tpu.vector_store %arg9[%swap3A_78], %broadcast_in_dim3A_34 {strides = array<i32>} : memref<384xf32, #tpu.memory_space<vmem>>, vector<16xf32>,
      %swap3A_80 = arith.constant 368 : index
      %swap3A_81 = tpu.vector_load %arg9[%swap3A_80] {strides = array<i32>} : memref<384xf32, #tpu.memory_space<vmem>>, vector<16xf32>,
      tpu.vector_store %arg9[%swap3A_80], %broadcast_in_dim3A_34 {strides = array<i32>} : memref<384xf32, #tpu.memory_space<vmem>>, vector<16xf32>,
      %broadcast_in_dim3A_82 = arith.constant 3.000000e+38 : f32
      %broadcast_in_dim3A_83 = vector.broadcast %broadcast_in_dim3A_82 : f32 to vector<16xf32>
      %swap3A_84 = arith.constant 0 : index
      %swap3A_85 = tpu.vector_load %arg8[%swap3A_84] {strides = array<i32>} : memref<64xf32, #tpu.memory_space<vmem>>, vector<16xf32>,
      tpu.vector_store %arg8[%swap3A_84], %broadcast_in_dim3A_83 {strides = array<i32>} : memref<64xf32, #tpu.memory_space<vmem>>, vector<16xf32>,
      %broadcast_in_dim3A_86 = arith.constant 3.000000e+38 : f32
      %broadcast_in_dim3A_87 = vector.broadcast %broadcast_in_dim3A_86 : f32 to vector<16xf32>
      %swap3A_88 = arith.constant 16 : index
      %swap3A_89 = tpu.vector_load %arg8[%swap3A_88] {strides = array<i32>} : memref<64xf32, #tpu.memory_space<vmem>>, vector<16xf32>,
      tpu.vector_store %arg8[%swap3A_88], %broadcast_in_dim3A_87 {strides = array<i32>} : memref<64xf32, #tpu.memory_space<vmem>>, vector<16xf32>,
      %broadcast_in_dim3A_90 = arith.constant 3.000000e+38 : f32
      %broadcast_in_dim3A_91 = vector.broadcast %broadcast_in_dim3A_90 : f32 to vector<16xf32>
      %swap3A_92 = arith.constant 32 : index
      %swap3A_93 = tpu.vector_load %arg8[%swap3A_92] {strides = array<i32>} : memref<64xf32, #tpu.memory_space<vmem>>, vector<16xf32>,
      tpu.vector_store %arg8[%swap3A_92], %broadcast_in_dim3A_91 {strides = array<i32>} : memref<64xf32, #tpu.memory_space<vmem>>, vector<16xf32>,
      %broadcast_in_dim3A_94 = arith.constant 3.000000e+38 : f32
      %broadcast_in_dim3A_95 = vector.broadcast %broadcast_in_dim3A_94 : f32 to vector<16xf32>
      %swap3A_96 = arith.constant 48 : index
      %swap3A_97 = tpu.vector_load %arg8[%swap3A_96] {strides = array<i32>} : memref<64xf32, #tpu.memory_space<vmem>>, vector<16xf32>,
      tpu.vector_store %arg8[%swap3A_96], %broadcast_in_dim3A_95 {strides = array<i32>} : memref<64xf32, #tpu.memory_space<vmem>>, vector<16xf32>,
      %dma_wait3A = arith.constant 0 : i32
      %dma_wait3A_98 = arith.constant 0 : i32
      %dma_wait3A_99 = tpu.memref_slice %arg2[%dma_wait3A, %add3A, %dma_wait3A_98] : memref<473x8x128xf32, #tpu.memory_space<hbm>> -> memref<157x1x128xf32, #tpu.memory_space<hbm>>
      %dma_wait3A_100 = tpu.memref_squeeze %dma_wait3A_99 : memref<157x1x128xf32, #tpu.memory_space<hbm>> -> memref<157x128xf32, #tpu.memory_space<hbm>>
      %dma_wait3A_101 = arith.constant 0 : i32
      %dma_wait3A_102 = arith.constant 0 : i32
      %dma_wait3A_103 = tpu.memref_slice %arg2[%dma_wait3A_101, %add3A, %dma_wait3A_102] : memref<473x8x128xf32, #tpu.memory_space<hbm>> -> memref<157x1x128xf32, #tpu.memory_space<hbm>>
      %dma_wait3A_104 = tpu.memref_squeeze %dma_wait3A_103 : memref<157x1x128xf32, #tpu.memory_space<hbm>> -> memref<157x128xf32, #tpu.memory_space<hbm>>
      tpu.wait_dma2 semaphore(%arg10 : memref<!tpu.dma_semaphore, #tpu.memory_space<semaphore_mem>>) src(%dma_wait3A_104 : memref<157x128xf32, #tpu.memory_space<hbm>>) dst(%arg4 : memref<157x128xf32, #tpu.memory_space<vmem>>)
      %dma_wait3A_105 = arith.constant 157 : i32
      %dma_wait3A_106 = arith.constant 0 : i32
      %dma_wait3A_107 = tpu.memref_slice %arg2[%dma_wait3A_105, %add3A, %dma_wait3A_106] : memref<473x8x128xf32, #tpu.memory_space<hbm>> -> memref<157x1x128xf32, #tpu.memory_space<hbm>>
      %dma_wait3A_108 = tpu.memref_squeeze %dma_wait3A_107 : memref<157x1x128xf32, #tpu.memory_space<hbm>> -> memref<157x128xf32, #tpu.memory_space<hbm>>
      %dma_wait3A_109 = arith.constant 157 : i32
      %dma_wait3A_110 = arith.constant 0 : i32
      %dma_wait3A_111 = tpu.memref_slice %arg2[%dma_wait3A_109, %add3A, %dma_wait3A_110] : memref<473x8x128xf32, #tpu.memory_space<hbm>> -> memref<157x1x128xf32, #tpu.memory_space<hbm>>
      %dma_wait3A_112 = tpu.memref_squeeze %dma_wait3A_111 : memref<157x1x128xf32, #tpu.memory_space<hbm>> -> memref<157x128xf32, #tpu.memory_space<hbm>>
      tpu.wait_dma2 semaphore(%arg10 : memref<!tpu.dma_semaphore, #tpu.memory_space<semaphore_mem>>) src(%dma_wait3A_112 : memref<157x128xf32, #tpu.memory_space<hbm>>) dst(%arg5 : memref<157x128xf32, #tpu.memory_space<vmem>>)
      %dma_wait3A_113 = arith.constant 314 : i32
      %dma_wait3A_114 = arith.constant 0 : i32
      %dma_wait3A_115 = tpu.memref_slice %arg2[%dma_wait3A_113, %add3A, %dma_wait3A_114] : memref<473x8x128xf32, #tpu.memory_space<hbm>> -> memref<157x1x128xf32, #tpu.memory_space<hbm>>
      %dma_wait3A_116 = tpu.memref_squeeze %dma_wait3A_115 : memref<157x1x128xf32, #tpu.memory_space<hbm>> -> memref<157x128xf32, #tpu.memory_space<hbm>>
      %dma_wait3A_117 = arith.constant 314 : i32
      %dma_wait3A_118 = arith.constant 0 : i32
      %dma_wait3A_119 = tpu.memref_slice %arg2[%dma_wait3A_117, %add3A, %dma_wait3A_118] : memref<473x8x128xf32, #tpu.memory_space<hbm>> -> memref<157x1x128xf32, #tpu.memory_space<hbm>>
      %dma_wait3A_120 = tpu.memref_squeeze %dma_wait3A_119 : memref<157x1x128xf32, #tpu.memory_space<hbm>> -> memref<157x128xf32, #tpu.memory_space<hbm>>
      tpu.wait_dma2 semaphore(%arg10 : memref<!tpu.dma_semaphore, #tpu.memory_space<semaphore_mem>>) src(%dma_wait3A_120 : memref<157x128xf32, #tpu.memory_space<hbm>>) dst(%arg6 : memref<157x128xf32, #tpu.memory_space<vmem>>)
      %dma_wait3A_121 = arith.constant 471 : i32
      %dma_wait3A_122 = arith.constant 0 : i32
      %dma_wait3A_123 = tpu.memref_slice %arg2[%dma_wait3A_121, %add3A, %dma_wait3A_122] : memref<473x8x128xf32, #tpu.memory_space<hbm>> -> memref<2x1x128xf32, #tpu.memory_space<hbm>>
      %dma_wait3A_124 = tpu.memref_squeeze %dma_wait3A_123 : memref<2x1x128xf32, #tpu.memory_space<hbm>> -> memref<2x128xf32, #tpu.memory_space<hbm>>
      %dma_wait3A_125 = arith.constant 471 : i32
      %dma_wait3A_126 = arith.constant 0 : i32
      %dma_wait3A_127 = tpu.memref_slice %arg2[%dma_wait3A_125, %add3A, %dma_wait3A_126] : memref<473x8x128xf32, #tpu.memory_space<hbm>> -> memref<2x1x128xf32, #tpu.memory_space<hbm>>
      %dma_wait3A_128 = tpu.memref_squeeze %dma_wait3A_127 : memref<2x1x128xf32, #tpu.memory_space<hbm>> -> memref<2x128xf32, #tpu.memory_space<hbm>>
      tpu.wait_dma2 semaphore(%arg10 : memref<!tpu.dma_semaphore, #tpu.memory_space<semaphore_mem>>) src(%dma_wait3A_128 : memref<2x128xf32, #tpu.memory_space<hbm>>) dst(%arg7 : memref<2x128xf32, #tpu.memory_space<vmem>>)
      %iota3A = tpu.iota {dimensions = array<i32: 0>} : vector<16xi32>
      %while3A = arith.constant 1000000000 : i32
      %while3A_129 = arith.constant 0 : i32
      %while3A_130 = arith.constant false
      %while3A_131:2 = scf.while (%while3A_134 = %while3A_129, %while3A_135 = %while3A_130) : (i32, i1) -> (i32, i1) {
        %lt3A_136 = arith.constant 50 : i32
        %lt3A_137 = arith.cmpi slt, %while3A_134, %lt3A_136 : i32
        %not3A = arith.constant true
        %not3A_138 = arith.xori %while3A_135, %not3A : i1
        %and3A = arith.andi %lt3A_137, %not3A_138 : i1
        scf.condition(%and3A) %while3A_134, %while3A_135 : i32, i1
      } do {
      ^bb0(%while3A_134: i32, %while3A_135: i1):
        %get3A = arith.constant 0 : i32
        %get3A_136 = arith.index_cast %get3A : i32 to index
        %get3A_137 = arith.constant 0 : index
        %get3A_138 = tpu.vector_load %arg7[%get3A_136, %get3A_137] {strides = array<i32>} : memref<2x128xf32, #tpu.memory_space<vmem>>, vector<16xf32>,
        %get3A_139 = arith.constant 0 : i32
        %get3A_140 = arith.index_cast %get3A_139 : i32 to index
        %get3A_141 = arith.constant 16 : index
        %get3A_142 = tpu.vector_load %arg7[%get3A_140, %get3A_141] {strides = array<i32>} : memref<2x128xf32, #tpu.memory_space<vmem>>, vector<16xf32>,
        %get3A_143 = arith.constant 0 : i32
        %get3A_144 = arith.index_cast %get3A_143 : i32 to index
        %get3A_145 = arith.constant 32 : index
        %get3A_146 = tpu.vector_load %arg7[%get3A_144, %get3A_145] {strides = array<i32>} : memref<2x128xf32, #tpu.memory_space<vmem>>, vector<16xf32>,
        %get3A_147 = arith.constant 0 : i32
        %get3A_148 = arith.index_cast %get3A_147 : i32 to index
        %get3A_149 = arith.constant 48 : index
        %get3A_150 = tpu.vector_load %arg7[%get3A_148, %get3A_149] {strides = array<i32>} : memref<2x128xf32, #tpu.memory_space<vmem>>, vector<16xf32>,
        %get3A_151 = arith.constant 0 : i32
        %get3A_152 = arith.index_cast %get3A_151 : i32 to index
        %get3A_153 = arith.constant 64 : index
        %get3A_154 = tpu.vector_load %arg7[%get3A_152, %get3A_153] {strides = array<i32>} : memref<2x128xf32, #tpu.memory_space<vmem>>, vector<16xf32>,
        %get3A_155 = arith.constant 0 : i32
        %get3A_156 = arith.index_cast %get3A_155 : i32 to index
        %get3A_157 = arith.constant 80 : index
        %get3A_158 = tpu.vector_load %arg7[%get3A_156, %get3A_157] {strides = array<i32>} : memref<2x128xf32, #tpu.memory_space<vmem>>, vector<16xf32>,
        %get3A_159 = arith.constant 0 : i32
        %get3A_160 = arith.index_cast %get3A_159 : i32 to index
        %get3A_161 = arith.constant 96 : index
        %get3A_162 = tpu.vector_load %arg7[%get3A_160, %get3A_161] {strides = array<i32>} : memref<2x128xf32, #tpu.memory_space<vmem>>, vector<16xf32>,
        %get3A_163 = arith.constant 0 : i32
        %get3A_164 = arith.index_cast %get3A_163 : i32 to index
        %get3A_165 = arith.constant 112 : index
        %get3A_166 = tpu.vector_load %arg7[%get3A_164, %get3A_165] {strides = array<i32>} : memref<2x128xf32, #tpu.memory_space<vmem>>, vector<16xf32>,
        %get3A_167 = arith.constant 1 : i32
        %get3A_168 = arith.index_cast %get3A_167 : i32 to index
        %get3A_169 = arith.constant 0 : index
        %get3A_170 = tpu.vector_load %arg7[%get3A_168, %get3A_169] {strides = array<i32>} : memref<2x128xf32, #tpu.memory_space<vmem>>, vector<16xf32>,
        %get3A_171 = arith.constant 1 : i32
        %get3A_172 = arith.index_cast %get3A_171 : i32 to index
        %get3A_173 = arith.constant 16 : index
        %get3A_174 = tpu.vector_load %arg7[%get3A_172, %get3A_173] {strides = array<i32>} : memref<2x128xf32, #tpu.memory_space<vmem>>, vector<16xf32>,
        %max3A = arith.maximumf %get3A_138, %get3A_142 : vector<16xf32>
        %max3A_175 = arith.maximumf %max3A, %get3A_146 : vector<16xf32>
        %max3A_176 = arith.maximumf %max3A_175, %get3A_150 : vector<16xf32>
        %max3A_177 = arith.maximumf %max3A_176, %get3A_154 : vector<16xf32>
        %max3A_178 = arith.maximumf %max3A_177, %get3A_158 : vector<16xf32>
        %max3A_179 = arith.maximumf %max3A_178, %get3A_162 : vector<16xf32>
        %max3A_180 = arith.maximumf %max3A_179, %get3A_166 : vector<16xf32>
        %max3A_181 = arith.maximumf %max3A_180, %get3A_170 : vector<16xf32>
        %max3A_182 = arith.maximumf %max3A_181, %get3A_174 : vector<16xf32>
        %reduce_max3A = arith.constant true
        %reduce_max3A_183 = vector.broadcast %reduce_max3A : i1 to vector<16xi1>
        %reduce_max3A_184 = tpu.scan <max>, %max3A_182 masked %reduce_max3A_183 : vector<16xf32>, vector<16xi1> -> vector<16xf32>
        %reduce_max3A_185 = vector.extract %reduce_max3A_184[15] : f32 from vector<16xf32>
        %le3A = arith.constant -5.000000e+29 : f32
        %le3A_186 = arith.cmpf ole, %reduce_max3A_185, %le3A : f32
        %eq3A = vector.broadcast %reduce_max3A_185 : f32 to vector<16xf32>
        %eq3A_187 = arith.cmpf oeq, %get3A_174, %eq3A : vector<16xf32>
        %all_reduce_ffs3A = tpu.all_reduce %eq3A_187 {dim = 0 : i64, kind = #tpu.reduction_kind<find_first_set>} : vector<16xi1> -> vector<16xi32>
        %slice3A = vector.extract_strided_slice %all_reduce_ffs3A {offsets = [0], sizes = [1], strides = [1]} : vector<16xi32> to vector<1xi32>
        %squeeze3A = vector.extract %slice3A[0] : i32 from vector<1xi32>
        %ge3A = arith.constant 0 : i32
        %ge3A_188 = arith.cmpi sge, %squeeze3A, %ge3A : i32
        %lt3A_189 = arith.constant 16 : i32
        %lt3A_190 = arith.cmpi slt, %squeeze3A, %lt3A_189 : i32
        %and3A = arith.andi %ge3A_188, %lt3A_190 : i1
        %add3A_191 = arith.constant 144 : i32
        %add3A_192 = arith.addi %add3A_191, %squeeze3A : i32
        %select_n3A = arith.select %and3A, %add3A_192, %while3A : i32
        %eq3A_193 = vector.broadcast %reduce_max3A_185 : f32 to vector<16xf32>
        %eq3A_194 = arith.cmpf oeq, %get3A_170, %eq3A_193 : vector<16xf32>
        %all_reduce_ffs3A_195 = tpu.all_reduce %eq3A_194 {dim = 0 : i64, kind = #tpu.reduction_kind<find_first_set>} : vector<16xi1> -> vector<16xi32>
        %slice3A_196 = vector.extract_strided_slice %all_reduce_ffs3A_195 {offsets = [0], sizes = [1], strides = [1]} : vector<16xi32> to vector<1xi32>
        %squeeze3A_197 = vector.extract %slice3A_196[0] : i32 from vector<1xi32>
        %ge3A_198 = arith.constant 0 : i32
        %ge3A_199 = arith.cmpi sge, %squeeze3A_197, %ge3A_198 : i32
        %lt3A_200 = arith.constant 16 : i32
        %lt3A_201 = arith.cmpi slt, %squeeze3A_197, %lt3A_200 : i32
        %and3A_202 = arith.andi %ge3A_199, %lt3A_201 : i1
        %add3A_203 = arith.constant 128 : i32
        %add3A_204 = arith.addi %add3A_203, %squeeze3A_197 : i32
        %select_n3A_205 = arith.select %and3A_202, %add3A_204, %select_n3A : i32
        %eq3A_206 = vector.broadcast %reduce_max3A_185 : f32 to vector<16xf32>
        %eq3A_207 = arith.cmpf oeq, %get3A_166, %eq3A_206 : vector<16xf32>
        %all_reduce_ffs3A_208 = tpu.all_reduce %eq3A_207 {dim = 0 : i64, kind = #tpu.reduction_kind<find_first_set>} : vector<16xi1> -> vector<16xi32>
        %slice3A_209 = vector.extract_strided_slice %all_reduce_ffs3A_208 {offsets = [0], sizes = [1], strides = [1]} : vector<16xi32> to vector<1xi32>
        %squeeze3A_210 = vector.extract %slice3A_209[0] : i32 from vector<1xi32>
        %ge3A_211 = arith.constant 0 : i32
        %ge3A_212 = arith.cmpi sge, %squeeze3A_210, %ge3A_211 : i32
        %lt3A_213 = arith.constant 16 : i32
        %lt3A_214 = arith.cmpi slt, %squeeze3A_210, %lt3A_213 : i32
        %and3A_215 = arith.andi %ge3A_212, %lt3A_214 : i1
        %add3A_216 = arith.constant 112 : i32
        %add3A_217 = arith.addi %add3A_216, %squeeze3A_210 : i32
        %select_n3A_218 = arith.select %and3A_215, %add3A_217, %select_n3A_205 : i32
        %eq3A_219 = vector.broadcast %reduce_max3A_185 : f32 to vector<16xf32>
        %eq3A_220 = arith.cmpf oeq, %get3A_162, %eq3A_219 : vector<16xf32>
        %all_reduce_ffs3A_221 = tpu.all_reduce %eq3A_220 {dim = 0 : i64, kind = #tpu.reduction_kind<find_first_set>} : vector<16xi1> -> vector<16xi32>
        %slice3A_222 = vector.extract_strided_slice %all_reduce_ffs3A_221 {offsets = [0], sizes = [1], strides = [1]} : vector<16xi32> to vector<1xi32>
        %squeeze3A_223 = vector.extract %slice3A_222[0] : i32 from vector<1xi32>
        %ge3A_224 = arith.constant 0 : i32
        %ge3A_225 = arith.cmpi sge, %squeeze3A_223, %ge3A_224 : i32
        %lt3A_226 = arith.constant 16 : i32
        %lt3A_227 = arith.cmpi slt, %squeeze3A_223, %lt3A_226 : i32
        %and3A_228 = arith.andi %ge3A_225, %lt3A_227 : i1
        %add3A_229 = arith.constant 96 : i32
        %add3A_230 = arith.addi %add3A_229, %squeeze3A_223 : i32
        %select_n3A_231 = arith.select %and3A_228, %add3A_230, %select_n3A_218 : i32
        %eq3A_232 = vector.broadcast %reduce_max3A_185 : f32 to vector<16xf32>
        %eq3A_233 = arith.cmpf oeq, %get3A_158, %eq3A_232 : vector<16xf32>
        %all_reduce_ffs3A_234 = tpu.all_reduce %eq3A_233 {dim = 0 : i64, kind = #tpu.reduction_kind<find_first_set>} : vector<16xi1> -> vector<16xi32>
        %slice3A_235 = vector.extract_strided_slice %all_reduce_ffs3A_234 {offsets = [0], sizes = [1], strides = [1]} : vector<16xi32> to vector<1xi32>
        %squeeze3A_236 = vector.extract %slice3A_235[0] : i32 from vector<1xi32>
        %ge3A_237 = arith.constant 0 : i32
        %ge3A_238 = arith.cmpi sge, %squeeze3A_236, %ge3A_237 : i32
        %lt3A_239 = arith.constant 16 : i32
        %lt3A_240 = arith.cmpi slt, %squeeze3A_236, %lt3A_239 : i32
        %and3A_241 = arith.andi %ge3A_238, %lt3A_240 : i1
        %add3A_242 = arith.constant 80 : i32
        %add3A_243 = arith.addi %add3A_242, %squeeze3A_236 : i32
        %select_n3A_244 = arith.select %and3A_241, %add3A_243, %select_n3A_231 : i32
        %eq3A_245 = vector.broadcast %reduce_max3A_185 : f32 to vector<16xf32>
        %eq3A_246 = arith.cmpf oeq, %get3A_154, %eq3A_245 : vector<16xf32>
        %all_reduce_ffs3A_247 = tpu.all_reduce %eq3A_246 {dim = 0 : i64, kind = #tpu.reduction_kind<find_first_set>} : vector<16xi1> -> vector<16xi32>
        %slice3A_248 = vector.extract_strided_slice %all_reduce_ffs3A_247 {offsets = [0], sizes = [1], strides = [1]} : vector<16xi32> to vector<1xi32>
        %squeeze3A_249 = vector.extract %slice3A_248[0] : i32 from vector<1xi32>
        %ge3A_250 = arith.constant 0 : i32
        %ge3A_251 = arith.cmpi sge, %squeeze3A_249, %ge3A_250 : i32
        %lt3A_252 = arith.constant 16 : i32
        %lt3A_253 = arith.cmpi slt, %squeeze3A_249, %lt3A_252 : i32
        %and3A_254 = arith.andi %ge3A_251, %lt3A_253 : i1
        %add3A_255 = arith.constant 64 : i32
        %add3A_256 = arith.addi %add3A_255, %squeeze3A_249 : i32
        %select_n3A_257 = arith.select %and3A_254, %add3A_256, %select_n3A_244 : i32
        %eq3A_258 = vector.broadcast %reduce_max3A_185 : f32 to vector<16xf32>
        %eq3A_259 = arith.cmpf oeq, %get3A_150, %eq3A_258 : vector<16xf32>
        %all_reduce_ffs3A_260 = tpu.all_reduce %eq3A_259 {dim = 0 : i64, kind = #tpu.reduction_kind<find_first_set>} : vector<16xi1> -> vector<16xi32>
        %slice3A_261 = vector.extract_strided_slice %all_reduce_ffs3A_260 {offsets = [0], sizes = [1], strides = [1]} : vector<16xi32> to vector<1xi32>
        %squeeze3A_262 = vector.extract %slice3A_261[0] : i32 from vector<1xi32>
        %ge3A_263 = arith.constant 0 : i32
        %ge3A_264 = arith.cmpi sge, %squeeze3A_262, %ge3A_263 : i32
        %lt3A_265 = arith.constant 16 : i32
        %lt3A_266 = arith.cmpi slt, %squeeze3A_262, %lt3A_265 : i32
        %and3A_267 = arith.andi %ge3A_264, %lt3A_266 : i1
        %add3A_268 = arith.constant 48 : i32
        %add3A_269 = arith.addi %add3A_268, %squeeze3A_262 : i32
        %select_n3A_270 = arith.select %and3A_267, %add3A_269, %select_n3A_257 : i32
        %eq3A_271 = vector.broadcast %reduce_max3A_185 : f32 to vector<16xf32>
        %eq3A_272 = arith.cmpf oeq, %get3A_146, %eq3A_271 : vector<16xf32>
        %all_reduce_ffs3A_273 = tpu.all_reduce %eq3A_272 {dim = 0 : i64, kind = #tpu.reduction_kind<find_first_set>} : vector<16xi1> -> vector<16xi32>
        %slice3A_274 = vector.extract_strided_slice %all_reduce_ffs3A_273 {offsets = [0], sizes = [1], strides = [1]} : vector<16xi32> to vector<1xi32>
        %squeeze3A_275 = vector.extract %slice3A_274[0] : i32 from vector<1xi32>
        %ge3A_276 = arith.constant 0 : i32
        %ge3A_277 = arith.cmpi sge, %squeeze3A_275, %ge3A_276 : i32
        %lt3A_278 = arith.constant 16 : i32
        %lt3A_279 = arith.cmpi slt, %squeeze3A_275, %lt3A_278 : i32
        %and3A_280 = arith.andi %ge3A_277, %lt3A_279 : i1
        %add3A_281 = arith.constant 32 : i32
        %add3A_282 = arith.addi %add3A_281, %squeeze3A_275 : i32
        %select_n3A_283 = arith.select %and3A_280, %add3A_282, %select_n3A_270 : i32
        %eq3A_284 = vector.broadcast %reduce_max3A_185 : f32 to vector<16xf32>
        %eq3A_285 = arith.cmpf oeq, %get3A_142, %eq3A_284 : vector<16xf32>
        %all_reduce_ffs3A_286 = tpu.all_reduce %eq3A_285 {dim = 0 : i64, kind = #tpu.reduction_kind<find_first_set>} : vector<16xi1> -> vector<16xi32>
        %slice3A_287 = vector.extract_strided_slice %all_reduce_ffs3A_286 {offsets = [0], sizes = [1], strides = [1]} : vector<16xi32> to vector<1xi32>
        %squeeze3A_288 = vector.extract %slice3A_287[0] : i32 from vector<1xi32>
        %ge3A_289 = arith.constant 0 : i32
        %ge3A_290 = arith.cmpi sge, %squeeze3A_288, %ge3A_289 : i32
        %lt3A_291 = arith.constant 16 : i32
        %lt3A_292 = arith.cmpi slt, %squeeze3A_288, %lt3A_291 : i32
        %and3A_293 = arith.andi %ge3A_290, %lt3A_292 : i1
        %add3A_294 = arith.constant 16 : i32
        %add3A_295 = arith.addi %add3A_294, %squeeze3A_288 : i32
        %select_n3A_296 = arith.select %and3A_293, %add3A_295, %select_n3A_283 : i32
        %eq3A_297 = vector.broadcast %reduce_max3A_185 : f32 to vector<16xf32>
        %eq3A_298 = arith.cmpf oeq, %get3A_138, %eq3A_297 : vector<16xf32>
        %all_reduce_ffs3A_299 = tpu.all_reduce %eq3A_298 {dim = 0 : i64, kind = #tpu.reduction_kind<find_first_set>} : vector<16xi1> -> vector<16xi32>
        %slice3A_300 = vector.extract_strided_slice %all_reduce_ffs3A_299 {offsets = [0], sizes = [1], strides = [1]} : vector<16xi32> to vector<1xi32>
        %squeeze3A_301 = vector.extract %slice3A_300[0] : i32 from vector<1xi32>
        %ge3A_302 = arith.constant 0 : i32
        %ge3A_303 = arith.cmpi sge, %squeeze3A_301, %ge3A_302 : i32
        %lt3A_304 = arith.constant 16 : i32
        %lt3A_305 = arith.cmpi slt, %squeeze3A_301, %lt3A_304 : i32
        %and3A_306 = arith.andi %ge3A_303, %lt3A_305 : i1
        %add3A_307 = arith.constant 0 : i32
        %add3A_308 = arith.addi %add3A_307, %squeeze3A_301 : i32
        %select_n3A_309 = arith.select %and3A_306, %add3A_308, %select_n3A_296 : i32
        %get3A_310 = arith.index_cast %select_n3A_309 : i32 to index
        %get3A_311 = arith.constant 0 : index
        %get3A_312 = tpu.vector_load %arg4[%get3A_310, %get3A_311] {strides = array<i32>} : memref<157x128xf32, #tpu.memory_space<vmem>>, vector<16xf32>,
        %get3A_313 = arith.index_cast %select_n3A_309 : i32 to index
        %get3A_314 = arith.constant 16 : index
        %get3A_315 = tpu.vector_load %arg4[%get3A_313, %get3A_314] {strides = array<i32>} : memref<157x128xf32, #tpu.memory_space<vmem>>, vector<16xf32>,
        %get3A_316 = arith.index_cast %select_n3A_309 : i32 to index
        %get3A_317 = arith.constant 32 : index
        %get3A_318 = tpu.vector_load %arg4[%get3A_316, %get3A_317] {strides = array<i32>} : memref<157x128xf32, #tpu.memory_space<vmem>>, vector<16xf32>,
        %get3A_319 = arith.index_cast %select_n3A_309 : i32 to index
        %get3A_320 = arith.constant 48 : index
        %get3A_321 = tpu.vector_load %arg4[%get3A_319, %get3A_320] {strides = array<i32>} : memref<157x128xf32, #tpu.memory_space<vmem>>, vector<16xf32>,
        %get3A_322 = arith.index_cast %select_n3A_309 : i32 to index
        %get3A_323 = arith.constant 64 : index
        %get3A_324 = tpu.vector_load %arg4[%get3A_322, %get3A_323] {strides = array<i32>} : memref<157x128xf32, #tpu.memory_space<vmem>>, vector<16xf32>,
        %get3A_325 = arith.index_cast %select_n3A_309 : i32 to index
        %get3A_326 = arith.constant 80 : index
        %get3A_327 = tpu.vector_load %arg4[%get3A_325, %get3A_326] {strides = array<i32>} : memref<157x128xf32, #tpu.memory_space<vmem>>, vector<16xf32>,
        %get3A_328 = arith.index_cast %select_n3A_309 : i32 to index
        %get3A_329 = arith.constant 96 : index
        %get3A_330 = tpu.vector_load %arg4[%get3A_328, %get3A_329] {strides = array<i32>} : memref<157x128xf32, #tpu.memory_space<vmem>>, vector<16xf32>,
        %get3A_331 = arith.index_cast %select_n3A_309 : i32 to index
        %get3A_332 = arith.constant 112 : index
        %get3A_333 = tpu.vector_load %arg4[%get3A_331, %get3A_332] {strides = array<i32>} : memref<157x128xf32, #tpu.memory_space<vmem>>, vector<16xf32>,
        %eq3A_334 = vector.broadcast %reduce_max3A_185 : f32 to vector<16xf32>
        %eq3A_335 = arith.cmpf oeq, %get3A_333, %eq3A_334 : vector<16xf32>
        %all_reduce_ffs3A_336 = tpu.all_reduce %eq3A_335 {dim = 0 : i64, kind = #tpu.reduction_kind<find_first_set>} : vector<16xi1> -> vector<16xi32>
        %slice3A_337 = vector.extract_strided_slice %all_reduce_ffs3A_336 {offsets = [0], sizes = [1], strides = [1]} : vector<16xi32> to vector<1xi32>
        %squeeze3A_338 = vector.extract %slice3A_337[0] : i32 from vector<1xi32>
        %ge3A_339 = arith.constant 0 : i32
        %ge3A_340 = arith.cmpi sge, %squeeze3A_338, %ge3A_339 : i32
        %lt3A_341 = arith.constant 16 : i32
        %lt3A_342 = arith.cmpi slt, %squeeze3A_338, %lt3A_341 : i32
        %and3A_343 = arith.andi %ge3A_340, %lt3A_342 : i1
        %add3A_344 = arith.constant 112 : i32
        %add3A_345 = arith.addi %add3A_344, %squeeze3A_338 : i32
        %select_n3A_346 = arith.select %and3A_343, %add3A_345, %while3A : i32
        %eq3A_347 = vector.broadcast %reduce_max3A_185 : f32 to vector<16xf32>
        %eq3A_348 = arith.cmpf oeq, %get3A_330, %eq3A_347 : vector<16xf32>
        %all_reduce_ffs3A_349 = tpu.all_reduce %eq3A_348 {dim = 0 : i64, kind = #tpu.reduction_kind<find_first_set>} : vector<16xi1> -> vector<16xi32>
        %slice3A_350 = vector.extract_strided_slice %all_reduce_ffs3A_349 {offsets = [0], sizes = [1], strides = [1]} : vector<16xi32> to vector<1xi32>
        %squeeze3A_351 = vector.extract %slice3A_350[0] : i32 from vector<1xi32>
        %ge3A_352 = arith.constant 0 : i32
        %ge3A_353 = arith.cmpi sge, %squeeze3A_351, %ge3A_352 : i32
        %lt3A_354 = arith.constant 16 : i32
        %lt3A_355 = arith.cmpi slt, %squeeze3A_351, %lt3A_354 : i32
        %and3A_356 = arith.andi %ge3A_353, %lt3A_355 : i1
        %add3A_357 = arith.constant 96 : i32
        %add3A_358 = arith.addi %add3A_357, %squeeze3A_351 : i32
        %select_n3A_359 = arith.select %and3A_356, %add3A_358, %select_n3A_346 : i32
        %eq3A_360 = vector.broadcast %reduce_max3A_185 : f32 to vector<16xf32>
        %eq3A_361 = arith.cmpf oeq, %get3A_327, %eq3A_360 : vector<16xf32>
        %all_reduce_ffs3A_362 = tpu.all_reduce %eq3A_361 {dim = 0 : i64, kind = #tpu.reduction_kind<find_first_set>} : vector<16xi1> -> vector<16xi32>
        %slice3A_363 = vector.extract_strided_slice %all_reduce_ffs3A_362 {offsets = [0], sizes = [1], strides = [1]} : vector<16xi32> to vector<1xi32>
        %squeeze3A_364 = vector.extract %slice3A_363[0] : i32 from vector<1xi32>
        %ge3A_365 = arith.constant 0 : i32
        %ge3A_366 = arith.cmpi sge, %squeeze3A_364, %ge3A_365 : i32
        %lt3A_367 = arith.constant 16 : i32
        %lt3A_368 = arith.cmpi slt, %squeeze3A_364, %lt3A_367 : i32
        %and3A_369 = arith.andi %ge3A_366, %lt3A_368 : i1
        %add3A_370 = arith.constant 80 : i32
        %add3A_371 = arith.addi %add3A_370, %squeeze3A_364 : i32
        %select_n3A_372 = arith.select %and3A_369, %add3A_371, %select_n3A_359 : i32
        %eq3A_373 = vector.broadcast %reduce_max3A_185 : f32 to vector<16xf32>
        %eq3A_374 = arith.cmpf oeq, %get3A_324, %eq3A_373 : vector<16xf32>
        %all_reduce_ffs3A_375 = tpu.all_reduce %eq3A_374 {dim = 0 : i64, kind = #tpu.reduction_kind<find_first_set>} : vector<16xi1> -> vector<16xi32>
        %slice3A_376 = vector.extract_strided_slice %all_reduce_ffs3A_375 {offsets = [0], sizes = [1], strides = [1]} : vector<16xi32> to vector<1xi32>
        %squeeze3A_377 = vector.extract %slice3A_376[0] : i32 from vector<1xi32>
        %ge3A_378 = arith.constant 0 : i32
        %ge3A_379 = arith.cmpi sge, %squeeze3A_377, %ge3A_378 : i32
        %lt3A_380 = arith.constant 16 : i32
        %lt3A_381 = arith.cmpi slt, %squeeze3A_377, %lt3A_380 : i32
        %and3A_382 = arith.andi %ge3A_379, %lt3A_381 : i1
        %add3A_383 = arith.constant 64 : i32
        %add3A_384 = arith.addi %add3A_383, %squeeze3A_377 : i32
        %select_n3A_385 = arith.select %and3A_382, %add3A_384, %select_n3A_372 : i32
        %eq3A_386 = vector.broadcast %reduce_max3A_185 : f32 to vector<16xf32>
        %eq3A_387 = arith.cmpf oeq, %get3A_321, %eq3A_386 : vector<16xf32>
        %all_reduce_ffs3A_388 = tpu.all_reduce %eq3A_387 {dim = 0 : i64, kind = #tpu.reduction_kind<find_first_set>} : vector<16xi1> -> vector<16xi32>
        %slice3A_389 = vector.extract_strided_slice %all_reduce_ffs3A_388 {offsets = [0], sizes = [1], strides = [1]} : vector<16xi32> to vector<1xi32>
        %squeeze3A_390 = vector.extract %slice3A_389[0] : i32 from vector<1xi32>
        %ge3A_391 = arith.constant 0 : i32
        %ge3A_392 = arith.cmpi sge, %squeeze3A_390, %ge3A_391 : i32
        %lt3A_393 = arith.constant 16 : i32
        %lt3A_394 = arith.cmpi slt, %squeeze3A_390, %lt3A_393 : i32
        %and3A_395 = arith.andi %ge3A_392, %lt3A_394 : i1
        %add3A_396 = arith.constant 48 : i32
        %add3A_397 = arith.addi %add3A_396, %squeeze3A_390 : i32
        %select_n3A_398 = arith.select %and3A_395, %add3A_397, %select_n3A_385 : i32
        %eq3A_399 = vector.broadcast %reduce_max3A_185 : f32 to vector<16xf32>
        %eq3A_400 = arith.cmpf oeq, %get3A_318, %eq3A_399 : vector<16xf32>
        %all_reduce_ffs3A_401 = tpu.all_reduce %eq3A_400 {dim = 0 : i64, kind = #tpu.reduction_kind<find_first_set>} : vector<16xi1> -> vector<16xi32>
        %slice3A_402 = vector.extract_strided_slice %all_reduce_ffs3A_401 {offsets = [0], sizes = [1], strides = [1]} : vector<16xi32> to vector<1xi32>
        %squeeze3A_403 = vector.extract %slice3A_402[0] : i32 from vector<1xi32>
        %ge3A_404 = arith.constant 0 : i32
        %ge3A_405 = arith.cmpi sge, %squeeze3A_403, %ge3A_404 : i32
        %lt3A_406 = arith.constant 16 : i32
        %lt3A_407 = arith.cmpi slt, %squeeze3A_403, %lt3A_406 : i32
        %and3A_408 = arith.andi %ge3A_405, %lt3A_407 : i1
        %add3A_409 = arith.constant 32 : i32
        %add3A_410 = arith.addi %add3A_409, %squeeze3A_403 : i32
        %select_n3A_411 = arith.select %and3A_408, %add3A_410, %select_n3A_398 : i32
        %eq3A_412 = vector.broadcast %reduce_max3A_185 : f32 to vector<16xf32>
        %eq3A_413 = arith.cmpf oeq, %get3A_315, %eq3A_412 : vector<16xf32>
        %all_reduce_ffs3A_414 = tpu.all_reduce %eq3A_413 {dim = 0 : i64, kind = #tpu.reduction_kind<find_first_set>} : vector<16xi1> -> vector<16xi32>
        %slice3A_415 = vector.extract_strided_slice %all_reduce_ffs3A_414 {offsets = [0], sizes = [1], strides = [1]} : vector<16xi32> to vector<1xi32>
        %squeeze3A_416 = vector.extract %slice3A_415[0] : i32 from vector<1xi32>
        %ge3A_417 = arith.constant 0 : i32
        %ge3A_418 = arith.cmpi sge, %squeeze3A_416, %ge3A_417 : i32
        %lt3A_419 = arith.constant 16 : i32
        %lt3A_420 = arith.cmpi slt, %squeeze3A_416, %lt3A_419 : i32
        %and3A_421 = arith.andi %ge3A_418, %lt3A_420 : i1
        %add3A_422 = arith.constant 16 : i32
        %add3A_423 = arith.addi %add3A_422, %squeeze3A_416 : i32
        %select_n3A_424 = arith.select %and3A_421, %add3A_423, %select_n3A_411 : i32
        %eq3A_425 = vector.broadcast %reduce_max3A_185 : f32 to vector<16xf32>
        %eq3A_426 = arith.cmpf oeq, %get3A_312, %eq3A_425 : vector<16xf32>
        %all_reduce_ffs3A_427 = tpu.all_reduce %eq3A_426 {dim = 0 : i64, kind = #tpu.reduction_kind<find_first_set>} : vector<16xi1> -> vector<16xi32>
        %slice3A_428 = vector.extract_strided_slice %all_reduce_ffs3A_427 {offsets = [0], sizes = [1], strides = [1]} : vector<16xi32> to vector<1xi32>
        %squeeze3A_429 = vector.extract %slice3A_428[0] : i32 from vector<1xi32>
        %ge3A_430 = arith.constant 0 : i32
        %ge3A_431 = arith.cmpi sge, %squeeze3A_429, %ge3A_430 : i32
        %lt3A_432 = arith.constant 16 : i32
        %lt3A_433 = arith.cmpi slt, %squeeze3A_429, %lt3A_432 : i32
        %and3A_434 = arith.andi %ge3A_431, %lt3A_433 : i1
        %add3A_435 = arith.constant 0 : i32
        %add3A_436 = arith.addi %add3A_435, %squeeze3A_429 : i32
        %select_n3A_437 = arith.select %and3A_434, %add3A_436, %select_n3A_424 : i32
        %broadcast_in_dim3A_438 = arith.constant 0 : i32
        %broadcast_in_dim3A_439 = vector.broadcast %broadcast_in_dim3A_438 : i32 to vector<16xi32>
        %add3A_440 = vector.broadcast %select_n3A_309 : i32 to vector<16xi32>
        %add3A_441 = arith.addi %add3A_440, %broadcast_in_dim3A_439 : vector<16xi32>
        %add3A_442 = vector.broadcast %select_n3A_437 : i32 to vector<16xi32>
        %add3A_443 = arith.addi %add3A_442, %broadcast_in_dim3A_439 : vector<16xi32>
        %gather3A = tpu.vector_load_idx %arg5[%add3A_441, %add3A_443] : memref<157x128xf32, #tpu.memory_space<vmem>>[vector<16xi32>, vector<16xi32>], vector<16xf32>,
        %gather3A_444 = tpu.vector_load_idx %arg6[%add3A_441, %add3A_443] : memref<157x128xf32, #tpu.memory_space<vmem>>[vector<16xi32>, vector<16xi32>], vector<16xf32>,
        %add3A_445 = arith.addf %gather3A, %gather3A_444 : vector<16xf32>
        %mul3A_446 = arith.constant 5.000000e-01 : f32
        %mul3A_447 = vector.broadcast %mul3A_446 : f32 to vector<16xf32>
        %mul3A_448 = arith.mulf %add3A_445, %mul3A_447 : vector<16xf32>
        %get3A_449 = arith.constant 0 : index
        %get3A_450 = tpu.vector_load %arg8[%get3A_449] {strides = array<i32>} : memref<64xf32, #tpu.memory_space<vmem>>, vector<16xf32>,
        %sub3A = arith.subf %get3A_450, %mul3A_448 : vector<16xf32>
        %abs3A = math.absf %sub3A : vector<16xf32>
        %le3A_451 = arith.constant 1.600000e+01 : f32
        %le3A_452 = vector.broadcast %le3A_451 : f32 to vector<16xf32>
        %le3A_453 = arith.cmpf ole, %abs3A, %le3A_452 : vector<16xf32>
        %get3A_454 = arith.constant 16 : index
        %get3A_455 = tpu.vector_load %arg8[%get3A_454] {strides = array<i32>} : memref<64xf32, #tpu.memory_space<vmem>>, vector<16xf32>,
        %sub3A_456 = arith.subf %get3A_455, %mul3A_448 : vector<16xf32>
        %abs3A_457 = math.absf %sub3A_456 : vector<16xf32>
        %le3A_458 = arith.constant 1.600000e+01 : f32
        %le3A_459 = vector.broadcast %le3A_458 : f32 to vector<16xf32>
        %le3A_460 = arith.cmpf ole, %abs3A_457, %le3A_459 : vector<16xf32>
        %or3A = arith.ori %le3A_453, %le3A_460 : vector<16xi1>
        %get3A_461 = arith.constant 32 : index
        %get3A_462 = tpu.vector_load %arg8[%get3A_461] {strides = array<i32>} : memref<64xf32, #tpu.memory_space<vmem>>, vector<16xf32>,
        %sub3A_463 = arith.subf %get3A_462, %mul3A_448 : vector<16xf32>
        %abs3A_464 = math.absf %sub3A_463 : vector<16xf32>
        %le3A_465 = arith.constant 1.600000e+01 : f32
        %le3A_466 = vector.broadcast %le3A_465 : f32 to vector<16xf32>
        %le3A_467 = arith.cmpf ole, %abs3A_464, %le3A_466 : vector<16xf32>
        %or3A_468 = arith.ori %or3A, %le3A_467 : vector<16xi1>
        %get3A_469 = arith.constant 48 : index
        %get3A_470 = tpu.vector_load %arg8[%get3A_469] {strides = array<i32>} : memref<64xf32, #tpu.memory_space<vmem>>, vector<16xf32>,
        %sub3A_471 = arith.subf %get3A_470, %mul3A_448 : vector<16xf32>
        %abs3A_472 = math.absf %sub3A_471 : vector<16xf32>
        %le3A_473 = arith.constant 1.600000e+01 : f32
        %le3A_474 = vector.broadcast %le3A_473 : f32 to vector<16xf32>
        %le3A_475 = arith.cmpf ole, %abs3A_472, %le3A_474 : vector<16xf32>
        %or3A_476 = arith.ori %or3A_468, %le3A_475 : vector<16xi1>
        %all_reduce_population_count3A = tpu.all_reduce %or3A_476 {dim = 0 : i64, kind = #tpu.reduction_kind<sum>} : vector<16xi1> -> vector<16xi32>
        %slice3A_477 = vector.extract_strided_slice %all_reduce_population_count3A {offsets = [0], sizes = [1], strides = [1]} : vector<16xi32> to vector<1xi32>
        %squeeze3A_478 = vector.extract %slice3A_477[0] : i32 from vector<1xi32>
        %eq3A_479 = arith.constant 0 : i32
        %eq3A_480 = arith.cmpi eq, %squeeze3A_478, %eq3A_479 : i32
        %not3A = arith.constant true
        %not3A_481 = arith.xori %le3A_186, %not3A : i1
        %and3A_482 = arith.andi %eq3A_480, %not3A_481 : i1
        %not3A_483 = arith.constant true
        %not3A_484 = arith.xori %le3A_186, %not3A_483 : i1
        %convert_element_type3A_485 = arith.extui %not3A_484 : i1 to i32
        %cond3A_486 = arith.constant 0 : i32
        %cond3A_487 = arith.cmpi ne, %convert_element_type3A_485, %cond3A_486 : i32
        scf.if %cond3A_487 {
          %iota3A_494 = tpu.iota {dimensions = array<i32: 0>} : vector<16xi32>
          %broadcast_in_dim3A_495 = arith.constant 0 : i32
          %broadcast_in_dim3A_496 = vector.broadcast %broadcast_in_dim3A_495 : i32 to vector<16xi32>
          %add3A_497 = vector.broadcast %select_n3A_309 : i32 to vector<16xi32>
          %add3A_498 = arith.addi %broadcast_in_dim3A_496, %add3A_497 : vector<16xi32>
          %broadcast_in_dim3A_499 = arith.constant 0 : i32
          %broadcast_in_dim3A_500 = vector.broadcast %broadcast_in_dim3A_499 : i32 to vector<16xi32>
          %add3A_501 = vector.broadcast %select_n3A_437 : i32 to vector<16xi32>
          %add3A_502 = arith.addi %broadcast_in_dim3A_500, %add3A_501 : vector<16xi32>
          %broadcast_in_dim3A_503 = arith.constant 0.000000e+00 : f32
          %broadcast_in_dim3A_504 = vector.broadcast %broadcast_in_dim3A_503 : f32 to vector<16xf32>
          %add3A_505 = arith.constant -1.000000e+30 : f32
          %add3A_506 = vector.broadcast %add3A_505 : f32 to vector<16xf32>
          %add3A_507 = arith.addf %broadcast_in_dim3A_504, %add3A_506 : vector<16xf32>
          %eq3A_508 = arith.constant 0 : i32
          %eq3A_509 = vector.broadcast %eq3A_508 : i32 to vector<16xi32>
          %eq3A_510 = arith.cmpi eq, %iota3A_494, %eq3A_509 : vector<16xi32>
          tpu.vector_store_idx %arg4[%add3A_498, %add3A_502], %add3A_507 masked %eq3A_510 : memref<157x128xf32, #tpu.memory_space<vmem>>[vector<16xi32>, vector<16xi32>], vector<16xf32>, vector<16xi1>
          %broadcast_in_dim3A_511 = arith.constant -1.000000e+30 : f32
          %broadcast_in_dim3A_512 = vector.broadcast %broadcast_in_dim3A_511 : f32 to vector<16xf32>
          %add3A_513 = arith.constant 0 : i32
          %add3A_514 = vector.broadcast %add3A_513 : i32 to vector<16xi32>
          %add3A_515 = arith.addi %add3A_514, %iota3A : vector<16xi32>
          %eq3A_516 = vector.broadcast %select_n3A_437 : i32 to vector<16xi32>
          %eq3A_517 = arith.cmpi eq, %add3A_515, %eq3A_516 : vector<16xi32>
          %jit3A_518 = arith.constant -1.000000e+30 : f32
          %broadcast_in_dim3A_519 = vector.broadcast %jit3A_518 : f32 to vector<16xf32>
          %select_n3A_520 = arith.select %eq3A_517, %broadcast_in_dim3A_519, %get3A_312 : vector<16xi1>, vector<16xf32>
          %max3A_521 = arith.maximumf %broadcast_in_dim3A_512, %select_n3A_520 : vector<16xf32>
          %add3A_522 = arith.constant 16 : i32
          %add3A_523 = vector.broadcast %add3A_522 : i32 to vector<16xi32>
          %add3A_524 = arith.addi %add3A_523, %iota3A : vector<16xi32>
          %eq3A_525 = vector.broadcast %select_n3A_437 : i32 to vector<16xi32>
          %eq3A_526 = arith.cmpi eq, %add3A_524, %eq3A_525 : vector<16xi32>
          %jit3A_527 = arith.constant -1.000000e+30 : f32
          %broadcast_in_dim3A_528 = vector.broadcast %jit3A_527 : f32 to vector<16xf32>
          %select_n3A_529 = arith.select %eq3A_526, %broadcast_in_dim3A_528, %get3A_315 : vector<16xi1>, vector<16xf32>
          %max3A_530 = arith.maximumf %max3A_521, %select_n3A_529 : vector<16xf32>
          %add3A_531 = arith.constant 32 : i32
          %add3A_532 = vector.broadcast %add3A_531 : i32 to vector<16xi32>
          %add3A_533 = arith.addi %add3A_532, %iota3A : vector<16xi32>
          %eq3A_534 = vector.broadcast %select_n3A_437 : i32 to vector<16xi32>
          %eq3A_535 = arith.cmpi eq, %add3A_533, %eq3A_534 : vector<16xi32>
          %jit3A_536 = arith.constant -1.000000e+30 : f32
          %broadcast_in_dim3A_537 = vector.broadcast %jit3A_536 : f32 to vector<16xf32>
          %select_n3A_538 = arith.select %eq3A_535, %broadcast_in_dim3A_537, %get3A_318 : vector<16xi1>, vector<16xf32>
          %max3A_539 = arith.maximumf %max3A_530, %select_n3A_538 : vector<16xf32>
          %add3A_540 = arith.constant 48 : i32
          %add3A_541 = vector.broadcast %add3A_540 : i32 to vector<16xi32>
          %add3A_542 = arith.addi %add3A_541, %iota3A : vector<16xi32>
          %eq3A_543 = vector.broadcast %select_n3A_437 : i32 to vector<16xi32>
          %eq3A_544 = arith.cmpi eq, %add3A_542, %eq3A_543 : vector<16xi32>
          %jit3A_545 = arith.constant -1.000000e+30 : f32
          %broadcast_in_dim3A_546 = vector.broadcast %jit3A_545 : f32 to vector<16xf32>
          %select_n3A_547 = arith.select %eq3A_544, %broadcast_in_dim3A_546, %get3A_321 : vector<16xi1>, vector<16xf32>
          %max3A_548 = arith.maximumf %max3A_539, %select_n3A_547 : vector<16xf32>
          %add3A_549 = arith.constant 64 : i32
          %add3A_550 = vector.broadcast %add3A_549 : i32 to vector<16xi32>
          %add3A_551 = arith.addi %add3A_550, %iota3A : vector<16xi32>
          %eq3A_552 = vector.broadcast %select_n3A_437 : i32 to vector<16xi32>
          %eq3A_553 = arith.cmpi eq, %add3A_551, %eq3A_552 : vector<16xi32>
          %jit3A_554 = arith.constant -1.000000e+30 : f32
          %broadcast_in_dim3A_555 = vector.broadcast %jit3A_554 : f32 to vector<16xf32>
          %select_n3A_556 = arith.select %eq3A_553, %broadcast_in_dim3A_555, %get3A_324 : vector<16xi1>, vector<16xf32>
          %max3A_557 = arith.maximumf %max3A_548, %select_n3A_556 : vector<16xf32>
          %add3A_558 = arith.constant 80 : i32
          %add3A_559 = vector.broadcast %add3A_558 : i32 to vector<16xi32>
          %add3A_560 = arith.addi %add3A_559, %iota3A : vector<16xi32>
          %eq3A_561 = vector.broadcast %select_n3A_437 : i32 to vector<16xi32>
          %eq3A_562 = arith.cmpi eq, %add3A_560, %eq3A_561 : vector<16xi32>
          %jit3A_563 = arith.constant -1.000000e+30 : f32
          %broadcast_in_dim3A_564 = vector.broadcast %jit3A_563 : f32 to vector<16xf32>
          %select_n3A_565 = arith.select %eq3A_562, %broadcast_in_dim3A_564, %get3A_327 : vector<16xi1>, vector<16xf32>
          %max3A_566 = arith.maximumf %max3A_557, %select_n3A_565 : vector<16xf32>
          %add3A_567 = arith.constant 96 : i32
          %add3A_568 = vector.broadcast %add3A_567 : i32 to vector<16xi32>
          %add3A_569 = arith.addi %add3A_568, %iota3A : vector<16xi32>
          %eq3A_570 = vector.broadcast %select_n3A_437 : i32 to vector<16xi32>
          %eq3A_571 = arith.cmpi eq, %add3A_569, %eq3A_570 : vector<16xi32>
          %jit3A_572 = arith.constant -1.000000e+30 : f32
          %broadcast_in_dim3A_573 = vector.broadcast %jit3A_572 : f32 to vector<16xf32>
          %select_n3A_574 = arith.select %eq3A_571, %broadcast_in_dim3A_573, %get3A_330 : vector<16xi1>, vector<16xf32>
          %max3A_575 = arith.maximumf %max3A_566, %select_n3A_574 : vector<16xf32>
          %add3A_576 = arith.constant 112 : i32
          %add3A_577 = vector.broadcast %add3A_576 : i32 to vector<16xi32>
          %add3A_578 = arith.addi %add3A_577, %iota3A : vector<16xi32>
          %eq3A_579 = vector.broadcast %select_n3A_437 : i32 to vector<16xi32>
          %eq3A_580 = arith.cmpi eq, %add3A_578, %eq3A_579 : vector<16xi32>
          %jit3A_581 = arith.constant -1.000000e+30 : f32
          %broadcast_in_dim3A_582 = vector.broadcast %jit3A_581 : f32 to vector<16xf32>
          %select_n3A_583 = arith.select %eq3A_580, %broadcast_in_dim3A_582, %get3A_333 : vector<16xi1>, vector<16xf32>
          %max3A_584 = arith.maximumf %max3A_575, %select_n3A_583 : vector<16xf32>
          %shift_right_arithmetic3A = arith.constant 7 : i32
          %shift_right_arithmetic3A_585 = arith.shrsi %select_n3A_309, %shift_right_arithmetic3A : i32
          %and3A_586 = arith.constant 127 : i32
          %and3A_587 = arith.andi %select_n3A_309, %and3A_586 : i32
          %reduce_max3A_588 = arith.constant true
          %reduce_max3A_589 = vector.broadcast %reduce_max3A_588 : i1 to vector<16xi1>
          %reduce_max3A_590 = tpu.scan <max>, %max3A_584 masked %reduce_max3A_589 : vector<16xf32>, vector<16xi1> -> vector<16xf32>
          %reduce_max3A_591 = vector.extract %reduce_max3A_590[15] : f32 from vector<16xf32>
          %iota3A_592 = tpu.iota {dimensions = array<i32: 0>} : vector<16xi32>
          %broadcast_in_dim3A_593 = arith.constant 0 : i32
          %broadcast_in_dim3A_594 = vector.broadcast %broadcast_in_dim3A_593 : i32 to vector<16xi32>
          %add3A_595 = vector.broadcast %shift_right_arithmetic3A_585 : i32 to vector<16xi32>
          %add3A_596 = arith.addi %broadcast_in_dim3A_594, %add3A_595 : vector<16xi32>
          %broadcast_in_dim3A_597 = arith.constant 0 : i32
          %broadcast_in_dim3A_598 = vector.broadcast %broadcast_in_dim3A_597 : i32 to vector<16xi32>
          %add3A_599 = vector.broadcast %and3A_587 : i32 to vector<16xi32>
          %add3A_600 = arith.addi %broadcast_in_dim3A_598, %add3A_599 : vector<16xi32>
          %broadcast_in_dim3A_601 = arith.constant 0.000000e+00 : f32
          %broadcast_in_dim3A_602 = vector.broadcast %broadcast_in_dim3A_601 : f32 to vector<16xf32>
          %add3A_603 = vector.broadcast %reduce_max3A_591 : f32 to vector<16xf32>
          %add3A_604 = arith.addf %broadcast_in_dim3A_602, %add3A_603 : vector<16xf32>
          %eq3A_605 = arith.constant 0 : i32
          %eq3A_606 = vector.broadcast %eq3A_605 : i32 to vector<16xi32>
          %eq3A_607 = arith.cmpi eq, %iota3A_592, %eq3A_606 : vector<16xi32>
          tpu.vector_store_idx %arg7[%add3A_596, %add3A_600], %add3A_604 masked %eq3A_607 : memref<2x128xf32, #tpu.memory_space<vmem>>[vector<16xi32>, vector<16xi32>], vector<16xf32>, vector<16xi1>
        } else {
        }
        %convert_element_type3A_488 = arith.extui %and3A_482 : i1 to i32
        %cond3A_489 = arith.constant 0 : i32
        %cond3A_490 = arith.cmpi ne, %convert_element_type3A_488, %cond3A_489 : i32
        scf.if %cond3A_490 {
          %broadcast_in_dim3A_494 = arith.constant 0 : i32
          %broadcast_in_dim3A_495 = vector.broadcast %broadcast_in_dim3A_494 : i32 to vector<16xi32>
          %add3A_496 = vector.broadcast %while3A_134 : i32 to vector<16xi32>
          %add3A_497 = arith.addi %broadcast_in_dim3A_495, %add3A_496 : vector<16xi32>
          %eq3A_498 = arith.constant 0 : i32
          %eq3A_499 = vector.broadcast %eq3A_498 : i32 to vector<16xi32>
          %eq3A_500 = arith.cmpi eq, %iota3A, %eq3A_499 : vector<16xi32>
          tpu.vector_store_idx %arg8[%add3A_497], %mul3A_448 masked %eq3A_500 : memref<64xf32, #tpu.memory_space<vmem>>[vector<16xi32>], vector<16xf32>, vector<16xi1>
          %eq3A_501 = arith.constant 0 : i32
          %eq3A_502 = vector.broadcast %eq3A_501 : i32 to vector<16xi32>
          %eq3A_503 = arith.cmpi eq, %iota3A, %eq3A_502 : vector<16xi32>
          %eq3A_504 = arith.constant 1 : i32
          %eq3A_505 = vector.broadcast %eq3A_504 : i32 to vector<16xi32>
          %eq3A_506 = arith.cmpi eq, %iota3A, %eq3A_505 : vector<16xi32>
          %jit3A_507 = arith.constant 1.000000e+00 : f32
          %broadcast_in_dim3A_508 = vector.broadcast %jit3A_507 : f32 to vector<16xf32>
          %select_n3A_509 = arith.select %eq3A_506, %gather3A_444, %broadcast_in_dim3A_508 : vector<16xi1>, vector<16xf32>
          %select_n3A_510 = arith.select %eq3A_503, %gather3A, %select_n3A_509 : vector<16xi1>, vector<16xf32>
          %mul3A_511 = arith.constant 4 : i32
          %mul3A_512 = arith.muli %mul3A_511, %while3A_134 : i32
          %add3A_513 = vector.broadcast %mul3A_512 : i32 to vector<16xi32>
          %add3A_514 = arith.addi %add3A_513, %iota3A : vector<16xi32>
          %lt3A_515 = arith.constant 3 : i32
          %lt3A_516 = vector.broadcast %lt3A_515 : i32 to vector<16xi32>
          %lt3A_517 = arith.cmpi slt, %iota3A, %lt3A_516 : vector<16xi32>
          tpu.vector_store_idx %arg9[%add3A_514], %select_n3A_510 masked %lt3A_517 : memref<384xf32, #tpu.memory_space<vmem>>[vector<16xi32>], vector<16xf32>, vector<16xi1>
          %eq3A_518 = arith.constant 0 : i32
          %eq3A_519 = vector.broadcast %eq3A_518 : i32 to vector<16xi32>
          %eq3A_520 = arith.cmpi eq, %iota3A, %eq3A_519 : vector<16xi32>
          %jit3A_521 = arith.constant 1.000000e+00 : f32
          %broadcast_in_dim3A_522 = vector.broadcast %reduce_max3A_185 : f32 to vector<16xf32>
          %broadcast_in_dim3A_523 = vector.broadcast %jit3A_521 : f32 to vector<16xf32>
          %select_n3A_524 = arith.select %eq3A_520, %broadcast_in_dim3A_522, %broadcast_in_dim3A_523 : vector<16xi1>, vector<16xf32>
          %mul3A_525 = arith.constant 2 : i32
          %mul3A_526 = arith.muli %mul3A_525, %while3A_134 : i32
          %add3A_527 = arith.constant 256 : i32
          %add3A_528 = arith.addi %add3A_527, %mul3A_526 : i32
          %add3A_529 = vector.broadcast %add3A_528 : i32 to vector<16xi32>
          %add3A_530 = arith.addi %add3A_529, %iota3A : vector<16xi32>
          %lt3A_531 = arith.constant 2 : i32
          %lt3A_532 = vector.broadcast %lt3A_531 : i32 to vector<16xi32>
          %lt3A_533 = arith.cmpi slt, %iota3A, %lt3A_532 : vector<16xi32>
          tpu.vector_store_idx %arg9[%add3A_530], %select_n3A_524 masked %lt3A_533 : memref<384xf32, #tpu.memory_space<vmem>>[vector<16xi32>], vector<16xf32>, vector<16xi1>
        } else {
        }
        %jit3A = arith.constant 1 : i32
        %jit3A_491 = arith.constant 0 : i32
        %select_n3A_492 = arith.select %and3A_482, %jit3A, %jit3A_491 : i32
        %add3A_493 = arith.addi %while3A_134, %select_n3A_492 : i32
        scf.yield %add3A_493, %le3A_186 : i32, i1
      }
      %mul3A_132 = arith.constant 384 : i32
      %mul3A_133 = arith.muli %add3A, %mul3A_132 : i32
      %multiple_of3A = tpu.assume_multiple %mul3A_133, 8 : i32
      "tpu.region"() ({
        %run_scoped3A = tpu.sem_alloc : memref<!tpu.dma_semaphore, #tpu.memory_space<semaphore_mem>>
        %dma_start3A_134 = tpu.memref_slice %arg3[%multiple_of3A] : memref<3072xf32, #tpu.memory_space<hbm>> -> memref<384xf32, #tpu.memory_space<hbm>>
        %dma_start3A_135 = tpu.memref_slice %arg3[%multiple_of3A] : memref<3072xf32, #tpu.memory_space<hbm>> -> memref<384xf32, #tpu.memory_space<hbm>>
        tpu.enqueue_dma source(%arg9 : memref<384xf32, #tpu.memory_space<vmem>>) target(%dma_start3A_135 : memref<384xf32, #tpu.memory_space<hbm>>) target_semaphore(%run_scoped3A : memref<!tpu.dma_semaphore, #tpu.memory_space<semaphore_mem>>)
        %dma_wait3A_136 = tpu.memref_slice %arg3[%multiple_of3A] : memref<3072xf32, #tpu.memory_space<hbm>> -> memref<384xf32, #tpu.memory_space<hbm>>
        %dma_wait3A_137 = tpu.memref_slice %arg3[%multiple_of3A] : memref<3072xf32, #tpu.memory_space<hbm>> -> memref<384xf32, #tpu.memory_space<hbm>>
        tpu.wait_dma2 semaphore(%run_scoped3A : memref<!tpu.dma_semaphore, #tpu.memory_space<semaphore_mem>>) src(%arg9 : memref<384xf32, #tpu.memory_space<vmem>>) dst(%dma_wait3A_137 : memref<384xf32, #tpu.memory_space<hbm>>)
        tpu.yield
      }) : () -> ()
    } else {
    }
    return
  }
}

module attributes {stable_mosaic.version = 14 : i64} {
  func.func @_prep_body(%arg0: memref<8x20000xf32, #tpu.memory_space<vmem>>, %arg1: memref<8x20000xf32, #tpu.memory_space<vmem>>, %arg2: memref<8x20000xf32, #tpu.memory_space<vmem>>, %arg3: memref<1xf32, #tpu.memory_space<smem>>, %arg4: memref<473x8x128xf32, #tpu.memory_space<vmem>>) attributes {dimension_semantics = [], scalar_prefetch = 0 : i64, scratch_operands = 0 : i64, tpu.core_type = #tpu.core_type<tc>} {
    %get3A = arith.constant 0 : index
    %get3A_0 = arith.constant 0 : index
    %get3A_1 = vector.load %arg0[%get3A, %get3A_0] : memref<8x20000xf32, #tpu.memory_space<vmem>>, vector<8x20000xf32>
    %mul3A = arith.constant -1.44269502 : f32
    %mul3A_2 = vector.broadcast %mul3A : f32 to vector<8x20000xf32>
    %mul3A_3 = arith.mulf %get3A_1, %mul3A_2 : vector<8x20000xf32>
    %exp23A = math.exp2 %mul3A_3 : vector<8x20000xf32>
    %add3A = arith.constant 1.000000e+00 : f32
    %add3A_4 = vector.broadcast %add3A : f32 to vector<8x20000xf32>
    %add3A_5 = arith.addf %add3A_4, %exp23A : vector<8x20000xf32>
    %div3A = arith.constant 1.000000e+00 : f32
    %div3A_6 = vector.broadcast %div3A : f32 to vector<8x20000xf32>
    %div3A_7 = arith.divf %div3A_6, %add3A_5 : vector<8x20000xf32>
    %iota3A = tpu.iota {dimensions = array<i32: 1>} : vector<8x20000xi32>
    %convert_element_type3A = arith.sitofp %iota3A : vector<8x20000xi32> to vector<8x20000xf32>
    %add3A_8 = arith.constant 5.000000e-01 : f32
    %add3A_9 = vector.broadcast %add3A_8 : f32 to vector<8x20000xf32>
    %add3A_10 = arith.addf %convert_element_type3A, %add3A_9 : vector<8x20000xf32>
    %mul3A_11 = arith.constant 1.600000e+01 : f32
    %mul3A_12 = vector.broadcast %mul3A_11 : f32 to vector<8x20000xf32>
    %mul3A_13 = arith.mulf %add3A_10, %mul3A_12 : vector<8x20000xf32>
    %get3A_14 = arith.constant 0 : index
    %get3A_15 = arith.constant 0 : index
    %get3A_16 = vector.load %arg1[%get3A_14, %get3A_15] : memref<8x20000xf32, #tpu.memory_space<vmem>>, vector<8x20000xf32>
    %mul3A_17 = arith.constant 1.600000e+01 : f32
    %mul3A_18 = vector.broadcast %mul3A_17 : f32 to vector<8x20000xf32>
    %mul3A_19 = arith.mulf %get3A_16, %mul3A_18 : vector<8x20000xf32>
    %add3A_20 = arith.addf %mul3A_19, %mul3A_13 : vector<8x20000xf32>
    %get3A_21 = arith.constant 0 : index
    %get3A_22 = arith.constant 0 : index
    %get3A_23 = vector.load %arg2[%get3A_21, %get3A_22] : memref<8x20000xf32, #tpu.memory_space<vmem>>, vector<8x20000xf32>
    %mul3A_24 = arith.constant 1.600000e+01 : f32
    %mul3A_25 = vector.broadcast %mul3A_24 : f32 to vector<8x20000xf32>
    %mul3A_26 = arith.mulf %get3A_23, %mul3A_25 : vector<8x20000xf32>
    %add3A_27 = arith.addf %mul3A_26, %mul3A_13 : vector<8x20000xf32>
    %get3A_28 = arith.constant 0 : index
    %get3A_29 = memref.load %arg3[%get3A_28] : memref<1xf32, #tpu.memory_space<smem>>
    %ge3A = arith.constant 0.000000e+00 : f32
    %ge3A_30 = vector.broadcast %ge3A : f32 to vector<8x20000xf32>
    %ge3A_31 = arith.cmpf oge, %add3A_20, %ge3A_30 : vector<8x20000xf32>
    %le3A = vector.broadcast %get3A_29 : f32 to vector<8x20000xf32>
    %le3A_32 = arith.cmpf ole, %add3A_20, %le3A : vector<8x20000xf32>
    %and3A = arith.andi %ge3A_31, %le3A_32 : vector<8x20000xi1>
    %ge3A_33 = arith.constant 0.000000e+00 : f32
    %ge3A_34 = vector.broadcast %ge3A_33 : f32 to vector<8x20000xf32>
    %ge3A_35 = arith.cmpf oge, %add3A_27, %ge3A_34 : vector<8x20000xf32>
    %and3A_36 = arith.andi %and3A, %ge3A_35 : vector<8x20000xi1>
    %le3A_37 = vector.broadcast %get3A_29 : f32 to vector<8x20000xf32>
    %le3A_38 = arith.cmpf ole, %add3A_27, %le3A_37 : vector<8x20000xf32>
    %and3A_39 = arith.andi %and3A_36, %le3A_38 : vector<8x20000xi1>
    %ge3A_40 = arith.constant 0.699999988 : f32
    %ge3A_41 = vector.broadcast %ge3A_40 : f32 to vector<8x20000xf32>
    %ge3A_42 = arith.cmpf oge, %div3A_7, %ge3A_41 : vector<8x20000xf32>
    %and3A_43 = arith.andi %and3A_39, %ge3A_42 : vector<8x20000xi1>
    %jit3A = arith.constant -1.000000e+30 : f32
    %broadcast_in_dim3A = vector.broadcast %jit3A : f32 to vector<8x20000xf32>
    %select_n3A = arith.select %and3A_43, %div3A_7, %broadcast_in_dim3A : vector<8x20000xi1>, vector<8x20000xf32>
    %broadcast_in_dim3A_44 = arith.constant -1.000000e+30 : f32
    %broadcast_in_dim3A_45 = vector.broadcast %broadcast_in_dim3A_44 : f32 to vector<8x96xf32>
    %broadcast_in_dim3A_46 = arith.constant 0.000000e+00 : f32
    %broadcast_in_dim3A_47 = vector.broadcast %broadcast_in_dim3A_46 : f32 to vector<8x96xf32>
    %concatenate3A = tpu.concatenate %select_n3A, %broadcast_in_dim3A_45 in 1 : vector<8x20000xf32>, vector<8x96xf32> -> vector<8x20096xf32>
    %concatenate3A_48 = tpu.concatenate %add3A_20, %broadcast_in_dim3A_47 in 1 : vector<8x20000xf32>, vector<8x96xf32> -> vector<8x20096xf32>
    %concatenate3A_49 = tpu.concatenate %add3A_27, %broadcast_in_dim3A_47 in 1 : vector<8x20000xf32>, vector<8x96xf32> -> vector<8x20096xf32>
    %reshape3A = vector.shape_cast %concatenate3A : vector<8x20096xf32> to vector<8x157x128xf32>
    %reduce_max3A = arith.constant dense<0xFF800000> : vector<8x157xf32>
    %reduce_max3A_50 = vector.multi_reduction <maximumf>, %reshape3A, %reduce_max3A [2] : vector<8x157x128xf32> to vector<8x157xf32>
    %broadcast_in_dim3A_51 = arith.constant -1.000000e+30 : f32
    %broadcast_in_dim3A_52 = vector.broadcast %broadcast_in_dim3A_51 : f32 to vector<8x99xf32>
    %concatenate3A_53 = tpu.concatenate %reduce_max3A_50, %broadcast_in_dim3A_52 in 1 : vector<8x157xf32>, vector<8x99xf32> -> vector<8x256xf32>
    %slice3A = vector.extract_strided_slice %concatenate3A {offsets = [0, 0], sizes = [8, 128], strides = [1, 1]} : vector<8x20096xf32> to vector<8x128xf32>
    %swap3A = arith.constant 0 : index
    %swap3A_54 = arith.constant 0 : index
    %swap3A_55 = arith.constant 0 : index
    %swap3A_56 = vector.load %arg4[%swap3A, %swap3A_54, %swap3A_55] : memref<473x8x128xf32, #tpu.memory_space<vmem>>, vector<1x8x128xf32>
    %swap3A_57 = vector.shape_cast %swap3A_56 : vector<1x8x128xf32> to vector<8x128xf32>
    %swap3A_58 = vector.shape_cast %slice3A : vector<8x128xf32> to vector<1x8x128xf32>
    tpu.vector_store %arg4[%swap3A, %swap3A_54, %swap3A_55], %swap3A_58 {strides = array<i32>} : memref<473x8x128xf32, #tpu.memory_space<vmem>>, vector<1x8x128xf32>,
    %slice3A_59 = vector.extract_strided_slice %concatenate3A {offsets = [0, 128], sizes = [8, 128], strides = [1, 1]} : vector<8x20096xf32> to vector<8x128xf32>
    %swap3A_60 = arith.constant 1 : index
    %swap3A_61 = arith.constant 0 : index
    %swap3A_62 = arith.constant 0 : index
    %swap3A_63 = vector.load %arg4[%swap3A_60, %swap3A_61, %swap3A_62] : memref<473x8x128xf32, #tpu.memory_space<vmem>>, vector<1x8x128xf32>
    %swap3A_64 = vector.shape_cast %swap3A_63 : vector<1x8x128xf32> to vector<8x128xf32>
    %swap3A_65 = vector.shape_cast %slice3A_59 : vector<8x128xf32> to vector<1x8x128xf32>
    tpu.vector_store %arg4[%swap3A_60, %swap3A_61, %swap3A_62], %swap3A_65 {strides = array<i32>} : memref<473x8x128xf32, #tpu.memory_space<vmem>>, vector<1x8x128xf32>,
    %slice3A_66 = vector.extract_strided_slice %concatenate3A {offsets = [0, 256], sizes = [8, 128], strides = [1, 1]} : vector<8x20096xf32> to vector<8x128xf32>
    %swap3A_67 = arith.constant 2 : index
    %swap3A_68 = arith.constant 0 : index
    %swap3A_69 = arith.constant 0 : index
    %swap3A_70 = vector.load %arg4[%swap3A_67, %swap3A_68, %swap3A_69] : memref<473x8x128xf32, #tpu.memory_space<vmem>>, vector<1x8x128xf32>
    %swap3A_71 = vector.shape_cast %swap3A_70 : vector<1x8x128xf32> to vector<8x128xf32>
    %swap3A_72 = vector.shape_cast %slice3A_66 : vector<8x128xf32> to vector<1x8x128xf32>
    tpu.vector_store %arg4[%swap3A_67, %swap3A_68, %swap3A_69], %swap3A_72 {strides = array<i32>} : memref<473x8x128xf32, #tpu.memory_space<vmem>>, vector<1x8x128xf32>,
    %slice3A_73 = vector.extract_strided_slice %concatenate3A {offsets = [0, 384], sizes = [8, 128], strides = [1, 1]} : vector<8x20096xf32> to vector<8x128xf32>
    %swap3A_74 = arith.constant 3 : index
    %swap3A_75 = arith.constant 0 : index
    %swap3A_76 = arith.constant 0 : index
    %swap3A_77 = vector.load %arg4[%swap3A_74, %swap3A_75, %swap3A_76] : memref<473x8x128xf32, #tpu.memory_space<vmem>>, vector<1x8x128xf32>
    %swap3A_78 = vector.shape_cast %swap3A_77 : vector<1x8x128xf32> to vector<8x128xf32>
    %swap3A_79 = vector.shape_cast %slice3A_73 : vector<8x128xf32> to vector<1x8x128xf32>
    tpu.vector_store %arg4[%swap3A_74, %swap3A_75, %swap3A_76], %swap3A_79 {strides = array<i32>} : memref<473x8x128xf32, #tpu.memory_space<vmem>>, vector<1x8x128xf32>,
    %slice3A_80 = vector.extract_strided_slice %concatenate3A {offsets = [0, 512], sizes = [8, 128], strides = [1, 1]} : vector<8x20096xf32> to vector<8x128xf32>
    %swap3A_81 = arith.constant 4 : index
    %swap3A_82 = arith.constant 0 : index
    %swap3A_83 = arith.constant 0 : index
    %swap3A_84 = vector.load %arg4[%swap3A_81, %swap3A_82, %swap3A_83] : memref<473x8x128xf32, #tpu.memory_space<vmem>>, vector<1x8x128xf32>
    %swap3A_85 = vector.shape_cast %swap3A_84 : vector<1x8x128xf32> to vector<8x128xf32>
    %swap3A_86 = vector.shape_cast %slice3A_80 : vector<8x128xf32> to vector<1x8x128xf32>
    tpu.vector_store %arg4[%swap3A_81, %swap3A_82, %swap3A_83], %swap3A_86 {strides = array<i32>} : memref<473x8x128xf32, #tpu.memory_space<vmem>>, vector<1x8x128xf32>,
    %slice3A_87 = vector.extract_strided_slice %concatenate3A {offsets = [0, 640], sizes = [8, 128], strides = [1, 1]} : vector<8x20096xf32> to vector<8x128xf32>
    %swap3A_88 = arith.constant 5 : index
    %swap3A_89 = arith.constant 0 : index
    %swap3A_90 = arith.constant 0 : index
    %swap3A_91 = vector.load %arg4[%swap3A_88, %swap3A_89, %swap3A_90] : memref<473x8x128xf32, #tpu.memory_space<vmem>>, vector<1x8x128xf32>
    %swap3A_92 = vector.shape_cast %swap3A_91 : vector<1x8x128xf32> to vector<8x128xf32>
    %swap3A_93 = vector.shape_cast %slice3A_87 : vector<8x128xf32> to vector<1x8x128xf32>
    tpu.vector_store %arg4[%swap3A_88, %swap3A_89, %swap3A_90], %swap3A_93 {strides = array<i32>} : memref<473x8x128xf32, #tpu.memory_space<vmem>>, vector<1x8x128xf32>,
    %slice3A_94 = vector.extract_strided_slice %concatenate3A {offsets = [0, 768], sizes = [8, 128], strides = [1, 1]} : vector<8x20096xf32> to vector<8x128xf32>
    %swap3A_95 = arith.constant 6 : index
    %swap3A_96 = arith.constant 0 : index
    %swap3A_97 = arith.constant 0 : index
    %swap3A_98 = vector.load %arg4[%swap3A_95, %swap3A_96, %swap3A_97] : memref<473x8x128xf32, #tpu.memory_space<vmem>>, vector<1x8x128xf32>
    %swap3A_99 = vector.shape_cast %swap3A_98 : vector<1x8x128xf32> to vector<8x128xf32>
    %swap3A_100 = vector.shape_cast %slice3A_94 : vector<8x128xf32> to vector<1x8x128xf32>
    tpu.vector_store %arg4[%swap3A_95, %swap3A_96, %swap3A_97], %swap3A_100 {strides = array<i32>} : memref<473x8x128xf32, #tpu.memory_space<vmem>>, vector<1x8x128xf32>,
    %slice3A_101 = vector.extract_strided_slice %concatenate3A {offsets = [0, 896], sizes = [8, 128], strides = [1, 1]} : vector<8x20096xf32> to vector<8x128xf32>
    %swap3A_102 = arith.constant 7 : index
    %swap3A_103 = arith.constant 0 : index
    %swap3A_104 = arith.constant 0 : index
    %swap3A_105 = vector.load %arg4[%swap3A_102, %swap3A_103, %swap3A_104] : memref<473x8x128xf32, #tpu.memory_space<vmem>>, vector<1x8x128xf32>
    %swap3A_106 = vector.shape_cast %swap3A_105 : vector<1x8x128xf32> to vector<8x128xf32>
    %swap3A_107 = vector.shape_cast %slice3A_101 : vector<8x128xf32> to vector<1x8x128xf32>
    tpu.vector_store %arg4[%swap3A_102, %swap3A_103, %swap3A_104], %swap3A_107 {strides = array<i32>} : memref<473x8x128xf32, #tpu.memory_space<vmem>>, vector<1x8x128xf32>,
    %slice3A_108 = vector.extract_strided_slice %concatenate3A {offsets = [0, 1024], sizes = [8, 128], strides = [1, 1]} : vector<8x20096xf32> to vector<8x128xf32>
    %swap3A_109 = arith.constant 8 : index
    %swap3A_110 = arith.constant 0 : index
    %swap3A_111 = arith.constant 0 : index
    %swap3A_112 = vector.load %arg4[%swap3A_109, %swap3A_110, %swap3A_111] : memref<473x8x128xf32, #tpu.memory_space<vmem>>, vector<1x8x128xf32>
    %swap3A_113 = vector.shape_cast %swap3A_112 : vector<1x8x128xf32> to vector<8x128xf32>
    %swap3A_114 = vector.shape_cast %slice3A_108 : vector<8x128xf32> to vector<1x8x128xf32>
    tpu.vector_store %arg4[%swap3A_109, %swap3A_110, %swap3A_111], %swap3A_114 {strides = array<i32>} : memref<473x8x128xf32, #tpu.memory_space<vmem>>, vector<1x8x128xf32>,
    %slice3A_115 = vector.extract_strided_slice %concatenate3A {offsets = [0, 1152], sizes = [8, 128], strides = [1, 1]} : vector<8x20096xf32> to vector<8x128xf32>
    %swap3A_116 = arith.constant 9 : index
    %swap3A_117 = arith.constant 0 : index
    %swap3A_118 = arith.constant 0 : index
    %swap3A_119 = vector.load %arg4[%swap3A_116, %swap3A_117, %swap3A_118] : memref<473x8x128xf32, #tpu.memory_space<vmem>>, vector<1x8x128xf32>
    %swap3A_120 = vector.shape_cast %swap3A_119 : vector<1x8x128xf32> to vector<8x128xf32>
    %swap3A_121 = vector.shape_cast %slice3A_115 : vector<8x128xf32> to vector<1x8x128xf32>
    tpu.vector_store %arg4[%swap3A_116, %swap3A_117, %swap3A_118], %swap3A_121 {strides = array<i32>} : memref<473x8x128xf32, #tpu.memory_space<vmem>>, vector<1x8x128xf32>,
    %slice3A_122 = vector.extract_strided_slice %concatenate3A {offsets = [0, 1280], sizes = [8, 128], strides = [1, 1]} : vector<8x20096xf32> to vector<8x128xf32>
    %swap3A_123 = arith.constant 10 : index
    %swap3A_124 = arith.constant 0 : index
    %swap3A_125 = arith.constant 0 : index
    %swap3A_126 = vector.load %arg4[%swap3A_123, %swap3A_124, %swap3A_125] : memref<473x8x128xf32, #tpu.memory_space<vmem>>, vector<1x8x128xf32>
    %swap3A_127 = vector.shape_cast %swap3A_126 : vector<1x8x128xf32> to vector<8x128xf32>
    %swap3A_128 = vector.shape_cast %slice3A_122 : vector<8x128xf32> to vector<1x8x128xf32>
    tpu.vector_store %arg4[%swap3A_123, %swap3A_124, %swap3A_125], %swap3A_128 {strides = array<i32>} : memref<473x8x128xf32, #tpu.memory_space<vmem>>, vector<1x8x128xf32>,
    %slice3A_129 = vector.extract_strided_slice %concatenate3A {offsets = [0, 1408], sizes = [8, 128], strides = [1, 1]} : vector<8x20096xf32> to vector<8x128xf32>
    %swap3A_130 = arith.constant 11 : index
    %swap3A_131 = arith.constant 0 : index
    %swap3A_132 = arith.constant 0 : index
    %swap3A_133 = vector.load %arg4[%swap3A_130, %swap3A_131, %swap3A_132] : memref<473x8x128xf32, #tpu.memory_space<vmem>>, vector<1x8x128xf32>
    %swap3A_134 = vector.shape_cast %swap3A_133 : vector<1x8x128xf32> to vector<8x128xf32>
    %swap3A_135 = vector.shape_cast %slice3A_129 : vector<8x128xf32> to vector<1x8x128xf32>
    tpu.vector_store %arg4[%swap3A_130, %swap3A_131, %swap3A_132], %swap3A_135 {strides = array<i32>} : memref<473x8x128xf32, #tpu.memory_space<vmem>>, vector<1x8x128xf32>,
    %slice3A_136 = vector.extract_strided_slice %concatenate3A {offsets = [0, 1536], sizes = [8, 128], strides = [1, 1]} : vector<8x20096xf32> to vector<8x128xf32>
    %swap3A_137 = arith.constant 12 : index
    %swap3A_138 = arith.constant 0 : index
    %swap3A_139 = arith.constant 0 : index
    %swap3A_140 = vector.load %arg4[%swap3A_137, %swap3A_138, %swap3A_139] : memref<473x8x128xf32, #tpu.memory_space<vmem>>, vector<1x8x128xf32>
    %swap3A_141 = vector.shape_cast %swap3A_140 : vector<1x8x128xf32> to vector<8x128xf32>
    %swap3A_142 = vector.shape_cast %slice3A_136 : vector<8x128xf32> to vector<1x8x128xf32>
    tpu.vector_store %arg4[%swap3A_137, %swap3A_138, %swap3A_139], %swap3A_142 {strides = array<i32>} : memref<473x8x128xf32, #tpu.memory_space<vmem>>, vector<1x8x128xf32>,
    %slice3A_143 = vector.extract_strided_slice %concatenate3A {offsets = [0, 1664], sizes = [8, 128], strides = [1, 1]} : vector<8x20096xf32> to vector<8x128xf32>
    %swap3A_144 = arith.constant 13 : index
    %swap3A_145 = arith.constant 0 : index
    %swap3A_146 = arith.constant 0 : index
    %swap3A_147 = vector.load %arg4[%swap3A_144, %swap3A_145, %swap3A_146] : memref<473x8x128xf32, #tpu.memory_space<vmem>>, vector<1x8x128xf32>
    %swap3A_148 = vector.shape_cast %swap3A_147 : vector<1x8x128xf32> to vector<8x128xf32>
    %swap3A_149 = vector.shape_cast %slice3A_143 : vector<8x128xf32> to vector<1x8x128xf32>
    tpu.vector_store %arg4[%swap3A_144, %swap3A_145, %swap3A_146], %swap3A_149 {strides = array<i32>} : memref<473x8x128xf32, #tpu.memory_space<vmem>>, vector<1x8x128xf32>,
    %slice3A_150 = vector.extract_strided_slice %concatenate3A {offsets = [0, 1792], sizes = [8, 128], strides = [1, 1]} : vector<8x20096xf32> to vector<8x128xf32>
    %swap3A_151 = arith.constant 14 : index
    %swap3A_152 = arith.constant 0 : index
    %swap3A_153 = arith.constant 0 : index
    %swap3A_154 = vector.load %arg4[%swap3A_151, %swap3A_152, %swap3A_153] : memref<473x8x128xf32, #tpu.memory_space<vmem>>, vector<1x8x128xf32>
    %swap3A_155 = vector.shape_cast %swap3A_154 : vector<1x8x128xf32> to vector<8x128xf32>
    %swap3A_156 = vector.shape_cast %slice3A_150 : vector<8x128xf32> to vector<1x8x128xf32>
    tpu.vector_store %arg4[%swap3A_151, %swap3A_152, %swap3A_153], %swap3A_156 {strides = array<i32>} : memref<473x8x128xf32, #tpu.memory_space<vmem>>, vector<1x8x128xf32>,
    %slice3A_157 = vector.extract_strided_slice %concatenate3A {offsets = [0, 1920], sizes = [8, 128], strides = [1, 1]} : vector<8x20096xf32> to vector<8x128xf32>
    %swap3A_158 = arith.constant 15 : index
    %swap3A_159 = arith.constant 0 : index
    %swap3A_160 = arith.constant 0 : index
    %swap3A_161 = vector.load %arg4[%swap3A_158, %swap3A_159, %swap3A_160] : memref<473x8x128xf32, #tpu.memory_space<vmem>>, vector<1x8x128xf32>
    %swap3A_162 = vector.shape_cast %swap3A_161 : vector<1x8x128xf32> to vector<8x128xf32>
    %swap3A_163 = vector.shape_cast %slice3A_157 : vector<8x128xf32> to vector<1x8x128xf32>
    tpu.vector_store %arg4[%swap3A_158, %swap3A_159, %swap3A_160], %swap3A_163 {strides = array<i32>} : memref<473x8x128xf32, #tpu.memory_space<vmem>>, vector<1x8x128xf32>,
    %slice3A_164 = vector.extract_strided_slice %concatenate3A {offsets = [0, 2048], sizes = [8, 128], strides = [1, 1]} : vector<8x20096xf32> to vector<8x128xf32>
    %swap3A_165 = arith.constant 16 : index
    %swap3A_166 = arith.constant 0 : index
    %swap3A_167 = arith.constant 0 : index
    %swap3A_168 = vector.load %arg4[%swap3A_165, %swap3A_166, %swap3A_167] : memref<473x8x128xf32, #tpu.memory_space<vmem>>, vector<1x8x128xf32>
    %swap3A_169 = vector.shape_cast %swap3A_168 : vector<1x8x128xf32> to vector<8x128xf32>
    %swap3A_170 = vector.shape_cast %slice3A_164 : vector<8x128xf32> to vector<1x8x128xf32>
    tpu.vector_store %arg4[%swap3A_165, %swap3A_166, %swap3A_167], %swap3A_170 {strides = array<i32>} : memref<473x8x128xf32, #tpu.memory_space<vmem>>, vector<1x8x128xf32>,
    %slice3A_171 = vector.extract_strided_slice %concatenate3A {offsets = [0, 2176], sizes = [8, 128], strides = [1, 1]} : vector<8x20096xf32> to vector<8x128xf32>
    %swap3A_172 = arith.constant 17 : index
    %swap3A_173 = arith.constant 0 : index
    %swap3A_174 = arith.constant 0 : index
    %swap3A_175 = vector.load %arg4[%swap3A_172, %swap3A_173, %swap3A_174] : memref<473x8x128xf32, #tpu.memory_space<vmem>>, vector<1x8x128xf32>
    %swap3A_176 = vector.shape_cast %swap3A_175 : vector<1x8x128xf32> to vector<8x128xf32>
    %swap3A_177 = vector.shape_cast %slice3A_171 : vector<8x128xf32> to vector<1x8x128xf32>
    tpu.vector_store %arg4[%swap3A_172, %swap3A_173, %swap3A_174], %swap3A_177 {strides = array<i32>} : memref<473x8x128xf32, #tpu.memory_space<vmem>>, vector<1x8x128xf32>,
    %slice3A_178 = vector.extract_strided_slice %concatenate3A {offsets = [0, 2304], sizes = [8, 128], strides = [1, 1]} : vector<8x20096xf32> to vector<8x128xf32>
    %swap3A_179 = arith.constant 18 : index
    %swap3A_180 = arith.constant 0 : index
    %swap3A_181 = arith.constant 0 : index
    %swap3A_182 = vector.load %arg4[%swap3A_179, %swap3A_180, %swap3A_181] : memref<473x8x128xf32, #tpu.memory_space<vmem>>, vector<1x8x128xf32>
    %swap3A_183 = vector.shape_cast %swap3A_182 : vector<1x8x128xf32> to vector<8x128xf32>
    %swap3A_184 = vector.shape_cast %slice3A_178 : vector<8x128xf32> to vector<1x8x128xf32>
    tpu.vector_store %arg4[%swap3A_179, %swap3A_180, %swap3A_181], %swap3A_184 {strides = array<i32>} : memref<473x8x128xf32, #tpu.memory_space<vmem>>, vector<1x8x128xf32>,
    %slice3A_185 = vector.extract_strided_slice %concatenate3A {offsets = [0, 2432], sizes = [8, 128], strides = [1, 1]} : vector<8x20096xf32> to vector<8x128xf32>
    %swap3A_186 = arith.constant 19 : index
    %swap3A_187 = arith.constant 0 : index
    %swap3A_188 = arith.constant 0 : index
    %swap3A_189 = vector.load %arg4[%swap3A_186, %swap3A_187, %swap3A_188] : memref<473x8x128xf32, #tpu.memory_space<vmem>>, vector<1x8x128xf32>
    %swap3A_190 = vector.shape_cast %swap3A_189 : vector<1x8x128xf32> to vector<8x128xf32>
    %swap3A_191 = vector.shape_cast %slice3A_185 : vector<8x128xf32> to vector<1x8x128xf32>
    tpu.vector_store %arg4[%swap3A_186, %swap3A_187, %swap3A_188], %swap3A_191 {strides = array<i32>} : memref<473x8x128xf32, #tpu.memory_space<vmem>>, vector<1x8x128xf32>,
    %slice3A_192 = vector.extract_strided_slice %concatenate3A {offsets = [0, 2560], sizes = [8, 128], strides = [1, 1]} : vector<8x20096xf32> to vector<8x128xf32>
    %swap3A_193 = arith.constant 20 : index
    %swap3A_194 = arith.constant 0 : index
    %swap3A_195 = arith.constant 0 : index
    %swap3A_196 = vector.load %arg4[%swap3A_193, %swap3A_194, %swap3A_195] : memref<473x8x128xf32, #tpu.memory_space<vmem>>, vector<1x8x128xf32>
    %swap3A_197 = vector.shape_cast %swap3A_196 : vector<1x8x128xf32> to vector<8x128xf32>
    %swap3A_198 = vector.shape_cast %slice3A_192 : vector<8x128xf32> to vector<1x8x128xf32>
    tpu.vector_store %arg4[%swap3A_193, %swap3A_194, %swap3A_195], %swap3A_198 {strides = array<i32>} : memref<473x8x128xf32, #tpu.memory_space<vmem>>, vector<1x8x128xf32>,
    %slice3A_199 = vector.extract_strided_slice %concatenate3A {offsets = [0, 2688], sizes = [8, 128], strides = [1, 1]} : vector<8x20096xf32> to vector<8x128xf32>
    %swap3A_200 = arith.constant 21 : index
    %swap3A_201 = arith.constant 0 : index
    %swap3A_202 = arith.constant 0 : index
    %swap3A_203 = vector.load %arg4[%swap3A_200, %swap3A_201, %swap3A_202] : memref<473x8x128xf32, #tpu.memory_space<vmem>>, vector<1x8x128xf32>
    %swap3A_204 = vector.shape_cast %swap3A_203 : vector<1x8x128xf32> to vector<8x128xf32>
    %swap3A_205 = vector.shape_cast %slice3A_199 : vector<8x128xf32> to vector<1x8x128xf32>
    tpu.vector_store %arg4[%swap3A_200, %swap3A_201, %swap3A_202], %swap3A_205 {strides = array<i32>} : memref<473x8x128xf32, #tpu.memory_space<vmem>>, vector<1x8x128xf32>,
    %slice3A_206 = vector.extract_strided_slice %concatenate3A {offsets = [0, 2816], sizes = [8, 128], strides = [1, 1]} : vector<8x20096xf32> to vector<8x128xf32>
    %swap3A_207 = arith.constant 22 : index
    %swap3A_208 = arith.constant 0 : index
    %swap3A_209 = arith.constant 0 : index
    %swap3A_210 = vector.load %arg4[%swap3A_207, %swap3A_208, %swap3A_209] : memref<473x8x128xf32, #tpu.memory_space<vmem>>, vector<1x8x128xf32>
    %swap3A_211 = vector.shape_cast %swap3A_210 : vector<1x8x128xf32> to vector<8x128xf32>
    %swap3A_212 = vector.shape_cast %slice3A_206 : vector<8x128xf32> to vector<1x8x128xf32>
    tpu.vector_store %arg4[%swap3A_207, %swap3A_208, %swap3A_209], %swap3A_212 {strides = array<i32>} : memref<473x8x128xf32, #tpu.memory_space<vmem>>, vector<1x8x128xf32>,
    %slice3A_213 = vector.extract_strided_slice %concatenate3A {offsets = [0, 2944], sizes = [8, 128], strides = [1, 1]} : vector<8x20096xf32> to vector<8x128xf32>
    %swap3A_214 = arith.constant 23 : index
    %swap3A_215 = arith.constant 0 : index
    %swap3A_216 = arith.constant 0 : index
    %swap3A_217 = vector.load %arg4[%swap3A_214, %swap3A_215, %swap3A_216] : memref<473x8x128xf32, #tpu.memory_space<vmem>>, vector<1x8x128xf32>
    %swap3A_218 = vector.shape_cast %swap3A_217 : vector<1x8x128xf32> to vector<8x128xf32>
    %swap3A_219 = vector.shape_cast %slice3A_213 : vector<8x128xf32> to vector<1x8x128xf32>
    tpu.vector_store %arg4[%swap3A_214, %swap3A_215, %swap3A_216], %swap3A_219 {strides = array<i32>} : memref<473x8x128xf32, #tpu.memory_space<vmem>>, vector<1x8x128xf32>,
    %slice3A_220 = vector.extract_strided_slice %concatenate3A {offsets = [0, 3072], sizes = [8, 128], strides = [1, 1]} : vector<8x20096xf32> to vector<8x128xf32>
    %swap3A_221 = arith.constant 24 : index
    %swap3A_222 = arith.constant 0 : index
    %swap3A_223 = arith.constant 0 : index
    %swap3A_224 = vector.load %arg4[%swap3A_221, %swap3A_222, %swap3A_223] : memref<473x8x128xf32, #tpu.memory_space<vmem>>, vector<1x8x128xf32>
    %swap3A_225 = vector.shape_cast %swap3A_224 : vector<1x8x128xf32> to vector<8x128xf32>
    %swap3A_226 = vector.shape_cast %slice3A_220 : vector<8x128xf32> to vector<1x8x128xf32>
    tpu.vector_store %arg4[%swap3A_221, %swap3A_222, %swap3A_223], %swap3A_226 {strides = array<i32>} : memref<473x8x128xf32, #tpu.memory_space<vmem>>, vector<1x8x128xf32>,
    %slice3A_227 = vector.extract_strided_slice %concatenate3A {offsets = [0, 3200], sizes = [8, 128], strides = [1, 1]} : vector<8x20096xf32> to vector<8x128xf32>
    %swap3A_228 = arith.constant 25 : index
    %swap3A_229 = arith.constant 0 : index
    %swap3A_230 = arith.constant 0 : index
    %swap3A_231 = vector.load %arg4[%swap3A_228, %swap3A_229, %swap3A_230] : memref<473x8x128xf32, #tpu.memory_space<vmem>>, vector<1x8x128xf32>
    %swap3A_232 = vector.shape_cast %swap3A_231 : vector<1x8x128xf32> to vector<8x128xf32>
    %swap3A_233 = vector.shape_cast %slice3A_227 : vector<8x128xf32> to vector<1x8x128xf32>
    tpu.vector_store %arg4[%swap3A_228, %swap3A_229, %swap3A_230], %swap3A_233 {strides = array<i32>} : memref<473x8x128xf32, #tpu.memory_space<vmem>>, vector<1x8x128xf32>,
    %slice3A_234 = vector.extract_strided_slice %concatenate3A {offsets = [0, 3328], sizes = [8, 128], strides = [1, 1]} : vector<8x20096xf32> to vector<8x128xf32>
    %swap3A_235 = arith.constant 26 : index
    %swap3A_236 = arith.constant 0 : index
    %swap3A_237 = arith.constant 0 : index
    %swap3A_238 = vector.load %arg4[%swap3A_235, %swap3A_236, %swap3A_237] : memref<473x8x128xf32, #tpu.memory_space<vmem>>, vector<1x8x128xf32>
    %swap3A_239 = vector.shape_cast %swap3A_238 : vector<1x8x128xf32> to vector<8x128xf32>
    %swap3A_240 = vector.shape_cast %slice3A_234 : vector<8x128xf32> to vector<1x8x128xf32>
    tpu.vector_store %arg4[%swap3A_235, %swap3A_236, %swap3A_237], %swap3A_240 {strides = array<i32>} : memref<473x8x128xf32, #tpu.memory_space<vmem>>, vector<1x8x128xf32>,
    %slice3A_241 = vector.extract_strided_slice %concatenate3A {offsets = [0, 3456], sizes = [8, 128], strides = [1, 1]} : vector<8x20096xf32> to vector<8x128xf32>
    %swap3A_242 = arith.constant 27 : index
    %swap3A_243 = arith.constant 0 : index
    %swap3A_244 = arith.constant 0 : index
    %swap3A_245 = vector.load %arg4[%swap3A_242, %swap3A_243, %swap3A_244] : memref<473x8x128xf32, #tpu.memory_space<vmem>>, vector<1x8x128xf32>
    %swap3A_246 = vector.shape_cast %swap3A_245 : vector<1x8x128xf32> to vector<8x128xf32>
    %swap3A_247 = vector.shape_cast %slice3A_241 : vector<8x128xf32> to vector<1x8x128xf32>
    tpu.vector_store %arg4[%swap3A_242, %swap3A_243, %swap3A_244], %swap3A_247 {strides = array<i32>} : memref<473x8x128xf32, #tpu.memory_space<vmem>>, vector<1x8x128xf32>,
    %slice3A_248 = vector.extract_strided_slice %concatenate3A {offsets = [0, 3584], sizes = [8, 128], strides = [1, 1]} : vector<8x20096xf32> to vector<8x128xf32>
    %swap3A_249 = arith.constant 28 : index
    %swap3A_250 = arith.constant 0 : index
    %swap3A_251 = arith.constant 0 : index
    %swap3A_252 = vector.load %arg4[%swap3A_249, %swap3A_250, %swap3A_251] : memref<473x8x128xf32, #tpu.memory_space<vmem>>, vector<1x8x128xf32>
    %swap3A_253 = vector.shape_cast %swap3A_252 : vector<1x8x128xf32> to vector<8x128xf32>
    %swap3A_254 = vector.shape_cast %slice3A_248 : vector<8x128xf32> to vector<1x8x128xf32>
    tpu.vector_store %arg4[%swap3A_249, %swap3A_250, %swap3A_251], %swap3A_254 {strides = array<i32>} : memref<473x8x128xf32, #tpu.memory_space<vmem>>, vector<1x8x128xf32>,
    %slice3A_255 = vector.extract_strided_slice %concatenate3A {offsets = [0, 3712], sizes = [8, 128], strides = [1, 1]} : vector<8x20096xf32> to vector<8x128xf32>
    %swap3A_256 = arith.constant 29 : index
    %swap3A_257 = arith.constant 0 : index
    %swap3A_258 = arith.constant 0 : index
    %swap3A_259 = vector.load %arg4[%swap3A_256, %swap3A_257, %swap3A_258] : memref<473x8x128xf32, #tpu.memory_space<vmem>>, vector<1x8x128xf32>
    %swap3A_260 = vector.shape_cast %swap3A_259 : vector<1x8x128xf32> to vector<8x128xf32>
    %swap3A_261 = vector.shape_cast %slice3A_255 : vector<8x128xf32> to vector<1x8x128xf32>
    tpu.vector_store %arg4[%swap3A_256, %swap3A_257, %swap3A_258], %swap3A_261 {strides = array<i32>} : memref<473x8x128xf32, #tpu.memory_space<vmem>>, vector<1x8x128xf32>,
    %slice3A_262 = vector.extract_strided_slice %concatenate3A {offsets = [0, 3840], sizes = [8, 128], strides = [1, 1]} : vector<8x20096xf32> to vector<8x128xf32>
    %swap3A_263 = arith.constant 30 : index
    %swap3A_264 = arith.constant 0 : index
    %swap3A_265 = arith.constant 0 : index
    %swap3A_266 = vector.load %arg4[%swap3A_263, %swap3A_264, %swap3A_265] : memref<473x8x128xf32, #tpu.memory_space<vmem>>, vector<1x8x128xf32>
    %swap3A_267 = vector.shape_cast %swap3A_266 : vector<1x8x128xf32> to vector<8x128xf32>
    %swap3A_268 = vector.shape_cast %slice3A_262 : vector<8x128xf32> to vector<1x8x128xf32>
    tpu.vector_store %arg4[%swap3A_263, %swap3A_264, %swap3A_265], %swap3A_268 {strides = array<i32>} : memref<473x8x128xf32, #tpu.memory_space<vmem>>, vector<1x8x128xf32>,
    %slice3A_269 = vector.extract_strided_slice %concatenate3A {offsets = [0, 3968], sizes = [8, 128], strides = [1, 1]} : vector<8x20096xf32> to vector<8x128xf32>
    %swap3A_270 = arith.constant 31 : index
    %swap3A_271 = arith.constant 0 : index
    %swap3A_272 = arith.constant 0 : index
    %swap3A_273 = vector.load %arg4[%swap3A_270, %swap3A_271, %swap3A_272] : memref<473x8x128xf32, #tpu.memory_space<vmem>>, vector<1x8x128xf32>
    %swap3A_274 = vector.shape_cast %swap3A_273 : vector<1x8x128xf32> to vector<8x128xf32>
    %swap3A_275 = vector.shape_cast %slice3A_269 : vector<8x128xf32> to vector<1x8x128xf32>
    tpu.vector_store %arg4[%swap3A_270, %swap3A_271, %swap3A_272], %swap3A_275 {strides = array<i32>} : memref<473x8x128xf32, #tpu.memory_space<vmem>>, vector<1x8x128xf32>,
    %slice3A_276 = vector.extract_strided_slice %concatenate3A {offsets = [0, 4096], sizes = [8, 128], strides = [1, 1]} : vector<8x20096xf32> to vector<8x128xf32>
    %swap3A_277 = arith.constant 32 : index
    %swap3A_278 = arith.constant 0 : index
    %swap3A_279 = arith.constant 0 : index
    %swap3A_280 = vector.load %arg4[%swap3A_277, %swap3A_278, %swap3A_279] : memref<473x8x128xf32, #tpu.memory_space<vmem>>, vector<1x8x128xf32>
    %swap3A_281 = vector.shape_cast %swap3A_280 : vector<1x8x128xf32> to vector<8x128xf32>
    %swap3A_282 = vector.shape_cast %slice3A_276 : vector<8x128xf32> to vector<1x8x128xf32>
    tpu.vector_store %arg4[%swap3A_277, %swap3A_278, %swap3A_279], %swap3A_282 {strides = array<i32>} : memref<473x8x128xf32, #tpu.memory_space<vmem>>, vector<1x8x128xf32>,
    %slice3A_283 = vector.extract_strided_slice %concatenate3A {offsets = [0, 4224], sizes = [8, 128], strides = [1, 1]} : vector<8x20096xf32> to vector<8x128xf32>
    %swap3A_284 = arith.constant 33 : index
    %swap3A_285 = arith.constant 0 : index
    %swap3A_286 = arith.constant 0 : index
    %swap3A_287 = vector.load %arg4[%swap3A_284, %swap3A_285, %swap3A_286] : memref<473x8x128xf32, #tpu.memory_space<vmem>>, vector<1x8x128xf32>
    %swap3A_288 = vector.shape_cast %swap3A_287 : vector<1x8x128xf32> to vector<8x128xf32>
    %swap3A_289 = vector.shape_cast %slice3A_283 : vector<8x128xf32> to vector<1x8x128xf32>
    tpu.vector_store %arg4[%swap3A_284, %swap3A_285, %swap3A_286], %swap3A_289 {strides = array<i32>} : memref<473x8x128xf32, #tpu.memory_space<vmem>>, vector<1x8x128xf32>,
    %slice3A_290 = vector.extract_strided_slice %concatenate3A {offsets = [0, 4352], sizes = [8, 128], strides = [1, 1]} : vector<8x20096xf32> to vector<8x128xf32>
    %swap3A_291 = arith.constant 34 : index
    %swap3A_292 = arith.constant 0 : index
    %swap3A_293 = arith.constant 0 : index
    %swap3A_294 = vector.load %arg4[%swap3A_291, %swap3A_292, %swap3A_293] : memref<473x8x128xf32, #tpu.memory_space<vmem>>, vector<1x8x128xf32>
    %swap3A_295 = vector.shape_cast %swap3A_294 : vector<1x8x128xf32> to vector<8x128xf32>
    %swap3A_296 = vector.shape_cast %slice3A_290 : vector<8x128xf32> to vector<1x8x128xf32>
    tpu.vector_store %arg4[%swap3A_291, %swap3A_292, %swap3A_293], %swap3A_296 {strides = array<i32>} : memref<473x8x128xf32, #tpu.memory_space<vmem>>, vector<1x8x128xf32>,
    %slice3A_297 = vector.extract_strided_slice %concatenate3A {offsets = [0, 4480], sizes = [8, 128], strides = [1, 1]} : vector<8x20096xf32> to vector<8x128xf32>
    %swap3A_298 = arith.constant 35 : index
    %swap3A_299 = arith.constant 0 : index
    %swap3A_300 = arith.constant 0 : index
    %swap3A_301 = vector.load %arg4[%swap3A_298, %swap3A_299, %swap3A_300] : memref<473x8x128xf32, #tpu.memory_space<vmem>>, vector<1x8x128xf32>
    %swap3A_302 = vector.shape_cast %swap3A_301 : vector<1x8x128xf32> to vector<8x128xf32>
    %swap3A_303 = vector.shape_cast %slice3A_297 : vector<8x128xf32> to vector<1x8x128xf32>
    tpu.vector_store %arg4[%swap3A_298, %swap3A_299, %swap3A_300], %swap3A_303 {strides = array<i32>} : memref<473x8x128xf32, #tpu.memory_space<vmem>>, vector<1x8x128xf32>,
    %slice3A_304 = vector.extract_strided_slice %concatenate3A {offsets = [0, 4608], sizes = [8, 128], strides = [1, 1]} : vector<8x20096xf32> to vector<8x128xf32>
    %swap3A_305 = arith.constant 36 : index
    %swap3A_306 = arith.constant 0 : index
    %swap3A_307 = arith.constant 0 : index
    %swap3A_308 = vector.load %arg4[%swap3A_305, %swap3A_306, %swap3A_307] : memref<473x8x128xf32, #tpu.memory_space<vmem>>, vector<1x8x128xf32>
    %swap3A_309 = vector.shape_cast %swap3A_308 : vector<1x8x128xf32> to vector<8x128xf32>
    %swap3A_310 = vector.shape_cast %slice3A_304 : vector<8x128xf32> to vector<1x8x128xf32>
    tpu.vector_store %arg4[%swap3A_305, %swap3A_306, %swap3A_307], %swap3A_310 {strides = array<i32>} : memref<473x8x128xf32, #tpu.memory_space<vmem>>, vector<1x8x128xf32>,
    %slice3A_311 = vector.extract_strided_slice %concatenate3A {offsets = [0, 4736], sizes = [8, 128], strides = [1, 1]} : vector<8x20096xf32> to vector<8x128xf32>
    %swap3A_312 = arith.constant 37 : index
    %swap3A_313 = arith.constant 0 : index
    %swap3A_314 = arith.constant 0 : index
    %swap3A_315 = vector.load %arg4[%swap3A_312, %swap3A_313, %swap3A_314] : memref<473x8x128xf32, #tpu.memory_space<vmem>>, vector<1x8x128xf32>
    %swap3A_316 = vector.shape_cast %swap3A_315 : vector<1x8x128xf32> to vector<8x128xf32>
    %swap3A_317 = vector.shape_cast %slice3A_311 : vector<8x128xf32> to vector<1x8x128xf32>
    tpu.vector_store %arg4[%swap3A_312, %swap3A_313, %swap3A_314], %swap3A_317 {strides = array<i32>} : memref<473x8x128xf32, #tpu.memory_space<vmem>>, vector<1x8x128xf32>,
    %slice3A_318 = vector.extract_strided_slice %concatenate3A {offsets = [0, 4864], sizes = [8, 128], strides = [1, 1]} : vector<8x20096xf32> to vector<8x128xf32>
    %swap3A_319 = arith.constant 38 : index
    %swap3A_320 = arith.constant 0 : index
    %swap3A_321 = arith.constant 0 : index
    %swap3A_322 = vector.load %arg4[%swap3A_319, %swap3A_320, %swap3A_321] : memref<473x8x128xf32, #tpu.memory_space<vmem>>, vector<1x8x128xf32>
    %swap3A_323 = vector.shape_cast %swap3A_322 : vector<1x8x128xf32> to vector<8x128xf32>
    %swap3A_324 = vector.shape_cast %slice3A_318 : vector<8x128xf32> to vector<1x8x128xf32>
    tpu.vector_store %arg4[%swap3A_319, %swap3A_320, %swap3A_321], %swap3A_324 {strides = array<i32>} : memref<473x8x128xf32, #tpu.memory_space<vmem>>, vector<1x8x128xf32>,
    %slice3A_325 = vector.extract_strided_slice %concatenate3A {offsets = [0, 4992], sizes = [8, 128], strides = [1, 1]} : vector<8x20096xf32> to vector<8x128xf32>
    %swap3A_326 = arith.constant 39 : index
    %swap3A_327 = arith.constant 0 : index
    %swap3A_328 = arith.constant 0 : index
    %swap3A_329 = vector.load %arg4[%swap3A_326, %swap3A_327, %swap3A_328] : memref<473x8x128xf32, #tpu.memory_space<vmem>>, vector<1x8x128xf32>
    %swap3A_330 = vector.shape_cast %swap3A_329 : vector<1x8x128xf32> to vector<8x128xf32>
    %swap3A_331 = vector.shape_cast %slice3A_325 : vector<8x128xf32> to vector<1x8x128xf32>
    tpu.vector_store %arg4[%swap3A_326, %swap3A_327, %swap3A_328], %swap3A_331 {strides = array<i32>} : memref<473x8x128xf32, #tpu.memory_space<vmem>>, vector<1x8x128xf32>,
    %slice3A_332 = vector.extract_strided_slice %concatenate3A {offsets = [0, 5120], sizes = [8, 128], strides = [1, 1]} : vector<8x20096xf32> to vector<8x128xf32>
    %swap3A_333 = arith.constant 40 : index
    %swap3A_334 = arith.constant 0 : index
    %swap3A_335 = arith.constant 0 : index
    %swap3A_336 = vector.load %arg4[%swap3A_333, %swap3A_334, %swap3A_335] : memref<473x8x128xf32, #tpu.memory_space<vmem>>, vector<1x8x128xf32>
    %swap3A_337 = vector.shape_cast %swap3A_336 : vector<1x8x128xf32> to vector<8x128xf32>
    %swap3A_338 = vector.shape_cast %slice3A_332 : vector<8x128xf32> to vector<1x8x128xf32>
    tpu.vector_store %arg4[%swap3A_333, %swap3A_334, %swap3A_335], %swap3A_338 {strides = array<i32>} : memref<473x8x128xf32, #tpu.memory_space<vmem>>, vector<1x8x128xf32>,
    %slice3A_339 = vector.extract_strided_slice %concatenate3A {offsets = [0, 5248], sizes = [8, 128], strides = [1, 1]} : vector<8x20096xf32> to vector<8x128xf32>
    %swap3A_340 = arith.constant 41 : index
    %swap3A_341 = arith.constant 0 : index
    %swap3A_342 = arith.constant 0 : index
    %swap3A_343 = vector.load %arg4[%swap3A_340, %swap3A_341, %swap3A_342] : memref<473x8x128xf32, #tpu.memory_space<vmem>>, vector<1x8x128xf32>
    %swap3A_344 = vector.shape_cast %swap3A_343 : vector<1x8x128xf32> to vector<8x128xf32>
    %swap3A_345 = vector.shape_cast %slice3A_339 : vector<8x128xf32> to vector<1x8x128xf32>
    tpu.vector_store %arg4[%swap3A_340, %swap3A_341, %swap3A_342], %swap3A_345 {strides = array<i32>} : memref<473x8x128xf32, #tpu.memory_space<vmem>>, vector<1x8x128xf32>,
    %slice3A_346 = vector.extract_strided_slice %concatenate3A {offsets = [0, 5376], sizes = [8, 128], strides = [1, 1]} : vector<8x20096xf32> to vector<8x128xf32>
    %swap3A_347 = arith.constant 42 : index
    %swap3A_348 = arith.constant 0 : index
    %swap3A_349 = arith.constant 0 : index
    %swap3A_350 = vector.load %arg4[%swap3A_347, %swap3A_348, %swap3A_349] : memref<473x8x128xf32, #tpu.memory_space<vmem>>, vector<1x8x128xf32>
    %swap3A_351 = vector.shape_cast %swap3A_350 : vector<1x8x128xf32> to vector<8x128xf32>
    %swap3A_352 = vector.shape_cast %slice3A_346 : vector<8x128xf32> to vector<1x8x128xf32>
    tpu.vector_store %arg4[%swap3A_347, %swap3A_348, %swap3A_349], %swap3A_352 {strides = array<i32>} : memref<473x8x128xf32, #tpu.memory_space<vmem>>, vector<1x8x128xf32>,
    %slice3A_353 = vector.extract_strided_slice %concatenate3A {offsets = [0, 5504], sizes = [8, 128], strides = [1, 1]} : vector<8x20096xf32> to vector<8x128xf32>
    %swap3A_354 = arith.constant 43 : index
    %swap3A_355 = arith.constant 0 : index
    %swap3A_356 = arith.constant 0 : index
    %swap3A_357 = vector.load %arg4[%swap3A_354, %swap3A_355, %swap3A_356] : memref<473x8x128xf32, #tpu.memory_space<vmem>>, vector<1x8x128xf32>
    %swap3A_358 = vector.shape_cast %swap3A_357 : vector<1x8x128xf32> to vector<8x128xf32>
    %swap3A_359 = vector.shape_cast %slice3A_353 : vector<8x128xf32> to vector<1x8x128xf32>
    tpu.vector_store %arg4[%swap3A_354, %swap3A_355, %swap3A_356], %swap3A_359 {strides = array<i32>} : memref<473x8x128xf32, #tpu.memory_space<vmem>>, vector<1x8x128xf32>,
    %slice3A_360 = vector.extract_strided_slice %concatenate3A {offsets = [0, 5632], sizes = [8, 128], strides = [1, 1]} : vector<8x20096xf32> to vector<8x128xf32>
    %swap3A_361 = arith.constant 44 : index
    %swap3A_362 = arith.constant 0 : index
    %swap3A_363 = arith.constant 0 : index
    %swap3A_364 = vector.load %arg4[%swap3A_361, %swap3A_362, %swap3A_363] : memref<473x8x128xf32, #tpu.memory_space<vmem>>, vector<1x8x128xf32>
    %swap3A_365 = vector.shape_cast %swap3A_364 : vector<1x8x128xf32> to vector<8x128xf32>
    %swap3A_366 = vector.shape_cast %slice3A_360 : vector<8x128xf32> to vector<1x8x128xf32>
    tpu.vector_store %arg4[%swap3A_361, %swap3A_362, %swap3A_363], %swap3A_366 {strides = array<i32>} : memref<473x8x128xf32, #tpu.memory_space<vmem>>, vector<1x8x128xf32>,
    %slice3A_367 = vector.extract_strided_slice %concatenate3A {offsets = [0, 5760], sizes = [8, 128], strides = [1, 1]} : vector<8x20096xf32> to vector<8x128xf32>
    %swap3A_368 = arith.constant 45 : index
    %swap3A_369 = arith.constant 0 : index
    %swap3A_370 = arith.constant 0 : index
    %swap3A_371 = vector.load %arg4[%swap3A_368, %swap3A_369, %swap3A_370] : memref<473x8x128xf32, #tpu.memory_space<vmem>>, vector<1x8x128xf32>
    %swap3A_372 = vector.shape_cast %swap3A_371 : vector<1x8x128xf32> to vector<8x128xf32>
    %swap3A_373 = vector.shape_cast %slice3A_367 : vector<8x128xf32> to vector<1x8x128xf32>
    tpu.vector_store %arg4[%swap3A_368, %swap3A_369, %swap3A_370], %swap3A_373 {strides = array<i32>} : memref<473x8x128xf32, #tpu.memory_space<vmem>>, vector<1x8x128xf32>,
    %slice3A_374 = vector.extract_strided_slice %concatenate3A {offsets = [0, 5888], sizes = [8, 128], strides = [1, 1]} : vector<8x20096xf32> to vector<8x128xf32>
    %swap3A_375 = arith.constant 46 : index
    %swap3A_376 = arith.constant 0 : index
    %swap3A_377 = arith.constant 0 : index
    %swap3A_378 = vector.load %arg4[%swap3A_375, %swap3A_376, %swap3A_377] : memref<473x8x128xf32, #tpu.memory_space<vmem>>, vector<1x8x128xf32>
    %swap3A_379 = vector.shape_cast %swap3A_378 : vector<1x8x128xf32> to vector<8x128xf32>
    %swap3A_380 = vector.shape_cast %slice3A_374 : vector<8x128xf32> to vector<1x8x128xf32>
    tpu.vector_store %arg4[%swap3A_375, %swap3A_376, %swap3A_377], %swap3A_380 {strides = array<i32>} : memref<473x8x128xf32, #tpu.memory_space<vmem>>, vector<1x8x128xf32>,
    %slice3A_381 = vector.extract_strided_slice %concatenate3A {offsets = [0, 6016], sizes = [8, 128], strides = [1, 1]} : vector<8x20096xf32> to vector<8x128xf32>
    %swap3A_382 = arith.constant 47 : index
    %swap3A_383 = arith.constant 0 : index
    %swap3A_384 = arith.constant 0 : index
    %swap3A_385 = vector.load %arg4[%swap3A_382, %swap3A_383, %swap3A_384] : memref<473x8x128xf32, #tpu.memory_space<vmem>>, vector<1x8x128xf32>
    %swap3A_386 = vector.shape_cast %swap3A_385 : vector<1x8x128xf32> to vector<8x128xf32>
    %swap3A_387 = vector.shape_cast %slice3A_381 : vector<8x128xf32> to vector<1x8x128xf32>
    tpu.vector_store %arg4[%swap3A_382, %swap3A_383, %swap3A_384], %swap3A_387 {strides = array<i32>} : memref<473x8x128xf32, #tpu.memory_space<vmem>>, vector<1x8x128xf32>,
    %slice3A_388 = vector.extract_strided_slice %concatenate3A {offsets = [0, 6144], sizes = [8, 128], strides = [1, 1]} : vector<8x20096xf32> to vector<8x128xf32>
    %swap3A_389 = arith.constant 48 : index
    %swap3A_390 = arith.constant 0 : index
    %swap3A_391 = arith.constant 0 : index
    %swap3A_392 = vector.load %arg4[%swap3A_389, %swap3A_390, %swap3A_391] : memref<473x8x128xf32, #tpu.memory_space<vmem>>, vector<1x8x128xf32>
    %swap3A_393 = vector.shape_cast %swap3A_392 : vector<1x8x128xf32> to vector<8x128xf32>
    %swap3A_394 = vector.shape_cast %slice3A_388 : vector<8x128xf32> to vector<1x8x128xf32>
    tpu.vector_store %arg4[%swap3A_389, %swap3A_390, %swap3A_391], %swap3A_394 {strides = array<i32>} : memref<473x8x128xf32, #tpu.memory_space<vmem>>, vector<1x8x128xf32>,
    %slice3A_395 = vector.extract_strided_slice %concatenate3A {offsets = [0, 6272], sizes = [8, 128], strides = [1, 1]} : vector<8x20096xf32> to vector<8x128xf32>
    %swap3A_396 = arith.constant 49 : index
    %swap3A_397 = arith.constant 0 : index
    %swap3A_398 = arith.constant 0 : index
    %swap3A_399 = vector.load %arg4[%swap3A_396, %swap3A_397, %swap3A_398] : memref<473x8x128xf32, #tpu.memory_space<vmem>>, vector<1x8x128xf32>
    %swap3A_400 = vector.shape_cast %swap3A_399 : vector<1x8x128xf32> to vector<8x128xf32>
    %swap3A_401 = vector.shape_cast %slice3A_395 : vector<8x128xf32> to vector<1x8x128xf32>
    tpu.vector_store %arg4[%swap3A_396, %swap3A_397, %swap3A_398], %swap3A_401 {strides = array<i32>} : memref<473x8x128xf32, #tpu.memory_space<vmem>>, vector<1x8x128xf32>,
    %slice3A_402 = vector.extract_strided_slice %concatenate3A {offsets = [0, 6400], sizes = [8, 128], strides = [1, 1]} : vector<8x20096xf32> to vector<8x128xf32>
    %swap3A_403 = arith.constant 50 : index
    %swap3A_404 = arith.constant 0 : index
    %swap3A_405 = arith.constant 0 : index
    %swap3A_406 = vector.load %arg4[%swap3A_403, %swap3A_404, %swap3A_405] : memref<473x8x128xf32, #tpu.memory_space<vmem>>, vector<1x8x128xf32>
    %swap3A_407 = vector.shape_cast %swap3A_406 : vector<1x8x128xf32> to vector<8x128xf32>
    %swap3A_408 = vector.shape_cast %slice3A_402 : vector<8x128xf32> to vector<1x8x128xf32>
    tpu.vector_store %arg4[%swap3A_403, %swap3A_404, %swap3A_405], %swap3A_408 {strides = array<i32>} : memref<473x8x128xf32, #tpu.memory_space<vmem>>, vector<1x8x128xf32>,
    %slice3A_409 = vector.extract_strided_slice %concatenate3A {offsets = [0, 6528], sizes = [8, 128], strides = [1, 1]} : vector<8x20096xf32> to vector<8x128xf32>
    %swap3A_410 = arith.constant 51 : index
    %swap3A_411 = arith.constant 0 : index
    %swap3A_412 = arith.constant 0 : index
    %swap3A_413 = vector.load %arg4[%swap3A_410, %swap3A_411, %swap3A_412] : memref<473x8x128xf32, #tpu.memory_space<vmem>>, vector<1x8x128xf32>
    %swap3A_414 = vector.shape_cast %swap3A_413 : vector<1x8x128xf32> to vector<8x128xf32>
    %swap3A_415 = vector.shape_cast %slice3A_409 : vector<8x128xf32> to vector<1x8x128xf32>
    tpu.vector_store %arg4[%swap3A_410, %swap3A_411, %swap3A_412], %swap3A_415 {strides = array<i32>} : memref<473x8x128xf32, #tpu.memory_space<vmem>>, vector<1x8x128xf32>,
    %slice3A_416 = vector.extract_strided_slice %concatenate3A {offsets = [0, 6656], sizes = [8, 128], strides = [1, 1]} : vector<8x20096xf32> to vector<8x128xf32>
    %swap3A_417 = arith.constant 52 : index
    %swap3A_418 = arith.constant 0 : index
    %swap3A_419 = arith.constant 0 : index
    %swap3A_420 = vector.load %arg4[%swap3A_417, %swap3A_418, %swap3A_419] : memref<473x8x128xf32, #tpu.memory_space<vmem>>, vector<1x8x128xf32>
    %swap3A_421 = vector.shape_cast %swap3A_420 : vector<1x8x128xf32> to vector<8x128xf32>
    %swap3A_422 = vector.shape_cast %slice3A_416 : vector<8x128xf32> to vector<1x8x128xf32>
    tpu.vector_store %arg4[%swap3A_417, %swap3A_418, %swap3A_419], %swap3A_422 {strides = array<i32>} : memref<473x8x128xf32, #tpu.memory_space<vmem>>, vector<1x8x128xf32>,
    %slice3A_423 = vector.extract_strided_slice %concatenate3A {offsets = [0, 6784], sizes = [8, 128], strides = [1, 1]} : vector<8x20096xf32> to vector<8x128xf32>
    %swap3A_424 = arith.constant 53 : index
    %swap3A_425 = arith.constant 0 : index
    %swap3A_426 = arith.constant 0 : index
    %swap3A_427 = vector.load %arg4[%swap3A_424, %swap3A_425, %swap3A_426] : memref<473x8x128xf32, #tpu.memory_space<vmem>>, vector<1x8x128xf32>
    %swap3A_428 = vector.shape_cast %swap3A_427 : vector<1x8x128xf32> to vector<8x128xf32>
    %swap3A_429 = vector.shape_cast %slice3A_423 : vector<8x128xf32> to vector<1x8x128xf32>
    tpu.vector_store %arg4[%swap3A_424, %swap3A_425, %swap3A_426], %swap3A_429 {strides = array<i32>} : memref<473x8x128xf32, #tpu.memory_space<vmem>>, vector<1x8x128xf32>,
    %slice3A_430 = vector.extract_strided_slice %concatenate3A {offsets = [0, 6912], sizes = [8, 128], strides = [1, 1]} : vector<8x20096xf32> to vector<8x128xf32>
    %swap3A_431 = arith.constant 54 : index
    %swap3A_432 = arith.constant 0 : index
    %swap3A_433 = arith.constant 0 : index
    %swap3A_434 = vector.load %arg4[%swap3A_431, %swap3A_432, %swap3A_433] : memref<473x8x128xf32, #tpu.memory_space<vmem>>, vector<1x8x128xf32>
    %swap3A_435 = vector.shape_cast %swap3A_434 : vector<1x8x128xf32> to vector<8x128xf32>
    %swap3A_436 = vector.shape_cast %slice3A_430 : vector<8x128xf32> to vector<1x8x128xf32>
    tpu.vector_store %arg4[%swap3A_431, %swap3A_432, %swap3A_433], %swap3A_436 {strides = array<i32>} : memref<473x8x128xf32, #tpu.memory_space<vmem>>, vector<1x8x128xf32>,
    %slice3A_437 = vector.extract_strided_slice %concatenate3A {offsets = [0, 7040], sizes = [8, 128], strides = [1, 1]} : vector<8x20096xf32> to vector<8x128xf32>
    %swap3A_438 = arith.constant 55 : index
    %swap3A_439 = arith.constant 0 : index
    %swap3A_440 = arith.constant 0 : index
    %swap3A_441 = vector.load %arg4[%swap3A_438, %swap3A_439, %swap3A_440] : memref<473x8x128xf32, #tpu.memory_space<vmem>>, vector<1x8x128xf32>
    %swap3A_442 = vector.shape_cast %swap3A_441 : vector<1x8x128xf32> to vector<8x128xf32>
    %swap3A_443 = vector.shape_cast %slice3A_437 : vector<8x128xf32> to vector<1x8x128xf32>
    tpu.vector_store %arg4[%swap3A_438, %swap3A_439, %swap3A_440], %swap3A_443 {strides = array<i32>} : memref<473x8x128xf32, #tpu.memory_space<vmem>>, vector<1x8x128xf32>,
    %slice3A_444 = vector.extract_strided_slice %concatenate3A {offsets = [0, 7168], sizes = [8, 128], strides = [1, 1]} : vector<8x20096xf32> to vector<8x128xf32>
    %swap3A_445 = arith.constant 56 : index
    %swap3A_446 = arith.constant 0 : index
    %swap3A_447 = arith.constant 0 : index
    %swap3A_448 = vector.load %arg4[%swap3A_445, %swap3A_446, %swap3A_447] : memref<473x8x128xf32, #tpu.memory_space<vmem>>, vector<1x8x128xf32>
    %swap3A_449 = vector.shape_cast %swap3A_448 : vector<1x8x128xf32> to vector<8x128xf32>
    %swap3A_450 = vector.shape_cast %slice3A_444 : vector<8x128xf32> to vector<1x8x128xf32>
    tpu.vector_store %arg4[%swap3A_445, %swap3A_446, %swap3A_447], %swap3A_450 {strides = array<i32>} : memref<473x8x128xf32, #tpu.memory_space<vmem>>, vector<1x8x128xf32>,
    %slice3A_451 = vector.extract_strided_slice %concatenate3A {offsets = [0, 7296], sizes = [8, 128], strides = [1, 1]} : vector<8x20096xf32> to vector<8x128xf32>
    %swap3A_452 = arith.constant 57 : index
    %swap3A_453 = arith.constant 0 : index
    %swap3A_454 = arith.constant 0 : index
    %swap3A_455 = vector.load %arg4[%swap3A_452, %swap3A_453, %swap3A_454] : memref<473x8x128xf32, #tpu.memory_space<vmem>>, vector<1x8x128xf32>
    %swap3A_456 = vector.shape_cast %swap3A_455 : vector<1x8x128xf32> to vector<8x128xf32>
    %swap3A_457 = vector.shape_cast %slice3A_451 : vector<8x128xf32> to vector<1x8x128xf32>
    tpu.vector_store %arg4[%swap3A_452, %swap3A_453, %swap3A_454], %swap3A_457 {strides = array<i32>} : memref<473x8x128xf32, #tpu.memory_space<vmem>>, vector<1x8x128xf32>,
    %slice3A_458 = vector.extract_strided_slice %concatenate3A {offsets = [0, 7424], sizes = [8, 128], strides = [1, 1]} : vector<8x20096xf32> to vector<8x128xf32>
    %swap3A_459 = arith.constant 58 : index
    %swap3A_460 = arith.constant 0 : index
    %swap3A_461 = arith.constant 0 : index
    %swap3A_462 = vector.load %arg4[%swap3A_459, %swap3A_460, %swap3A_461] : memref<473x8x128xf32, #tpu.memory_space<vmem>>, vector<1x8x128xf32>
    %swap3A_463 = vector.shape_cast %swap3A_462 : vector<1x8x128xf32> to vector<8x128xf32>
    %swap3A_464 = vector.shape_cast %slice3A_458 : vector<8x128xf32> to vector<1x8x128xf32>
    tpu.vector_store %arg4[%swap3A_459, %swap3A_460, %swap3A_461], %swap3A_464 {strides = array<i32>} : memref<473x8x128xf32, #tpu.memory_space<vmem>>, vector<1x8x128xf32>,
    %slice3A_465 = vector.extract_strided_slice %concatenate3A {offsets = [0, 7552], sizes = [8, 128], strides = [1, 1]} : vector<8x20096xf32> to vector<8x128xf32>
    %swap3A_466 = arith.constant 59 : index
    %swap3A_467 = arith.constant 0 : index
    %swap3A_468 = arith.constant 0 : index
    %swap3A_469 = vector.load %arg4[%swap3A_466, %swap3A_467, %swap3A_468] : memref<473x8x128xf32, #tpu.memory_space<vmem>>, vector<1x8x128xf32>
    %swap3A_470 = vector.shape_cast %swap3A_469 : vector<1x8x128xf32> to vector<8x128xf32>
    %swap3A_471 = vector.shape_cast %slice3A_465 : vector<8x128xf32> to vector<1x8x128xf32>
    tpu.vector_store %arg4[%swap3A_466, %swap3A_467, %swap3A_468], %swap3A_471 {strides = array<i32>} : memref<473x8x128xf32, #tpu.memory_space<vmem>>, vector<1x8x128xf32>,
    %slice3A_472 = vector.extract_strided_slice %concatenate3A {offsets = [0, 7680], sizes = [8, 128], strides = [1, 1]} : vector<8x20096xf32> to vector<8x128xf32>
    %swap3A_473 = arith.constant 60 : index
    %swap3A_474 = arith.constant 0 : index
    %swap3A_475 = arith.constant 0 : index
    %swap3A_476 = vector.load %arg4[%swap3A_473, %swap3A_474, %swap3A_475] : memref<473x8x128xf32, #tpu.memory_space<vmem>>, vector<1x8x128xf32>
    %swap3A_477 = vector.shape_cast %swap3A_476 : vector<1x8x128xf32> to vector<8x128xf32>
    %swap3A_478 = vector.shape_cast %slice3A_472 : vector<8x128xf32> to vector<1x8x128xf32>
    tpu.vector_store %arg4[%swap3A_473, %swap3A_474, %swap3A_475], %swap3A_478 {strides = array<i32>} : memref<473x8x128xf32, #tpu.memory_space<vmem>>, vector<1x8x128xf32>,
    %slice3A_479 = vector.extract_strided_slice %concatenate3A {offsets = [0, 7808], sizes = [8, 128], strides = [1, 1]} : vector<8x20096xf32> to vector<8x128xf32>
    %swap3A_480 = arith.constant 61 : index
    %swap3A_481 = arith.constant 0 : index
    %swap3A_482 = arith.constant 0 : index
    %swap3A_483 = vector.load %arg4[%swap3A_480, %swap3A_481, %swap3A_482] : memref<473x8x128xf32, #tpu.memory_space<vmem>>, vector<1x8x128xf32>
    %swap3A_484 = vector.shape_cast %swap3A_483 : vector<1x8x128xf32> to vector<8x128xf32>
    %swap3A_485 = vector.shape_cast %slice3A_479 : vector<8x128xf32> to vector<1x8x128xf32>
    tpu.vector_store %arg4[%swap3A_480, %swap3A_481, %swap3A_482], %swap3A_485 {strides = array<i32>} : memref<473x8x128xf32, #tpu.memory_space<vmem>>, vector<1x8x128xf32>,
    %slice3A_486 = vector.extract_strided_slice %concatenate3A {offsets = [0, 7936], sizes = [8, 128], strides = [1, 1]} : vector<8x20096xf32> to vector<8x128xf32>
    %swap3A_487 = arith.constant 62 : index
    %swap3A_488 = arith.constant 0 : index
    %swap3A_489 = arith.constant 0 : index
    %swap3A_490 = vector.load %arg4[%swap3A_487, %swap3A_488, %swap3A_489] : memref<473x8x128xf32, #tpu.memory_space<vmem>>, vector<1x8x128xf32>
    %swap3A_491 = vector.shape_cast %swap3A_490 : vector<1x8x128xf32> to vector<8x128xf32>
    %swap3A_492 = vector.shape_cast %slice3A_486 : vector<8x128xf32> to vector<1x8x128xf32>
    tpu.vector_store %arg4[%swap3A_487, %swap3A_488, %swap3A_489], %swap3A_492 {strides = array<i32>} : memref<473x8x128xf32, #tpu.memory_space<vmem>>, vector<1x8x128xf32>,
    %slice3A_493 = vector.extract_strided_slice %concatenate3A {offsets = [0, 8064], sizes = [8, 128], strides = [1, 1]} : vector<8x20096xf32> to vector<8x128xf32>
    %swap3A_494 = arith.constant 63 : index
    %swap3A_495 = arith.constant 0 : index
    %swap3A_496 = arith.constant 0 : index
    %swap3A_497 = vector.load %arg4[%swap3A_494, %swap3A_495, %swap3A_496] : memref<473x8x128xf32, #tpu.memory_space<vmem>>, vector<1x8x128xf32>
    %swap3A_498 = vector.shape_cast %swap3A_497 : vector<1x8x128xf32> to vector<8x128xf32>
    %swap3A_499 = vector.shape_cast %slice3A_493 : vector<8x128xf32> to vector<1x8x128xf32>
    tpu.vector_store %arg4[%swap3A_494, %swap3A_495, %swap3A_496], %swap3A_499 {strides = array<i32>} : memref<473x8x128xf32, #tpu.memory_space<vmem>>, vector<1x8x128xf32>,
    %slice3A_500 = vector.extract_strided_slice %concatenate3A {offsets = [0, 8192], sizes = [8, 128], strides = [1, 1]} : vector<8x20096xf32> to vector<8x128xf32>
    %swap3A_501 = arith.constant 64 : index
    %swap3A_502 = arith.constant 0 : index
    %swap3A_503 = arith.constant 0 : index
    %swap3A_504 = vector.load %arg4[%swap3A_501, %swap3A_502, %swap3A_503] : memref<473x8x128xf32, #tpu.memory_space<vmem>>, vector<1x8x128xf32>
    %swap3A_505 = vector.shape_cast %swap3A_504 : vector<1x8x128xf32> to vector<8x128xf32>
    %swap3A_506 = vector.shape_cast %slice3A_500 : vector<8x128xf32> to vector<1x8x128xf32>
    tpu.vector_store %arg4[%swap3A_501, %swap3A_502, %swap3A_503], %swap3A_506 {strides = array<i32>} : memref<473x8x128xf32, #tpu.memory_space<vmem>>, vector<1x8x128xf32>,
    %slice3A_507 = vector.extract_strided_slice %concatenate3A {offsets = [0, 8320], sizes = [8, 128], strides = [1, 1]} : vector<8x20096xf32> to vector<8x128xf32>
    %swap3A_508 = arith.constant 65 : index
    %swap3A_509 = arith.constant 0 : index
    %swap3A_510 = arith.constant 0 : index
    %swap3A_511 = vector.load %arg4[%swap3A_508, %swap3A_509, %swap3A_510] : memref<473x8x128xf32, #tpu.memory_space<vmem>>, vector<1x8x128xf32>
    %swap3A_512 = vector.shape_cast %swap3A_511 : vector<1x8x128xf32> to vector<8x128xf32>
    %swap3A_513 = vector.shape_cast %slice3A_507 : vector<8x128xf32> to vector<1x8x128xf32>
    tpu.vector_store %arg4[%swap3A_508, %swap3A_509, %swap3A_510], %swap3A_513 {strides = array<i32>} : memref<473x8x128xf32, #tpu.memory_space<vmem>>, vector<1x8x128xf32>,
    %slice3A_514 = vector.extract_strided_slice %concatenate3A {offsets = [0, 8448], sizes = [8, 128], strides = [1, 1]} : vector<8x20096xf32> to vector<8x128xf32>
    %swap3A_515 = arith.constant 66 : index
    %swap3A_516 = arith.constant 0 : index
    %swap3A_517 = arith.constant 0 : index
    %swap3A_518 = vector.load %arg4[%swap3A_515, %swap3A_516, %swap3A_517] : memref<473x8x128xf32, #tpu.memory_space<vmem>>, vector<1x8x128xf32>
    %swap3A_519 = vector.shape_cast %swap3A_518 : vector<1x8x128xf32> to vector<8x128xf32>
    %swap3A_520 = vector.shape_cast %slice3A_514 : vector<8x128xf32> to vector<1x8x128xf32>
    tpu.vector_store %arg4[%swap3A_515, %swap3A_516, %swap3A_517], %swap3A_520 {strides = array<i32>} : memref<473x8x128xf32, #tpu.memory_space<vmem>>, vector<1x8x128xf32>,
    %slice3A_521 = vector.extract_strided_slice %concatenate3A {offsets = [0, 8576], sizes = [8, 128], strides = [1, 1]} : vector<8x20096xf32> to vector<8x128xf32>
    %swap3A_522 = arith.constant 67 : index
    %swap3A_523 = arith.constant 0 : index
    %swap3A_524 = arith.constant 0 : index
    %swap3A_525 = vector.load %arg4[%swap3A_522, %swap3A_523, %swap3A_524] : memref<473x8x128xf32, #tpu.memory_space<vmem>>, vector<1x8x128xf32>
    %swap3A_526 = vector.shape_cast %swap3A_525 : vector<1x8x128xf32> to vector<8x128xf32>
    %swap3A_527 = vector.shape_cast %slice3A_521 : vector<8x128xf32> to vector<1x8x128xf32>
    tpu.vector_store %arg4[%swap3A_522, %swap3A_523, %swap3A_524], %swap3A_527 {strides = array<i32>} : memref<473x8x128xf32, #tpu.memory_space<vmem>>, vector<1x8x128xf32>,
    %slice3A_528 = vector.extract_strided_slice %concatenate3A {offsets = [0, 8704], sizes = [8, 128], strides = [1, 1]} : vector<8x20096xf32> to vector<8x128xf32>
    %swap3A_529 = arith.constant 68 : index
    %swap3A_530 = arith.constant 0 : index
    %swap3A_531 = arith.constant 0 : index
    %swap3A_532 = vector.load %arg4[%swap3A_529, %swap3A_530, %swap3A_531] : memref<473x8x128xf32, #tpu.memory_space<vmem>>, vector<1x8x128xf32>
    %swap3A_533 = vector.shape_cast %swap3A_532 : vector<1x8x128xf32> to vector<8x128xf32>
    %swap3A_534 = vector.shape_cast %slice3A_528 : vector<8x128xf32> to vector<1x8x128xf32>
    tpu.vector_store %arg4[%swap3A_529, %swap3A_530, %swap3A_531], %swap3A_534 {strides = array<i32>} : memref<473x8x128xf32, #tpu.memory_space<vmem>>, vector<1x8x128xf32>,
    %slice3A_535 = vector.extract_strided_slice %concatenate3A {offsets = [0, 8832], sizes = [8, 128], strides = [1, 1]} : vector<8x20096xf32> to vector<8x128xf32>
    %swap3A_536 = arith.constant 69 : index
    %swap3A_537 = arith.constant 0 : index
    %swap3A_538 = arith.constant 0 : index
    %swap3A_539 = vector.load %arg4[%swap3A_536, %swap3A_537, %swap3A_538] : memref<473x8x128xf32, #tpu.memory_space<vmem>>, vector<1x8x128xf32>
    %swap3A_540 = vector.shape_cast %swap3A_539 : vector<1x8x128xf32> to vector<8x128xf32>
    %swap3A_541 = vector.shape_cast %slice3A_535 : vector<8x128xf32> to vector<1x8x128xf32>
    tpu.vector_store %arg4[%swap3A_536, %swap3A_537, %swap3A_538], %swap3A_541 {strides = array<i32>} : memref<473x8x128xf32, #tpu.memory_space<vmem>>, vector<1x8x128xf32>,
    %slice3A_542 = vector.extract_strided_slice %concatenate3A {offsets = [0, 8960], sizes = [8, 128], strides = [1, 1]} : vector<8x20096xf32> to vector<8x128xf32>
    %swap3A_543 = arith.constant 70 : index
    %swap3A_544 = arith.constant 0 : index
    %swap3A_545 = arith.constant 0 : index
    %swap3A_546 = vector.load %arg4[%swap3A_543, %swap3A_544, %swap3A_545] : memref<473x8x128xf32, #tpu.memory_space<vmem>>, vector<1x8x128xf32>
    %swap3A_547 = vector.shape_cast %swap3A_546 : vector<1x8x128xf32> to vector<8x128xf32>
    %swap3A_548 = vector.shape_cast %slice3A_542 : vector<8x128xf32> to vector<1x8x128xf32>
    tpu.vector_store %arg4[%swap3A_543, %swap3A_544, %swap3A_545], %swap3A_548 {strides = array<i32>} : memref<473x8x128xf32, #tpu.memory_space<vmem>>, vector<1x8x128xf32>,
    %slice3A_549 = vector.extract_strided_slice %concatenate3A {offsets = [0, 9088], sizes = [8, 128], strides = [1, 1]} : vector<8x20096xf32> to vector<8x128xf32>
    %swap3A_550 = arith.constant 71 : index
    %swap3A_551 = arith.constant 0 : index
    %swap3A_552 = arith.constant 0 : index
    %swap3A_553 = vector.load %arg4[%swap3A_550, %swap3A_551, %swap3A_552] : memref<473x8x128xf32, #tpu.memory_space<vmem>>, vector<1x8x128xf32>
    %swap3A_554 = vector.shape_cast %swap3A_553 : vector<1x8x128xf32> to vector<8x128xf32>
    %swap3A_555 = vector.shape_cast %slice3A_549 : vector<8x128xf32> to vector<1x8x128xf32>
    tpu.vector_store %arg4[%swap3A_550, %swap3A_551, %swap3A_552], %swap3A_555 {strides = array<i32>} : memref<473x8x128xf32, #tpu.memory_space<vmem>>, vector<1x8x128xf32>,
    %slice3A_556 = vector.extract_strided_slice %concatenate3A {offsets = [0, 9216], sizes = [8, 128], strides = [1, 1]} : vector<8x20096xf32> to vector<8x128xf32>
    %swap3A_557 = arith.constant 72 : index
    %swap3A_558 = arith.constant 0 : index
    %swap3A_559 = arith.constant 0 : index
    %swap3A_560 = vector.load %arg4[%swap3A_557, %swap3A_558, %swap3A_559] : memref<473x8x128xf32, #tpu.memory_space<vmem>>, vector<1x8x128xf32>
    %swap3A_561 = vector.shape_cast %swap3A_560 : vector<1x8x128xf32> to vector<8x128xf32>
    %swap3A_562 = vector.shape_cast %slice3A_556 : vector<8x128xf32> to vector<1x8x128xf32>
    tpu.vector_store %arg4[%swap3A_557, %swap3A_558, %swap3A_559], %swap3A_562 {strides = array<i32>} : memref<473x8x128xf32, #tpu.memory_space<vmem>>, vector<1x8x128xf32>,
    %slice3A_563 = vector.extract_strided_slice %concatenate3A {offsets = [0, 9344], sizes = [8, 128], strides = [1, 1]} : vector<8x20096xf32> to vector<8x128xf32>
    %swap3A_564 = arith.constant 73 : index
    %swap3A_565 = arith.constant 0 : index
    %swap3A_566 = arith.constant 0 : index
    %swap3A_567 = vector.load %arg4[%swap3A_564, %swap3A_565, %swap3A_566] : memref<473x8x128xf32, #tpu.memory_space<vmem>>, vector<1x8x128xf32>
    %swap3A_568 = vector.shape_cast %swap3A_567 : vector<1x8x128xf32> to vector<8x128xf32>
    %swap3A_569 = vector.shape_cast %slice3A_563 : vector<8x128xf32> to vector<1x8x128xf32>
    tpu.vector_store %arg4[%swap3A_564, %swap3A_565, %swap3A_566], %swap3A_569 {strides = array<i32>} : memref<473x8x128xf32, #tpu.memory_space<vmem>>, vector<1x8x128xf32>,
    %slice3A_570 = vector.extract_strided_slice %concatenate3A {offsets = [0, 9472], sizes = [8, 128], strides = [1, 1]} : vector<8x20096xf32> to vector<8x128xf32>
    %swap3A_571 = arith.constant 74 : index
    %swap3A_572 = arith.constant 0 : index
    %swap3A_573 = arith.constant 0 : index
    %swap3A_574 = vector.load %arg4[%swap3A_571, %swap3A_572, %swap3A_573] : memref<473x8x128xf32, #tpu.memory_space<vmem>>, vector<1x8x128xf32>
    %swap3A_575 = vector.shape_cast %swap3A_574 : vector<1x8x128xf32> to vector<8x128xf32>
    %swap3A_576 = vector.shape_cast %slice3A_570 : vector<8x128xf32> to vector<1x8x128xf32>
    tpu.vector_store %arg4[%swap3A_571, %swap3A_572, %swap3A_573], %swap3A_576 {strides = array<i32>} : memref<473x8x128xf32, #tpu.memory_space<vmem>>, vector<1x8x128xf32>,
    %slice3A_577 = vector.extract_strided_slice %concatenate3A {offsets = [0, 9600], sizes = [8, 128], strides = [1, 1]} : vector<8x20096xf32> to vector<8x128xf32>
    %swap3A_578 = arith.constant 75 : index
    %swap3A_579 = arith.constant 0 : index
    %swap3A_580 = arith.constant 0 : index
    %swap3A_581 = vector.load %arg4[%swap3A_578, %swap3A_579, %swap3A_580] : memref<473x8x128xf32, #tpu.memory_space<vmem>>, vector<1x8x128xf32>
    %swap3A_582 = vector.shape_cast %swap3A_581 : vector<1x8x128xf32> to vector<8x128xf32>
    %swap3A_583 = vector.shape_cast %slice3A_577 : vector<8x128xf32> to vector<1x8x128xf32>
    tpu.vector_store %arg4[%swap3A_578, %swap3A_579, %swap3A_580], %swap3A_583 {strides = array<i32>} : memref<473x8x128xf32, #tpu.memory_space<vmem>>, vector<1x8x128xf32>,
    %slice3A_584 = vector.extract_strided_slice %concatenate3A {offsets = [0, 9728], sizes = [8, 128], strides = [1, 1]} : vector<8x20096xf32> to vector<8x128xf32>
    %swap3A_585 = arith.constant 76 : index
    %swap3A_586 = arith.constant 0 : index
    %swap3A_587 = arith.constant 0 : index
    %swap3A_588 = vector.load %arg4[%swap3A_585, %swap3A_586, %swap3A_587] : memref<473x8x128xf32, #tpu.memory_space<vmem>>, vector<1x8x128xf32>
    %swap3A_589 = vector.shape_cast %swap3A_588 : vector<1x8x128xf32> to vector<8x128xf32>
    %swap3A_590 = vector.shape_cast %slice3A_584 : vector<8x128xf32> to vector<1x8x128xf32>
    tpu.vector_store %arg4[%swap3A_585, %swap3A_586, %swap3A_587], %swap3A_590 {strides = array<i32>} : memref<473x8x128xf32, #tpu.memory_space<vmem>>, vector<1x8x128xf32>,
    %slice3A_591 = vector.extract_strided_slice %concatenate3A {offsets = [0, 9856], sizes = [8, 128], strides = [1, 1]} : vector<8x20096xf32> to vector<8x128xf32>
    %swap3A_592 = arith.constant 77 : index
    %swap3A_593 = arith.constant 0 : index
    %swap3A_594 = arith.constant 0 : index
    %swap3A_595 = vector.load %arg4[%swap3A_592, %swap3A_593, %swap3A_594] : memref<473x8x128xf32, #tpu.memory_space<vmem>>, vector<1x8x128xf32>
    %swap3A_596 = vector.shape_cast %swap3A_595 : vector<1x8x128xf32> to vector<8x128xf32>
    %swap3A_597 = vector.shape_cast %slice3A_591 : vector<8x128xf32> to vector<1x8x128xf32>
    tpu.vector_store %arg4[%swap3A_592, %swap3A_593, %swap3A_594], %swap3A_597 {strides = array<i32>} : memref<473x8x128xf32, #tpu.memory_space<vmem>>, vector<1x8x128xf32>,
    %slice3A_598 = vector.extract_strided_slice %concatenate3A {offsets = [0, 9984], sizes = [8, 128], strides = [1, 1]} : vector<8x20096xf32> to vector<8x128xf32>
    %swap3A_599 = arith.constant 78 : index
    %swap3A_600 = arith.constant 0 : index
    %swap3A_601 = arith.constant 0 : index
    %swap3A_602 = vector.load %arg4[%swap3A_599, %swap3A_600, %swap3A_601] : memref<473x8x128xf32, #tpu.memory_space<vmem>>, vector<1x8x128xf32>
    %swap3A_603 = vector.shape_cast %swap3A_602 : vector<1x8x128xf32> to vector<8x128xf32>
    %swap3A_604 = vector.shape_cast %slice3A_598 : vector<8x128xf32> to vector<1x8x128xf32>
    tpu.vector_store %arg4[%swap3A_599, %swap3A_600, %swap3A_601], %swap3A_604 {strides = array<i32>} : memref<473x8x128xf32, #tpu.memory_space<vmem>>, vector<1x8x128xf32>,
    %slice3A_605 = vector.extract_strided_slice %concatenate3A {offsets = [0, 10112], sizes = [8, 128], strides = [1, 1]} : vector<8x20096xf32> to vector<8x128xf32>
    %swap3A_606 = arith.constant 79 : index
    %swap3A_607 = arith.constant 0 : index
    %swap3A_608 = arith.constant 0 : index
    %swap3A_609 = vector.load %arg4[%swap3A_606, %swap3A_607, %swap3A_608] : memref<473x8x128xf32, #tpu.memory_space<vmem>>, vector<1x8x128xf32>
    %swap3A_610 = vector.shape_cast %swap3A_609 : vector<1x8x128xf32> to vector<8x128xf32>
    %swap3A_611 = vector.shape_cast %slice3A_605 : vector<8x128xf32> to vector<1x8x128xf32>
    tpu.vector_store %arg4[%swap3A_606, %swap3A_607, %swap3A_608], %swap3A_611 {strides = array<i32>} : memref<473x8x128xf32, #tpu.memory_space<vmem>>, vector<1x8x128xf32>,
    %slice3A_612 = vector.extract_strided_slice %concatenate3A {offsets = [0, 10240], sizes = [8, 128], strides = [1, 1]} : vector<8x20096xf32> to vector<8x128xf32>
    %swap3A_613 = arith.constant 80 : index
    %swap3A_614 = arith.constant 0 : index
    %swap3A_615 = arith.constant 0 : index
    %swap3A_616 = vector.load %arg4[%swap3A_613, %swap3A_614, %swap3A_615] : memref<473x8x128xf32, #tpu.memory_space<vmem>>, vector<1x8x128xf32>
    %swap3A_617 = vector.shape_cast %swap3A_616 : vector<1x8x128xf32> to vector<8x128xf32>
    %swap3A_618 = vector.shape_cast %slice3A_612 : vector<8x128xf32> to vector<1x8x128xf32>
    tpu.vector_store %arg4[%swap3A_613, %swap3A_614, %swap3A_615], %swap3A_618 {strides = array<i32>} : memref<473x8x128xf32, #tpu.memory_space<vmem>>, vector<1x8x128xf32>,
    %slice3A_619 = vector.extract_strided_slice %concatenate3A {offsets = [0, 10368], sizes = [8, 128], strides = [1, 1]} : vector<8x20096xf32> to vector<8x128xf32>
    %swap3A_620 = arith.constant 81 : index
    %swap3A_621 = arith.constant 0 : index
    %swap3A_622 = arith.constant 0 : index
    %swap3A_623 = vector.load %arg4[%swap3A_620, %swap3A_621, %swap3A_622] : memref<473x8x128xf32, #tpu.memory_space<vmem>>, vector<1x8x128xf32>
    %swap3A_624 = vector.shape_cast %swap3A_623 : vector<1x8x128xf32> to vector<8x128xf32>
    %swap3A_625 = vector.shape_cast %slice3A_619 : vector<8x128xf32> to vector<1x8x128xf32>
    tpu.vector_store %arg4[%swap3A_620, %swap3A_621, %swap3A_622], %swap3A_625 {strides = array<i32>} : memref<473x8x128xf32, #tpu.memory_space<vmem>>, vector<1x8x128xf32>,
    %slice3A_626 = vector.extract_strided_slice %concatenate3A {offsets = [0, 10496], sizes = [8, 128], strides = [1, 1]} : vector<8x20096xf32> to vector<8x128xf32>
    %swap3A_627 = arith.constant 82 : index
    %swap3A_628 = arith.constant 0 : index
    %swap3A_629 = arith.constant 0 : index
    %swap3A_630 = vector.load %arg4[%swap3A_627, %swap3A_628, %swap3A_629] : memref<473x8x128xf32, #tpu.memory_space<vmem>>, vector<1x8x128xf32>
    %swap3A_631 = vector.shape_cast %swap3A_630 : vector<1x8x128xf32> to vector<8x128xf32>
    %swap3A_632 = vector.shape_cast %slice3A_626 : vector<8x128xf32> to vector<1x8x128xf32>
    tpu.vector_store %arg4[%swap3A_627, %swap3A_628, %swap3A_629], %swap3A_632 {strides = array<i32>} : memref<473x8x128xf32, #tpu.memory_space<vmem>>, vector<1x8x128xf32>,
    %slice3A_633 = vector.extract_strided_slice %concatenate3A {offsets = [0, 10624], sizes = [8, 128], strides = [1, 1]} : vector<8x20096xf32> to vector<8x128xf32>
    %swap3A_634 = arith.constant 83 : index
    %swap3A_635 = arith.constant 0 : index
    %swap3A_636 = arith.constant 0 : index
    %swap3A_637 = vector.load %arg4[%swap3A_634, %swap3A_635, %swap3A_636] : memref<473x8x128xf32, #tpu.memory_space<vmem>>, vector<1x8x128xf32>
    %swap3A_638 = vector.shape_cast %swap3A_637 : vector<1x8x128xf32> to vector<8x128xf32>
    %swap3A_639 = vector.shape_cast %slice3A_633 : vector<8x128xf32> to vector<1x8x128xf32>
    tpu.vector_store %arg4[%swap3A_634, %swap3A_635, %swap3A_636], %swap3A_639 {strides = array<i32>} : memref<473x8x128xf32, #tpu.memory_space<vmem>>, vector<1x8x128xf32>,
    %slice3A_640 = vector.extract_strided_slice %concatenate3A {offsets = [0, 10752], sizes = [8, 128], strides = [1, 1]} : vector<8x20096xf32> to vector<8x128xf32>
    %swap3A_641 = arith.constant 84 : index
    %swap3A_642 = arith.constant 0 : index
    %swap3A_643 = arith.constant 0 : index
    %swap3A_644 = vector.load %arg4[%swap3A_641, %swap3A_642, %swap3A_643] : memref<473x8x128xf32, #tpu.memory_space<vmem>>, vector<1x8x128xf32>
    %swap3A_645 = vector.shape_cast %swap3A_644 : vector<1x8x128xf32> to vector<8x128xf32>
    %swap3A_646 = vector.shape_cast %slice3A_640 : vector<8x128xf32> to vector<1x8x128xf32>
    tpu.vector_store %arg4[%swap3A_641, %swap3A_642, %swap3A_643], %swap3A_646 {strides = array<i32>} : memref<473x8x128xf32, #tpu.memory_space<vmem>>, vector<1x8x128xf32>,
    %slice3A_647 = vector.extract_strided_slice %concatenate3A {offsets = [0, 10880], sizes = [8, 128], strides = [1, 1]} : vector<8x20096xf32> to vector<8x128xf32>
    %swap3A_648 = arith.constant 85 : index
    %swap3A_649 = arith.constant 0 : index
    %swap3A_650 = arith.constant 0 : index
    %swap3A_651 = vector.load %arg4[%swap3A_648, %swap3A_649, %swap3A_650] : memref<473x8x128xf32, #tpu.memory_space<vmem>>, vector<1x8x128xf32>
    %swap3A_652 = vector.shape_cast %swap3A_651 : vector<1x8x128xf32> to vector<8x128xf32>
    %swap3A_653 = vector.shape_cast %slice3A_647 : vector<8x128xf32> to vector<1x8x128xf32>
    tpu.vector_store %arg4[%swap3A_648, %swap3A_649, %swap3A_650], %swap3A_653 {strides = array<i32>} : memref<473x8x128xf32, #tpu.memory_space<vmem>>, vector<1x8x128xf32>,
    %slice3A_654 = vector.extract_strided_slice %concatenate3A {offsets = [0, 11008], sizes = [8, 128], strides = [1, 1]} : vector<8x20096xf32> to vector<8x128xf32>
    %swap3A_655 = arith.constant 86 : index
    %swap3A_656 = arith.constant 0 : index
    %swap3A_657 = arith.constant 0 : index
    %swap3A_658 = vector.load %arg4[%swap3A_655, %swap3A_656, %swap3A_657] : memref<473x8x128xf32, #tpu.memory_space<vmem>>, vector<1x8x128xf32>
    %swap3A_659 = vector.shape_cast %swap3A_658 : vector<1x8x128xf32> to vector<8x128xf32>
    %swap3A_660 = vector.shape_cast %slice3A_654 : vector<8x128xf32> to vector<1x8x128xf32>
    tpu.vector_store %arg4[%swap3A_655, %swap3A_656, %swap3A_657], %swap3A_660 {strides = array<i32>} : memref<473x8x128xf32, #tpu.memory_space<vmem>>, vector<1x8x128xf32>,
    %slice3A_661 = vector.extract_strided_slice %concatenate3A {offsets = [0, 11136], sizes = [8, 128], strides = [1, 1]} : vector<8x20096xf32> to vector<8x128xf32>
    %swap3A_662 = arith.constant 87 : index
    %swap3A_663 = arith.constant 0 : index
    %swap3A_664 = arith.constant 0 : index
    %swap3A_665 = vector.load %arg4[%swap3A_662, %swap3A_663, %swap3A_664] : memref<473x8x128xf32, #tpu.memory_space<vmem>>, vector<1x8x128xf32>
    %swap3A_666 = vector.shape_cast %swap3A_665 : vector<1x8x128xf32> to vector<8x128xf32>
    %swap3A_667 = vector.shape_cast %slice3A_661 : vector<8x128xf32> to vector<1x8x128xf32>
    tpu.vector_store %arg4[%swap3A_662, %swap3A_663, %swap3A_664], %swap3A_667 {strides = array<i32>} : memref<473x8x128xf32, #tpu.memory_space<vmem>>, vector<1x8x128xf32>,
    %slice3A_668 = vector.extract_strided_slice %concatenate3A {offsets = [0, 11264], sizes = [8, 128], strides = [1, 1]} : vector<8x20096xf32> to vector<8x128xf32>
    %swap3A_669 = arith.constant 88 : index
    %swap3A_670 = arith.constant 0 : index
    %swap3A_671 = arith.constant 0 : index
    %swap3A_672 = vector.load %arg4[%swap3A_669, %swap3A_670, %swap3A_671] : memref<473x8x128xf32, #tpu.memory_space<vmem>>, vector<1x8x128xf32>
    %swap3A_673 = vector.shape_cast %swap3A_672 : vector<1x8x128xf32> to vector<8x128xf32>
    %swap3A_674 = vector.shape_cast %slice3A_668 : vector<8x128xf32> to vector<1x8x128xf32>
    tpu.vector_store %arg4[%swap3A_669, %swap3A_670, %swap3A_671], %swap3A_674 {strides = array<i32>} : memref<473x8x128xf32, #tpu.memory_space<vmem>>, vector<1x8x128xf32>,
    %slice3A_675 = vector.extract_strided_slice %concatenate3A {offsets = [0, 11392], sizes = [8, 128], strides = [1, 1]} : vector<8x20096xf32> to vector<8x128xf32>
    %swap3A_676 = arith.constant 89 : index
    %swap3A_677 = arith.constant 0 : index
    %swap3A_678 = arith.constant 0 : index
    %swap3A_679 = vector.load %arg4[%swap3A_676, %swap3A_677, %swap3A_678] : memref<473x8x128xf32, #tpu.memory_space<vmem>>, vector<1x8x128xf32>
    %swap3A_680 = vector.shape_cast %swap3A_679 : vector<1x8x128xf32> to vector<8x128xf32>
    %swap3A_681 = vector.shape_cast %slice3A_675 : vector<8x128xf32> to vector<1x8x128xf32>
    tpu.vector_store %arg4[%swap3A_676, %swap3A_677, %swap3A_678], %swap3A_681 {strides = array<i32>} : memref<473x8x128xf32, #tpu.memory_space<vmem>>, vector<1x8x128xf32>,
    %slice3A_682 = vector.extract_strided_slice %concatenate3A {offsets = [0, 11520], sizes = [8, 128], strides = [1, 1]} : vector<8x20096xf32> to vector<8x128xf32>
    %swap3A_683 = arith.constant 90 : index
    %swap3A_684 = arith.constant 0 : index
    %swap3A_685 = arith.constant 0 : index
    %swap3A_686 = vector.load %arg4[%swap3A_683, %swap3A_684, %swap3A_685] : memref<473x8x128xf32, #tpu.memory_space<vmem>>, vector<1x8x128xf32>
    %swap3A_687 = vector.shape_cast %swap3A_686 : vector<1x8x128xf32> to vector<8x128xf32>
    %swap3A_688 = vector.shape_cast %slice3A_682 : vector<8x128xf32> to vector<1x8x128xf32>
    tpu.vector_store %arg4[%swap3A_683, %swap3A_684, %swap3A_685], %swap3A_688 {strides = array<i32>} : memref<473x8x128xf32, #tpu.memory_space<vmem>>, vector<1x8x128xf32>,
    %slice3A_689 = vector.extract_strided_slice %concatenate3A {offsets = [0, 11648], sizes = [8, 128], strides = [1, 1]} : vector<8x20096xf32> to vector<8x128xf32>
    %swap3A_690 = arith.constant 91 : index
    %swap3A_691 = arith.constant 0 : index
    %swap3A_692 = arith.constant 0 : index
    %swap3A_693 = vector.load %arg4[%swap3A_690, %swap3A_691, %swap3A_692] : memref<473x8x128xf32, #tpu.memory_space<vmem>>, vector<1x8x128xf32>
    %swap3A_694 = vector.shape_cast %swap3A_693 : vector<1x8x128xf32> to vector<8x128xf32>
    %swap3A_695 = vector.shape_cast %slice3A_689 : vector<8x128xf32> to vector<1x8x128xf32>
    tpu.vector_store %arg4[%swap3A_690, %swap3A_691, %swap3A_692], %swap3A_695 {strides = array<i32>} : memref<473x8x128xf32, #tpu.memory_space<vmem>>, vector<1x8x128xf32>,
    %slice3A_696 = vector.extract_strided_slice %concatenate3A {offsets = [0, 11776], sizes = [8, 128], strides = [1, 1]} : vector<8x20096xf32> to vector<8x128xf32>
    %swap3A_697 = arith.constant 92 : index
    %swap3A_698 = arith.constant 0 : index
    %swap3A_699 = arith.constant 0 : index
    %swap3A_700 = vector.load %arg4[%swap3A_697, %swap3A_698, %swap3A_699] : memref<473x8x128xf32, #tpu.memory_space<vmem>>, vector<1x8x128xf32>
    %swap3A_701 = vector.shape_cast %swap3A_700 : vector<1x8x128xf32> to vector<8x128xf32>
    %swap3A_702 = vector.shape_cast %slice3A_696 : vector<8x128xf32> to vector<1x8x128xf32>
    tpu.vector_store %arg4[%swap3A_697, %swap3A_698, %swap3A_699], %swap3A_702 {strides = array<i32>} : memref<473x8x128xf32, #tpu.memory_space<vmem>>, vector<1x8x128xf32>,
    %slice3A_703 = vector.extract_strided_slice %concatenate3A {offsets = [0, 11904], sizes = [8, 128], strides = [1, 1]} : vector<8x20096xf32> to vector<8x128xf32>
    %swap3A_704 = arith.constant 93 : index
    %swap3A_705 = arith.constant 0 : index
    %swap3A_706 = arith.constant 0 : index
    %swap3A_707 = vector.load %arg4[%swap3A_704, %swap3A_705, %swap3A_706] : memref<473x8x128xf32, #tpu.memory_space<vmem>>, vector<1x8x128xf32>
    %swap3A_708 = vector.shape_cast %swap3A_707 : vector<1x8x128xf32> to vector<8x128xf32>
    %swap3A_709 = vector.shape_cast %slice3A_703 : vector<8x128xf32> to vector<1x8x128xf32>
    tpu.vector_store %arg4[%swap3A_704, %swap3A_705, %swap3A_706], %swap3A_709 {strides = array<i32>} : memref<473x8x128xf32, #tpu.memory_space<vmem>>, vector<1x8x128xf32>,
    %slice3A_710 = vector.extract_strided_slice %concatenate3A {offsets = [0, 12032], sizes = [8, 128], strides = [1, 1]} : vector<8x20096xf32> to vector<8x128xf32>
    %swap3A_711 = arith.constant 94 : index
    %swap3A_712 = arith.constant 0 : index
    %swap3A_713 = arith.constant 0 : index
    %swap3A_714 = vector.load %arg4[%swap3A_711, %swap3A_712, %swap3A_713] : memref<473x8x128xf32, #tpu.memory_space<vmem>>, vector<1x8x128xf32>
    %swap3A_715 = vector.shape_cast %swap3A_714 : vector<1x8x128xf32> to vector<8x128xf32>
    %swap3A_716 = vector.shape_cast %slice3A_710 : vector<8x128xf32> to vector<1x8x128xf32>
    tpu.vector_store %arg4[%swap3A_711, %swap3A_712, %swap3A_713], %swap3A_716 {strides = array<i32>} : memref<473x8x128xf32, #tpu.memory_space<vmem>>, vector<1x8x128xf32>,
    %slice3A_717 = vector.extract_strided_slice %concatenate3A {offsets = [0, 12160], sizes = [8, 128], strides = [1, 1]} : vector<8x20096xf32> to vector<8x128xf32>
    %swap3A_718 = arith.constant 95 : index
    %swap3A_719 = arith.constant 0 : index
    %swap3A_720 = arith.constant 0 : index
    %swap3A_721 = vector.load %arg4[%swap3A_718, %swap3A_719, %swap3A_720] : memref<473x8x128xf32, #tpu.memory_space<vmem>>, vector<1x8x128xf32>
    %swap3A_722 = vector.shape_cast %swap3A_721 : vector<1x8x128xf32> to vector<8x128xf32>
    %swap3A_723 = vector.shape_cast %slice3A_717 : vector<8x128xf32> to vector<1x8x128xf32>
    tpu.vector_store %arg4[%swap3A_718, %swap3A_719, %swap3A_720], %swap3A_723 {strides = array<i32>} : memref<473x8x128xf32, #tpu.memory_space<vmem>>, vector<1x8x128xf32>,
    %slice3A_724 = vector.extract_strided_slice %concatenate3A {offsets = [0, 12288], sizes = [8, 128], strides = [1, 1]} : vector<8x20096xf32> to vector<8x128xf32>
    %swap3A_725 = arith.constant 96 : index
    %swap3A_726 = arith.constant 0 : index
    %swap3A_727 = arith.constant 0 : index
    %swap3A_728 = vector.load %arg4[%swap3A_725, %swap3A_726, %swap3A_727] : memref<473x8x128xf32, #tpu.memory_space<vmem>>, vector<1x8x128xf32>
    %swap3A_729 = vector.shape_cast %swap3A_728 : vector<1x8x128xf32> to vector<8x128xf32>
    %swap3A_730 = vector.shape_cast %slice3A_724 : vector<8x128xf32> to vector<1x8x128xf32>
    tpu.vector_store %arg4[%swap3A_725, %swap3A_726, %swap3A_727], %swap3A_730 {strides = array<i32>} : memref<473x8x128xf32, #tpu.memory_space<vmem>>, vector<1x8x128xf32>,
    %slice3A_731 = vector.extract_strided_slice %concatenate3A {offsets = [0, 12416], sizes = [8, 128], strides = [1, 1]} : vector<8x20096xf32> to vector<8x128xf32>
    %swap3A_732 = arith.constant 97 : index
    %swap3A_733 = arith.constant 0 : index
    %swap3A_734 = arith.constant 0 : index
    %swap3A_735 = vector.load %arg4[%swap3A_732, %swap3A_733, %swap3A_734] : memref<473x8x128xf32, #tpu.memory_space<vmem>>, vector<1x8x128xf32>
    %swap3A_736 = vector.shape_cast %swap3A_735 : vector<1x8x128xf32> to vector<8x128xf32>
    %swap3A_737 = vector.shape_cast %slice3A_731 : vector<8x128xf32> to vector<1x8x128xf32>
    tpu.vector_store %arg4[%swap3A_732, %swap3A_733, %swap3A_734], %swap3A_737 {strides = array<i32>} : memref<473x8x128xf32, #tpu.memory_space<vmem>>, vector<1x8x128xf32>,
    %slice3A_738 = vector.extract_strided_slice %concatenate3A {offsets = [0, 12544], sizes = [8, 128], strides = [1, 1]} : vector<8x20096xf32> to vector<8x128xf32>
    %swap3A_739 = arith.constant 98 : index
    %swap3A_740 = arith.constant 0 : index
    %swap3A_741 = arith.constant 0 : index
    %swap3A_742 = vector.load %arg4[%swap3A_739, %swap3A_740, %swap3A_741] : memref<473x8x128xf32, #tpu.memory_space<vmem>>, vector<1x8x128xf32>
    %swap3A_743 = vector.shape_cast %swap3A_742 : vector<1x8x128xf32> to vector<8x128xf32>
    %swap3A_744 = vector.shape_cast %slice3A_738 : vector<8x128xf32> to vector<1x8x128xf32>
    tpu.vector_store %arg4[%swap3A_739, %swap3A_740, %swap3A_741], %swap3A_744 {strides = array<i32>} : memref<473x8x128xf32, #tpu.memory_space<vmem>>, vector<1x8x128xf32>,
    %slice3A_745 = vector.extract_strided_slice %concatenate3A {offsets = [0, 12672], sizes = [8, 128], strides = [1, 1]} : vector<8x20096xf32> to vector<8x128xf32>
    %swap3A_746 = arith.constant 99 : index
    %swap3A_747 = arith.constant 0 : index
    %swap3A_748 = arith.constant 0 : index
    %swap3A_749 = vector.load %arg4[%swap3A_746, %swap3A_747, %swap3A_748] : memref<473x8x128xf32, #tpu.memory_space<vmem>>, vector<1x8x128xf32>
    %swap3A_750 = vector.shape_cast %swap3A_749 : vector<1x8x128xf32> to vector<8x128xf32>
    %swap3A_751 = vector.shape_cast %slice3A_745 : vector<8x128xf32> to vector<1x8x128xf32>
    tpu.vector_store %arg4[%swap3A_746, %swap3A_747, %swap3A_748], %swap3A_751 {strides = array<i32>} : memref<473x8x128xf32, #tpu.memory_space<vmem>>, vector<1x8x128xf32>,
    %slice3A_752 = vector.extract_strided_slice %concatenate3A {offsets = [0, 12800], sizes = [8, 128], strides = [1, 1]} : vector<8x20096xf32> to vector<8x128xf32>
    %swap3A_753 = arith.constant 100 : index
    %swap3A_754 = arith.constant 0 : index
    %swap3A_755 = arith.constant 0 : index
    %swap3A_756 = vector.load %arg4[%swap3A_753, %swap3A_754, %swap3A_755] : memref<473x8x128xf32, #tpu.memory_space<vmem>>, vector<1x8x128xf32>
    %swap3A_757 = vector.shape_cast %swap3A_756 : vector<1x8x128xf32> to vector<8x128xf32>
    %swap3A_758 = vector.shape_cast %slice3A_752 : vector<8x128xf32> to vector<1x8x128xf32>
    tpu.vector_store %arg4[%swap3A_753, %swap3A_754, %swap3A_755], %swap3A_758 {strides = array<i32>} : memref<473x8x128xf32, #tpu.memory_space<vmem>>, vector<1x8x128xf32>,
    %slice3A_759 = vector.extract_strided_slice %concatenate3A {offsets = [0, 12928], sizes = [8, 128], strides = [1, 1]} : vector<8x20096xf32> to vector<8x128xf32>
    %swap3A_760 = arith.constant 101 : index
    %swap3A_761 = arith.constant 0 : index
    %swap3A_762 = arith.constant 0 : index
    %swap3A_763 = vector.load %arg4[%swap3A_760, %swap3A_761, %swap3A_762] : memref<473x8x128xf32, #tpu.memory_space<vmem>>, vector<1x8x128xf32>
    %swap3A_764 = vector.shape_cast %swap3A_763 : vector<1x8x128xf32> to vector<8x128xf32>
    %swap3A_765 = vector.shape_cast %slice3A_759 : vector<8x128xf32> to vector<1x8x128xf32>
    tpu.vector_store %arg4[%swap3A_760, %swap3A_761, %swap3A_762], %swap3A_765 {strides = array<i32>} : memref<473x8x128xf32, #tpu.memory_space<vmem>>, vector<1x8x128xf32>,
    %slice3A_766 = vector.extract_strided_slice %concatenate3A {offsets = [0, 13056], sizes = [8, 128], strides = [1, 1]} : vector<8x20096xf32> to vector<8x128xf32>
    %swap3A_767 = arith.constant 102 : index
    %swap3A_768 = arith.constant 0 : index
    %swap3A_769 = arith.constant 0 : index
    %swap3A_770 = vector.load %arg4[%swap3A_767, %swap3A_768, %swap3A_769] : memref<473x8x128xf32, #tpu.memory_space<vmem>>, vector<1x8x128xf32>
    %swap3A_771 = vector.shape_cast %swap3A_770 : vector<1x8x128xf32> to vector<8x128xf32>
    %swap3A_772 = vector.shape_cast %slice3A_766 : vector<8x128xf32> to vector<1x8x128xf32>
    tpu.vector_store %arg4[%swap3A_767, %swap3A_768, %swap3A_769], %swap3A_772 {strides = array<i32>} : memref<473x8x128xf32, #tpu.memory_space<vmem>>, vector<1x8x128xf32>,
    %slice3A_773 = vector.extract_strided_slice %concatenate3A {offsets = [0, 13184], sizes = [8, 128], strides = [1, 1]} : vector<8x20096xf32> to vector<8x128xf32>
    %swap3A_774 = arith.constant 103 : index
    %swap3A_775 = arith.constant 0 : index
    %swap3A_776 = arith.constant 0 : index
    %swap3A_777 = vector.load %arg4[%swap3A_774, %swap3A_775, %swap3A_776] : memref<473x8x128xf32, #tpu.memory_space<vmem>>, vector<1x8x128xf32>
    %swap3A_778 = vector.shape_cast %swap3A_777 : vector<1x8x128xf32> to vector<8x128xf32>
    %swap3A_779 = vector.shape_cast %slice3A_773 : vector<8x128xf32> to vector<1x8x128xf32>
    tpu.vector_store %arg4[%swap3A_774, %swap3A_775, %swap3A_776], %swap3A_779 {strides = array<i32>} : memref<473x8x128xf32, #tpu.memory_space<vmem>>, vector<1x8x128xf32>,
    %slice3A_780 = vector.extract_strided_slice %concatenate3A {offsets = [0, 13312], sizes = [8, 128], strides = [1, 1]} : vector<8x20096xf32> to vector<8x128xf32>
    %swap3A_781 = arith.constant 104 : index
    %swap3A_782 = arith.constant 0 : index
    %swap3A_783 = arith.constant 0 : index
    %swap3A_784 = vector.load %arg4[%swap3A_781, %swap3A_782, %swap3A_783] : memref<473x8x128xf32, #tpu.memory_space<vmem>>, vector<1x8x128xf32>
    %swap3A_785 = vector.shape_cast %swap3A_784 : vector<1x8x128xf32> to vector<8x128xf32>
    %swap3A_786 = vector.shape_cast %slice3A_780 : vector<8x128xf32> to vector<1x8x128xf32>
    tpu.vector_store %arg4[%swap3A_781, %swap3A_782, %swap3A_783], %swap3A_786 {strides = array<i32>} : memref<473x8x128xf32, #tpu.memory_space<vmem>>, vector<1x8x128xf32>,
    %slice3A_787 = vector.extract_strided_slice %concatenate3A {offsets = [0, 13440], sizes = [8, 128], strides = [1, 1]} : vector<8x20096xf32> to vector<8x128xf32>
    %swap3A_788 = arith.constant 105 : index
    %swap3A_789 = arith.constant 0 : index
    %swap3A_790 = arith.constant 0 : index
    %swap3A_791 = vector.load %arg4[%swap3A_788, %swap3A_789, %swap3A_790] : memref<473x8x128xf32, #tpu.memory_space<vmem>>, vector<1x8x128xf32>
    %swap3A_792 = vector.shape_cast %swap3A_791 : vector<1x8x128xf32> to vector<8x128xf32>
    %swap3A_793 = vector.shape_cast %slice3A_787 : vector<8x128xf32> to vector<1x8x128xf32>
    tpu.vector_store %arg4[%swap3A_788, %swap3A_789, %swap3A_790], %swap3A_793 {strides = array<i32>} : memref<473x8x128xf32, #tpu.memory_space<vmem>>, vector<1x8x128xf32>,
    %slice3A_794 = vector.extract_strided_slice %concatenate3A {offsets = [0, 13568], sizes = [8, 128], strides = [1, 1]} : vector<8x20096xf32> to vector<8x128xf32>
    %swap3A_795 = arith.constant 106 : index
    %swap3A_796 = arith.constant 0 : index
    %swap3A_797 = arith.constant 0 : index
    %swap3A_798 = vector.load %arg4[%swap3A_795, %swap3A_796, %swap3A_797] : memref<473x8x128xf32, #tpu.memory_space<vmem>>, vector<1x8x128xf32>
    %swap3A_799 = vector.shape_cast %swap3A_798 : vector<1x8x128xf32> to vector<8x128xf32>
    %swap3A_800 = vector.shape_cast %slice3A_794 : vector<8x128xf32> to vector<1x8x128xf32>
    tpu.vector_store %arg4[%swap3A_795, %swap3A_796, %swap3A_797], %swap3A_800 {strides = array<i32>} : memref<473x8x128xf32, #tpu.memory_space<vmem>>, vector<1x8x128xf32>,
    %slice3A_801 = vector.extract_strided_slice %concatenate3A {offsets = [0, 13696], sizes = [8, 128], strides = [1, 1]} : vector<8x20096xf32> to vector<8x128xf32>
    %swap3A_802 = arith.constant 107 : index
    %swap3A_803 = arith.constant 0 : index
    %swap3A_804 = arith.constant 0 : index
    %swap3A_805 = vector.load %arg4[%swap3A_802, %swap3A_803, %swap3A_804] : memref<473x8x128xf32, #tpu.memory_space<vmem>>, vector<1x8x128xf32>
    %swap3A_806 = vector.shape_cast %swap3A_805 : vector<1x8x128xf32> to vector<8x128xf32>
    %swap3A_807 = vector.shape_cast %slice3A_801 : vector<8x128xf32> to vector<1x8x128xf32>
    tpu.vector_store %arg4[%swap3A_802, %swap3A_803, %swap3A_804], %swap3A_807 {strides = array<i32>} : memref<473x8x128xf32, #tpu.memory_space<vmem>>, vector<1x8x128xf32>,
    %slice3A_808 = vector.extract_strided_slice %concatenate3A {offsets = [0, 13824], sizes = [8, 128], strides = [1, 1]} : vector<8x20096xf32> to vector<8x128xf32>
    %swap3A_809 = arith.constant 108 : index
    %swap3A_810 = arith.constant 0 : index
    %swap3A_811 = arith.constant 0 : index
    %swap3A_812 = vector.load %arg4[%swap3A_809, %swap3A_810, %swap3A_811] : memref<473x8x128xf32, #tpu.memory_space<vmem>>, vector<1x8x128xf32>
    %swap3A_813 = vector.shape_cast %swap3A_812 : vector<1x8x128xf32> to vector<8x128xf32>
    %swap3A_814 = vector.shape_cast %slice3A_808 : vector<8x128xf32> to vector<1x8x128xf32>
    tpu.vector_store %arg4[%swap3A_809, %swap3A_810, %swap3A_811], %swap3A_814 {strides = array<i32>} : memref<473x8x128xf32, #tpu.memory_space<vmem>>, vector<1x8x128xf32>,
    %slice3A_815 = vector.extract_strided_slice %concatenate3A {offsets = [0, 13952], sizes = [8, 128], strides = [1, 1]} : vector<8x20096xf32> to vector<8x128xf32>
    %swap3A_816 = arith.constant 109 : index
    %swap3A_817 = arith.constant 0 : index
    %swap3A_818 = arith.constant 0 : index
    %swap3A_819 = vector.load %arg4[%swap3A_816, %swap3A_817, %swap3A_818] : memref<473x8x128xf32, #tpu.memory_space<vmem>>, vector<1x8x128xf32>
    %swap3A_820 = vector.shape_cast %swap3A_819 : vector<1x8x128xf32> to vector<8x128xf32>
    %swap3A_821 = vector.shape_cast %slice3A_815 : vector<8x128xf32> to vector<1x8x128xf32>
    tpu.vector_store %arg4[%swap3A_816, %swap3A_817, %swap3A_818], %swap3A_821 {strides = array<i32>} : memref<473x8x128xf32, #tpu.memory_space<vmem>>, vector<1x8x128xf32>,
    %slice3A_822 = vector.extract_strided_slice %concatenate3A {offsets = [0, 14080], sizes = [8, 128], strides = [1, 1]} : vector<8x20096xf32> to vector<8x128xf32>
    %swap3A_823 = arith.constant 110 : index
    %swap3A_824 = arith.constant 0 : index
    %swap3A_825 = arith.constant 0 : index
    %swap3A_826 = vector.load %arg4[%swap3A_823, %swap3A_824, %swap3A_825] : memref<473x8x128xf32, #tpu.memory_space<vmem>>, vector<1x8x128xf32>
    %swap3A_827 = vector.shape_cast %swap3A_826 : vector<1x8x128xf32> to vector<8x128xf32>
    %swap3A_828 = vector.shape_cast %slice3A_822 : vector<8x128xf32> to vector<1x8x128xf32>
    tpu.vector_store %arg4[%swap3A_823, %swap3A_824, %swap3A_825], %swap3A_828 {strides = array<i32>} : memref<473x8x128xf32, #tpu.memory_space<vmem>>, vector<1x8x128xf32>,
    %slice3A_829 = vector.extract_strided_slice %concatenate3A {offsets = [0, 14208], sizes = [8, 128], strides = [1, 1]} : vector<8x20096xf32> to vector<8x128xf32>
    %swap3A_830 = arith.constant 111 : index
    %swap3A_831 = arith.constant 0 : index
    %swap3A_832 = arith.constant 0 : index
    %swap3A_833 = vector.load %arg4[%swap3A_830, %swap3A_831, %swap3A_832] : memref<473x8x128xf32, #tpu.memory_space<vmem>>, vector<1x8x128xf32>
    %swap3A_834 = vector.shape_cast %swap3A_833 : vector<1x8x128xf32> to vector<8x128xf32>
    %swap3A_835 = vector.shape_cast %slice3A_829 : vector<8x128xf32> to vector<1x8x128xf32>
    tpu.vector_store %arg4[%swap3A_830, %swap3A_831, %swap3A_832], %swap3A_835 {strides = array<i32>} : memref<473x8x128xf32, #tpu.memory_space<vmem>>, vector<1x8x128xf32>,
    %slice3A_836 = vector.extract_strided_slice %concatenate3A {offsets = [0, 14336], sizes = [8, 128], strides = [1, 1]} : vector<8x20096xf32> to vector<8x128xf32>
    %swap3A_837 = arith.constant 112 : index
    %swap3A_838 = arith.constant 0 : index
    %swap3A_839 = arith.constant 0 : index
    %swap3A_840 = vector.load %arg4[%swap3A_837, %swap3A_838, %swap3A_839] : memref<473x8x128xf32, #tpu.memory_space<vmem>>, vector<1x8x128xf32>
    %swap3A_841 = vector.shape_cast %swap3A_840 : vector<1x8x128xf32> to vector<8x128xf32>
    %swap3A_842 = vector.shape_cast %slice3A_836 : vector<8x128xf32> to vector<1x8x128xf32>
    tpu.vector_store %arg4[%swap3A_837, %swap3A_838, %swap3A_839], %swap3A_842 {strides = array<i32>} : memref<473x8x128xf32, #tpu.memory_space<vmem>>, vector<1x8x128xf32>,
    %slice3A_843 = vector.extract_strided_slice %concatenate3A {offsets = [0, 14464], sizes = [8, 128], strides = [1, 1]} : vector<8x20096xf32> to vector<8x128xf32>
    %swap3A_844 = arith.constant 113 : index
    %swap3A_845 = arith.constant 0 : index
    %swap3A_846 = arith.constant 0 : index
    %swap3A_847 = vector.load %arg4[%swap3A_844, %swap3A_845, %swap3A_846] : memref<473x8x128xf32, #tpu.memory_space<vmem>>, vector<1x8x128xf32>
    %swap3A_848 = vector.shape_cast %swap3A_847 : vector<1x8x128xf32> to vector<8x128xf32>
    %swap3A_849 = vector.shape_cast %slice3A_843 : vector<8x128xf32> to vector<1x8x128xf32>
    tpu.vector_store %arg4[%swap3A_844, %swap3A_845, %swap3A_846], %swap3A_849 {strides = array<i32>} : memref<473x8x128xf32, #tpu.memory_space<vmem>>, vector<1x8x128xf32>,
    %slice3A_850 = vector.extract_strided_slice %concatenate3A {offsets = [0, 14592], sizes = [8, 128], strides = [1, 1]} : vector<8x20096xf32> to vector<8x128xf32>
    %swap3A_851 = arith.constant 114 : index
    %swap3A_852 = arith.constant 0 : index
    %swap3A_853 = arith.constant 0 : index
    %swap3A_854 = vector.load %arg4[%swap3A_851, %swap3A_852, %swap3A_853] : memref<473x8x128xf32, #tpu.memory_space<vmem>>, vector<1x8x128xf32>
    %swap3A_855 = vector.shape_cast %swap3A_854 : vector<1x8x128xf32> to vector<8x128xf32>
    %swap3A_856 = vector.shape_cast %slice3A_850 : vector<8x128xf32> to vector<1x8x128xf32>
    tpu.vector_store %arg4[%swap3A_851, %swap3A_852, %swap3A_853], %swap3A_856 {strides = array<i32>} : memref<473x8x128xf32, #tpu.memory_space<vmem>>, vector<1x8x128xf32>,
    %slice3A_857 = vector.extract_strided_slice %concatenate3A {offsets = [0, 14720], sizes = [8, 128], strides = [1, 1]} : vector<8x20096xf32> to vector<8x128xf32>
    %swap3A_858 = arith.constant 115 : index
    %swap3A_859 = arith.constant 0 : index
    %swap3A_860 = arith.constant 0 : index
    %swap3A_861 = vector.load %arg4[%swap3A_858, %swap3A_859, %swap3A_860] : memref<473x8x128xf32, #tpu.memory_space<vmem>>, vector<1x8x128xf32>
    %swap3A_862 = vector.shape_cast %swap3A_861 : vector<1x8x128xf32> to vector<8x128xf32>
    %swap3A_863 = vector.shape_cast %slice3A_857 : vector<8x128xf32> to vector<1x8x128xf32>
    tpu.vector_store %arg4[%swap3A_858, %swap3A_859, %swap3A_860], %swap3A_863 {strides = array<i32>} : memref<473x8x128xf32, #tpu.memory_space<vmem>>, vector<1x8x128xf32>,
    %slice3A_864 = vector.extract_strided_slice %concatenate3A {offsets = [0, 14848], sizes = [8, 128], strides = [1, 1]} : vector<8x20096xf32> to vector<8x128xf32>
    %swap3A_865 = arith.constant 116 : index
    %swap3A_866 = arith.constant 0 : index
    %swap3A_867 = arith.constant 0 : index
    %swap3A_868 = vector.load %arg4[%swap3A_865, %swap3A_866, %swap3A_867] : memref<473x8x128xf32, #tpu.memory_space<vmem>>, vector<1x8x128xf32>
    %swap3A_869 = vector.shape_cast %swap3A_868 : vector<1x8x128xf32> to vector<8x128xf32>
    %swap3A_870 = vector.shape_cast %slice3A_864 : vector<8x128xf32> to vector<1x8x128xf32>
    tpu.vector_store %arg4[%swap3A_865, %swap3A_866, %swap3A_867], %swap3A_870 {strides = array<i32>} : memref<473x8x128xf32, #tpu.memory_space<vmem>>, vector<1x8x128xf32>,
    %slice3A_871 = vector.extract_strided_slice %concatenate3A {offsets = [0, 14976], sizes = [8, 128], strides = [1, 1]} : vector<8x20096xf32> to vector<8x128xf32>
    %swap3A_872 = arith.constant 117 : index
    %swap3A_873 = arith.constant 0 : index
    %swap3A_874 = arith.constant 0 : index
    %swap3A_875 = vector.load %arg4[%swap3A_872, %swap3A_873, %swap3A_874] : memref<473x8x128xf32, #tpu.memory_space<vmem>>, vector<1x8x128xf32>
    %swap3A_876 = vector.shape_cast %swap3A_875 : vector<1x8x128xf32> to vector<8x128xf32>
    %swap3A_877 = vector.shape_cast %slice3A_871 : vector<8x128xf32> to vector<1x8x128xf32>
    tpu.vector_store %arg4[%swap3A_872, %swap3A_873, %swap3A_874], %swap3A_877 {strides = array<i32>} : memref<473x8x128xf32, #tpu.memory_space<vmem>>, vector<1x8x128xf32>,
    %slice3A_878 = vector.extract_strided_slice %concatenate3A {offsets = [0, 15104], sizes = [8, 128], strides = [1, 1]} : vector<8x20096xf32> to vector<8x128xf32>
    %swap3A_879 = arith.constant 118 : index
    %swap3A_880 = arith.constant 0 : index
    %swap3A_881 = arith.constant 0 : index
    %swap3A_882 = vector.load %arg4[%swap3A_879, %swap3A_880, %swap3A_881] : memref<473x8x128xf32, #tpu.memory_space<vmem>>, vector<1x8x128xf32>
    %swap3A_883 = vector.shape_cast %swap3A_882 : vector<1x8x128xf32> to vector<8x128xf32>
    %swap3A_884 = vector.shape_cast %slice3A_878 : vector<8x128xf32> to vector<1x8x128xf32>
    tpu.vector_store %arg4[%swap3A_879, %swap3A_880, %swap3A_881], %swap3A_884 {strides = array<i32>} : memref<473x8x128xf32, #tpu.memory_space<vmem>>, vector<1x8x128xf32>,
    %slice3A_885 = vector.extract_strided_slice %concatenate3A {offsets = [0, 15232], sizes = [8, 128], strides = [1, 1]} : vector<8x20096xf32> to vector<8x128xf32>
    %swap3A_886 = arith.constant 119 : index
    %swap3A_887 = arith.constant 0 : index
    %swap3A_888 = arith.constant 0 : index
    %swap3A_889 = vector.load %arg4[%swap3A_886, %swap3A_887, %swap3A_888] : memref<473x8x128xf32, #tpu.memory_space<vmem>>, vector<1x8x128xf32>
    %swap3A_890 = vector.shape_cast %swap3A_889 : vector<1x8x128xf32> to vector<8x128xf32>
    %swap3A_891 = vector.shape_cast %slice3A_885 : vector<8x128xf32> to vector<1x8x128xf32>
    tpu.vector_store %arg4[%swap3A_886, %swap3A_887, %swap3A_888], %swap3A_891 {strides = array<i32>} : memref<473x8x128xf32, #tpu.memory_space<vmem>>, vector<1x8x128xf32>,
    %slice3A_892 = vector.extract_strided_slice %concatenate3A {offsets = [0, 15360], sizes = [8, 128], strides = [1, 1]} : vector<8x20096xf32> to vector<8x128xf32>
    %swap3A_893 = arith.constant 120 : index
    %swap3A_894 = arith.constant 0 : index
    %swap3A_895 = arith.constant 0 : index
    %swap3A_896 = vector.load %arg4[%swap3A_893, %swap3A_894, %swap3A_895] : memref<473x8x128xf32, #tpu.memory_space<vmem>>, vector<1x8x128xf32>
    %swap3A_897 = vector.shape_cast %swap3A_896 : vector<1x8x128xf32> to vector<8x128xf32>
    %swap3A_898 = vector.shape_cast %slice3A_892 : vector<8x128xf32> to vector<1x8x128xf32>
    tpu.vector_store %arg4[%swap3A_893, %swap3A_894, %swap3A_895], %swap3A_898 {strides = array<i32>} : memref<473x8x128xf32, #tpu.memory_space<vmem>>, vector<1x8x128xf32>,
    %slice3A_899 = vector.extract_strided_slice %concatenate3A {offsets = [0, 15488], sizes = [8, 128], strides = [1, 1]} : vector<8x20096xf32> to vector<8x128xf32>
    %swap3A_900 = arith.constant 121 : index
    %swap3A_901 = arith.constant 0 : index
    %swap3A_902 = arith.constant 0 : index
    %swap3A_903 = vector.load %arg4[%swap3A_900, %swap3A_901, %swap3A_902] : memref<473x8x128xf32, #tpu.memory_space<vmem>>, vector<1x8x128xf32>
    %swap3A_904 = vector.shape_cast %swap3A_903 : vector<1x8x128xf32> to vector<8x128xf32>
    %swap3A_905 = vector.shape_cast %slice3A_899 : vector<8x128xf32> to vector<1x8x128xf32>
    tpu.vector_store %arg4[%swap3A_900, %swap3A_901, %swap3A_902], %swap3A_905 {strides = array<i32>} : memref<473x8x128xf32, #tpu.memory_space<vmem>>, vector<1x8x128xf32>,
    %slice3A_906 = vector.extract_strided_slice %concatenate3A {offsets = [0, 15616], sizes = [8, 128], strides = [1, 1]} : vector<8x20096xf32> to vector<8x128xf32>
    %swap3A_907 = arith.constant 122 : index
    %swap3A_908 = arith.constant 0 : index
    %swap3A_909 = arith.constant 0 : index
    %swap3A_910 = vector.load %arg4[%swap3A_907, %swap3A_908, %swap3A_909] : memref<473x8x128xf32, #tpu.memory_space<vmem>>, vector<1x8x128xf32>
    %swap3A_911 = vector.shape_cast %swap3A_910 : vector<1x8x128xf32> to vector<8x128xf32>
    %swap3A_912 = vector.shape_cast %slice3A_906 : vector<8x128xf32> to vector<1x8x128xf32>
    tpu.vector_store %arg4[%swap3A_907, %swap3A_908, %swap3A_909], %swap3A_912 {strides = array<i32>} : memref<473x8x128xf32, #tpu.memory_space<vmem>>, vector<1x8x128xf32>,
    %slice3A_913 = vector.extract_strided_slice %concatenate3A {offsets = [0, 15744], sizes = [8, 128], strides = [1, 1]} : vector<8x20096xf32> to vector<8x128xf32>
    %swap3A_914 = arith.constant 123 : index
    %swap3A_915 = arith.constant 0 : index
    %swap3A_916 = arith.constant 0 : index
    %swap3A_917 = vector.load %arg4[%swap3A_914, %swap3A_915, %swap3A_916] : memref<473x8x128xf32, #tpu.memory_space<vmem>>, vector<1x8x128xf32>
    %swap3A_918 = vector.shape_cast %swap3A_917 : vector<1x8x128xf32> to vector<8x128xf32>
    %swap3A_919 = vector.shape_cast %slice3A_913 : vector<8x128xf32> to vector<1x8x128xf32>
    tpu.vector_store %arg4[%swap3A_914, %swap3A_915, %swap3A_916], %swap3A_919 {strides = array<i32>} : memref<473x8x128xf32, #tpu.memory_space<vmem>>, vector<1x8x128xf32>,
    %slice3A_920 = vector.extract_strided_slice %concatenate3A {offsets = [0, 15872], sizes = [8, 128], strides = [1, 1]} : vector<8x20096xf32> to vector<8x128xf32>
    %swap3A_921 = arith.constant 124 : index
    %swap3A_922 = arith.constant 0 : index
    %swap3A_923 = arith.constant 0 : index
    %swap3A_924 = vector.load %arg4[%swap3A_921, %swap3A_922, %swap3A_923] : memref<473x8x128xf32, #tpu.memory_space<vmem>>, vector<1x8x128xf32>
    %swap3A_925 = vector.shape_cast %swap3A_924 : vector<1x8x128xf32> to vector<8x128xf32>
    %swap3A_926 = vector.shape_cast %slice3A_920 : vector<8x128xf32> to vector<1x8x128xf32>
    tpu.vector_store %arg4[%swap3A_921, %swap3A_922, %swap3A_923], %swap3A_926 {strides = array<i32>} : memref<473x8x128xf32, #tpu.memory_space<vmem>>, vector<1x8x128xf32>,
    %slice3A_927 = vector.extract_strided_slice %concatenate3A {offsets = [0, 16000], sizes = [8, 128], strides = [1, 1]} : vector<8x20096xf32> to vector<8x128xf32>
    %swap3A_928 = arith.constant 125 : index
    %swap3A_929 = arith.constant 0 : index
    %swap3A_930 = arith.constant 0 : index
    %swap3A_931 = vector.load %arg4[%swap3A_928, %swap3A_929, %swap3A_930] : memref<473x8x128xf32, #tpu.memory_space<vmem>>, vector<1x8x128xf32>
    %swap3A_932 = vector.shape_cast %swap3A_931 : vector<1x8x128xf32> to vector<8x128xf32>
    %swap3A_933 = vector.shape_cast %slice3A_927 : vector<8x128xf32> to vector<1x8x128xf32>
    tpu.vector_store %arg4[%swap3A_928, %swap3A_929, %swap3A_930], %swap3A_933 {strides = array<i32>} : memref<473x8x128xf32, #tpu.memory_space<vmem>>, vector<1x8x128xf32>,
    %slice3A_934 = vector.extract_strided_slice %concatenate3A {offsets = [0, 16128], sizes = [8, 128], strides = [1, 1]} : vector<8x20096xf32> to vector<8x128xf32>
    %swap3A_935 = arith.constant 126 : index
    %swap3A_936 = arith.constant 0 : index
    %swap3A_937 = arith.constant 0 : index
    %swap3A_938 = vector.load %arg4[%swap3A_935, %swap3A_936, %swap3A_937] : memref<473x8x128xf32, #tpu.memory_space<vmem>>, vector<1x8x128xf32>
    %swap3A_939 = vector.shape_cast %swap3A_938 : vector<1x8x128xf32> to vector<8x128xf32>
    %swap3A_940 = vector.shape_cast %slice3A_934 : vector<8x128xf32> to vector<1x8x128xf32>
    tpu.vector_store %arg4[%swap3A_935, %swap3A_936, %swap3A_937], %swap3A_940 {strides = array<i32>} : memref<473x8x128xf32, #tpu.memory_space<vmem>>, vector<1x8x128xf32>,
    %slice3A_941 = vector.extract_strided_slice %concatenate3A {offsets = [0, 16256], sizes = [8, 128], strides = [1, 1]} : vector<8x20096xf32> to vector<8x128xf32>
    %swap3A_942 = arith.constant 127 : index
    %swap3A_943 = arith.constant 0 : index
    %swap3A_944 = arith.constant 0 : index
    %swap3A_945 = vector.load %arg4[%swap3A_942, %swap3A_943, %swap3A_944] : memref<473x8x128xf32, #tpu.memory_space<vmem>>, vector<1x8x128xf32>
    %swap3A_946 = vector.shape_cast %swap3A_945 : vector<1x8x128xf32> to vector<8x128xf32>
    %swap3A_947 = vector.shape_cast %slice3A_941 : vector<8x128xf32> to vector<1x8x128xf32>
    tpu.vector_store %arg4[%swap3A_942, %swap3A_943, %swap3A_944], %swap3A_947 {strides = array<i32>} : memref<473x8x128xf32, #tpu.memory_space<vmem>>, vector<1x8x128xf32>,
    %slice3A_948 = vector.extract_strided_slice %concatenate3A {offsets = [0, 16384], sizes = [8, 128], strides = [1, 1]} : vector<8x20096xf32> to vector<8x128xf32>
    %swap3A_949 = arith.constant 128 : index
    %swap3A_950 = arith.constant 0 : index
    %swap3A_951 = arith.constant 0 : index
    %swap3A_952 = vector.load %arg4[%swap3A_949, %swap3A_950, %swap3A_951] : memref<473x8x128xf32, #tpu.memory_space<vmem>>, vector<1x8x128xf32>
    %swap3A_953 = vector.shape_cast %swap3A_952 : vector<1x8x128xf32> to vector<8x128xf32>
    %swap3A_954 = vector.shape_cast %slice3A_948 : vector<8x128xf32> to vector<1x8x128xf32>
    tpu.vector_store %arg4[%swap3A_949, %swap3A_950, %swap3A_951], %swap3A_954 {strides = array<i32>} : memref<473x8x128xf32, #tpu.memory_space<vmem>>, vector<1x8x128xf32>,
    %slice3A_955 = vector.extract_strided_slice %concatenate3A {offsets = [0, 16512], sizes = [8, 128], strides = [1, 1]} : vector<8x20096xf32> to vector<8x128xf32>
    %swap3A_956 = arith.constant 129 : index
    %swap3A_957 = arith.constant 0 : index
    %swap3A_958 = arith.constant 0 : index
    %swap3A_959 = vector.load %arg4[%swap3A_956, %swap3A_957, %swap3A_958] : memref<473x8x128xf32, #tpu.memory_space<vmem>>, vector<1x8x128xf32>
    %swap3A_960 = vector.shape_cast %swap3A_959 : vector<1x8x128xf32> to vector<8x128xf32>
    %swap3A_961 = vector.shape_cast %slice3A_955 : vector<8x128xf32> to vector<1x8x128xf32>
    tpu.vector_store %arg4[%swap3A_956, %swap3A_957, %swap3A_958], %swap3A_961 {strides = array<i32>} : memref<473x8x128xf32, #tpu.memory_space<vmem>>, vector<1x8x128xf32>,
    %slice3A_962 = vector.extract_strided_slice %concatenate3A {offsets = [0, 16640], sizes = [8, 128], strides = [1, 1]} : vector<8x20096xf32> to vector<8x128xf32>
    %swap3A_963 = arith.constant 130 : index
    %swap3A_964 = arith.constant 0 : index
    %swap3A_965 = arith.constant 0 : index
    %swap3A_966 = vector.load %arg4[%swap3A_963, %swap3A_964, %swap3A_965] : memref<473x8x128xf32, #tpu.memory_space<vmem>>, vector<1x8x128xf32>
    %swap3A_967 = vector.shape_cast %swap3A_966 : vector<1x8x128xf32> to vector<8x128xf32>
    %swap3A_968 = vector.shape_cast %slice3A_962 : vector<8x128xf32> to vector<1x8x128xf32>
    tpu.vector_store %arg4[%swap3A_963, %swap3A_964, %swap3A_965], %swap3A_968 {strides = array<i32>} : memref<473x8x128xf32, #tpu.memory_space<vmem>>, vector<1x8x128xf32>,
    %slice3A_969 = vector.extract_strided_slice %concatenate3A {offsets = [0, 16768], sizes = [8, 128], strides = [1, 1]} : vector<8x20096xf32> to vector<8x128xf32>
    %swap3A_970 = arith.constant 131 : index
    %swap3A_971 = arith.constant 0 : index
    %swap3A_972 = arith.constant 0 : index
    %swap3A_973 = vector.load %arg4[%swap3A_970, %swap3A_971, %swap3A_972] : memref<473x8x128xf32, #tpu.memory_space<vmem>>, vector<1x8x128xf32>
    %swap3A_974 = vector.shape_cast %swap3A_973 : vector<1x8x128xf32> to vector<8x128xf32>
    %swap3A_975 = vector.shape_cast %slice3A_969 : vector<8x128xf32> to vector<1x8x128xf32>
    tpu.vector_store %arg4[%swap3A_970, %swap3A_971, %swap3A_972], %swap3A_975 {strides = array<i32>} : memref<473x8x128xf32, #tpu.memory_space<vmem>>, vector<1x8x128xf32>,
    %slice3A_976 = vector.extract_strided_slice %concatenate3A {offsets = [0, 16896], sizes = [8, 128], strides = [1, 1]} : vector<8x20096xf32> to vector<8x128xf32>
    %swap3A_977 = arith.constant 132 : index
    %swap3A_978 = arith.constant 0 : index
    %swap3A_979 = arith.constant 0 : index
    %swap3A_980 = vector.load %arg4[%swap3A_977, %swap3A_978, %swap3A_979] : memref<473x8x128xf32, #tpu.memory_space<vmem>>, vector<1x8x128xf32>
    %swap3A_981 = vector.shape_cast %swap3A_980 : vector<1x8x128xf32> to vector<8x128xf32>
    %swap3A_982 = vector.shape_cast %slice3A_976 : vector<8x128xf32> to vector<1x8x128xf32>
    tpu.vector_store %arg4[%swap3A_977, %swap3A_978, %swap3A_979], %swap3A_982 {strides = array<i32>} : memref<473x8x128xf32, #tpu.memory_space<vmem>>, vector<1x8x128xf32>,
    %slice3A_983 = vector.extract_strided_slice %concatenate3A {offsets = [0, 17024], sizes = [8, 128], strides = [1, 1]} : vector<8x20096xf32> to vector<8x128xf32>
    %swap3A_984 = arith.constant 133 : index
    %swap3A_985 = arith.constant 0 : index
    %swap3A_986 = arith.constant 0 : index
    %swap3A_987 = vector.load %arg4[%swap3A_984, %swap3A_985, %swap3A_986] : memref<473x8x128xf32, #tpu.memory_space<vmem>>, vector<1x8x128xf32>
    %swap3A_988 = vector.shape_cast %swap3A_987 : vector<1x8x128xf32> to vector<8x128xf32>
    %swap3A_989 = vector.shape_cast %slice3A_983 : vector<8x128xf32> to vector<1x8x128xf32>
    tpu.vector_store %arg4[%swap3A_984, %swap3A_985, %swap3A_986], %swap3A_989 {strides = array<i32>} : memref<473x8x128xf32, #tpu.memory_space<vmem>>, vector<1x8x128xf32>,
    %slice3A_990 = vector.extract_strided_slice %concatenate3A {offsets = [0, 17152], sizes = [8, 128], strides = [1, 1]} : vector<8x20096xf32> to vector<8x128xf32>
    %swap3A_991 = arith.constant 134 : index
    %swap3A_992 = arith.constant 0 : index
    %swap3A_993 = arith.constant 0 : index
    %swap3A_994 = vector.load %arg4[%swap3A_991, %swap3A_992, %swap3A_993] : memref<473x8x128xf32, #tpu.memory_space<vmem>>, vector<1x8x128xf32>
    %swap3A_995 = vector.shape_cast %swap3A_994 : vector<1x8x128xf32> to vector<8x128xf32>
    %swap3A_996 = vector.shape_cast %slice3A_990 : vector<8x128xf32> to vector<1x8x128xf32>
    tpu.vector_store %arg4[%swap3A_991, %swap3A_992, %swap3A_993], %swap3A_996 {strides = array<i32>} : memref<473x8x128xf32, #tpu.memory_space<vmem>>, vector<1x8x128xf32>,
    %slice3A_997 = vector.extract_strided_slice %concatenate3A {offsets = [0, 17280], sizes = [8, 128], strides = [1, 1]} : vector<8x20096xf32> to vector<8x128xf32>
    %swap3A_998 = arith.constant 135 : index
    %swap3A_999 = arith.constant 0 : index
    %swap3A_1000 = arith.constant 0 : index
    %swap3A_1001 = vector.load %arg4[%swap3A_998, %swap3A_999, %swap3A_1000] : memref<473x8x128xf32, #tpu.memory_space<vmem>>, vector<1x8x128xf32>
    %swap3A_1002 = vector.shape_cast %swap3A_1001 : vector<1x8x128xf32> to vector<8x128xf32>
    %swap3A_1003 = vector.shape_cast %slice3A_997 : vector<8x128xf32> to vector<1x8x128xf32>
    tpu.vector_store %arg4[%swap3A_998, %swap3A_999, %swap3A_1000], %swap3A_1003 {strides = array<i32>} : memref<473x8x128xf32, #tpu.memory_space<vmem>>, vector<1x8x128xf32>,
    %slice3A_1004 = vector.extract_strided_slice %concatenate3A {offsets = [0, 17408], sizes = [8, 128], strides = [1, 1]} : vector<8x20096xf32> to vector<8x128xf32>
    %swap3A_1005 = arith.constant 136 : index
    %swap3A_1006 = arith.constant 0 : index
    %swap3A_1007 = arith.constant 0 : index
    %swap3A_1008 = vector.load %arg4[%swap3A_1005, %swap3A_1006, %swap3A_1007] : memref<473x8x128xf32, #tpu.memory_space<vmem>>, vector<1x8x128xf32>
    %swap3A_1009 = vector.shape_cast %swap3A_1008 : vector<1x8x128xf32> to vector<8x128xf32>
    %swap3A_1010 = vector.shape_cast %slice3A_1004 : vector<8x128xf32> to vector<1x8x128xf32>
    tpu.vector_store %arg4[%swap3A_1005, %swap3A_1006, %swap3A_1007], %swap3A_1010 {strides = array<i32>} : memref<473x8x128xf32, #tpu.memory_space<vmem>>, vector<1x8x128xf32>,
    %slice3A_1011 = vector.extract_strided_slice %concatenate3A {offsets = [0, 17536], sizes = [8, 128], strides = [1, 1]} : vector<8x20096xf32> to vector<8x128xf32>
    %swap3A_1012 = arith.constant 137 : index
    %swap3A_1013 = arith.constant 0 : index
    %swap3A_1014 = arith.constant 0 : index
    %swap3A_1015 = vector.load %arg4[%swap3A_1012, %swap3A_1013, %swap3A_1014] : memref<473x8x128xf32, #tpu.memory_space<vmem>>, vector<1x8x128xf32>
    %swap3A_1016 = vector.shape_cast %swap3A_1015 : vector<1x8x128xf32> to vector<8x128xf32>
    %swap3A_1017 = vector.shape_cast %slice3A_1011 : vector<8x128xf32> to vector<1x8x128xf32>
    tpu.vector_store %arg4[%swap3A_1012, %swap3A_1013, %swap3A_1014], %swap3A_1017 {strides = array<i32>} : memref<473x8x128xf32, #tpu.memory_space<vmem>>, vector<1x8x128xf32>,
    %slice3A_1018 = vector.extract_strided_slice %concatenate3A {offsets = [0, 17664], sizes = [8, 128], strides = [1, 1]} : vector<8x20096xf32> to vector<8x128xf32>
    %swap3A_1019 = arith.constant 138 : index
    %swap3A_1020 = arith.constant 0 : index
    %swap3A_1021 = arith.constant 0 : index
    %swap3A_1022 = vector.load %arg4[%swap3A_1019, %swap3A_1020, %swap3A_1021] : memref<473x8x128xf32, #tpu.memory_space<vmem>>, vector<1x8x128xf32>
    %swap3A_1023 = vector.shape_cast %swap3A_1022 : vector<1x8x128xf32> to vector<8x128xf32>
    %swap3A_1024 = vector.shape_cast %slice3A_1018 : vector<8x128xf32> to vector<1x8x128xf32>
    tpu.vector_store %arg4[%swap3A_1019, %swap3A_1020, %swap3A_1021], %swap3A_1024 {strides = array<i32>} : memref<473x8x128xf32, #tpu.memory_space<vmem>>, vector<1x8x128xf32>,
    %slice3A_1025 = vector.extract_strided_slice %concatenate3A {offsets = [0, 17792], sizes = [8, 128], strides = [1, 1]} : vector<8x20096xf32> to vector<8x128xf32>
    %swap3A_1026 = arith.constant 139 : index
    %swap3A_1027 = arith.constant 0 : index
    %swap3A_1028 = arith.constant 0 : index
    %swap3A_1029 = vector.load %arg4[%swap3A_1026, %swap3A_1027, %swap3A_1028] : memref<473x8x128xf32, #tpu.memory_space<vmem>>, vector<1x8x128xf32>
    %swap3A_1030 = vector.shape_cast %swap3A_1029 : vector<1x8x128xf32> to vector<8x128xf32>
    %swap3A_1031 = vector.shape_cast %slice3A_1025 : vector<8x128xf32> to vector<1x8x128xf32>
    tpu.vector_store %arg4[%swap3A_1026, %swap3A_1027, %swap3A_1028], %swap3A_1031 {strides = array<i32>} : memref<473x8x128xf32, #tpu.memory_space<vmem>>, vector<1x8x128xf32>,
    %slice3A_1032 = vector.extract_strided_slice %concatenate3A {offsets = [0, 17920], sizes = [8, 128], strides = [1, 1]} : vector<8x20096xf32> to vector<8x128xf32>
    %swap3A_1033 = arith.constant 140 : index
    %swap3A_1034 = arith.constant 0 : index
    %swap3A_1035 = arith.constant 0 : index
    %swap3A_1036 = vector.load %arg4[%swap3A_1033, %swap3A_1034, %swap3A_1035] : memref<473x8x128xf32, #tpu.memory_space<vmem>>, vector<1x8x128xf32>
    %swap3A_1037 = vector.shape_cast %swap3A_1036 : vector<1x8x128xf32> to vector<8x128xf32>
    %swap3A_1038 = vector.shape_cast %slice3A_1032 : vector<8x128xf32> to vector<1x8x128xf32>
    tpu.vector_store %arg4[%swap3A_1033, %swap3A_1034, %swap3A_1035], %swap3A_1038 {strides = array<i32>} : memref<473x8x128xf32, #tpu.memory_space<vmem>>, vector<1x8x128xf32>,
    %slice3A_1039 = vector.extract_strided_slice %concatenate3A {offsets = [0, 18048], sizes = [8, 128], strides = [1, 1]} : vector<8x20096xf32> to vector<8x128xf32>
    %swap3A_1040 = arith.constant 141 : index
    %swap3A_1041 = arith.constant 0 : index
    %swap3A_1042 = arith.constant 0 : index
    %swap3A_1043 = vector.load %arg4[%swap3A_1040, %swap3A_1041, %swap3A_1042] : memref<473x8x128xf32, #tpu.memory_space<vmem>>, vector<1x8x128xf32>
    %swap3A_1044 = vector.shape_cast %swap3A_1043 : vector<1x8x128xf32> to vector<8x128xf32>
    %swap3A_1045 = vector.shape_cast %slice3A_1039 : vector<8x128xf32> to vector<1x8x128xf32>
    tpu.vector_store %arg4[%swap3A_1040, %swap3A_1041, %swap3A_1042], %swap3A_1045 {strides = array<i32>} : memref<473x8x128xf32, #tpu.memory_space<vmem>>, vector<1x8x128xf32>,
    %slice3A_1046 = vector.extract_strided_slice %concatenate3A {offsets = [0, 18176], sizes = [8, 128], strides = [1, 1]} : vector<8x20096xf32> to vector<8x128xf32>
    %swap3A_1047 = arith.constant 142 : index
    %swap3A_1048 = arith.constant 0 : index
    %swap3A_1049 = arith.constant 0 : index
    %swap3A_1050 = vector.load %arg4[%swap3A_1047, %swap3A_1048, %swap3A_1049] : memref<473x8x128xf32, #tpu.memory_space<vmem>>, vector<1x8x128xf32>
    %swap3A_1051 = vector.shape_cast %swap3A_1050 : vector<1x8x128xf32> to vector<8x128xf32>
    %swap3A_1052 = vector.shape_cast %slice3A_1046 : vector<8x128xf32> to vector<1x8x128xf32>
    tpu.vector_store %arg4[%swap3A_1047, %swap3A_1048, %swap3A_1049], %swap3A_1052 {strides = array<i32>} : memref<473x8x128xf32, #tpu.memory_space<vmem>>, vector<1x8x128xf32>,
    %slice3A_1053 = vector.extract_strided_slice %concatenate3A {offsets = [0, 18304], sizes = [8, 128], strides = [1, 1]} : vector<8x20096xf32> to vector<8x128xf32>
    %swap3A_1054 = arith.constant 143 : index
    %swap3A_1055 = arith.constant 0 : index
    %swap3A_1056 = arith.constant 0 : index
    %swap3A_1057 = vector.load %arg4[%swap3A_1054, %swap3A_1055, %swap3A_1056] : memref<473x8x128xf32, #tpu.memory_space<vmem>>, vector<1x8x128xf32>
    %swap3A_1058 = vector.shape_cast %swap3A_1057 : vector<1x8x128xf32> to vector<8x128xf32>
    %swap3A_1059 = vector.shape_cast %slice3A_1053 : vector<8x128xf32> to vector<1x8x128xf32>
    tpu.vector_store %arg4[%swap3A_1054, %swap3A_1055, %swap3A_1056], %swap3A_1059 {strides = array<i32>} : memref<473x8x128xf32, #tpu.memory_space<vmem>>, vector<1x8x128xf32>,
    %slice3A_1060 = vector.extract_strided_slice %concatenate3A {offsets = [0, 18432], sizes = [8, 128], strides = [1, 1]} : vector<8x20096xf32> to vector<8x128xf32>
    %swap3A_1061 = arith.constant 144 : index
    %swap3A_1062 = arith.constant 0 : index
    %swap3A_1063 = arith.constant 0 : index
    %swap3A_1064 = vector.load %arg4[%swap3A_1061, %swap3A_1062, %swap3A_1063] : memref<473x8x128xf32, #tpu.memory_space<vmem>>, vector<1x8x128xf32>
    %swap3A_1065 = vector.shape_cast %swap3A_1064 : vector<1x8x128xf32> to vector<8x128xf32>
    %swap3A_1066 = vector.shape_cast %slice3A_1060 : vector<8x128xf32> to vector<1x8x128xf32>
    tpu.vector_store %arg4[%swap3A_1061, %swap3A_1062, %swap3A_1063], %swap3A_1066 {strides = array<i32>} : memref<473x8x128xf32, #tpu.memory_space<vmem>>, vector<1x8x128xf32>,
    %slice3A_1067 = vector.extract_strided_slice %concatenate3A {offsets = [0, 18560], sizes = [8, 128], strides = [1, 1]} : vector<8x20096xf32> to vector<8x128xf32>
    %swap3A_1068 = arith.constant 145 : index
    %swap3A_1069 = arith.constant 0 : index
    %swap3A_1070 = arith.constant 0 : index
    %swap3A_1071 = vector.load %arg4[%swap3A_1068, %swap3A_1069, %swap3A_1070] : memref<473x8x128xf32, #tpu.memory_space<vmem>>, vector<1x8x128xf32>
    %swap3A_1072 = vector.shape_cast %swap3A_1071 : vector<1x8x128xf32> to vector<8x128xf32>
    %swap3A_1073 = vector.shape_cast %slice3A_1067 : vector<8x128xf32> to vector<1x8x128xf32>
    tpu.vector_store %arg4[%swap3A_1068, %swap3A_1069, %swap3A_1070], %swap3A_1073 {strides = array<i32>} : memref<473x8x128xf32, #tpu.memory_space<vmem>>, vector<1x8x128xf32>,
    %slice3A_1074 = vector.extract_strided_slice %concatenate3A {offsets = [0, 18688], sizes = [8, 128], strides = [1, 1]} : vector<8x20096xf32> to vector<8x128xf32>
    %swap3A_1075 = arith.constant 146 : index
    %swap3A_1076 = arith.constant 0 : index
    %swap3A_1077 = arith.constant 0 : index
    %swap3A_1078 = vector.load %arg4[%swap3A_1075, %swap3A_1076, %swap3A_1077] : memref<473x8x128xf32, #tpu.memory_space<vmem>>, vector<1x8x128xf32>
    %swap3A_1079 = vector.shape_cast %swap3A_1078 : vector<1x8x128xf32> to vector<8x128xf32>
    %swap3A_1080 = vector.shape_cast %slice3A_1074 : vector<8x128xf32> to vector<1x8x128xf32>
    tpu.vector_store %arg4[%swap3A_1075, %swap3A_1076, %swap3A_1077], %swap3A_1080 {strides = array<i32>} : memref<473x8x128xf32, #tpu.memory_space<vmem>>, vector<1x8x128xf32>,
    %slice3A_1081 = vector.extract_strided_slice %concatenate3A {offsets = [0, 18816], sizes = [8, 128], strides = [1, 1]} : vector<8x20096xf32> to vector<8x128xf32>
    %swap3A_1082 = arith.constant 147 : index
    %swap3A_1083 = arith.constant 0 : index
    %swap3A_1084 = arith.constant 0 : index
    %swap3A_1085 = vector.load %arg4[%swap3A_1082, %swap3A_1083, %swap3A_1084] : memref<473x8x128xf32, #tpu.memory_space<vmem>>, vector<1x8x128xf32>
    %swap3A_1086 = vector.shape_cast %swap3A_1085 : vector<1x8x128xf32> to vector<8x128xf32>
    %swap3A_1087 = vector.shape_cast %slice3A_1081 : vector<8x128xf32> to vector<1x8x128xf32>
    tpu.vector_store %arg4[%swap3A_1082, %swap3A_1083, %swap3A_1084], %swap3A_1087 {strides = array<i32>} : memref<473x8x128xf32, #tpu.memory_space<vmem>>, vector<1x8x128xf32>,
    %slice3A_1088 = vector.extract_strided_slice %concatenate3A {offsets = [0, 18944], sizes = [8, 128], strides = [1, 1]} : vector<8x20096xf32> to vector<8x128xf32>
    %swap3A_1089 = arith.constant 148 : index
    %swap3A_1090 = arith.constant 0 : index
    %swap3A_1091 = arith.constant 0 : index
    %swap3A_1092 = vector.load %arg4[%swap3A_1089, %swap3A_1090, %swap3A_1091] : memref<473x8x128xf32, #tpu.memory_space<vmem>>, vector<1x8x128xf32>
    %swap3A_1093 = vector.shape_cast %swap3A_1092 : vector<1x8x128xf32> to vector<8x128xf32>
    %swap3A_1094 = vector.shape_cast %slice3A_1088 : vector<8x128xf32> to vector<1x8x128xf32>
    tpu.vector_store %arg4[%swap3A_1089, %swap3A_1090, %swap3A_1091], %swap3A_1094 {strides = array<i32>} : memref<473x8x128xf32, #tpu.memory_space<vmem>>, vector<1x8x128xf32>,
    %slice3A_1095 = vector.extract_strided_slice %concatenate3A {offsets = [0, 19072], sizes = [8, 128], strides = [1, 1]} : vector<8x20096xf32> to vector<8x128xf32>
    %swap3A_1096 = arith.constant 149 : index
    %swap3A_1097 = arith.constant 0 : index
    %swap3A_1098 = arith.constant 0 : index
    %swap3A_1099 = vector.load %arg4[%swap3A_1096, %swap3A_1097, %swap3A_1098] : memref<473x8x128xf32, #tpu.memory_space<vmem>>, vector<1x8x128xf32>
    %swap3A_1100 = vector.shape_cast %swap3A_1099 : vector<1x8x128xf32> to vector<8x128xf32>
    %swap3A_1101 = vector.shape_cast %slice3A_1095 : vector<8x128xf32> to vector<1x8x128xf32>
    tpu.vector_store %arg4[%swap3A_1096, %swap3A_1097, %swap3A_1098], %swap3A_1101 {strides = array<i32>} : memref<473x8x128xf32, #tpu.memory_space<vmem>>, vector<1x8x128xf32>,
    %slice3A_1102 = vector.extract_strided_slice %concatenate3A {offsets = [0, 19200], sizes = [8, 128], strides = [1, 1]} : vector<8x20096xf32> to vector<8x128xf32>
    %swap3A_1103 = arith.constant 150 : index
    %swap3A_1104 = arith.constant 0 : index
    %swap3A_1105 = arith.constant 0 : index
    %swap3A_1106 = vector.load %arg4[%swap3A_1103, %swap3A_1104, %swap3A_1105] : memref<473x8x128xf32, #tpu.memory_space<vmem>>, vector<1x8x128xf32>
    %swap3A_1107 = vector.shape_cast %swap3A_1106 : vector<1x8x128xf32> to vector<8x128xf32>
    %swap3A_1108 = vector.shape_cast %slice3A_1102 : vector<8x128xf32> to vector<1x8x128xf32>
    tpu.vector_store %arg4[%swap3A_1103, %swap3A_1104, %swap3A_1105], %swap3A_1108 {strides = array<i32>} : memref<473x8x128xf32, #tpu.memory_space<vmem>>, vector<1x8x128xf32>,
    %slice3A_1109 = vector.extract_strided_slice %concatenate3A {offsets = [0, 19328], sizes = [8, 128], strides = [1, 1]} : vector<8x20096xf32> to vector<8x128xf32>
    %swap3A_1110 = arith.constant 151 : index
    %swap3A_1111 = arith.constant 0 : index
    %swap3A_1112 = arith.constant 0 : index
    %swap3A_1113 = vector.load %arg4[%swap3A_1110, %swap3A_1111, %swap3A_1112] : memref<473x8x128xf32, #tpu.memory_space<vmem>>, vector<1x8x128xf32>
    %swap3A_1114 = vector.shape_cast %swap3A_1113 : vector<1x8x128xf32> to vector<8x128xf32>
    %swap3A_1115 = vector.shape_cast %slice3A_1109 : vector<8x128xf32> to vector<1x8x128xf32>
    tpu.vector_store %arg4[%swap3A_1110, %swap3A_1111, %swap3A_1112], %swap3A_1115 {strides = array<i32>} : memref<473x8x128xf32, #tpu.memory_space<vmem>>, vector<1x8x128xf32>,
    %slice3A_1116 = vector.extract_strided_slice %concatenate3A {offsets = [0, 19456], sizes = [8, 128], strides = [1, 1]} : vector<8x20096xf32> to vector<8x128xf32>
    %swap3A_1117 = arith.constant 152 : index
    %swap3A_1118 = arith.constant 0 : index
    %swap3A_1119 = arith.constant 0 : index
    %swap3A_1120 = vector.load %arg4[%swap3A_1117, %swap3A_1118, %swap3A_1119] : memref<473x8x128xf32, #tpu.memory_space<vmem>>, vector<1x8x128xf32>
    %swap3A_1121 = vector.shape_cast %swap3A_1120 : vector<1x8x128xf32> to vector<8x128xf32>
    %swap3A_1122 = vector.shape_cast %slice3A_1116 : vector<8x128xf32> to vector<1x8x128xf32>
    tpu.vector_store %arg4[%swap3A_1117, %swap3A_1118, %swap3A_1119], %swap3A_1122 {strides = array<i32>} : memref<473x8x128xf32, #tpu.memory_space<vmem>>, vector<1x8x128xf32>,
    %slice3A_1123 = vector.extract_strided_slice %concatenate3A {offsets = [0, 19584], sizes = [8, 128], strides = [1, 1]} : vector<8x20096xf32> to vector<8x128xf32>
    %swap3A_1124 = arith.constant 153 : index
    %swap3A_1125 = arith.constant 0 : index
    %swap3A_1126 = arith.constant 0 : index
    %swap3A_1127 = vector.load %arg4[%swap3A_1124, %swap3A_1125, %swap3A_1126] : memref<473x8x128xf32, #tpu.memory_space<vmem>>, vector<1x8x128xf32>
    %swap3A_1128 = vector.shape_cast %swap3A_1127 : vector<1x8x128xf32> to vector<8x128xf32>
    %swap3A_1129 = vector.shape_cast %slice3A_1123 : vector<8x128xf32> to vector<1x8x128xf32>
    tpu.vector_store %arg4[%swap3A_1124, %swap3A_1125, %swap3A_1126], %swap3A_1129 {strides = array<i32>} : memref<473x8x128xf32, #tpu.memory_space<vmem>>, vector<1x8x128xf32>,
    %slice3A_1130 = vector.extract_strided_slice %concatenate3A {offsets = [0, 19712], sizes = [8, 128], strides = [1, 1]} : vector<8x20096xf32> to vector<8x128xf32>
    %swap3A_1131 = arith.constant 154 : index
    %swap3A_1132 = arith.constant 0 : index
    %swap3A_1133 = arith.constant 0 : index
    %swap3A_1134 = vector.load %arg4[%swap3A_1131, %swap3A_1132, %swap3A_1133] : memref<473x8x128xf32, #tpu.memory_space<vmem>>, vector<1x8x128xf32>
    %swap3A_1135 = vector.shape_cast %swap3A_1134 : vector<1x8x128xf32> to vector<8x128xf32>
    %swap3A_1136 = vector.shape_cast %slice3A_1130 : vector<8x128xf32> to vector<1x8x128xf32>
    tpu.vector_store %arg4[%swap3A_1131, %swap3A_1132, %swap3A_1133], %swap3A_1136 {strides = array<i32>} : memref<473x8x128xf32, #tpu.memory_space<vmem>>, vector<1x8x128xf32>,
    %slice3A_1137 = vector.extract_strided_slice %concatenate3A {offsets = [0, 19840], sizes = [8, 128], strides = [1, 1]} : vector<8x20096xf32> to vector<8x128xf32>
    %swap3A_1138 = arith.constant 155 : index
    %swap3A_1139 = arith.constant 0 : index
    %swap3A_1140 = arith.constant 0 : index
    %swap3A_1141 = vector.load %arg4[%swap3A_1138, %swap3A_1139, %swap3A_1140] : memref<473x8x128xf32, #tpu.memory_space<vmem>>, vector<1x8x128xf32>
    %swap3A_1142 = vector.shape_cast %swap3A_1141 : vector<1x8x128xf32> to vector<8x128xf32>
    %swap3A_1143 = vector.shape_cast %slice3A_1137 : vector<8x128xf32> to vector<1x8x128xf32>
    tpu.vector_store %arg4[%swap3A_1138, %swap3A_1139, %swap3A_1140], %swap3A_1143 {strides = array<i32>} : memref<473x8x128xf32, #tpu.memory_space<vmem>>, vector<1x8x128xf32>,
    %slice3A_1144 = vector.extract_strided_slice %concatenate3A {offsets = [0, 19968], sizes = [8, 128], strides = [1, 1]} : vector<8x20096xf32> to vector<8x128xf32>
    %swap3A_1145 = arith.constant 156 : index
    %swap3A_1146 = arith.constant 0 : index
    %swap3A_1147 = arith.constant 0 : index
    %swap3A_1148 = vector.load %arg4[%swap3A_1145, %swap3A_1146, %swap3A_1147] : memref<473x8x128xf32, #tpu.memory_space<vmem>>, vector<1x8x128xf32>
    %swap3A_1149 = vector.shape_cast %swap3A_1148 : vector<1x8x128xf32> to vector<8x128xf32>
    %swap3A_1150 = vector.shape_cast %slice3A_1144 : vector<8x128xf32> to vector<1x8x128xf32>
    tpu.vector_store %arg4[%swap3A_1145, %swap3A_1146, %swap3A_1147], %swap3A_1150 {strides = array<i32>} : memref<473x8x128xf32, #tpu.memory_space<vmem>>, vector<1x8x128xf32>,
    %slice3A_1151 = vector.extract_strided_slice %concatenate3A_48 {offsets = [0, 0], sizes = [8, 128], strides = [1, 1]} : vector<8x20096xf32> to vector<8x128xf32>
    %swap3A_1152 = arith.constant 157 : index
    %swap3A_1153 = arith.constant 0 : index
    %swap3A_1154 = arith.constant 0 : index
    %swap3A_1155 = vector.load %arg4[%swap3A_1152, %swap3A_1153, %swap3A_1154] : memref<473x8x128xf32, #tpu.memory_space<vmem>>, vector<1x8x128xf32>
    %swap3A_1156 = vector.shape_cast %swap3A_1155 : vector<1x8x128xf32> to vector<8x128xf32>
    %swap3A_1157 = vector.shape_cast %slice3A_1151 : vector<8x128xf32> to vector<1x8x128xf32>
    tpu.vector_store %arg4[%swap3A_1152, %swap3A_1153, %swap3A_1154], %swap3A_1157 {strides = array<i32>} : memref<473x8x128xf32, #tpu.memory_space<vmem>>, vector<1x8x128xf32>,
    %slice3A_1158 = vector.extract_strided_slice %concatenate3A_48 {offsets = [0, 128], sizes = [8, 128], strides = [1, 1]} : vector<8x20096xf32> to vector<8x128xf32>
    %swap3A_1159 = arith.constant 158 : index
    %swap3A_1160 = arith.constant 0 : index
    %swap3A_1161 = arith.constant 0 : index
    %swap3A_1162 = vector.load %arg4[%swap3A_1159, %swap3A_1160, %swap3A_1161] : memref<473x8x128xf32, #tpu.memory_space<vmem>>, vector<1x8x128xf32>
    %swap3A_1163 = vector.shape_cast %swap3A_1162 : vector<1x8x128xf32> to vector<8x128xf32>
    %swap3A_1164 = vector.shape_cast %slice3A_1158 : vector<8x128xf32> to vector<1x8x128xf32>
    tpu.vector_store %arg4[%swap3A_1159, %swap3A_1160, %swap3A_1161], %swap3A_1164 {strides = array<i32>} : memref<473x8x128xf32, #tpu.memory_space<vmem>>, vector<1x8x128xf32>,
    %slice3A_1165 = vector.extract_strided_slice %concatenate3A_48 {offsets = [0, 256], sizes = [8, 128], strides = [1, 1]} : vector<8x20096xf32> to vector<8x128xf32>
    %swap3A_1166 = arith.constant 159 : index
    %swap3A_1167 = arith.constant 0 : index
    %swap3A_1168 = arith.constant 0 : index
    %swap3A_1169 = vector.load %arg4[%swap3A_1166, %swap3A_1167, %swap3A_1168] : memref<473x8x128xf32, #tpu.memory_space<vmem>>, vector<1x8x128xf32>
    %swap3A_1170 = vector.shape_cast %swap3A_1169 : vector<1x8x128xf32> to vector<8x128xf32>
    %swap3A_1171 = vector.shape_cast %slice3A_1165 : vector<8x128xf32> to vector<1x8x128xf32>
    tpu.vector_store %arg4[%swap3A_1166, %swap3A_1167, %swap3A_1168], %swap3A_1171 {strides = array<i32>} : memref<473x8x128xf32, #tpu.memory_space<vmem>>, vector<1x8x128xf32>,
    %slice3A_1172 = vector.extract_strided_slice %concatenate3A_48 {offsets = [0, 384], sizes = [8, 128], strides = [1, 1]} : vector<8x20096xf32> to vector<8x128xf32>
    %swap3A_1173 = arith.constant 160 : index
    %swap3A_1174 = arith.constant 0 : index
    %swap3A_1175 = arith.constant 0 : index
    %swap3A_1176 = vector.load %arg4[%swap3A_1173, %swap3A_1174, %swap3A_1175] : memref<473x8x128xf32, #tpu.memory_space<vmem>>, vector<1x8x128xf32>
    %swap3A_1177 = vector.shape_cast %swap3A_1176 : vector<1x8x128xf32> to vector<8x128xf32>
    %swap3A_1178 = vector.shape_cast %slice3A_1172 : vector<8x128xf32> to vector<1x8x128xf32>
    tpu.vector_store %arg4[%swap3A_1173, %swap3A_1174, %swap3A_1175], %swap3A_1178 {strides = array<i32>} : memref<473x8x128xf32, #tpu.memory_space<vmem>>, vector<1x8x128xf32>,
    %slice3A_1179 = vector.extract_strided_slice %concatenate3A_48 {offsets = [0, 512], sizes = [8, 128], strides = [1, 1]} : vector<8x20096xf32> to vector<8x128xf32>
    %swap3A_1180 = arith.constant 161 : index
    %swap3A_1181 = arith.constant 0 : index
    %swap3A_1182 = arith.constant 0 : index
    %swap3A_1183 = vector.load %arg4[%swap3A_1180, %swap3A_1181, %swap3A_1182] : memref<473x8x128xf32, #tpu.memory_space<vmem>>, vector<1x8x128xf32>
    %swap3A_1184 = vector.shape_cast %swap3A_1183 : vector<1x8x128xf32> to vector<8x128xf32>
    %swap3A_1185 = vector.shape_cast %slice3A_1179 : vector<8x128xf32> to vector<1x8x128xf32>
    tpu.vector_store %arg4[%swap3A_1180, %swap3A_1181, %swap3A_1182], %swap3A_1185 {strides = array<i32>} : memref<473x8x128xf32, #tpu.memory_space<vmem>>, vector<1x8x128xf32>,
    %slice3A_1186 = vector.extract_strided_slice %concatenate3A_48 {offsets = [0, 640], sizes = [8, 128], strides = [1, 1]} : vector<8x20096xf32> to vector<8x128xf32>
    %swap3A_1187 = arith.constant 162 : index
    %swap3A_1188 = arith.constant 0 : index
    %swap3A_1189 = arith.constant 0 : index
    %swap3A_1190 = vector.load %arg4[%swap3A_1187, %swap3A_1188, %swap3A_1189] : memref<473x8x128xf32, #tpu.memory_space<vmem>>, vector<1x8x128xf32>
    %swap3A_1191 = vector.shape_cast %swap3A_1190 : vector<1x8x128xf32> to vector<8x128xf32>
    %swap3A_1192 = vector.shape_cast %slice3A_1186 : vector<8x128xf32> to vector<1x8x128xf32>
    tpu.vector_store %arg4[%swap3A_1187, %swap3A_1188, %swap3A_1189], %swap3A_1192 {strides = array<i32>} : memref<473x8x128xf32, #tpu.memory_space<vmem>>, vector<1x8x128xf32>,
    %slice3A_1193 = vector.extract_strided_slice %concatenate3A_48 {offsets = [0, 768], sizes = [8, 128], strides = [1, 1]} : vector<8x20096xf32> to vector<8x128xf32>
    %swap3A_1194 = arith.constant 163 : index
    %swap3A_1195 = arith.constant 0 : index
    %swap3A_1196 = arith.constant 0 : index
    %swap3A_1197 = vector.load %arg4[%swap3A_1194, %swap3A_1195, %swap3A_1196] : memref<473x8x128xf32, #tpu.memory_space<vmem>>, vector<1x8x128xf32>
    %swap3A_1198 = vector.shape_cast %swap3A_1197 : vector<1x8x128xf32> to vector<8x128xf32>
    %swap3A_1199 = vector.shape_cast %slice3A_1193 : vector<8x128xf32> to vector<1x8x128xf32>
    tpu.vector_store %arg4[%swap3A_1194, %swap3A_1195, %swap3A_1196], %swap3A_1199 {strides = array<i32>} : memref<473x8x128xf32, #tpu.memory_space<vmem>>, vector<1x8x128xf32>,
    %slice3A_1200 = vector.extract_strided_slice %concatenate3A_48 {offsets = [0, 896], sizes = [8, 128], strides = [1, 1]} : vector<8x20096xf32> to vector<8x128xf32>
    %swap3A_1201 = arith.constant 164 : index
    %swap3A_1202 = arith.constant 0 : index
    %swap3A_1203 = arith.constant 0 : index
    %swap3A_1204 = vector.load %arg4[%swap3A_1201, %swap3A_1202, %swap3A_1203] : memref<473x8x128xf32, #tpu.memory_space<vmem>>, vector<1x8x128xf32>
    %swap3A_1205 = vector.shape_cast %swap3A_1204 : vector<1x8x128xf32> to vector<8x128xf32>
    %swap3A_1206 = vector.shape_cast %slice3A_1200 : vector<8x128xf32> to vector<1x8x128xf32>
    tpu.vector_store %arg4[%swap3A_1201, %swap3A_1202, %swap3A_1203], %swap3A_1206 {strides = array<i32>} : memref<473x8x128xf32, #tpu.memory_space<vmem>>, vector<1x8x128xf32>,
    %slice3A_1207 = vector.extract_strided_slice %concatenate3A_48 {offsets = [0, 1024], sizes = [8, 128], strides = [1, 1]} : vector<8x20096xf32> to vector<8x128xf32>
    %swap3A_1208 = arith.constant 165 : index
    %swap3A_1209 = arith.constant 0 : index
    %swap3A_1210 = arith.constant 0 : index
    %swap3A_1211 = vector.load %arg4[%swap3A_1208, %swap3A_1209, %swap3A_1210] : memref<473x8x128xf32, #tpu.memory_space<vmem>>, vector<1x8x128xf32>
    %swap3A_1212 = vector.shape_cast %swap3A_1211 : vector<1x8x128xf32> to vector<8x128xf32>
    %swap3A_1213 = vector.shape_cast %slice3A_1207 : vector<8x128xf32> to vector<1x8x128xf32>
    tpu.vector_store %arg4[%swap3A_1208, %swap3A_1209, %swap3A_1210], %swap3A_1213 {strides = array<i32>} : memref<473x8x128xf32, #tpu.memory_space<vmem>>, vector<1x8x128xf32>,
    %slice3A_1214 = vector.extract_strided_slice %concatenate3A_48 {offsets = [0, 1152], sizes = [8, 128], strides = [1, 1]} : vector<8x20096xf32> to vector<8x128xf32>
    %swap3A_1215 = arith.constant 166 : index
    %swap3A_1216 = arith.constant 0 : index
    %swap3A_1217 = arith.constant 0 : index
    %swap3A_1218 = vector.load %arg4[%swap3A_1215, %swap3A_1216, %swap3A_1217] : memref<473x8x128xf32, #tpu.memory_space<vmem>>, vector<1x8x128xf32>
    %swap3A_1219 = vector.shape_cast %swap3A_1218 : vector<1x8x128xf32> to vector<8x128xf32>
    %swap3A_1220 = vector.shape_cast %slice3A_1214 : vector<8x128xf32> to vector<1x8x128xf32>
    tpu.vector_store %arg4[%swap3A_1215, %swap3A_1216, %swap3A_1217], %swap3A_1220 {strides = array<i32>} : memref<473x8x128xf32, #tpu.memory_space<vmem>>, vector<1x8x128xf32>,
    %slice3A_1221 = vector.extract_strided_slice %concatenate3A_48 {offsets = [0, 1280], sizes = [8, 128], strides = [1, 1]} : vector<8x20096xf32> to vector<8x128xf32>
    %swap3A_1222 = arith.constant 167 : index
    %swap3A_1223 = arith.constant 0 : index
    %swap3A_1224 = arith.constant 0 : index
    %swap3A_1225 = vector.load %arg4[%swap3A_1222, %swap3A_1223, %swap3A_1224] : memref<473x8x128xf32, #tpu.memory_space<vmem>>, vector<1x8x128xf32>
    %swap3A_1226 = vector.shape_cast %swap3A_1225 : vector<1x8x128xf32> to vector<8x128xf32>
    %swap3A_1227 = vector.shape_cast %slice3A_1221 : vector<8x128xf32> to vector<1x8x128xf32>
    tpu.vector_store %arg4[%swap3A_1222, %swap3A_1223, %swap3A_1224], %swap3A_1227 {strides = array<i32>} : memref<473x8x128xf32, #tpu.memory_space<vmem>>, vector<1x8x128xf32>,
    %slice3A_1228 = vector.extract_strided_slice %concatenate3A_48 {offsets = [0, 1408], sizes = [8, 128], strides = [1, 1]} : vector<8x20096xf32> to vector<8x128xf32>
    %swap3A_1229 = arith.constant 168 : index
    %swap3A_1230 = arith.constant 0 : index
    %swap3A_1231 = arith.constant 0 : index
    %swap3A_1232 = vector.load %arg4[%swap3A_1229, %swap3A_1230, %swap3A_1231] : memref<473x8x128xf32, #tpu.memory_space<vmem>>, vector<1x8x128xf32>
    %swap3A_1233 = vector.shape_cast %swap3A_1232 : vector<1x8x128xf32> to vector<8x128xf32>
    %swap3A_1234 = vector.shape_cast %slice3A_1228 : vector<8x128xf32> to vector<1x8x128xf32>
    tpu.vector_store %arg4[%swap3A_1229, %swap3A_1230, %swap3A_1231], %swap3A_1234 {strides = array<i32>} : memref<473x8x128xf32, #tpu.memory_space<vmem>>, vector<1x8x128xf32>,
    %slice3A_1235 = vector.extract_strided_slice %concatenate3A_48 {offsets = [0, 1536], sizes = [8, 128], strides = [1, 1]} : vector<8x20096xf32> to vector<8x128xf32>
    %swap3A_1236 = arith.constant 169 : index
    %swap3A_1237 = arith.constant 0 : index
    %swap3A_1238 = arith.constant 0 : index
    %swap3A_1239 = vector.load %arg4[%swap3A_1236, %swap3A_1237, %swap3A_1238] : memref<473x8x128xf32, #tpu.memory_space<vmem>>, vector<1x8x128xf32>
    %swap3A_1240 = vector.shape_cast %swap3A_1239 : vector<1x8x128xf32> to vector<8x128xf32>
    %swap3A_1241 = vector.shape_cast %slice3A_1235 : vector<8x128xf32> to vector<1x8x128xf32>
    tpu.vector_store %arg4[%swap3A_1236, %swap3A_1237, %swap3A_1238], %swap3A_1241 {strides = array<i32>} : memref<473x8x128xf32, #tpu.memory_space<vmem>>, vector<1x8x128xf32>,
    %slice3A_1242 = vector.extract_strided_slice %concatenate3A_48 {offsets = [0, 1664], sizes = [8, 128], strides = [1, 1]} : vector<8x20096xf32> to vector<8x128xf32>
    %swap3A_1243 = arith.constant 170 : index
    %swap3A_1244 = arith.constant 0 : index
    %swap3A_1245 = arith.constant 0 : index
    %swap3A_1246 = vector.load %arg4[%swap3A_1243, %swap3A_1244, %swap3A_1245] : memref<473x8x128xf32, #tpu.memory_space<vmem>>, vector<1x8x128xf32>
    %swap3A_1247 = vector.shape_cast %swap3A_1246 : vector<1x8x128xf32> to vector<8x128xf32>
    %swap3A_1248 = vector.shape_cast %slice3A_1242 : vector<8x128xf32> to vector<1x8x128xf32>
    tpu.vector_store %arg4[%swap3A_1243, %swap3A_1244, %swap3A_1245], %swap3A_1248 {strides = array<i32>} : memref<473x8x128xf32, #tpu.memory_space<vmem>>, vector<1x8x128xf32>,
    %slice3A_1249 = vector.extract_strided_slice %concatenate3A_48 {offsets = [0, 1792], sizes = [8, 128], strides = [1, 1]} : vector<8x20096xf32> to vector<8x128xf32>
    %swap3A_1250 = arith.constant 171 : index
    %swap3A_1251 = arith.constant 0 : index
    %swap3A_1252 = arith.constant 0 : index
    %swap3A_1253 = vector.load %arg4[%swap3A_1250, %swap3A_1251, %swap3A_1252] : memref<473x8x128xf32, #tpu.memory_space<vmem>>, vector<1x8x128xf32>
    %swap3A_1254 = vector.shape_cast %swap3A_1253 : vector<1x8x128xf32> to vector<8x128xf32>
    %swap3A_1255 = vector.shape_cast %slice3A_1249 : vector<8x128xf32> to vector<1x8x128xf32>
    tpu.vector_store %arg4[%swap3A_1250, %swap3A_1251, %swap3A_1252], %swap3A_1255 {strides = array<i32>} : memref<473x8x128xf32, #tpu.memory_space<vmem>>, vector<1x8x128xf32>,
    %slice3A_1256 = vector.extract_strided_slice %concatenate3A_48 {offsets = [0, 1920], sizes = [8, 128], strides = [1, 1]} : vector<8x20096xf32> to vector<8x128xf32>
    %swap3A_1257 = arith.constant 172 : index
    %swap3A_1258 = arith.constant 0 : index
    %swap3A_1259 = arith.constant 0 : index
    %swap3A_1260 = vector.load %arg4[%swap3A_1257, %swap3A_1258, %swap3A_1259] : memref<473x8x128xf32, #tpu.memory_space<vmem>>, vector<1x8x128xf32>
    %swap3A_1261 = vector.shape_cast %swap3A_1260 : vector<1x8x128xf32> to vector<8x128xf32>
    %swap3A_1262 = vector.shape_cast %slice3A_1256 : vector<8x128xf32> to vector<1x8x128xf32>
    tpu.vector_store %arg4[%swap3A_1257, %swap3A_1258, %swap3A_1259], %swap3A_1262 {strides = array<i32>} : memref<473x8x128xf32, #tpu.memory_space<vmem>>, vector<1x8x128xf32>,
    %slice3A_1263 = vector.extract_strided_slice %concatenate3A_48 {offsets = [0, 2048], sizes = [8, 128], strides = [1, 1]} : vector<8x20096xf32> to vector<8x128xf32>
    %swap3A_1264 = arith.constant 173 : index
    %swap3A_1265 = arith.constant 0 : index
    %swap3A_1266 = arith.constant 0 : index
    %swap3A_1267 = vector.load %arg4[%swap3A_1264, %swap3A_1265, %swap3A_1266] : memref<473x8x128xf32, #tpu.memory_space<vmem>>, vector<1x8x128xf32>
    %swap3A_1268 = vector.shape_cast %swap3A_1267 : vector<1x8x128xf32> to vector<8x128xf32>
    %swap3A_1269 = vector.shape_cast %slice3A_1263 : vector<8x128xf32> to vector<1x8x128xf32>
    tpu.vector_store %arg4[%swap3A_1264, %swap3A_1265, %swap3A_1266], %swap3A_1269 {strides = array<i32>} : memref<473x8x128xf32, #tpu.memory_space<vmem>>, vector<1x8x128xf32>,
    %slice3A_1270 = vector.extract_strided_slice %concatenate3A_48 {offsets = [0, 2176], sizes = [8, 128], strides = [1, 1]} : vector<8x20096xf32> to vector<8x128xf32>
    %swap3A_1271 = arith.constant 174 : index
    %swap3A_1272 = arith.constant 0 : index
    %swap3A_1273 = arith.constant 0 : index
    %swap3A_1274 = vector.load %arg4[%swap3A_1271, %swap3A_1272, %swap3A_1273] : memref<473x8x128xf32, #tpu.memory_space<vmem>>, vector<1x8x128xf32>
    %swap3A_1275 = vector.shape_cast %swap3A_1274 : vector<1x8x128xf32> to vector<8x128xf32>
    %swap3A_1276 = vector.shape_cast %slice3A_1270 : vector<8x128xf32> to vector<1x8x128xf32>
    tpu.vector_store %arg4[%swap3A_1271, %swap3A_1272, %swap3A_1273], %swap3A_1276 {strides = array<i32>} : memref<473x8x128xf32, #tpu.memory_space<vmem>>, vector<1x8x128xf32>,
    %slice3A_1277 = vector.extract_strided_slice %concatenate3A_48 {offsets = [0, 2304], sizes = [8, 128], strides = [1, 1]} : vector<8x20096xf32> to vector<8x128xf32>
    %swap3A_1278 = arith.constant 175 : index
    %swap3A_1279 = arith.constant 0 : index
    %swap3A_1280 = arith.constant 0 : index
    %swap3A_1281 = vector.load %arg4[%swap3A_1278, %swap3A_1279, %swap3A_1280] : memref<473x8x128xf32, #tpu.memory_space<vmem>>, vector<1x8x128xf32>
    %swap3A_1282 = vector.shape_cast %swap3A_1281 : vector<1x8x128xf32> to vector<8x128xf32>
    %swap3A_1283 = vector.shape_cast %slice3A_1277 : vector<8x128xf32> to vector<1x8x128xf32>
    tpu.vector_store %arg4[%swap3A_1278, %swap3A_1279, %swap3A_1280], %swap3A_1283 {strides = array<i32>} : memref<473x8x128xf32, #tpu.memory_space<vmem>>, vector<1x8x128xf32>,
    %slice3A_1284 = vector.extract_strided_slice %concatenate3A_48 {offsets = [0, 2432], sizes = [8, 128], strides = [1, 1]} : vector<8x20096xf32> to vector<8x128xf32>
    %swap3A_1285 = arith.constant 176 : index
    %swap3A_1286 = arith.constant 0 : index
    %swap3A_1287 = arith.constant 0 : index
    %swap3A_1288 = vector.load %arg4[%swap3A_1285, %swap3A_1286, %swap3A_1287] : memref<473x8x128xf32, #tpu.memory_space<vmem>>, vector<1x8x128xf32>
    %swap3A_1289 = vector.shape_cast %swap3A_1288 : vector<1x8x128xf32> to vector<8x128xf32>
    %swap3A_1290 = vector.shape_cast %slice3A_1284 : vector<8x128xf32> to vector<1x8x128xf32>
    tpu.vector_store %arg4[%swap3A_1285, %swap3A_1286, %swap3A_1287], %swap3A_1290 {strides = array<i32>} : memref<473x8x128xf32, #tpu.memory_space<vmem>>, vector<1x8x128xf32>,
    %slice3A_1291 = vector.extract_strided_slice %concatenate3A_48 {offsets = [0, 2560], sizes = [8, 128], strides = [1, 1]} : vector<8x20096xf32> to vector<8x128xf32>
    %swap3A_1292 = arith.constant 177 : index
    %swap3A_1293 = arith.constant 0 : index
    %swap3A_1294 = arith.constant 0 : index
    %swap3A_1295 = vector.load %arg4[%swap3A_1292, %swap3A_1293, %swap3A_1294] : memref<473x8x128xf32, #tpu.memory_space<vmem>>, vector<1x8x128xf32>
    %swap3A_1296 = vector.shape_cast %swap3A_1295 : vector<1x8x128xf32> to vector<8x128xf32>
    %swap3A_1297 = vector.shape_cast %slice3A_1291 : vector<8x128xf32> to vector<1x8x128xf32>
    tpu.vector_store %arg4[%swap3A_1292, %swap3A_1293, %swap3A_1294], %swap3A_1297 {strides = array<i32>} : memref<473x8x128xf32, #tpu.memory_space<vmem>>, vector<1x8x128xf32>,
    %slice3A_1298 = vector.extract_strided_slice %concatenate3A_48 {offsets = [0, 2688], sizes = [8, 128], strides = [1, 1]} : vector<8x20096xf32> to vector<8x128xf32>
    %swap3A_1299 = arith.constant 178 : index
    %swap3A_1300 = arith.constant 0 : index
    %swap3A_1301 = arith.constant 0 : index
    %swap3A_1302 = vector.load %arg4[%swap3A_1299, %swap3A_1300, %swap3A_1301] : memref<473x8x128xf32, #tpu.memory_space<vmem>>, vector<1x8x128xf32>
    %swap3A_1303 = vector.shape_cast %swap3A_1302 : vector<1x8x128xf32> to vector<8x128xf32>
    %swap3A_1304 = vector.shape_cast %slice3A_1298 : vector<8x128xf32> to vector<1x8x128xf32>
    tpu.vector_store %arg4[%swap3A_1299, %swap3A_1300, %swap3A_1301], %swap3A_1304 {strides = array<i32>} : memref<473x8x128xf32, #tpu.memory_space<vmem>>, vector<1x8x128xf32>,
    %slice3A_1305 = vector.extract_strided_slice %concatenate3A_48 {offsets = [0, 2816], sizes = [8, 128], strides = [1, 1]} : vector<8x20096xf32> to vector<8x128xf32>
    %swap3A_1306 = arith.constant 179 : index
    %swap3A_1307 = arith.constant 0 : index
    %swap3A_1308 = arith.constant 0 : index
    %swap3A_1309 = vector.load %arg4[%swap3A_1306, %swap3A_1307, %swap3A_1308] : memref<473x8x128xf32, #tpu.memory_space<vmem>>, vector<1x8x128xf32>
    %swap3A_1310 = vector.shape_cast %swap3A_1309 : vector<1x8x128xf32> to vector<8x128xf32>
    %swap3A_1311 = vector.shape_cast %slice3A_1305 : vector<8x128xf32> to vector<1x8x128xf32>
    tpu.vector_store %arg4[%swap3A_1306, %swap3A_1307, %swap3A_1308], %swap3A_1311 {strides = array<i32>} : memref<473x8x128xf32, #tpu.memory_space<vmem>>, vector<1x8x128xf32>,
    %slice3A_1312 = vector.extract_strided_slice %concatenate3A_48 {offsets = [0, 2944], sizes = [8, 128], strides = [1, 1]} : vector<8x20096xf32> to vector<8x128xf32>
    %swap3A_1313 = arith.constant 180 : index
    %swap3A_1314 = arith.constant 0 : index
    %swap3A_1315 = arith.constant 0 : index
    %swap3A_1316 = vector.load %arg4[%swap3A_1313, %swap3A_1314, %swap3A_1315] : memref<473x8x128xf32, #tpu.memory_space<vmem>>, vector<1x8x128xf32>
    %swap3A_1317 = vector.shape_cast %swap3A_1316 : vector<1x8x128xf32> to vector<8x128xf32>
    %swap3A_1318 = vector.shape_cast %slice3A_1312 : vector<8x128xf32> to vector<1x8x128xf32>
    tpu.vector_store %arg4[%swap3A_1313, %swap3A_1314, %swap3A_1315], %swap3A_1318 {strides = array<i32>} : memref<473x8x128xf32, #tpu.memory_space<vmem>>, vector<1x8x128xf32>,
    %slice3A_1319 = vector.extract_strided_slice %concatenate3A_48 {offsets = [0, 3072], sizes = [8, 128], strides = [1, 1]} : vector<8x20096xf32> to vector<8x128xf32>
    %swap3A_1320 = arith.constant 181 : index
    %swap3A_1321 = arith.constant 0 : index
    %swap3A_1322 = arith.constant 0 : index
    %swap3A_1323 = vector.load %arg4[%swap3A_1320, %swap3A_1321, %swap3A_1322] : memref<473x8x128xf32, #tpu.memory_space<vmem>>, vector<1x8x128xf32>
    %swap3A_1324 = vector.shape_cast %swap3A_1323 : vector<1x8x128xf32> to vector<8x128xf32>
    %swap3A_1325 = vector.shape_cast %slice3A_1319 : vector<8x128xf32> to vector<1x8x128xf32>
    tpu.vector_store %arg4[%swap3A_1320, %swap3A_1321, %swap3A_1322], %swap3A_1325 {strides = array<i32>} : memref<473x8x128xf32, #tpu.memory_space<vmem>>, vector<1x8x128xf32>,
    %slice3A_1326 = vector.extract_strided_slice %concatenate3A_48 {offsets = [0, 3200], sizes = [8, 128], strides = [1, 1]} : vector<8x20096xf32> to vector<8x128xf32>
    %swap3A_1327 = arith.constant 182 : index
    %swap3A_1328 = arith.constant 0 : index
    %swap3A_1329 = arith.constant 0 : index
    %swap3A_1330 = vector.load %arg4[%swap3A_1327, %swap3A_1328, %swap3A_1329] : memref<473x8x128xf32, #tpu.memory_space<vmem>>, vector<1x8x128xf32>
    %swap3A_1331 = vector.shape_cast %swap3A_1330 : vector<1x8x128xf32> to vector<8x128xf32>
    %swap3A_1332 = vector.shape_cast %slice3A_1326 : vector<8x128xf32> to vector<1x8x128xf32>
    tpu.vector_store %arg4[%swap3A_1327, %swap3A_1328, %swap3A_1329], %swap3A_1332 {strides = array<i32>} : memref<473x8x128xf32, #tpu.memory_space<vmem>>, vector<1x8x128xf32>,
    %slice3A_1333 = vector.extract_strided_slice %concatenate3A_48 {offsets = [0, 3328], sizes = [8, 128], strides = [1, 1]} : vector<8x20096xf32> to vector<8x128xf32>
    %swap3A_1334 = arith.constant 183 : index
    %swap3A_1335 = arith.constant 0 : index
    %swap3A_1336 = arith.constant 0 : index
    %swap3A_1337 = vector.load %arg4[%swap3A_1334, %swap3A_1335, %swap3A_1336] : memref<473x8x128xf32, #tpu.memory_space<vmem>>, vector<1x8x128xf32>
    %swap3A_1338 = vector.shape_cast %swap3A_1337 : vector<1x8x128xf32> to vector<8x128xf32>
    %swap3A_1339 = vector.shape_cast %slice3A_1333 : vector<8x128xf32> to vector<1x8x128xf32>
    tpu.vector_store %arg4[%swap3A_1334, %swap3A_1335, %swap3A_1336], %swap3A_1339 {strides = array<i32>} : memref<473x8x128xf32, #tpu.memory_space<vmem>>, vector<1x8x128xf32>,
    %slice3A_1340 = vector.extract_strided_slice %concatenate3A_48 {offsets = [0, 3456], sizes = [8, 128], strides = [1, 1]} : vector<8x20096xf32> to vector<8x128xf32>
    %swap3A_1341 = arith.constant 184 : index
    %swap3A_1342 = arith.constant 0 : index
    %swap3A_1343 = arith.constant 0 : index
    %swap3A_1344 = vector.load %arg4[%swap3A_1341, %swap3A_1342, %swap3A_1343] : memref<473x8x128xf32, #tpu.memory_space<vmem>>, vector<1x8x128xf32>
    %swap3A_1345 = vector.shape_cast %swap3A_1344 : vector<1x8x128xf32> to vector<8x128xf32>
    %swap3A_1346 = vector.shape_cast %slice3A_1340 : vector<8x128xf32> to vector<1x8x128xf32>
    tpu.vector_store %arg4[%swap3A_1341, %swap3A_1342, %swap3A_1343], %swap3A_1346 {strides = array<i32>} : memref<473x8x128xf32, #tpu.memory_space<vmem>>, vector<1x8x128xf32>,
    %slice3A_1347 = vector.extract_strided_slice %concatenate3A_48 {offsets = [0, 3584], sizes = [8, 128], strides = [1, 1]} : vector<8x20096xf32> to vector<8x128xf32>
    %swap3A_1348 = arith.constant 185 : index
    %swap3A_1349 = arith.constant 0 : index
    %swap3A_1350 = arith.constant 0 : index
    %swap3A_1351 = vector.load %arg4[%swap3A_1348, %swap3A_1349, %swap3A_1350] : memref<473x8x128xf32, #tpu.memory_space<vmem>>, vector<1x8x128xf32>
    %swap3A_1352 = vector.shape_cast %swap3A_1351 : vector<1x8x128xf32> to vector<8x128xf32>
    %swap3A_1353 = vector.shape_cast %slice3A_1347 : vector<8x128xf32> to vector<1x8x128xf32>
    tpu.vector_store %arg4[%swap3A_1348, %swap3A_1349, %swap3A_1350], %swap3A_1353 {strides = array<i32>} : memref<473x8x128xf32, #tpu.memory_space<vmem>>, vector<1x8x128xf32>,
    %slice3A_1354 = vector.extract_strided_slice %concatenate3A_48 {offsets = [0, 3712], sizes = [8, 128], strides = [1, 1]} : vector<8x20096xf32> to vector<8x128xf32>
    %swap3A_1355 = arith.constant 186 : index
    %swap3A_1356 = arith.constant 0 : index
    %swap3A_1357 = arith.constant 0 : index
    %swap3A_1358 = vector.load %arg4[%swap3A_1355, %swap3A_1356, %swap3A_1357] : memref<473x8x128xf32, #tpu.memory_space<vmem>>, vector<1x8x128xf32>
    %swap3A_1359 = vector.shape_cast %swap3A_1358 : vector<1x8x128xf32> to vector<8x128xf32>
    %swap3A_1360 = vector.shape_cast %slice3A_1354 : vector<8x128xf32> to vector<1x8x128xf32>
    tpu.vector_store %arg4[%swap3A_1355, %swap3A_1356, %swap3A_1357], %swap3A_1360 {strides = array<i32>} : memref<473x8x128xf32, #tpu.memory_space<vmem>>, vector<1x8x128xf32>,
    %slice3A_1361 = vector.extract_strided_slice %concatenate3A_48 {offsets = [0, 3840], sizes = [8, 128], strides = [1, 1]} : vector<8x20096xf32> to vector<8x128xf32>
    %swap3A_1362 = arith.constant 187 : index
    %swap3A_1363 = arith.constant 0 : index
    %swap3A_1364 = arith.constant 0 : index
    %swap3A_1365 = vector.load %arg4[%swap3A_1362, %swap3A_1363, %swap3A_1364] : memref<473x8x128xf32, #tpu.memory_space<vmem>>, vector<1x8x128xf32>
    %swap3A_1366 = vector.shape_cast %swap3A_1365 : vector<1x8x128xf32> to vector<8x128xf32>
    %swap3A_1367 = vector.shape_cast %slice3A_1361 : vector<8x128xf32> to vector<1x8x128xf32>
    tpu.vector_store %arg4[%swap3A_1362, %swap3A_1363, %swap3A_1364], %swap3A_1367 {strides = array<i32>} : memref<473x8x128xf32, #tpu.memory_space<vmem>>, vector<1x8x128xf32>,
    %slice3A_1368 = vector.extract_strided_slice %concatenate3A_48 {offsets = [0, 3968], sizes = [8, 128], strides = [1, 1]} : vector<8x20096xf32> to vector<8x128xf32>
    %swap3A_1369 = arith.constant 188 : index
    %swap3A_1370 = arith.constant 0 : index
    %swap3A_1371 = arith.constant 0 : index
    %swap3A_1372 = vector.load %arg4[%swap3A_1369, %swap3A_1370, %swap3A_1371] : memref<473x8x128xf32, #tpu.memory_space<vmem>>, vector<1x8x128xf32>
    %swap3A_1373 = vector.shape_cast %swap3A_1372 : vector<1x8x128xf32> to vector<8x128xf32>
    %swap3A_1374 = vector.shape_cast %slice3A_1368 : vector<8x128xf32> to vector<1x8x128xf32>
    tpu.vector_store %arg4[%swap3A_1369, %swap3A_1370, %swap3A_1371], %swap3A_1374 {strides = array<i32>} : memref<473x8x128xf32, #tpu.memory_space<vmem>>, vector<1x8x128xf32>,
    %slice3A_1375 = vector.extract_strided_slice %concatenate3A_48 {offsets = [0, 4096], sizes = [8, 128], strides = [1, 1]} : vector<8x20096xf32> to vector<8x128xf32>
    %swap3A_1376 = arith.constant 189 : index
    %swap3A_1377 = arith.constant 0 : index
    %swap3A_1378 = arith.constant 0 : index
    %swap3A_1379 = vector.load %arg4[%swap3A_1376, %swap3A_1377, %swap3A_1378] : memref<473x8x128xf32, #tpu.memory_space<vmem>>, vector<1x8x128xf32>
    %swap3A_1380 = vector.shape_cast %swap3A_1379 : vector<1x8x128xf32> to vector<8x128xf32>
    %swap3A_1381 = vector.shape_cast %slice3A_1375 : vector<8x128xf32> to vector<1x8x128xf32>
    tpu.vector_store %arg4[%swap3A_1376, %swap3A_1377, %swap3A_1378], %swap3A_1381 {strides = array<i32>} : memref<473x8x128xf32, #tpu.memory_space<vmem>>, vector<1x8x128xf32>,
    %slice3A_1382 = vector.extract_strided_slice %concatenate3A_48 {offsets = [0, 4224], sizes = [8, 128], strides = [1, 1]} : vector<8x20096xf32> to vector<8x128xf32>
    %swap3A_1383 = arith.constant 190 : index
    %swap3A_1384 = arith.constant 0 : index
    %swap3A_1385 = arith.constant 0 : index
    %swap3A_1386 = vector.load %arg4[%swap3A_1383, %swap3A_1384, %swap3A_1385] : memref<473x8x128xf32, #tpu.memory_space<vmem>>, vector<1x8x128xf32>
    %swap3A_1387 = vector.shape_cast %swap3A_1386 : vector<1x8x128xf32> to vector<8x128xf32>
    %swap3A_1388 = vector.shape_cast %slice3A_1382 : vector<8x128xf32> to vector<1x8x128xf32>
    tpu.vector_store %arg4[%swap3A_1383, %swap3A_1384, %swap3A_1385], %swap3A_1388 {strides = array<i32>} : memref<473x8x128xf32, #tpu.memory_space<vmem>>, vector<1x8x128xf32>,
    %slice3A_1389 = vector.extract_strided_slice %concatenate3A_48 {offsets = [0, 4352], sizes = [8, 128], strides = [1, 1]} : vector<8x20096xf32> to vector<8x128xf32>
    %swap3A_1390 = arith.constant 191 : index
    %swap3A_1391 = arith.constant 0 : index
    %swap3A_1392 = arith.constant 0 : index
    %swap3A_1393 = vector.load %arg4[%swap3A_1390, %swap3A_1391, %swap3A_1392] : memref<473x8x128xf32, #tpu.memory_space<vmem>>, vector<1x8x128xf32>
    %swap3A_1394 = vector.shape_cast %swap3A_1393 : vector<1x8x128xf32> to vector<8x128xf32>
    %swap3A_1395 = vector.shape_cast %slice3A_1389 : vector<8x128xf32> to vector<1x8x128xf32>
    tpu.vector_store %arg4[%swap3A_1390, %swap3A_1391, %swap3A_1392], %swap3A_1395 {strides = array<i32>} : memref<473x8x128xf32, #tpu.memory_space<vmem>>, vector<1x8x128xf32>,
    %slice3A_1396 = vector.extract_strided_slice %concatenate3A_48 {offsets = [0, 4480], sizes = [8, 128], strides = [1, 1]} : vector<8x20096xf32> to vector<8x128xf32>
    %swap3A_1397 = arith.constant 192 : index
    %swap3A_1398 = arith.constant 0 : index
    %swap3A_1399 = arith.constant 0 : index
    %swap3A_1400 = vector.load %arg4[%swap3A_1397, %swap3A_1398, %swap3A_1399] : memref<473x8x128xf32, #tpu.memory_space<vmem>>, vector<1x8x128xf32>
    %swap3A_1401 = vector.shape_cast %swap3A_1400 : vector<1x8x128xf32> to vector<8x128xf32>
    %swap3A_1402 = vector.shape_cast %slice3A_1396 : vector<8x128xf32> to vector<1x8x128xf32>
    tpu.vector_store %arg4[%swap3A_1397, %swap3A_1398, %swap3A_1399], %swap3A_1402 {strides = array<i32>} : memref<473x8x128xf32, #tpu.memory_space<vmem>>, vector<1x8x128xf32>,
    %slice3A_1403 = vector.extract_strided_slice %concatenate3A_48 {offsets = [0, 4608], sizes = [8, 128], strides = [1, 1]} : vector<8x20096xf32> to vector<8x128xf32>
    %swap3A_1404 = arith.constant 193 : index
    %swap3A_1405 = arith.constant 0 : index
    %swap3A_1406 = arith.constant 0 : index
    %swap3A_1407 = vector.load %arg4[%swap3A_1404, %swap3A_1405, %swap3A_1406] : memref<473x8x128xf32, #tpu.memory_space<vmem>>, vector<1x8x128xf32>
    %swap3A_1408 = vector.shape_cast %swap3A_1407 : vector<1x8x128xf32> to vector<8x128xf32>
    %swap3A_1409 = vector.shape_cast %slice3A_1403 : vector<8x128xf32> to vector<1x8x128xf32>
    tpu.vector_store %arg4[%swap3A_1404, %swap3A_1405, %swap3A_1406], %swap3A_1409 {strides = array<i32>} : memref<473x8x128xf32, #tpu.memory_space<vmem>>, vector<1x8x128xf32>,
    %slice3A_1410 = vector.extract_strided_slice %concatenate3A_48 {offsets = [0, 4736], sizes = [8, 128], strides = [1, 1]} : vector<8x20096xf32> to vector<8x128xf32>
    %swap3A_1411 = arith.constant 194 : index
    %swap3A_1412 = arith.constant 0 : index
    %swap3A_1413 = arith.constant 0 : index
    %swap3A_1414 = vector.load %arg4[%swap3A_1411, %swap3A_1412, %swap3A_1413] : memref<473x8x128xf32, #tpu.memory_space<vmem>>, vector<1x8x128xf32>
    %swap3A_1415 = vector.shape_cast %swap3A_1414 : vector<1x8x128xf32> to vector<8x128xf32>
    %swap3A_1416 = vector.shape_cast %slice3A_1410 : vector<8x128xf32> to vector<1x8x128xf32>
    tpu.vector_store %arg4[%swap3A_1411, %swap3A_1412, %swap3A_1413], %swap3A_1416 {strides = array<i32>} : memref<473x8x128xf32, #tpu.memory_space<vmem>>, vector<1x8x128xf32>,
    %slice3A_1417 = vector.extract_strided_slice %concatenate3A_48 {offsets = [0, 4864], sizes = [8, 128], strides = [1, 1]} : vector<8x20096xf32> to vector<8x128xf32>
    %swap3A_1418 = arith.constant 195 : index
    %swap3A_1419 = arith.constant 0 : index
    %swap3A_1420 = arith.constant 0 : index
    %swap3A_1421 = vector.load %arg4[%swap3A_1418, %swap3A_1419, %swap3A_1420] : memref<473x8x128xf32, #tpu.memory_space<vmem>>, vector<1x8x128xf32>
    %swap3A_1422 = vector.shape_cast %swap3A_1421 : vector<1x8x128xf32> to vector<8x128xf32>
    %swap3A_1423 = vector.shape_cast %slice3A_1417 : vector<8x128xf32> to vector<1x8x128xf32>
    tpu.vector_store %arg4[%swap3A_1418, %swap3A_1419, %swap3A_1420], %swap3A_1423 {strides = array<i32>} : memref<473x8x128xf32, #tpu.memory_space<vmem>>, vector<1x8x128xf32>,
    %slice3A_1424 = vector.extract_strided_slice %concatenate3A_48 {offsets = [0, 4992], sizes = [8, 128], strides = [1, 1]} : vector<8x20096xf32> to vector<8x128xf32>
    %swap3A_1425 = arith.constant 196 : index
    %swap3A_1426 = arith.constant 0 : index
    %swap3A_1427 = arith.constant 0 : index
    %swap3A_1428 = vector.load %arg4[%swap3A_1425, %swap3A_1426, %swap3A_1427] : memref<473x8x128xf32, #tpu.memory_space<vmem>>, vector<1x8x128xf32>
    %swap3A_1429 = vector.shape_cast %swap3A_1428 : vector<1x8x128xf32> to vector<8x128xf32>
    %swap3A_1430 = vector.shape_cast %slice3A_1424 : vector<8x128xf32> to vector<1x8x128xf32>
    tpu.vector_store %arg4[%swap3A_1425, %swap3A_1426, %swap3A_1427], %swap3A_1430 {strides = array<i32>} : memref<473x8x128xf32, #tpu.memory_space<vmem>>, vector<1x8x128xf32>,
    %slice3A_1431 = vector.extract_strided_slice %concatenate3A_48 {offsets = [0, 5120], sizes = [8, 128], strides = [1, 1]} : vector<8x20096xf32> to vector<8x128xf32>
    %swap3A_1432 = arith.constant 197 : index
    %swap3A_1433 = arith.constant 0 : index
    %swap3A_1434 = arith.constant 0 : index
    %swap3A_1435 = vector.load %arg4[%swap3A_1432, %swap3A_1433, %swap3A_1434] : memref<473x8x128xf32, #tpu.memory_space<vmem>>, vector<1x8x128xf32>
    %swap3A_1436 = vector.shape_cast %swap3A_1435 : vector<1x8x128xf32> to vector<8x128xf32>
    %swap3A_1437 = vector.shape_cast %slice3A_1431 : vector<8x128xf32> to vector<1x8x128xf32>
    tpu.vector_store %arg4[%swap3A_1432, %swap3A_1433, %swap3A_1434], %swap3A_1437 {strides = array<i32>} : memref<473x8x128xf32, #tpu.memory_space<vmem>>, vector<1x8x128xf32>,
    %slice3A_1438 = vector.extract_strided_slice %concatenate3A_48 {offsets = [0, 5248], sizes = [8, 128], strides = [1, 1]} : vector<8x20096xf32> to vector<8x128xf32>
    %swap3A_1439 = arith.constant 198 : index
    %swap3A_1440 = arith.constant 0 : index
    %swap3A_1441 = arith.constant 0 : index
    %swap3A_1442 = vector.load %arg4[%swap3A_1439, %swap3A_1440, %swap3A_1441] : memref<473x8x128xf32, #tpu.memory_space<vmem>>, vector<1x8x128xf32>
    %swap3A_1443 = vector.shape_cast %swap3A_1442 : vector<1x8x128xf32> to vector<8x128xf32>
    %swap3A_1444 = vector.shape_cast %slice3A_1438 : vector<8x128xf32> to vector<1x8x128xf32>
    tpu.vector_store %arg4[%swap3A_1439, %swap3A_1440, %swap3A_1441], %swap3A_1444 {strides = array<i32>} : memref<473x8x128xf32, #tpu.memory_space<vmem>>, vector<1x8x128xf32>,
    %slice3A_1445 = vector.extract_strided_slice %concatenate3A_48 {offsets = [0, 5376], sizes = [8, 128], strides = [1, 1]} : vector<8x20096xf32> to vector<8x128xf32>
    %swap3A_1446 = arith.constant 199 : index
    %swap3A_1447 = arith.constant 0 : index
    %swap3A_1448 = arith.constant 0 : index
    %swap3A_1449 = vector.load %arg4[%swap3A_1446, %swap3A_1447, %swap3A_1448] : memref<473x8x128xf32, #tpu.memory_space<vmem>>, vector<1x8x128xf32>
    %swap3A_1450 = vector.shape_cast %swap3A_1449 : vector<1x8x128xf32> to vector<8x128xf32>
    %swap3A_1451 = vector.shape_cast %slice3A_1445 : vector<8x128xf32> to vector<1x8x128xf32>
    tpu.vector_store %arg4[%swap3A_1446, %swap3A_1447, %swap3A_1448], %swap3A_1451 {strides = array<i32>} : memref<473x8x128xf32, #tpu.memory_space<vmem>>, vector<1x8x128xf32>,
    %slice3A_1452 = vector.extract_strided_slice %concatenate3A_48 {offsets = [0, 5504], sizes = [8, 128], strides = [1, 1]} : vector<8x20096xf32> to vector<8x128xf32>
    %swap3A_1453 = arith.constant 200 : index
    %swap3A_1454 = arith.constant 0 : index
    %swap3A_1455 = arith.constant 0 : index
    %swap3A_1456 = vector.load %arg4[%swap3A_1453, %swap3A_1454, %swap3A_1455] : memref<473x8x128xf32, #tpu.memory_space<vmem>>, vector<1x8x128xf32>
    %swap3A_1457 = vector.shape_cast %swap3A_1456 : vector<1x8x128xf32> to vector<8x128xf32>
    %swap3A_1458 = vector.shape_cast %slice3A_1452 : vector<8x128xf32> to vector<1x8x128xf32>
    tpu.vector_store %arg4[%swap3A_1453, %swap3A_1454, %swap3A_1455], %swap3A_1458 {strides = array<i32>} : memref<473x8x128xf32, #tpu.memory_space<vmem>>, vector<1x8x128xf32>,
    %slice3A_1459 = vector.extract_strided_slice %concatenate3A_48 {offsets = [0, 5632], sizes = [8, 128], strides = [1, 1]} : vector<8x20096xf32> to vector<8x128xf32>
    %swap3A_1460 = arith.constant 201 : index
    %swap3A_1461 = arith.constant 0 : index
    %swap3A_1462 = arith.constant 0 : index
    %swap3A_1463 = vector.load %arg4[%swap3A_1460, %swap3A_1461, %swap3A_1462] : memref<473x8x128xf32, #tpu.memory_space<vmem>>, vector<1x8x128xf32>
    %swap3A_1464 = vector.shape_cast %swap3A_1463 : vector<1x8x128xf32> to vector<8x128xf32>
    %swap3A_1465 = vector.shape_cast %slice3A_1459 : vector<8x128xf32> to vector<1x8x128xf32>
    tpu.vector_store %arg4[%swap3A_1460, %swap3A_1461, %swap3A_1462], %swap3A_1465 {strides = array<i32>} : memref<473x8x128xf32, #tpu.memory_space<vmem>>, vector<1x8x128xf32>,
    %slice3A_1466 = vector.extract_strided_slice %concatenate3A_48 {offsets = [0, 5760], sizes = [8, 128], strides = [1, 1]} : vector<8x20096xf32> to vector<8x128xf32>
    %swap3A_1467 = arith.constant 202 : index
    %swap3A_1468 = arith.constant 0 : index
    %swap3A_1469 = arith.constant 0 : index
    %swap3A_1470 = vector.load %arg4[%swap3A_1467, %swap3A_1468, %swap3A_1469] : memref<473x8x128xf32, #tpu.memory_space<vmem>>, vector<1x8x128xf32>
    %swap3A_1471 = vector.shape_cast %swap3A_1470 : vector<1x8x128xf32> to vector<8x128xf32>
    %swap3A_1472 = vector.shape_cast %slice3A_1466 : vector<8x128xf32> to vector<1x8x128xf32>
    tpu.vector_store %arg4[%swap3A_1467, %swap3A_1468, %swap3A_1469], %swap3A_1472 {strides = array<i32>} : memref<473x8x128xf32, #tpu.memory_space<vmem>>, vector<1x8x128xf32>,
    %slice3A_1473 = vector.extract_strided_slice %concatenate3A_48 {offsets = [0, 5888], sizes = [8, 128], strides = [1, 1]} : vector<8x20096xf32> to vector<8x128xf32>
    %swap3A_1474 = arith.constant 203 : index
    %swap3A_1475 = arith.constant 0 : index
    %swap3A_1476 = arith.constant 0 : index
    %swap3A_1477 = vector.load %arg4[%swap3A_1474, %swap3A_1475, %swap3A_1476] : memref<473x8x128xf32, #tpu.memory_space<vmem>>, vector<1x8x128xf32>
    %swap3A_1478 = vector.shape_cast %swap3A_1477 : vector<1x8x128xf32> to vector<8x128xf32>
    %swap3A_1479 = vector.shape_cast %slice3A_1473 : vector<8x128xf32> to vector<1x8x128xf32>
    tpu.vector_store %arg4[%swap3A_1474, %swap3A_1475, %swap3A_1476], %swap3A_1479 {strides = array<i32>} : memref<473x8x128xf32, #tpu.memory_space<vmem>>, vector<1x8x128xf32>,
    %slice3A_1480 = vector.extract_strided_slice %concatenate3A_48 {offsets = [0, 6016], sizes = [8, 128], strides = [1, 1]} : vector<8x20096xf32> to vector<8x128xf32>
    %swap3A_1481 = arith.constant 204 : index
    %swap3A_1482 = arith.constant 0 : index
    %swap3A_1483 = arith.constant 0 : index
    %swap3A_1484 = vector.load %arg4[%swap3A_1481, %swap3A_1482, %swap3A_1483] : memref<473x8x128xf32, #tpu.memory_space<vmem>>, vector<1x8x128xf32>
    %swap3A_1485 = vector.shape_cast %swap3A_1484 : vector<1x8x128xf32> to vector<8x128xf32>
    %swap3A_1486 = vector.shape_cast %slice3A_1480 : vector<8x128xf32> to vector<1x8x128xf32>
    tpu.vector_store %arg4[%swap3A_1481, %swap3A_1482, %swap3A_1483], %swap3A_1486 {strides = array<i32>} : memref<473x8x128xf32, #tpu.memory_space<vmem>>, vector<1x8x128xf32>,
    %slice3A_1487 = vector.extract_strided_slice %concatenate3A_48 {offsets = [0, 6144], sizes = [8, 128], strides = [1, 1]} : vector<8x20096xf32> to vector<8x128xf32>
    %swap3A_1488 = arith.constant 205 : index
    %swap3A_1489 = arith.constant 0 : index
    %swap3A_1490 = arith.constant 0 : index
    %swap3A_1491 = vector.load %arg4[%swap3A_1488, %swap3A_1489, %swap3A_1490] : memref<473x8x128xf32, #tpu.memory_space<vmem>>, vector<1x8x128xf32>
    %swap3A_1492 = vector.shape_cast %swap3A_1491 : vector<1x8x128xf32> to vector<8x128xf32>
    %swap3A_1493 = vector.shape_cast %slice3A_1487 : vector<8x128xf32> to vector<1x8x128xf32>
    tpu.vector_store %arg4[%swap3A_1488, %swap3A_1489, %swap3A_1490], %swap3A_1493 {strides = array<i32>} : memref<473x8x128xf32, #tpu.memory_space<vmem>>, vector<1x8x128xf32>,
    %slice3A_1494 = vector.extract_strided_slice %concatenate3A_48 {offsets = [0, 6272], sizes = [8, 128], strides = [1, 1]} : vector<8x20096xf32> to vector<8x128xf32>
    %swap3A_1495 = arith.constant 206 : index
    %swap3A_1496 = arith.constant 0 : index
    %swap3A_1497 = arith.constant 0 : index
    %swap3A_1498 = vector.load %arg4[%swap3A_1495, %swap3A_1496, %swap3A_1497] : memref<473x8x128xf32, #tpu.memory_space<vmem>>, vector<1x8x128xf32>
    %swap3A_1499 = vector.shape_cast %swap3A_1498 : vector<1x8x128xf32> to vector<8x128xf32>
    %swap3A_1500 = vector.shape_cast %slice3A_1494 : vector<8x128xf32> to vector<1x8x128xf32>
    tpu.vector_store %arg4[%swap3A_1495, %swap3A_1496, %swap3A_1497], %swap3A_1500 {strides = array<i32>} : memref<473x8x128xf32, #tpu.memory_space<vmem>>, vector<1x8x128xf32>,
    %slice3A_1501 = vector.extract_strided_slice %concatenate3A_48 {offsets = [0, 6400], sizes = [8, 128], strides = [1, 1]} : vector<8x20096xf32> to vector<8x128xf32>
    %swap3A_1502 = arith.constant 207 : index
    %swap3A_1503 = arith.constant 0 : index
    %swap3A_1504 = arith.constant 0 : index
    %swap3A_1505 = vector.load %arg4[%swap3A_1502, %swap3A_1503, %swap3A_1504] : memref<473x8x128xf32, #tpu.memory_space<vmem>>, vector<1x8x128xf32>
    %swap3A_1506 = vector.shape_cast %swap3A_1505 : vector<1x8x128xf32> to vector<8x128xf32>
    %swap3A_1507 = vector.shape_cast %slice3A_1501 : vector<8x128xf32> to vector<1x8x128xf32>
    tpu.vector_store %arg4[%swap3A_1502, %swap3A_1503, %swap3A_1504], %swap3A_1507 {strides = array<i32>} : memref<473x8x128xf32, #tpu.memory_space<vmem>>, vector<1x8x128xf32>,
    %slice3A_1508 = vector.extract_strided_slice %concatenate3A_48 {offsets = [0, 6528], sizes = [8, 128], strides = [1, 1]} : vector<8x20096xf32> to vector<8x128xf32>
    %swap3A_1509 = arith.constant 208 : index
    %swap3A_1510 = arith.constant 0 : index
    %swap3A_1511 = arith.constant 0 : index
    %swap3A_1512 = vector.load %arg4[%swap3A_1509, %swap3A_1510, %swap3A_1511] : memref<473x8x128xf32, #tpu.memory_space<vmem>>, vector<1x8x128xf32>
    %swap3A_1513 = vector.shape_cast %swap3A_1512 : vector<1x8x128xf32> to vector<8x128xf32>
    %swap3A_1514 = vector.shape_cast %slice3A_1508 : vector<8x128xf32> to vector<1x8x128xf32>
    tpu.vector_store %arg4[%swap3A_1509, %swap3A_1510, %swap3A_1511], %swap3A_1514 {strides = array<i32>} : memref<473x8x128xf32, #tpu.memory_space<vmem>>, vector<1x8x128xf32>,
    %slice3A_1515 = vector.extract_strided_slice %concatenate3A_48 {offsets = [0, 6656], sizes = [8, 128], strides = [1, 1]} : vector<8x20096xf32> to vector<8x128xf32>
    %swap3A_1516 = arith.constant 209 : index
    %swap3A_1517 = arith.constant 0 : index
    %swap3A_1518 = arith.constant 0 : index
    %swap3A_1519 = vector.load %arg4[%swap3A_1516, %swap3A_1517, %swap3A_1518] : memref<473x8x128xf32, #tpu.memory_space<vmem>>, vector<1x8x128xf32>
    %swap3A_1520 = vector.shape_cast %swap3A_1519 : vector<1x8x128xf32> to vector<8x128xf32>
    %swap3A_1521 = vector.shape_cast %slice3A_1515 : vector<8x128xf32> to vector<1x8x128xf32>
    tpu.vector_store %arg4[%swap3A_1516, %swap3A_1517, %swap3A_1518], %swap3A_1521 {strides = array<i32>} : memref<473x8x128xf32, #tpu.memory_space<vmem>>, vector<1x8x128xf32>,
    %slice3A_1522 = vector.extract_strided_slice %concatenate3A_48 {offsets = [0, 6784], sizes = [8, 128], strides = [1, 1]} : vector<8x20096xf32> to vector<8x128xf32>
    %swap3A_1523 = arith.constant 210 : index
    %swap3A_1524 = arith.constant 0 : index
    %swap3A_1525 = arith.constant 0 : index
    %swap3A_1526 = vector.load %arg4[%swap3A_1523, %swap3A_1524, %swap3A_1525] : memref<473x8x128xf32, #tpu.memory_space<vmem>>, vector<1x8x128xf32>
    %swap3A_1527 = vector.shape_cast %swap3A_1526 : vector<1x8x128xf32> to vector<8x128xf32>
    %swap3A_1528 = vector.shape_cast %slice3A_1522 : vector<8x128xf32> to vector<1x8x128xf32>
    tpu.vector_store %arg4[%swap3A_1523, %swap3A_1524, %swap3A_1525], %swap3A_1528 {strides = array<i32>} : memref<473x8x128xf32, #tpu.memory_space<vmem>>, vector<1x8x128xf32>,
    %slice3A_1529 = vector.extract_strided_slice %concatenate3A_48 {offsets = [0, 6912], sizes = [8, 128], strides = [1, 1]} : vector<8x20096xf32> to vector<8x128xf32>
    %swap3A_1530 = arith.constant 211 : index
    %swap3A_1531 = arith.constant 0 : index
    %swap3A_1532 = arith.constant 0 : index
    %swap3A_1533 = vector.load %arg4[%swap3A_1530, %swap3A_1531, %swap3A_1532] : memref<473x8x128xf32, #tpu.memory_space<vmem>>, vector<1x8x128xf32>
    %swap3A_1534 = vector.shape_cast %swap3A_1533 : vector<1x8x128xf32> to vector<8x128xf32>
    %swap3A_1535 = vector.shape_cast %slice3A_1529 : vector<8x128xf32> to vector<1x8x128xf32>
    tpu.vector_store %arg4[%swap3A_1530, %swap3A_1531, %swap3A_1532], %swap3A_1535 {strides = array<i32>} : memref<473x8x128xf32, #tpu.memory_space<vmem>>, vector<1x8x128xf32>,
    %slice3A_1536 = vector.extract_strided_slice %concatenate3A_48 {offsets = [0, 7040], sizes = [8, 128], strides = [1, 1]} : vector<8x20096xf32> to vector<8x128xf32>
    %swap3A_1537 = arith.constant 212 : index
    %swap3A_1538 = arith.constant 0 : index
    %swap3A_1539 = arith.constant 0 : index
    %swap3A_1540 = vector.load %arg4[%swap3A_1537, %swap3A_1538, %swap3A_1539] : memref<473x8x128xf32, #tpu.memory_space<vmem>>, vector<1x8x128xf32>
    %swap3A_1541 = vector.shape_cast %swap3A_1540 : vector<1x8x128xf32> to vector<8x128xf32>
    %swap3A_1542 = vector.shape_cast %slice3A_1536 : vector<8x128xf32> to vector<1x8x128xf32>
    tpu.vector_store %arg4[%swap3A_1537, %swap3A_1538, %swap3A_1539], %swap3A_1542 {strides = array<i32>} : memref<473x8x128xf32, #tpu.memory_space<vmem>>, vector<1x8x128xf32>,
    %slice3A_1543 = vector.extract_strided_slice %concatenate3A_48 {offsets = [0, 7168], sizes = [8, 128], strides = [1, 1]} : vector<8x20096xf32> to vector<8x128xf32>
    %swap3A_1544 = arith.constant 213 : index
    %swap3A_1545 = arith.constant 0 : index
    %swap3A_1546 = arith.constant 0 : index
    %swap3A_1547 = vector.load %arg4[%swap3A_1544, %swap3A_1545, %swap3A_1546] : memref<473x8x128xf32, #tpu.memory_space<vmem>>, vector<1x8x128xf32>
    %swap3A_1548 = vector.shape_cast %swap3A_1547 : vector<1x8x128xf32> to vector<8x128xf32>
    %swap3A_1549 = vector.shape_cast %slice3A_1543 : vector<8x128xf32> to vector<1x8x128xf32>
    tpu.vector_store %arg4[%swap3A_1544, %swap3A_1545, %swap3A_1546], %swap3A_1549 {strides = array<i32>} : memref<473x8x128xf32, #tpu.memory_space<vmem>>, vector<1x8x128xf32>,
    %slice3A_1550 = vector.extract_strided_slice %concatenate3A_48 {offsets = [0, 7296], sizes = [8, 128], strides = [1, 1]} : vector<8x20096xf32> to vector<8x128xf32>
    %swap3A_1551 = arith.constant 214 : index
    %swap3A_1552 = arith.constant 0 : index
    %swap3A_1553 = arith.constant 0 : index
    %swap3A_1554 = vector.load %arg4[%swap3A_1551, %swap3A_1552, %swap3A_1553] : memref<473x8x128xf32, #tpu.memory_space<vmem>>, vector<1x8x128xf32>
    %swap3A_1555 = vector.shape_cast %swap3A_1554 : vector<1x8x128xf32> to vector<8x128xf32>
    %swap3A_1556 = vector.shape_cast %slice3A_1550 : vector<8x128xf32> to vector<1x8x128xf32>
    tpu.vector_store %arg4[%swap3A_1551, %swap3A_1552, %swap3A_1553], %swap3A_1556 {strides = array<i32>} : memref<473x8x128xf32, #tpu.memory_space<vmem>>, vector<1x8x128xf32>,
    %slice3A_1557 = vector.extract_strided_slice %concatenate3A_48 {offsets = [0, 7424], sizes = [8, 128], strides = [1, 1]} : vector<8x20096xf32> to vector<8x128xf32>
    %swap3A_1558 = arith.constant 215 : index
    %swap3A_1559 = arith.constant 0 : index
    %swap3A_1560 = arith.constant 0 : index
    %swap3A_1561 = vector.load %arg4[%swap3A_1558, %swap3A_1559, %swap3A_1560] : memref<473x8x128xf32, #tpu.memory_space<vmem>>, vector<1x8x128xf32>
    %swap3A_1562 = vector.shape_cast %swap3A_1561 : vector<1x8x128xf32> to vector<8x128xf32>
    %swap3A_1563 = vector.shape_cast %slice3A_1557 : vector<8x128xf32> to vector<1x8x128xf32>
    tpu.vector_store %arg4[%swap3A_1558, %swap3A_1559, %swap3A_1560], %swap3A_1563 {strides = array<i32>} : memref<473x8x128xf32, #tpu.memory_space<vmem>>, vector<1x8x128xf32>,
    %slice3A_1564 = vector.extract_strided_slice %concatenate3A_48 {offsets = [0, 7552], sizes = [8, 128], strides = [1, 1]} : vector<8x20096xf32> to vector<8x128xf32>
    %swap3A_1565 = arith.constant 216 : index
    %swap3A_1566 = arith.constant 0 : index
    %swap3A_1567 = arith.constant 0 : index
    %swap3A_1568 = vector.load %arg4[%swap3A_1565, %swap3A_1566, %swap3A_1567] : memref<473x8x128xf32, #tpu.memory_space<vmem>>, vector<1x8x128xf32>
    %swap3A_1569 = vector.shape_cast %swap3A_1568 : vector<1x8x128xf32> to vector<8x128xf32>
    %swap3A_1570 = vector.shape_cast %slice3A_1564 : vector<8x128xf32> to vector<1x8x128xf32>
    tpu.vector_store %arg4[%swap3A_1565, %swap3A_1566, %swap3A_1567], %swap3A_1570 {strides = array<i32>} : memref<473x8x128xf32, #tpu.memory_space<vmem>>, vector<1x8x128xf32>,
    %slice3A_1571 = vector.extract_strided_slice %concatenate3A_48 {offsets = [0, 7680], sizes = [8, 128], strides = [1, 1]} : vector<8x20096xf32> to vector<8x128xf32>
    %swap3A_1572 = arith.constant 217 : index
    %swap3A_1573 = arith.constant 0 : index
    %swap3A_1574 = arith.constant 0 : index
    %swap3A_1575 = vector.load %arg4[%swap3A_1572, %swap3A_1573, %swap3A_1574] : memref<473x8x128xf32, #tpu.memory_space<vmem>>, vector<1x8x128xf32>
    %swap3A_1576 = vector.shape_cast %swap3A_1575 : vector<1x8x128xf32> to vector<8x128xf32>
    %swap3A_1577 = vector.shape_cast %slice3A_1571 : vector<8x128xf32> to vector<1x8x128xf32>
    tpu.vector_store %arg4[%swap3A_1572, %swap3A_1573, %swap3A_1574], %swap3A_1577 {strides = array<i32>} : memref<473x8x128xf32, #tpu.memory_space<vmem>>, vector<1x8x128xf32>,
    %slice3A_1578 = vector.extract_strided_slice %concatenate3A_48 {offsets = [0, 7808], sizes = [8, 128], strides = [1, 1]} : vector<8x20096xf32> to vector<8x128xf32>
    %swap3A_1579 = arith.constant 218 : index
    %swap3A_1580 = arith.constant 0 : index
    %swap3A_1581 = arith.constant 0 : index
    %swap3A_1582 = vector.load %arg4[%swap3A_1579, %swap3A_1580, %swap3A_1581] : memref<473x8x128xf32, #tpu.memory_space<vmem>>, vector<1x8x128xf32>
    %swap3A_1583 = vector.shape_cast %swap3A_1582 : vector<1x8x128xf32> to vector<8x128xf32>
    %swap3A_1584 = vector.shape_cast %slice3A_1578 : vector<8x128xf32> to vector<1x8x128xf32>
    tpu.vector_store %arg4[%swap3A_1579, %swap3A_1580, %swap3A_1581], %swap3A_1584 {strides = array<i32>} : memref<473x8x128xf32, #tpu.memory_space<vmem>>, vector<1x8x128xf32>,
    %slice3A_1585 = vector.extract_strided_slice %concatenate3A_48 {offsets = [0, 7936], sizes = [8, 128], strides = [1, 1]} : vector<8x20096xf32> to vector<8x128xf32>
    %swap3A_1586 = arith.constant 219 : index
    %swap3A_1587 = arith.constant 0 : index
    %swap3A_1588 = arith.constant 0 : index
    %swap3A_1589 = vector.load %arg4[%swap3A_1586, %swap3A_1587, %swap3A_1588] : memref<473x8x128xf32, #tpu.memory_space<vmem>>, vector<1x8x128xf32>
    %swap3A_1590 = vector.shape_cast %swap3A_1589 : vector<1x8x128xf32> to vector<8x128xf32>
    %swap3A_1591 = vector.shape_cast %slice3A_1585 : vector<8x128xf32> to vector<1x8x128xf32>
    tpu.vector_store %arg4[%swap3A_1586, %swap3A_1587, %swap3A_1588], %swap3A_1591 {strides = array<i32>} : memref<473x8x128xf32, #tpu.memory_space<vmem>>, vector<1x8x128xf32>,
    %slice3A_1592 = vector.extract_strided_slice %concatenate3A_48 {offsets = [0, 8064], sizes = [8, 128], strides = [1, 1]} : vector<8x20096xf32> to vector<8x128xf32>
    %swap3A_1593 = arith.constant 220 : index
    %swap3A_1594 = arith.constant 0 : index
    %swap3A_1595 = arith.constant 0 : index
    %swap3A_1596 = vector.load %arg4[%swap3A_1593, %swap3A_1594, %swap3A_1595] : memref<473x8x128xf32, #tpu.memory_space<vmem>>, vector<1x8x128xf32>
    %swap3A_1597 = vector.shape_cast %swap3A_1596 : vector<1x8x128xf32> to vector<8x128xf32>
    %swap3A_1598 = vector.shape_cast %slice3A_1592 : vector<8x128xf32> to vector<1x8x128xf32>
    tpu.vector_store %arg4[%swap3A_1593, %swap3A_1594, %swap3A_1595], %swap3A_1598 {strides = array<i32>} : memref<473x8x128xf32, #tpu.memory_space<vmem>>, vector<1x8x128xf32>,
    %slice3A_1599 = vector.extract_strided_slice %concatenate3A_48 {offsets = [0, 8192], sizes = [8, 128], strides = [1, 1]} : vector<8x20096xf32> to vector<8x128xf32>
    %swap3A_1600 = arith.constant 221 : index
    %swap3A_1601 = arith.constant 0 : index
    %swap3A_1602 = arith.constant 0 : index
    %swap3A_1603 = vector.load %arg4[%swap3A_1600, %swap3A_1601, %swap3A_1602] : memref<473x8x128xf32, #tpu.memory_space<vmem>>, vector<1x8x128xf32>
    %swap3A_1604 = vector.shape_cast %swap3A_1603 : vector<1x8x128xf32> to vector<8x128xf32>
    %swap3A_1605 = vector.shape_cast %slice3A_1599 : vector<8x128xf32> to vector<1x8x128xf32>
    tpu.vector_store %arg4[%swap3A_1600, %swap3A_1601, %swap3A_1602], %swap3A_1605 {strides = array<i32>} : memref<473x8x128xf32, #tpu.memory_space<vmem>>, vector<1x8x128xf32>,
    %slice3A_1606 = vector.extract_strided_slice %concatenate3A_48 {offsets = [0, 8320], sizes = [8, 128], strides = [1, 1]} : vector<8x20096xf32> to vector<8x128xf32>
    %swap3A_1607 = arith.constant 222 : index
    %swap3A_1608 = arith.constant 0 : index
    %swap3A_1609 = arith.constant 0 : index
    %swap3A_1610 = vector.load %arg4[%swap3A_1607, %swap3A_1608, %swap3A_1609] : memref<473x8x128xf32, #tpu.memory_space<vmem>>, vector<1x8x128xf32>
    %swap3A_1611 = vector.shape_cast %swap3A_1610 : vector<1x8x128xf32> to vector<8x128xf32>
    %swap3A_1612 = vector.shape_cast %slice3A_1606 : vector<8x128xf32> to vector<1x8x128xf32>
    tpu.vector_store %arg4[%swap3A_1607, %swap3A_1608, %swap3A_1609], %swap3A_1612 {strides = array<i32>} : memref<473x8x128xf32, #tpu.memory_space<vmem>>, vector<1x8x128xf32>,
    %slice3A_1613 = vector.extract_strided_slice %concatenate3A_48 {offsets = [0, 8448], sizes = [8, 128], strides = [1, 1]} : vector<8x20096xf32> to vector<8x128xf32>
    %swap3A_1614 = arith.constant 223 : index
    %swap3A_1615 = arith.constant 0 : index
    %swap3A_1616 = arith.constant 0 : index
    %swap3A_1617 = vector.load %arg4[%swap3A_1614, %swap3A_1615, %swap3A_1616] : memref<473x8x128xf32, #tpu.memory_space<vmem>>, vector<1x8x128xf32>
    %swap3A_1618 = vector.shape_cast %swap3A_1617 : vector<1x8x128xf32> to vector<8x128xf32>
    %swap3A_1619 = vector.shape_cast %slice3A_1613 : vector<8x128xf32> to vector<1x8x128xf32>
    tpu.vector_store %arg4[%swap3A_1614, %swap3A_1615, %swap3A_1616], %swap3A_1619 {strides = array<i32>} : memref<473x8x128xf32, #tpu.memory_space<vmem>>, vector<1x8x128xf32>,
    %slice3A_1620 = vector.extract_strided_slice %concatenate3A_48 {offsets = [0, 8576], sizes = [8, 128], strides = [1, 1]} : vector<8x20096xf32> to vector<8x128xf32>
    %swap3A_1621 = arith.constant 224 : index
    %swap3A_1622 = arith.constant 0 : index
    %swap3A_1623 = arith.constant 0 : index
    %swap3A_1624 = vector.load %arg4[%swap3A_1621, %swap3A_1622, %swap3A_1623] : memref<473x8x128xf32, #tpu.memory_space<vmem>>, vector<1x8x128xf32>
    %swap3A_1625 = vector.shape_cast %swap3A_1624 : vector<1x8x128xf32> to vector<8x128xf32>
    %swap3A_1626 = vector.shape_cast %slice3A_1620 : vector<8x128xf32> to vector<1x8x128xf32>
    tpu.vector_store %arg4[%swap3A_1621, %swap3A_1622, %swap3A_1623], %swap3A_1626 {strides = array<i32>} : memref<473x8x128xf32, #tpu.memory_space<vmem>>, vector<1x8x128xf32>,
    %slice3A_1627 = vector.extract_strided_slice %concatenate3A_48 {offsets = [0, 8704], sizes = [8, 128], strides = [1, 1]} : vector<8x20096xf32> to vector<8x128xf32>
    %swap3A_1628 = arith.constant 225 : index
    %swap3A_1629 = arith.constant 0 : index
    %swap3A_1630 = arith.constant 0 : index
    %swap3A_1631 = vector.load %arg4[%swap3A_1628, %swap3A_1629, %swap3A_1630] : memref<473x8x128xf32, #tpu.memory_space<vmem>>, vector<1x8x128xf32>
    %swap3A_1632 = vector.shape_cast %swap3A_1631 : vector<1x8x128xf32> to vector<8x128xf32>
    %swap3A_1633 = vector.shape_cast %slice3A_1627 : vector<8x128xf32> to vector<1x8x128xf32>
    tpu.vector_store %arg4[%swap3A_1628, %swap3A_1629, %swap3A_1630], %swap3A_1633 {strides = array<i32>} : memref<473x8x128xf32, #tpu.memory_space<vmem>>, vector<1x8x128xf32>,
    %slice3A_1634 = vector.extract_strided_slice %concatenate3A_48 {offsets = [0, 8832], sizes = [8, 128], strides = [1, 1]} : vector<8x20096xf32> to vector<8x128xf32>
    %swap3A_1635 = arith.constant 226 : index
    %swap3A_1636 = arith.constant 0 : index
    %swap3A_1637 = arith.constant 0 : index
    %swap3A_1638 = vector.load %arg4[%swap3A_1635, %swap3A_1636, %swap3A_1637] : memref<473x8x128xf32, #tpu.memory_space<vmem>>, vector<1x8x128xf32>
    %swap3A_1639 = vector.shape_cast %swap3A_1638 : vector<1x8x128xf32> to vector<8x128xf32>
    %swap3A_1640 = vector.shape_cast %slice3A_1634 : vector<8x128xf32> to vector<1x8x128xf32>
    tpu.vector_store %arg4[%swap3A_1635, %swap3A_1636, %swap3A_1637], %swap3A_1640 {strides = array<i32>} : memref<473x8x128xf32, #tpu.memory_space<vmem>>, vector<1x8x128xf32>,
    %slice3A_1641 = vector.extract_strided_slice %concatenate3A_48 {offsets = [0, 8960], sizes = [8, 128], strides = [1, 1]} : vector<8x20096xf32> to vector<8x128xf32>
    %swap3A_1642 = arith.constant 227 : index
    %swap3A_1643 = arith.constant 0 : index
    %swap3A_1644 = arith.constant 0 : index
    %swap3A_1645 = vector.load %arg4[%swap3A_1642, %swap3A_1643, %swap3A_1644] : memref<473x8x128xf32, #tpu.memory_space<vmem>>, vector<1x8x128xf32>
    %swap3A_1646 = vector.shape_cast %swap3A_1645 : vector<1x8x128xf32> to vector<8x128xf32>
    %swap3A_1647 = vector.shape_cast %slice3A_1641 : vector<8x128xf32> to vector<1x8x128xf32>
    tpu.vector_store %arg4[%swap3A_1642, %swap3A_1643, %swap3A_1644], %swap3A_1647 {strides = array<i32>} : memref<473x8x128xf32, #tpu.memory_space<vmem>>, vector<1x8x128xf32>,
    %slice3A_1648 = vector.extract_strided_slice %concatenate3A_48 {offsets = [0, 9088], sizes = [8, 128], strides = [1, 1]} : vector<8x20096xf32> to vector<8x128xf32>
    %swap3A_1649 = arith.constant 228 : index
    %swap3A_1650 = arith.constant 0 : index
    %swap3A_1651 = arith.constant 0 : index
    %swap3A_1652 = vector.load %arg4[%swap3A_1649, %swap3A_1650, %swap3A_1651] : memref<473x8x128xf32, #tpu.memory_space<vmem>>, vector<1x8x128xf32>
    %swap3A_1653 = vector.shape_cast %swap3A_1652 : vector<1x8x128xf32> to vector<8x128xf32>
    %swap3A_1654 = vector.shape_cast %slice3A_1648 : vector<8x128xf32> to vector<1x8x128xf32>
    tpu.vector_store %arg4[%swap3A_1649, %swap3A_1650, %swap3A_1651], %swap3A_1654 {strides = array<i32>} : memref<473x8x128xf32, #tpu.memory_space<vmem>>, vector<1x8x128xf32>,
    %slice3A_1655 = vector.extract_strided_slice %concatenate3A_48 {offsets = [0, 9216], sizes = [8, 128], strides = [1, 1]} : vector<8x20096xf32> to vector<8x128xf32>
    %swap3A_1656 = arith.constant 229 : index
    %swap3A_1657 = arith.constant 0 : index
    %swap3A_1658 = arith.constant 0 : index
    %swap3A_1659 = vector.load %arg4[%swap3A_1656, %swap3A_1657, %swap3A_1658] : memref<473x8x128xf32, #tpu.memory_space<vmem>>, vector<1x8x128xf32>
    %swap3A_1660 = vector.shape_cast %swap3A_1659 : vector<1x8x128xf32> to vector<8x128xf32>
    %swap3A_1661 = vector.shape_cast %slice3A_1655 : vector<8x128xf32> to vector<1x8x128xf32>
    tpu.vector_store %arg4[%swap3A_1656, %swap3A_1657, %swap3A_1658], %swap3A_1661 {strides = array<i32>} : memref<473x8x128xf32, #tpu.memory_space<vmem>>, vector<1x8x128xf32>,
    %slice3A_1662 = vector.extract_strided_slice %concatenate3A_48 {offsets = [0, 9344], sizes = [8, 128], strides = [1, 1]} : vector<8x20096xf32> to vector<8x128xf32>
    %swap3A_1663 = arith.constant 230 : index
    %swap3A_1664 = arith.constant 0 : index
    %swap3A_1665 = arith.constant 0 : index
    %swap3A_1666 = vector.load %arg4[%swap3A_1663, %swap3A_1664, %swap3A_1665] : memref<473x8x128xf32, #tpu.memory_space<vmem>>, vector<1x8x128xf32>
    %swap3A_1667 = vector.shape_cast %swap3A_1666 : vector<1x8x128xf32> to vector<8x128xf32>
    %swap3A_1668 = vector.shape_cast %slice3A_1662 : vector<8x128xf32> to vector<1x8x128xf32>
    tpu.vector_store %arg4[%swap3A_1663, %swap3A_1664, %swap3A_1665], %swap3A_1668 {strides = array<i32>} : memref<473x8x128xf32, #tpu.memory_space<vmem>>, vector<1x8x128xf32>,
    %slice3A_1669 = vector.extract_strided_slice %concatenate3A_48 {offsets = [0, 9472], sizes = [8, 128], strides = [1, 1]} : vector<8x20096xf32> to vector<8x128xf32>
    %swap3A_1670 = arith.constant 231 : index
    %swap3A_1671 = arith.constant 0 : index
    %swap3A_1672 = arith.constant 0 : index
    %swap3A_1673 = vector.load %arg4[%swap3A_1670, %swap3A_1671, %swap3A_1672] : memref<473x8x128xf32, #tpu.memory_space<vmem>>, vector<1x8x128xf32>
    %swap3A_1674 = vector.shape_cast %swap3A_1673 : vector<1x8x128xf32> to vector<8x128xf32>
    %swap3A_1675 = vector.shape_cast %slice3A_1669 : vector<8x128xf32> to vector<1x8x128xf32>
    tpu.vector_store %arg4[%swap3A_1670, %swap3A_1671, %swap3A_1672], %swap3A_1675 {strides = array<i32>} : memref<473x8x128xf32, #tpu.memory_space<vmem>>, vector<1x8x128xf32>,
    %slice3A_1676 = vector.extract_strided_slice %concatenate3A_48 {offsets = [0, 9600], sizes = [8, 128], strides = [1, 1]} : vector<8x20096xf32> to vector<8x128xf32>
    %swap3A_1677 = arith.constant 232 : index
    %swap3A_1678 = arith.constant 0 : index
    %swap3A_1679 = arith.constant 0 : index
    %swap3A_1680 = vector.load %arg4[%swap3A_1677, %swap3A_1678, %swap3A_1679] : memref<473x8x128xf32, #tpu.memory_space<vmem>>, vector<1x8x128xf32>
    %swap3A_1681 = vector.shape_cast %swap3A_1680 : vector<1x8x128xf32> to vector<8x128xf32>
    %swap3A_1682 = vector.shape_cast %slice3A_1676 : vector<8x128xf32> to vector<1x8x128xf32>
    tpu.vector_store %arg4[%swap3A_1677, %swap3A_1678, %swap3A_1679], %swap3A_1682 {strides = array<i32>} : memref<473x8x128xf32, #tpu.memory_space<vmem>>, vector<1x8x128xf32>,
    %slice3A_1683 = vector.extract_strided_slice %concatenate3A_48 {offsets = [0, 9728], sizes = [8, 128], strides = [1, 1]} : vector<8x20096xf32> to vector<8x128xf32>
    %swap3A_1684 = arith.constant 233 : index
    %swap3A_1685 = arith.constant 0 : index
    %swap3A_1686 = arith.constant 0 : index
    %swap3A_1687 = vector.load %arg4[%swap3A_1684, %swap3A_1685, %swap3A_1686] : memref<473x8x128xf32, #tpu.memory_space<vmem>>, vector<1x8x128xf32>
    %swap3A_1688 = vector.shape_cast %swap3A_1687 : vector<1x8x128xf32> to vector<8x128xf32>
    %swap3A_1689 = vector.shape_cast %slice3A_1683 : vector<8x128xf32> to vector<1x8x128xf32>
    tpu.vector_store %arg4[%swap3A_1684, %swap3A_1685, %swap3A_1686], %swap3A_1689 {strides = array<i32>} : memref<473x8x128xf32, #tpu.memory_space<vmem>>, vector<1x8x128xf32>,
    %slice3A_1690 = vector.extract_strided_slice %concatenate3A_48 {offsets = [0, 9856], sizes = [8, 128], strides = [1, 1]} : vector<8x20096xf32> to vector<8x128xf32>
    %swap3A_1691 = arith.constant 234 : index
    %swap3A_1692 = arith.constant 0 : index
    %swap3A_1693 = arith.constant 0 : index
    %swap3A_1694 = vector.load %arg4[%swap3A_1691, %swap3A_1692, %swap3A_1693] : memref<473x8x128xf32, #tpu.memory_space<vmem>>, vector<1x8x128xf32>
    %swap3A_1695 = vector.shape_cast %swap3A_1694 : vector<1x8x128xf32> to vector<8x128xf32>
    %swap3A_1696 = vector.shape_cast %slice3A_1690 : vector<8x128xf32> to vector<1x8x128xf32>
    tpu.vector_store %arg4[%swap3A_1691, %swap3A_1692, %swap3A_1693], %swap3A_1696 {strides = array<i32>} : memref<473x8x128xf32, #tpu.memory_space<vmem>>, vector<1x8x128xf32>,
    %slice3A_1697 = vector.extract_strided_slice %concatenate3A_48 {offsets = [0, 9984], sizes = [8, 128], strides = [1, 1]} : vector<8x20096xf32> to vector<8x128xf32>
    %swap3A_1698 = arith.constant 235 : index
    %swap3A_1699 = arith.constant 0 : index
    %swap3A_1700 = arith.constant 0 : index
    %swap3A_1701 = vector.load %arg4[%swap3A_1698, %swap3A_1699, %swap3A_1700] : memref<473x8x128xf32, #tpu.memory_space<vmem>>, vector<1x8x128xf32>
    %swap3A_1702 = vector.shape_cast %swap3A_1701 : vector<1x8x128xf32> to vector<8x128xf32>
    %swap3A_1703 = vector.shape_cast %slice3A_1697 : vector<8x128xf32> to vector<1x8x128xf32>
    tpu.vector_store %arg4[%swap3A_1698, %swap3A_1699, %swap3A_1700], %swap3A_1703 {strides = array<i32>} : memref<473x8x128xf32, #tpu.memory_space<vmem>>, vector<1x8x128xf32>,
    %slice3A_1704 = vector.extract_strided_slice %concatenate3A_48 {offsets = [0, 10112], sizes = [8, 128], strides = [1, 1]} : vector<8x20096xf32> to vector<8x128xf32>
    %swap3A_1705 = arith.constant 236 : index
    %swap3A_1706 = arith.constant 0 : index
    %swap3A_1707 = arith.constant 0 : index
    %swap3A_1708 = vector.load %arg4[%swap3A_1705, %swap3A_1706, %swap3A_1707] : memref<473x8x128xf32, #tpu.memory_space<vmem>>, vector<1x8x128xf32>
    %swap3A_1709 = vector.shape_cast %swap3A_1708 : vector<1x8x128xf32> to vector<8x128xf32>
    %swap3A_1710 = vector.shape_cast %slice3A_1704 : vector<8x128xf32> to vector<1x8x128xf32>
    tpu.vector_store %arg4[%swap3A_1705, %swap3A_1706, %swap3A_1707], %swap3A_1710 {strides = array<i32>} : memref<473x8x128xf32, #tpu.memory_space<vmem>>, vector<1x8x128xf32>,
    %slice3A_1711 = vector.extract_strided_slice %concatenate3A_48 {offsets = [0, 10240], sizes = [8, 128], strides = [1, 1]} : vector<8x20096xf32> to vector<8x128xf32>
    %swap3A_1712 = arith.constant 237 : index
    %swap3A_1713 = arith.constant 0 : index
    %swap3A_1714 = arith.constant 0 : index
    %swap3A_1715 = vector.load %arg4[%swap3A_1712, %swap3A_1713, %swap3A_1714] : memref<473x8x128xf32, #tpu.memory_space<vmem>>, vector<1x8x128xf32>
    %swap3A_1716 = vector.shape_cast %swap3A_1715 : vector<1x8x128xf32> to vector<8x128xf32>
    %swap3A_1717 = vector.shape_cast %slice3A_1711 : vector<8x128xf32> to vector<1x8x128xf32>
    tpu.vector_store %arg4[%swap3A_1712, %swap3A_1713, %swap3A_1714], %swap3A_1717 {strides = array<i32>} : memref<473x8x128xf32, #tpu.memory_space<vmem>>, vector<1x8x128xf32>,
    %slice3A_1718 = vector.extract_strided_slice %concatenate3A_48 {offsets = [0, 10368], sizes = [8, 128], strides = [1, 1]} : vector<8x20096xf32> to vector<8x128xf32>
    %swap3A_1719 = arith.constant 238 : index
    %swap3A_1720 = arith.constant 0 : index
    %swap3A_1721 = arith.constant 0 : index
    %swap3A_1722 = vector.load %arg4[%swap3A_1719, %swap3A_1720, %swap3A_1721] : memref<473x8x128xf32, #tpu.memory_space<vmem>>, vector<1x8x128xf32>
    %swap3A_1723 = vector.shape_cast %swap3A_1722 : vector<1x8x128xf32> to vector<8x128xf32>
    %swap3A_1724 = vector.shape_cast %slice3A_1718 : vector<8x128xf32> to vector<1x8x128xf32>
    tpu.vector_store %arg4[%swap3A_1719, %swap3A_1720, %swap3A_1721], %swap3A_1724 {strides = array<i32>} : memref<473x8x128xf32, #tpu.memory_space<vmem>>, vector<1x8x128xf32>,
    %slice3A_1725 = vector.extract_strided_slice %concatenate3A_48 {offsets = [0, 10496], sizes = [8, 128], strides = [1, 1]} : vector<8x20096xf32> to vector<8x128xf32>
    %swap3A_1726 = arith.constant 239 : index
    %swap3A_1727 = arith.constant 0 : index
    %swap3A_1728 = arith.constant 0 : index
    %swap3A_1729 = vector.load %arg4[%swap3A_1726, %swap3A_1727, %swap3A_1728] : memref<473x8x128xf32, #tpu.memory_space<vmem>>, vector<1x8x128xf32>
    %swap3A_1730 = vector.shape_cast %swap3A_1729 : vector<1x8x128xf32> to vector<8x128xf32>
    %swap3A_1731 = vector.shape_cast %slice3A_1725 : vector<8x128xf32> to vector<1x8x128xf32>
    tpu.vector_store %arg4[%swap3A_1726, %swap3A_1727, %swap3A_1728], %swap3A_1731 {strides = array<i32>} : memref<473x8x128xf32, #tpu.memory_space<vmem>>, vector<1x8x128xf32>,
    %slice3A_1732 = vector.extract_strided_slice %concatenate3A_48 {offsets = [0, 10624], sizes = [8, 128], strides = [1, 1]} : vector<8x20096xf32> to vector<8x128xf32>
    %swap3A_1733 = arith.constant 240 : index
    %swap3A_1734 = arith.constant 0 : index
    %swap3A_1735 = arith.constant 0 : index
    %swap3A_1736 = vector.load %arg4[%swap3A_1733, %swap3A_1734, %swap3A_1735] : memref<473x8x128xf32, #tpu.memory_space<vmem>>, vector<1x8x128xf32>
    %swap3A_1737 = vector.shape_cast %swap3A_1736 : vector<1x8x128xf32> to vector<8x128xf32>
    %swap3A_1738 = vector.shape_cast %slice3A_1732 : vector<8x128xf32> to vector<1x8x128xf32>
    tpu.vector_store %arg4[%swap3A_1733, %swap3A_1734, %swap3A_1735], %swap3A_1738 {strides = array<i32>} : memref<473x8x128xf32, #tpu.memory_space<vmem>>, vector<1x8x128xf32>,
    %slice3A_1739 = vector.extract_strided_slice %concatenate3A_48 {offsets = [0, 10752], sizes = [8, 128], strides = [1, 1]} : vector<8x20096xf32> to vector<8x128xf32>
    %swap3A_1740 = arith.constant 241 : index
    %swap3A_1741 = arith.constant 0 : index
    %swap3A_1742 = arith.constant 0 : index
    %swap3A_1743 = vector.load %arg4[%swap3A_1740, %swap3A_1741, %swap3A_1742] : memref<473x8x128xf32, #tpu.memory_space<vmem>>, vector<1x8x128xf32>
    %swap3A_1744 = vector.shape_cast %swap3A_1743 : vector<1x8x128xf32> to vector<8x128xf32>
    %swap3A_1745 = vector.shape_cast %slice3A_1739 : vector<8x128xf32> to vector<1x8x128xf32>
    tpu.vector_store %arg4[%swap3A_1740, %swap3A_1741, %swap3A_1742], %swap3A_1745 {strides = array<i32>} : memref<473x8x128xf32, #tpu.memory_space<vmem>>, vector<1x8x128xf32>,
    %slice3A_1746 = vector.extract_strided_slice %concatenate3A_48 {offsets = [0, 10880], sizes = [8, 128], strides = [1, 1]} : vector<8x20096xf32> to vector<8x128xf32>
    %swap3A_1747 = arith.constant 242 : index
    %swap3A_1748 = arith.constant 0 : index
    %swap3A_1749 = arith.constant 0 : index
    %swap3A_1750 = vector.load %arg4[%swap3A_1747, %swap3A_1748, %swap3A_1749] : memref<473x8x128xf32, #tpu.memory_space<vmem>>, vector<1x8x128xf32>
    %swap3A_1751 = vector.shape_cast %swap3A_1750 : vector<1x8x128xf32> to vector<8x128xf32>
    %swap3A_1752 = vector.shape_cast %slice3A_1746 : vector<8x128xf32> to vector<1x8x128xf32>
    tpu.vector_store %arg4[%swap3A_1747, %swap3A_1748, %swap3A_1749], %swap3A_1752 {strides = array<i32>} : memref<473x8x128xf32, #tpu.memory_space<vmem>>, vector<1x8x128xf32>,
    %slice3A_1753 = vector.extract_strided_slice %concatenate3A_48 {offsets = [0, 11008], sizes = [8, 128], strides = [1, 1]} : vector<8x20096xf32> to vector<8x128xf32>
    %swap3A_1754 = arith.constant 243 : index
    %swap3A_1755 = arith.constant 0 : index
    %swap3A_1756 = arith.constant 0 : index
    %swap3A_1757 = vector.load %arg4[%swap3A_1754, %swap3A_1755, %swap3A_1756] : memref<473x8x128xf32, #tpu.memory_space<vmem>>, vector<1x8x128xf32>
    %swap3A_1758 = vector.shape_cast %swap3A_1757 : vector<1x8x128xf32> to vector<8x128xf32>
    %swap3A_1759 = vector.shape_cast %slice3A_1753 : vector<8x128xf32> to vector<1x8x128xf32>
    tpu.vector_store %arg4[%swap3A_1754, %swap3A_1755, %swap3A_1756], %swap3A_1759 {strides = array<i32>} : memref<473x8x128xf32, #tpu.memory_space<vmem>>, vector<1x8x128xf32>,
    %slice3A_1760 = vector.extract_strided_slice %concatenate3A_48 {offsets = [0, 11136], sizes = [8, 128], strides = [1, 1]} : vector<8x20096xf32> to vector<8x128xf32>
    %swap3A_1761 = arith.constant 244 : index
    %swap3A_1762 = arith.constant 0 : index
    %swap3A_1763 = arith.constant 0 : index
    %swap3A_1764 = vector.load %arg4[%swap3A_1761, %swap3A_1762, %swap3A_1763] : memref<473x8x128xf32, #tpu.memory_space<vmem>>, vector<1x8x128xf32>
    %swap3A_1765 = vector.shape_cast %swap3A_1764 : vector<1x8x128xf32> to vector<8x128xf32>
    %swap3A_1766 = vector.shape_cast %slice3A_1760 : vector<8x128xf32> to vector<1x8x128xf32>
    tpu.vector_store %arg4[%swap3A_1761, %swap3A_1762, %swap3A_1763], %swap3A_1766 {strides = array<i32>} : memref<473x8x128xf32, #tpu.memory_space<vmem>>, vector<1x8x128xf32>,
    %slice3A_1767 = vector.extract_strided_slice %concatenate3A_48 {offsets = [0, 11264], sizes = [8, 128], strides = [1, 1]} : vector<8x20096xf32> to vector<8x128xf32>
    %swap3A_1768 = arith.constant 245 : index
    %swap3A_1769 = arith.constant 0 : index
    %swap3A_1770 = arith.constant 0 : index
    %swap3A_1771 = vector.load %arg4[%swap3A_1768, %swap3A_1769, %swap3A_1770] : memref<473x8x128xf32, #tpu.memory_space<vmem>>, vector<1x8x128xf32>
    %swap3A_1772 = vector.shape_cast %swap3A_1771 : vector<1x8x128xf32> to vector<8x128xf32>
    %swap3A_1773 = vector.shape_cast %slice3A_1767 : vector<8x128xf32> to vector<1x8x128xf32>
    tpu.vector_store %arg4[%swap3A_1768, %swap3A_1769, %swap3A_1770], %swap3A_1773 {strides = array<i32>} : memref<473x8x128xf32, #tpu.memory_space<vmem>>, vector<1x8x128xf32>,
    %slice3A_1774 = vector.extract_strided_slice %concatenate3A_48 {offsets = [0, 11392], sizes = [8, 128], strides = [1, 1]} : vector<8x20096xf32> to vector<8x128xf32>
    %swap3A_1775 = arith.constant 246 : index
    %swap3A_1776 = arith.constant 0 : index
    %swap3A_1777 = arith.constant 0 : index
    %swap3A_1778 = vector.load %arg4[%swap3A_1775, %swap3A_1776, %swap3A_1777] : memref<473x8x128xf32, #tpu.memory_space<vmem>>, vector<1x8x128xf32>
    %swap3A_1779 = vector.shape_cast %swap3A_1778 : vector<1x8x128xf32> to vector<8x128xf32>
    %swap3A_1780 = vector.shape_cast %slice3A_1774 : vector<8x128xf32> to vector<1x8x128xf32>
    tpu.vector_store %arg4[%swap3A_1775, %swap3A_1776, %swap3A_1777], %swap3A_1780 {strides = array<i32>} : memref<473x8x128xf32, #tpu.memory_space<vmem>>, vector<1x8x128xf32>,
    %slice3A_1781 = vector.extract_strided_slice %concatenate3A_48 {offsets = [0, 11520], sizes = [8, 128], strides = [1, 1]} : vector<8x20096xf32> to vector<8x128xf32>
    %swap3A_1782 = arith.constant 247 : index
    %swap3A_1783 = arith.constant 0 : index
    %swap3A_1784 = arith.constant 0 : index
    %swap3A_1785 = vector.load %arg4[%swap3A_1782, %swap3A_1783, %swap3A_1784] : memref<473x8x128xf32, #tpu.memory_space<vmem>>, vector<1x8x128xf32>
    %swap3A_1786 = vector.shape_cast %swap3A_1785 : vector<1x8x128xf32> to vector<8x128xf32>
    %swap3A_1787 = vector.shape_cast %slice3A_1781 : vector<8x128xf32> to vector<1x8x128xf32>
    tpu.vector_store %arg4[%swap3A_1782, %swap3A_1783, %swap3A_1784], %swap3A_1787 {strides = array<i32>} : memref<473x8x128xf32, #tpu.memory_space<vmem>>, vector<1x8x128xf32>,
    %slice3A_1788 = vector.extract_strided_slice %concatenate3A_48 {offsets = [0, 11648], sizes = [8, 128], strides = [1, 1]} : vector<8x20096xf32> to vector<8x128xf32>
    %swap3A_1789 = arith.constant 248 : index
    %swap3A_1790 = arith.constant 0 : index
    %swap3A_1791 = arith.constant 0 : index
    %swap3A_1792 = vector.load %arg4[%swap3A_1789, %swap3A_1790, %swap3A_1791] : memref<473x8x128xf32, #tpu.memory_space<vmem>>, vector<1x8x128xf32>
    %swap3A_1793 = vector.shape_cast %swap3A_1792 : vector<1x8x128xf32> to vector<8x128xf32>
    %swap3A_1794 = vector.shape_cast %slice3A_1788 : vector<8x128xf32> to vector<1x8x128xf32>
    tpu.vector_store %arg4[%swap3A_1789, %swap3A_1790, %swap3A_1791], %swap3A_1794 {strides = array<i32>} : memref<473x8x128xf32, #tpu.memory_space<vmem>>, vector<1x8x128xf32>,
    %slice3A_1795 = vector.extract_strided_slice %concatenate3A_48 {offsets = [0, 11776], sizes = [8, 128], strides = [1, 1]} : vector<8x20096xf32> to vector<8x128xf32>
    %swap3A_1796 = arith.constant 249 : index
    %swap3A_1797 = arith.constant 0 : index
    %swap3A_1798 = arith.constant 0 : index
    %swap3A_1799 = vector.load %arg4[%swap3A_1796, %swap3A_1797, %swap3A_1798] : memref<473x8x128xf32, #tpu.memory_space<vmem>>, vector<1x8x128xf32>
    %swap3A_1800 = vector.shape_cast %swap3A_1799 : vector<1x8x128xf32> to vector<8x128xf32>
    %swap3A_1801 = vector.shape_cast %slice3A_1795 : vector<8x128xf32> to vector<1x8x128xf32>
    tpu.vector_store %arg4[%swap3A_1796, %swap3A_1797, %swap3A_1798], %swap3A_1801 {strides = array<i32>} : memref<473x8x128xf32, #tpu.memory_space<vmem>>, vector<1x8x128xf32>,
    %slice3A_1802 = vector.extract_strided_slice %concatenate3A_48 {offsets = [0, 11904], sizes = [8, 128], strides = [1, 1]} : vector<8x20096xf32> to vector<8x128xf32>
    %swap3A_1803 = arith.constant 250 : index
    %swap3A_1804 = arith.constant 0 : index
    %swap3A_1805 = arith.constant 0 : index
    %swap3A_1806 = vector.load %arg4[%swap3A_1803, %swap3A_1804, %swap3A_1805] : memref<473x8x128xf32, #tpu.memory_space<vmem>>, vector<1x8x128xf32>
    %swap3A_1807 = vector.shape_cast %swap3A_1806 : vector<1x8x128xf32> to vector<8x128xf32>
    %swap3A_1808 = vector.shape_cast %slice3A_1802 : vector<8x128xf32> to vector<1x8x128xf32>
    tpu.vector_store %arg4[%swap3A_1803, %swap3A_1804, %swap3A_1805], %swap3A_1808 {strides = array<i32>} : memref<473x8x128xf32, #tpu.memory_space<vmem>>, vector<1x8x128xf32>,
    %slice3A_1809 = vector.extract_strided_slice %concatenate3A_48 {offsets = [0, 12032], sizes = [8, 128], strides = [1, 1]} : vector<8x20096xf32> to vector<8x128xf32>
    %swap3A_1810 = arith.constant 251 : index
    %swap3A_1811 = arith.constant 0 : index
    %swap3A_1812 = arith.constant 0 : index
    %swap3A_1813 = vector.load %arg4[%swap3A_1810, %swap3A_1811, %swap3A_1812] : memref<473x8x128xf32, #tpu.memory_space<vmem>>, vector<1x8x128xf32>
    %swap3A_1814 = vector.shape_cast %swap3A_1813 : vector<1x8x128xf32> to vector<8x128xf32>
    %swap3A_1815 = vector.shape_cast %slice3A_1809 : vector<8x128xf32> to vector<1x8x128xf32>
    tpu.vector_store %arg4[%swap3A_1810, %swap3A_1811, %swap3A_1812], %swap3A_1815 {strides = array<i32>} : memref<473x8x128xf32, #tpu.memory_space<vmem>>, vector<1x8x128xf32>,
    %slice3A_1816 = vector.extract_strided_slice %concatenate3A_48 {offsets = [0, 12160], sizes = [8, 128], strides = [1, 1]} : vector<8x20096xf32> to vector<8x128xf32>
    %swap3A_1817 = arith.constant 252 : index
    %swap3A_1818 = arith.constant 0 : index
    %swap3A_1819 = arith.constant 0 : index
    %swap3A_1820 = vector.load %arg4[%swap3A_1817, %swap3A_1818, %swap3A_1819] : memref<473x8x128xf32, #tpu.memory_space<vmem>>, vector<1x8x128xf32>
    %swap3A_1821 = vector.shape_cast %swap3A_1820 : vector<1x8x128xf32> to vector<8x128xf32>
    %swap3A_1822 = vector.shape_cast %slice3A_1816 : vector<8x128xf32> to vector<1x8x128xf32>
    tpu.vector_store %arg4[%swap3A_1817, %swap3A_1818, %swap3A_1819], %swap3A_1822 {strides = array<i32>} : memref<473x8x128xf32, #tpu.memory_space<vmem>>, vector<1x8x128xf32>,
    %slice3A_1823 = vector.extract_strided_slice %concatenate3A_48 {offsets = [0, 12288], sizes = [8, 128], strides = [1, 1]} : vector<8x20096xf32> to vector<8x128xf32>
    %swap3A_1824 = arith.constant 253 : index
    %swap3A_1825 = arith.constant 0 : index
    %swap3A_1826 = arith.constant 0 : index
    %swap3A_1827 = vector.load %arg4[%swap3A_1824, %swap3A_1825, %swap3A_1826] : memref<473x8x128xf32, #tpu.memory_space<vmem>>, vector<1x8x128xf32>
    %swap3A_1828 = vector.shape_cast %swap3A_1827 : vector<1x8x128xf32> to vector<8x128xf32>
    %swap3A_1829 = vector.shape_cast %slice3A_1823 : vector<8x128xf32> to vector<1x8x128xf32>
    tpu.vector_store %arg4[%swap3A_1824, %swap3A_1825, %swap3A_1826], %swap3A_1829 {strides = array<i32>} : memref<473x8x128xf32, #tpu.memory_space<vmem>>, vector<1x8x128xf32>,
    %slice3A_1830 = vector.extract_strided_slice %concatenate3A_48 {offsets = [0, 12416], sizes = [8, 128], strides = [1, 1]} : vector<8x20096xf32> to vector<8x128xf32>
    %swap3A_1831 = arith.constant 254 : index
    %swap3A_1832 = arith.constant 0 : index
    %swap3A_1833 = arith.constant 0 : index
    %swap3A_1834 = vector.load %arg4[%swap3A_1831, %swap3A_1832, %swap3A_1833] : memref<473x8x128xf32, #tpu.memory_space<vmem>>, vector<1x8x128xf32>
    %swap3A_1835 = vector.shape_cast %swap3A_1834 : vector<1x8x128xf32> to vector<8x128xf32>
    %swap3A_1836 = vector.shape_cast %slice3A_1830 : vector<8x128xf32> to vector<1x8x128xf32>
    tpu.vector_store %arg4[%swap3A_1831, %swap3A_1832, %swap3A_1833], %swap3A_1836 {strides = array<i32>} : memref<473x8x128xf32, #tpu.memory_space<vmem>>, vector<1x8x128xf32>,
    %slice3A_1837 = vector.extract_strided_slice %concatenate3A_48 {offsets = [0, 12544], sizes = [8, 128], strides = [1, 1]} : vector<8x20096xf32> to vector<8x128xf32>
    %swap3A_1838 = arith.constant 255 : index
    %swap3A_1839 = arith.constant 0 : index
    %swap3A_1840 = arith.constant 0 : index
    %swap3A_1841 = vector.load %arg4[%swap3A_1838, %swap3A_1839, %swap3A_1840] : memref<473x8x128xf32, #tpu.memory_space<vmem>>, vector<1x8x128xf32>
    %swap3A_1842 = vector.shape_cast %swap3A_1841 : vector<1x8x128xf32> to vector<8x128xf32>
    %swap3A_1843 = vector.shape_cast %slice3A_1837 : vector<8x128xf32> to vector<1x8x128xf32>
    tpu.vector_store %arg4[%swap3A_1838, %swap3A_1839, %swap3A_1840], %swap3A_1843 {strides = array<i32>} : memref<473x8x128xf32, #tpu.memory_space<vmem>>, vector<1x8x128xf32>,
    %slice3A_1844 = vector.extract_strided_slice %concatenate3A_48 {offsets = [0, 12672], sizes = [8, 128], strides = [1, 1]} : vector<8x20096xf32> to vector<8x128xf32>
    %swap3A_1845 = arith.constant 256 : index
    %swap3A_1846 = arith.constant 0 : index
    %swap3A_1847 = arith.constant 0 : index
    %swap3A_1848 = vector.load %arg4[%swap3A_1845, %swap3A_1846, %swap3A_1847] : memref<473x8x128xf32, #tpu.memory_space<vmem>>, vector<1x8x128xf32>
    %swap3A_1849 = vector.shape_cast %swap3A_1848 : vector<1x8x128xf32> to vector<8x128xf32>
    %swap3A_1850 = vector.shape_cast %slice3A_1844 : vector<8x128xf32> to vector<1x8x128xf32>
    tpu.vector_store %arg4[%swap3A_1845, %swap3A_1846, %swap3A_1847], %swap3A_1850 {strides = array<i32>} : memref<473x8x128xf32, #tpu.memory_space<vmem>>, vector<1x8x128xf32>,
    %slice3A_1851 = vector.extract_strided_slice %concatenate3A_48 {offsets = [0, 12800], sizes = [8, 128], strides = [1, 1]} : vector<8x20096xf32> to vector<8x128xf32>
    %swap3A_1852 = arith.constant 257 : index
    %swap3A_1853 = arith.constant 0 : index
    %swap3A_1854 = arith.constant 0 : index
    %swap3A_1855 = vector.load %arg4[%swap3A_1852, %swap3A_1853, %swap3A_1854] : memref<473x8x128xf32, #tpu.memory_space<vmem>>, vector<1x8x128xf32>
    %swap3A_1856 = vector.shape_cast %swap3A_1855 : vector<1x8x128xf32> to vector<8x128xf32>
    %swap3A_1857 = vector.shape_cast %slice3A_1851 : vector<8x128xf32> to vector<1x8x128xf32>
    tpu.vector_store %arg4[%swap3A_1852, %swap3A_1853, %swap3A_1854], %swap3A_1857 {strides = array<i32>} : memref<473x8x128xf32, #tpu.memory_space<vmem>>, vector<1x8x128xf32>,
    %slice3A_1858 = vector.extract_strided_slice %concatenate3A_48 {offsets = [0, 12928], sizes = [8, 128], strides = [1, 1]} : vector<8x20096xf32> to vector<8x128xf32>
    %swap3A_1859 = arith.constant 258 : index
    %swap3A_1860 = arith.constant 0 : index
    %swap3A_1861 = arith.constant 0 : index
    %swap3A_1862 = vector.load %arg4[%swap3A_1859, %swap3A_1860, %swap3A_1861] : memref<473x8x128xf32, #tpu.memory_space<vmem>>, vector<1x8x128xf32>
    %swap3A_1863 = vector.shape_cast %swap3A_1862 : vector<1x8x128xf32> to vector<8x128xf32>
    %swap3A_1864 = vector.shape_cast %slice3A_1858 : vector<8x128xf32> to vector<1x8x128xf32>
    tpu.vector_store %arg4[%swap3A_1859, %swap3A_1860, %swap3A_1861], %swap3A_1864 {strides = array<i32>} : memref<473x8x128xf32, #tpu.memory_space<vmem>>, vector<1x8x128xf32>,
    %slice3A_1865 = vector.extract_strided_slice %concatenate3A_48 {offsets = [0, 13056], sizes = [8, 128], strides = [1, 1]} : vector<8x20096xf32> to vector<8x128xf32>
    %swap3A_1866 = arith.constant 259 : index
    %swap3A_1867 = arith.constant 0 : index
    %swap3A_1868 = arith.constant 0 : index
    %swap3A_1869 = vector.load %arg4[%swap3A_1866, %swap3A_1867, %swap3A_1868] : memref<473x8x128xf32, #tpu.memory_space<vmem>>, vector<1x8x128xf32>
    %swap3A_1870 = vector.shape_cast %swap3A_1869 : vector<1x8x128xf32> to vector<8x128xf32>
    %swap3A_1871 = vector.shape_cast %slice3A_1865 : vector<8x128xf32> to vector<1x8x128xf32>
    tpu.vector_store %arg4[%swap3A_1866, %swap3A_1867, %swap3A_1868], %swap3A_1871 {strides = array<i32>} : memref<473x8x128xf32, #tpu.memory_space<vmem>>, vector<1x8x128xf32>,
    %slice3A_1872 = vector.extract_strided_slice %concatenate3A_48 {offsets = [0, 13184], sizes = [8, 128], strides = [1, 1]} : vector<8x20096xf32> to vector<8x128xf32>
    %swap3A_1873 = arith.constant 260 : index
    %swap3A_1874 = arith.constant 0 : index
    %swap3A_1875 = arith.constant 0 : index
    %swap3A_1876 = vector.load %arg4[%swap3A_1873, %swap3A_1874, %swap3A_1875] : memref<473x8x128xf32, #tpu.memory_space<vmem>>, vector<1x8x128xf32>
    %swap3A_1877 = vector.shape_cast %swap3A_1876 : vector<1x8x128xf32> to vector<8x128xf32>
    %swap3A_1878 = vector.shape_cast %slice3A_1872 : vector<8x128xf32> to vector<1x8x128xf32>
    tpu.vector_store %arg4[%swap3A_1873, %swap3A_1874, %swap3A_1875], %swap3A_1878 {strides = array<i32>} : memref<473x8x128xf32, #tpu.memory_space<vmem>>, vector<1x8x128xf32>,
    %slice3A_1879 = vector.extract_strided_slice %concatenate3A_48 {offsets = [0, 13312], sizes = [8, 128], strides = [1, 1]} : vector<8x20096xf32> to vector<8x128xf32>
    %swap3A_1880 = arith.constant 261 : index
    %swap3A_1881 = arith.constant 0 : index
    %swap3A_1882 = arith.constant 0 : index
    %swap3A_1883 = vector.load %arg4[%swap3A_1880, %swap3A_1881, %swap3A_1882] : memref<473x8x128xf32, #tpu.memory_space<vmem>>, vector<1x8x128xf32>
    %swap3A_1884 = vector.shape_cast %swap3A_1883 : vector<1x8x128xf32> to vector<8x128xf32>
    %swap3A_1885 = vector.shape_cast %slice3A_1879 : vector<8x128xf32> to vector<1x8x128xf32>
    tpu.vector_store %arg4[%swap3A_1880, %swap3A_1881, %swap3A_1882], %swap3A_1885 {strides = array<i32>} : memref<473x8x128xf32, #tpu.memory_space<vmem>>, vector<1x8x128xf32>,
    %slice3A_1886 = vector.extract_strided_slice %concatenate3A_48 {offsets = [0, 13440], sizes = [8, 128], strides = [1, 1]} : vector<8x20096xf32> to vector<8x128xf32>
    %swap3A_1887 = arith.constant 262 : index
    %swap3A_1888 = arith.constant 0 : index
    %swap3A_1889 = arith.constant 0 : index
    %swap3A_1890 = vector.load %arg4[%swap3A_1887, %swap3A_1888, %swap3A_1889] : memref<473x8x128xf32, #tpu.memory_space<vmem>>, vector<1x8x128xf32>
    %swap3A_1891 = vector.shape_cast %swap3A_1890 : vector<1x8x128xf32> to vector<8x128xf32>
    %swap3A_1892 = vector.shape_cast %slice3A_1886 : vector<8x128xf32> to vector<1x8x128xf32>
    tpu.vector_store %arg4[%swap3A_1887, %swap3A_1888, %swap3A_1889], %swap3A_1892 {strides = array<i32>} : memref<473x8x128xf32, #tpu.memory_space<vmem>>, vector<1x8x128xf32>,
    %slice3A_1893 = vector.extract_strided_slice %concatenate3A_48 {offsets = [0, 13568], sizes = [8, 128], strides = [1, 1]} : vector<8x20096xf32> to vector<8x128xf32>
    %swap3A_1894 = arith.constant 263 : index
    %swap3A_1895 = arith.constant 0 : index
    %swap3A_1896 = arith.constant 0 : index
    %swap3A_1897 = vector.load %arg4[%swap3A_1894, %swap3A_1895, %swap3A_1896] : memref<473x8x128xf32, #tpu.memory_space<vmem>>, vector<1x8x128xf32>
    %swap3A_1898 = vector.shape_cast %swap3A_1897 : vector<1x8x128xf32> to vector<8x128xf32>
    %swap3A_1899 = vector.shape_cast %slice3A_1893 : vector<8x128xf32> to vector<1x8x128xf32>
    tpu.vector_store %arg4[%swap3A_1894, %swap3A_1895, %swap3A_1896], %swap3A_1899 {strides = array<i32>} : memref<473x8x128xf32, #tpu.memory_space<vmem>>, vector<1x8x128xf32>,
    %slice3A_1900 = vector.extract_strided_slice %concatenate3A_48 {offsets = [0, 13696], sizes = [8, 128], strides = [1, 1]} : vector<8x20096xf32> to vector<8x128xf32>
    %swap3A_1901 = arith.constant 264 : index
    %swap3A_1902 = arith.constant 0 : index
    %swap3A_1903 = arith.constant 0 : index
    %swap3A_1904 = vector.load %arg4[%swap3A_1901, %swap3A_1902, %swap3A_1903] : memref<473x8x128xf32, #tpu.memory_space<vmem>>, vector<1x8x128xf32>
    %swap3A_1905 = vector.shape_cast %swap3A_1904 : vector<1x8x128xf32> to vector<8x128xf32>
    %swap3A_1906 = vector.shape_cast %slice3A_1900 : vector<8x128xf32> to vector<1x8x128xf32>
    tpu.vector_store %arg4[%swap3A_1901, %swap3A_1902, %swap3A_1903], %swap3A_1906 {strides = array<i32>} : memref<473x8x128xf32, #tpu.memory_space<vmem>>, vector<1x8x128xf32>,
    %slice3A_1907 = vector.extract_strided_slice %concatenate3A_48 {offsets = [0, 13824], sizes = [8, 128], strides = [1, 1]} : vector<8x20096xf32> to vector<8x128xf32>
    %swap3A_1908 = arith.constant 265 : index
    %swap3A_1909 = arith.constant 0 : index
    %swap3A_1910 = arith.constant 0 : index
    %swap3A_1911 = vector.load %arg4[%swap3A_1908, %swap3A_1909, %swap3A_1910] : memref<473x8x128xf32, #tpu.memory_space<vmem>>, vector<1x8x128xf32>
    %swap3A_1912 = vector.shape_cast %swap3A_1911 : vector<1x8x128xf32> to vector<8x128xf32>
    %swap3A_1913 = vector.shape_cast %slice3A_1907 : vector<8x128xf32> to vector<1x8x128xf32>
    tpu.vector_store %arg4[%swap3A_1908, %swap3A_1909, %swap3A_1910], %swap3A_1913 {strides = array<i32>} : memref<473x8x128xf32, #tpu.memory_space<vmem>>, vector<1x8x128xf32>,
    %slice3A_1914 = vector.extract_strided_slice %concatenate3A_48 {offsets = [0, 13952], sizes = [8, 128], strides = [1, 1]} : vector<8x20096xf32> to vector<8x128xf32>
    %swap3A_1915 = arith.constant 266 : index
    %swap3A_1916 = arith.constant 0 : index
    %swap3A_1917 = arith.constant 0 : index
    %swap3A_1918 = vector.load %arg4[%swap3A_1915, %swap3A_1916, %swap3A_1917] : memref<473x8x128xf32, #tpu.memory_space<vmem>>, vector<1x8x128xf32>
    %swap3A_1919 = vector.shape_cast %swap3A_1918 : vector<1x8x128xf32> to vector<8x128xf32>
    %swap3A_1920 = vector.shape_cast %slice3A_1914 : vector<8x128xf32> to vector<1x8x128xf32>
    tpu.vector_store %arg4[%swap3A_1915, %swap3A_1916, %swap3A_1917], %swap3A_1920 {strides = array<i32>} : memref<473x8x128xf32, #tpu.memory_space<vmem>>, vector<1x8x128xf32>,
    %slice3A_1921 = vector.extract_strided_slice %concatenate3A_48 {offsets = [0, 14080], sizes = [8, 128], strides = [1, 1]} : vector<8x20096xf32> to vector<8x128xf32>
    %swap3A_1922 = arith.constant 267 : index
    %swap3A_1923 = arith.constant 0 : index
    %swap3A_1924 = arith.constant 0 : index
    %swap3A_1925 = vector.load %arg4[%swap3A_1922, %swap3A_1923, %swap3A_1924] : memref<473x8x128xf32, #tpu.memory_space<vmem>>, vector<1x8x128xf32>
    %swap3A_1926 = vector.shape_cast %swap3A_1925 : vector<1x8x128xf32> to vector<8x128xf32>
    %swap3A_1927 = vector.shape_cast %slice3A_1921 : vector<8x128xf32> to vector<1x8x128xf32>
    tpu.vector_store %arg4[%swap3A_1922, %swap3A_1923, %swap3A_1924], %swap3A_1927 {strides = array<i32>} : memref<473x8x128xf32, #tpu.memory_space<vmem>>, vector<1x8x128xf32>,
    %slice3A_1928 = vector.extract_strided_slice %concatenate3A_48 {offsets = [0, 14208], sizes = [8, 128], strides = [1, 1]} : vector<8x20096xf32> to vector<8x128xf32>
    %swap3A_1929 = arith.constant 268 : index
    %swap3A_1930 = arith.constant 0 : index
    %swap3A_1931 = arith.constant 0 : index
    %swap3A_1932 = vector.load %arg4[%swap3A_1929, %swap3A_1930, %swap3A_1931] : memref<473x8x128xf32, #tpu.memory_space<vmem>>, vector<1x8x128xf32>
    %swap3A_1933 = vector.shape_cast %swap3A_1932 : vector<1x8x128xf32> to vector<8x128xf32>
    %swap3A_1934 = vector.shape_cast %slice3A_1928 : vector<8x128xf32> to vector<1x8x128xf32>
    tpu.vector_store %arg4[%swap3A_1929, %swap3A_1930, %swap3A_1931], %swap3A_1934 {strides = array<i32>} : memref<473x8x128xf32, #tpu.memory_space<vmem>>, vector<1x8x128xf32>,
    %slice3A_1935 = vector.extract_strided_slice %concatenate3A_48 {offsets = [0, 14336], sizes = [8, 128], strides = [1, 1]} : vector<8x20096xf32> to vector<8x128xf32>
    %swap3A_1936 = arith.constant 269 : index
    %swap3A_1937 = arith.constant 0 : index
    %swap3A_1938 = arith.constant 0 : index
    %swap3A_1939 = vector.load %arg4[%swap3A_1936, %swap3A_1937, %swap3A_1938] : memref<473x8x128xf32, #tpu.memory_space<vmem>>, vector<1x8x128xf32>
    %swap3A_1940 = vector.shape_cast %swap3A_1939 : vector<1x8x128xf32> to vector<8x128xf32>
    %swap3A_1941 = vector.shape_cast %slice3A_1935 : vector<8x128xf32> to vector<1x8x128xf32>
    tpu.vector_store %arg4[%swap3A_1936, %swap3A_1937, %swap3A_1938], %swap3A_1941 {strides = array<i32>} : memref<473x8x128xf32, #tpu.memory_space<vmem>>, vector<1x8x128xf32>,
    %slice3A_1942 = vector.extract_strided_slice %concatenate3A_48 {offsets = [0, 14464], sizes = [8, 128], strides = [1, 1]} : vector<8x20096xf32> to vector<8x128xf32>
    %swap3A_1943 = arith.constant 270 : index
    %swap3A_1944 = arith.constant 0 : index
    %swap3A_1945 = arith.constant 0 : index
    %swap3A_1946 = vector.load %arg4[%swap3A_1943, %swap3A_1944, %swap3A_1945] : memref<473x8x128xf32, #tpu.memory_space<vmem>>, vector<1x8x128xf32>
    %swap3A_1947 = vector.shape_cast %swap3A_1946 : vector<1x8x128xf32> to vector<8x128xf32>
    %swap3A_1948 = vector.shape_cast %slice3A_1942 : vector<8x128xf32> to vector<1x8x128xf32>
    tpu.vector_store %arg4[%swap3A_1943, %swap3A_1944, %swap3A_1945], %swap3A_1948 {strides = array<i32>} : memref<473x8x128xf32, #tpu.memory_space<vmem>>, vector<1x8x128xf32>,
    %slice3A_1949 = vector.extract_strided_slice %concatenate3A_48 {offsets = [0, 14592], sizes = [8, 128], strides = [1, 1]} : vector<8x20096xf32> to vector<8x128xf32>
    %swap3A_1950 = arith.constant 271 : index
    %swap3A_1951 = arith.constant 0 : index
    %swap3A_1952 = arith.constant 0 : index
    %swap3A_1953 = vector.load %arg4[%swap3A_1950, %swap3A_1951, %swap3A_1952] : memref<473x8x128xf32, #tpu.memory_space<vmem>>, vector<1x8x128xf32>
    %swap3A_1954 = vector.shape_cast %swap3A_1953 : vector<1x8x128xf32> to vector<8x128xf32>
    %swap3A_1955 = vector.shape_cast %slice3A_1949 : vector<8x128xf32> to vector<1x8x128xf32>
    tpu.vector_store %arg4[%swap3A_1950, %swap3A_1951, %swap3A_1952], %swap3A_1955 {strides = array<i32>} : memref<473x8x128xf32, #tpu.memory_space<vmem>>, vector<1x8x128xf32>,
    %slice3A_1956 = vector.extract_strided_slice %concatenate3A_48 {offsets = [0, 14720], sizes = [8, 128], strides = [1, 1]} : vector<8x20096xf32> to vector<8x128xf32>
    %swap3A_1957 = arith.constant 272 : index
    %swap3A_1958 = arith.constant 0 : index
    %swap3A_1959 = arith.constant 0 : index
    %swap3A_1960 = vector.load %arg4[%swap3A_1957, %swap3A_1958, %swap3A_1959] : memref<473x8x128xf32, #tpu.memory_space<vmem>>, vector<1x8x128xf32>
    %swap3A_1961 = vector.shape_cast %swap3A_1960 : vector<1x8x128xf32> to vector<8x128xf32>
    %swap3A_1962 = vector.shape_cast %slice3A_1956 : vector<8x128xf32> to vector<1x8x128xf32>
    tpu.vector_store %arg4[%swap3A_1957, %swap3A_1958, %swap3A_1959], %swap3A_1962 {strides = array<i32>} : memref<473x8x128xf32, #tpu.memory_space<vmem>>, vector<1x8x128xf32>,
    %slice3A_1963 = vector.extract_strided_slice %concatenate3A_48 {offsets = [0, 14848], sizes = [8, 128], strides = [1, 1]} : vector<8x20096xf32> to vector<8x128xf32>
    %swap3A_1964 = arith.constant 273 : index
    %swap3A_1965 = arith.constant 0 : index
    %swap3A_1966 = arith.constant 0 : index
    %swap3A_1967 = vector.load %arg4[%swap3A_1964, %swap3A_1965, %swap3A_1966] : memref<473x8x128xf32, #tpu.memory_space<vmem>>, vector<1x8x128xf32>
    %swap3A_1968 = vector.shape_cast %swap3A_1967 : vector<1x8x128xf32> to vector<8x128xf32>
    %swap3A_1969 = vector.shape_cast %slice3A_1963 : vector<8x128xf32> to vector<1x8x128xf32>
    tpu.vector_store %arg4[%swap3A_1964, %swap3A_1965, %swap3A_1966], %swap3A_1969 {strides = array<i32>} : memref<473x8x128xf32, #tpu.memory_space<vmem>>, vector<1x8x128xf32>,
    %slice3A_1970 = vector.extract_strided_slice %concatenate3A_48 {offsets = [0, 14976], sizes = [8, 128], strides = [1, 1]} : vector<8x20096xf32> to vector<8x128xf32>
    %swap3A_1971 = arith.constant 274 : index
    %swap3A_1972 = arith.constant 0 : index
    %swap3A_1973 = arith.constant 0 : index
    %swap3A_1974 = vector.load %arg4[%swap3A_1971, %swap3A_1972, %swap3A_1973] : memref<473x8x128xf32, #tpu.memory_space<vmem>>, vector<1x8x128xf32>
    %swap3A_1975 = vector.shape_cast %swap3A_1974 : vector<1x8x128xf32> to vector<8x128xf32>
    %swap3A_1976 = vector.shape_cast %slice3A_1970 : vector<8x128xf32> to vector<1x8x128xf32>
    tpu.vector_store %arg4[%swap3A_1971, %swap3A_1972, %swap3A_1973], %swap3A_1976 {strides = array<i32>} : memref<473x8x128xf32, #tpu.memory_space<vmem>>, vector<1x8x128xf32>,
    %slice3A_1977 = vector.extract_strided_slice %concatenate3A_48 {offsets = [0, 15104], sizes = [8, 128], strides = [1, 1]} : vector<8x20096xf32> to vector<8x128xf32>
    %swap3A_1978 = arith.constant 275 : index
    %swap3A_1979 = arith.constant 0 : index
    %swap3A_1980 = arith.constant 0 : index
    %swap3A_1981 = vector.load %arg4[%swap3A_1978, %swap3A_1979, %swap3A_1980] : memref<473x8x128xf32, #tpu.memory_space<vmem>>, vector<1x8x128xf32>
    %swap3A_1982 = vector.shape_cast %swap3A_1981 : vector<1x8x128xf32> to vector<8x128xf32>
    %swap3A_1983 = vector.shape_cast %slice3A_1977 : vector<8x128xf32> to vector<1x8x128xf32>
    tpu.vector_store %arg4[%swap3A_1978, %swap3A_1979, %swap3A_1980], %swap3A_1983 {strides = array<i32>} : memref<473x8x128xf32, #tpu.memory_space<vmem>>, vector<1x8x128xf32>,
    %slice3A_1984 = vector.extract_strided_slice %concatenate3A_48 {offsets = [0, 15232], sizes = [8, 128], strides = [1, 1]} : vector<8x20096xf32> to vector<8x128xf32>
    %swap3A_1985 = arith.constant 276 : index
    %swap3A_1986 = arith.constant 0 : index
    %swap3A_1987 = arith.constant 0 : index
    %swap3A_1988 = vector.load %arg4[%swap3A_1985, %swap3A_1986, %swap3A_1987] : memref<473x8x128xf32, #tpu.memory_space<vmem>>, vector<1x8x128xf32>
    %swap3A_1989 = vector.shape_cast %swap3A_1988 : vector<1x8x128xf32> to vector<8x128xf32>
    %swap3A_1990 = vector.shape_cast %slice3A_1984 : vector<8x128xf32> to vector<1x8x128xf32>
    tpu.vector_store %arg4[%swap3A_1985, %swap3A_1986, %swap3A_1987], %swap3A_1990 {strides = array<i32>} : memref<473x8x128xf32, #tpu.memory_space<vmem>>, vector<1x8x128xf32>,
    %slice3A_1991 = vector.extract_strided_slice %concatenate3A_48 {offsets = [0, 15360], sizes = [8, 128], strides = [1, 1]} : vector<8x20096xf32> to vector<8x128xf32>
    %swap3A_1992 = arith.constant 277 : index
    %swap3A_1993 = arith.constant 0 : index
    %swap3A_1994 = arith.constant 0 : index
    %swap3A_1995 = vector.load %arg4[%swap3A_1992, %swap3A_1993, %swap3A_1994] : memref<473x8x128xf32, #tpu.memory_space<vmem>>, vector<1x8x128xf32>
    %swap3A_1996 = vector.shape_cast %swap3A_1995 : vector<1x8x128xf32> to vector<8x128xf32>
    %swap3A_1997 = vector.shape_cast %slice3A_1991 : vector<8x128xf32> to vector<1x8x128xf32>
    tpu.vector_store %arg4[%swap3A_1992, %swap3A_1993, %swap3A_1994], %swap3A_1997 {strides = array<i32>} : memref<473x8x128xf32, #tpu.memory_space<vmem>>, vector<1x8x128xf32>,
    %slice3A_1998 = vector.extract_strided_slice %concatenate3A_48 {offsets = [0, 15488], sizes = [8, 128], strides = [1, 1]} : vector<8x20096xf32> to vector<8x128xf32>
    %swap3A_1999 = arith.constant 278 : index
    %swap3A_2000 = arith.constant 0 : index
    %swap3A_2001 = arith.constant 0 : index
    %swap3A_2002 = vector.load %arg4[%swap3A_1999, %swap3A_2000, %swap3A_2001] : memref<473x8x128xf32, #tpu.memory_space<vmem>>, vector<1x8x128xf32>
    %swap3A_2003 = vector.shape_cast %swap3A_2002 : vector<1x8x128xf32> to vector<8x128xf32>
    %swap3A_2004 = vector.shape_cast %slice3A_1998 : vector<8x128xf32> to vector<1x8x128xf32>
    tpu.vector_store %arg4[%swap3A_1999, %swap3A_2000, %swap3A_2001], %swap3A_2004 {strides = array<i32>} : memref<473x8x128xf32, #tpu.memory_space<vmem>>, vector<1x8x128xf32>,
    %slice3A_2005 = vector.extract_strided_slice %concatenate3A_48 {offsets = [0, 15616], sizes = [8, 128], strides = [1, 1]} : vector<8x20096xf32> to vector<8x128xf32>
    %swap3A_2006 = arith.constant 279 : index
    %swap3A_2007 = arith.constant 0 : index
    %swap3A_2008 = arith.constant 0 : index
    %swap3A_2009 = vector.load %arg4[%swap3A_2006, %swap3A_2007, %swap3A_2008] : memref<473x8x128xf32, #tpu.memory_space<vmem>>, vector<1x8x128xf32>
    %swap3A_2010 = vector.shape_cast %swap3A_2009 : vector<1x8x128xf32> to vector<8x128xf32>
    %swap3A_2011 = vector.shape_cast %slice3A_2005 : vector<8x128xf32> to vector<1x8x128xf32>
    tpu.vector_store %arg4[%swap3A_2006, %swap3A_2007, %swap3A_2008], %swap3A_2011 {strides = array<i32>} : memref<473x8x128xf32, #tpu.memory_space<vmem>>, vector<1x8x128xf32>,
    %slice3A_2012 = vector.extract_strided_slice %concatenate3A_48 {offsets = [0, 15744], sizes = [8, 128], strides = [1, 1]} : vector<8x20096xf32> to vector<8x128xf32>
    %swap3A_2013 = arith.constant 280 : index
    %swap3A_2014 = arith.constant 0 : index
    %swap3A_2015 = arith.constant 0 : index
    %swap3A_2016 = vector.load %arg4[%swap3A_2013, %swap3A_2014, %swap3A_2015] : memref<473x8x128xf32, #tpu.memory_space<vmem>>, vector<1x8x128xf32>
    %swap3A_2017 = vector.shape_cast %swap3A_2016 : vector<1x8x128xf32> to vector<8x128xf32>
    %swap3A_2018 = vector.shape_cast %slice3A_2012 : vector<8x128xf32> to vector<1x8x128xf32>
    tpu.vector_store %arg4[%swap3A_2013, %swap3A_2014, %swap3A_2015], %swap3A_2018 {strides = array<i32>} : memref<473x8x128xf32, #tpu.memory_space<vmem>>, vector<1x8x128xf32>,
    %slice3A_2019 = vector.extract_strided_slice %concatenate3A_48 {offsets = [0, 15872], sizes = [8, 128], strides = [1, 1]} : vector<8x20096xf32> to vector<8x128xf32>
    %swap3A_2020 = arith.constant 281 : index
    %swap3A_2021 = arith.constant 0 : index
    %swap3A_2022 = arith.constant 0 : index
    %swap3A_2023 = vector.load %arg4[%swap3A_2020, %swap3A_2021, %swap3A_2022] : memref<473x8x128xf32, #tpu.memory_space<vmem>>, vector<1x8x128xf32>
    %swap3A_2024 = vector.shape_cast %swap3A_2023 : vector<1x8x128xf32> to vector<8x128xf32>
    %swap3A_2025 = vector.shape_cast %slice3A_2019 : vector<8x128xf32> to vector<1x8x128xf32>
    tpu.vector_store %arg4[%swap3A_2020, %swap3A_2021, %swap3A_2022], %swap3A_2025 {strides = array<i32>} : memref<473x8x128xf32, #tpu.memory_space<vmem>>, vector<1x8x128xf32>,
    %slice3A_2026 = vector.extract_strided_slice %concatenate3A_48 {offsets = [0, 16000], sizes = [8, 128], strides = [1, 1]} : vector<8x20096xf32> to vector<8x128xf32>
    %swap3A_2027 = arith.constant 282 : index
    %swap3A_2028 = arith.constant 0 : index
    %swap3A_2029 = arith.constant 0 : index
    %swap3A_2030 = vector.load %arg4[%swap3A_2027, %swap3A_2028, %swap3A_2029] : memref<473x8x128xf32, #tpu.memory_space<vmem>>, vector<1x8x128xf32>
    %swap3A_2031 = vector.shape_cast %swap3A_2030 : vector<1x8x128xf32> to vector<8x128xf32>
    %swap3A_2032 = vector.shape_cast %slice3A_2026 : vector<8x128xf32> to vector<1x8x128xf32>
    tpu.vector_store %arg4[%swap3A_2027, %swap3A_2028, %swap3A_2029], %swap3A_2032 {strides = array<i32>} : memref<473x8x128xf32, #tpu.memory_space<vmem>>, vector<1x8x128xf32>,
    %slice3A_2033 = vector.extract_strided_slice %concatenate3A_48 {offsets = [0, 16128], sizes = [8, 128], strides = [1, 1]} : vector<8x20096xf32> to vector<8x128xf32>
    %swap3A_2034 = arith.constant 283 : index
    %swap3A_2035 = arith.constant 0 : index
    %swap3A_2036 = arith.constant 0 : index
    %swap3A_2037 = vector.load %arg4[%swap3A_2034, %swap3A_2035, %swap3A_2036] : memref<473x8x128xf32, #tpu.memory_space<vmem>>, vector<1x8x128xf32>
    %swap3A_2038 = vector.shape_cast %swap3A_2037 : vector<1x8x128xf32> to vector<8x128xf32>
    %swap3A_2039 = vector.shape_cast %slice3A_2033 : vector<8x128xf32> to vector<1x8x128xf32>
    tpu.vector_store %arg4[%swap3A_2034, %swap3A_2035, %swap3A_2036], %swap3A_2039 {strides = array<i32>} : memref<473x8x128xf32, #tpu.memory_space<vmem>>, vector<1x8x128xf32>,
    %slice3A_2040 = vector.extract_strided_slice %concatenate3A_48 {offsets = [0, 16256], sizes = [8, 128], strides = [1, 1]} : vector<8x20096xf32> to vector<8x128xf32>
    %swap3A_2041 = arith.constant 284 : index
    %swap3A_2042 = arith.constant 0 : index
    %swap3A_2043 = arith.constant 0 : index
    %swap3A_2044 = vector.load %arg4[%swap3A_2041, %swap3A_2042, %swap3A_2043] : memref<473x8x128xf32, #tpu.memory_space<vmem>>, vector<1x8x128xf32>
    %swap3A_2045 = vector.shape_cast %swap3A_2044 : vector<1x8x128xf32> to vector<8x128xf32>
    %swap3A_2046 = vector.shape_cast %slice3A_2040 : vector<8x128xf32> to vector<1x8x128xf32>
    tpu.vector_store %arg4[%swap3A_2041, %swap3A_2042, %swap3A_2043], %swap3A_2046 {strides = array<i32>} : memref<473x8x128xf32, #tpu.memory_space<vmem>>, vector<1x8x128xf32>,
    %slice3A_2047 = vector.extract_strided_slice %concatenate3A_48 {offsets = [0, 16384], sizes = [8, 128], strides = [1, 1]} : vector<8x20096xf32> to vector<8x128xf32>
    %swap3A_2048 = arith.constant 285 : index
    %swap3A_2049 = arith.constant 0 : index
    %swap3A_2050 = arith.constant 0 : index
    %swap3A_2051 = vector.load %arg4[%swap3A_2048, %swap3A_2049, %swap3A_2050] : memref<473x8x128xf32, #tpu.memory_space<vmem>>, vector<1x8x128xf32>
    %swap3A_2052 = vector.shape_cast %swap3A_2051 : vector<1x8x128xf32> to vector<8x128xf32>
    %swap3A_2053 = vector.shape_cast %slice3A_2047 : vector<8x128xf32> to vector<1x8x128xf32>
    tpu.vector_store %arg4[%swap3A_2048, %swap3A_2049, %swap3A_2050], %swap3A_2053 {strides = array<i32>} : memref<473x8x128xf32, #tpu.memory_space<vmem>>, vector<1x8x128xf32>,
    %slice3A_2054 = vector.extract_strided_slice %concatenate3A_48 {offsets = [0, 16512], sizes = [8, 128], strides = [1, 1]} : vector<8x20096xf32> to vector<8x128xf32>
    %swap3A_2055 = arith.constant 286 : index
    %swap3A_2056 = arith.constant 0 : index
    %swap3A_2057 = arith.constant 0 : index
    %swap3A_2058 = vector.load %arg4[%swap3A_2055, %swap3A_2056, %swap3A_2057] : memref<473x8x128xf32, #tpu.memory_space<vmem>>, vector<1x8x128xf32>
    %swap3A_2059 = vector.shape_cast %swap3A_2058 : vector<1x8x128xf32> to vector<8x128xf32>
    %swap3A_2060 = vector.shape_cast %slice3A_2054 : vector<8x128xf32> to vector<1x8x128xf32>
    tpu.vector_store %arg4[%swap3A_2055, %swap3A_2056, %swap3A_2057], %swap3A_2060 {strides = array<i32>} : memref<473x8x128xf32, #tpu.memory_space<vmem>>, vector<1x8x128xf32>,
    %slice3A_2061 = vector.extract_strided_slice %concatenate3A_48 {offsets = [0, 16640], sizes = [8, 128], strides = [1, 1]} : vector<8x20096xf32> to vector<8x128xf32>
    %swap3A_2062 = arith.constant 287 : index
    %swap3A_2063 = arith.constant 0 : index
    %swap3A_2064 = arith.constant 0 : index
    %swap3A_2065 = vector.load %arg4[%swap3A_2062, %swap3A_2063, %swap3A_2064] : memref<473x8x128xf32, #tpu.memory_space<vmem>>, vector<1x8x128xf32>
    %swap3A_2066 = vector.shape_cast %swap3A_2065 : vector<1x8x128xf32> to vector<8x128xf32>
    %swap3A_2067 = vector.shape_cast %slice3A_2061 : vector<8x128xf32> to vector<1x8x128xf32>
    tpu.vector_store %arg4[%swap3A_2062, %swap3A_2063, %swap3A_2064], %swap3A_2067 {strides = array<i32>} : memref<473x8x128xf32, #tpu.memory_space<vmem>>, vector<1x8x128xf32>,
    %slice3A_2068 = vector.extract_strided_slice %concatenate3A_48 {offsets = [0, 16768], sizes = [8, 128], strides = [1, 1]} : vector<8x20096xf32> to vector<8x128xf32>
    %swap3A_2069 = arith.constant 288 : index
    %swap3A_2070 = arith.constant 0 : index
    %swap3A_2071 = arith.constant 0 : index
    %swap3A_2072 = vector.load %arg4[%swap3A_2069, %swap3A_2070, %swap3A_2071] : memref<473x8x128xf32, #tpu.memory_space<vmem>>, vector<1x8x128xf32>
    %swap3A_2073 = vector.shape_cast %swap3A_2072 : vector<1x8x128xf32> to vector<8x128xf32>
    %swap3A_2074 = vector.shape_cast %slice3A_2068 : vector<8x128xf32> to vector<1x8x128xf32>
    tpu.vector_store %arg4[%swap3A_2069, %swap3A_2070, %swap3A_2071], %swap3A_2074 {strides = array<i32>} : memref<473x8x128xf32, #tpu.memory_space<vmem>>, vector<1x8x128xf32>,
    %slice3A_2075 = vector.extract_strided_slice %concatenate3A_48 {offsets = [0, 16896], sizes = [8, 128], strides = [1, 1]} : vector<8x20096xf32> to vector<8x128xf32>
    %swap3A_2076 = arith.constant 289 : index
    %swap3A_2077 = arith.constant 0 : index
    %swap3A_2078 = arith.constant 0 : index
    %swap3A_2079 = vector.load %arg4[%swap3A_2076, %swap3A_2077, %swap3A_2078] : memref<473x8x128xf32, #tpu.memory_space<vmem>>, vector<1x8x128xf32>
    %swap3A_2080 = vector.shape_cast %swap3A_2079 : vector<1x8x128xf32> to vector<8x128xf32>
    %swap3A_2081 = vector.shape_cast %slice3A_2075 : vector<8x128xf32> to vector<1x8x128xf32>
    tpu.vector_store %arg4[%swap3A_2076, %swap3A_2077, %swap3A_2078], %swap3A_2081 {strides = array<i32>} : memref<473x8x128xf32, #tpu.memory_space<vmem>>, vector<1x8x128xf32>,
    %slice3A_2082 = vector.extract_strided_slice %concatenate3A_48 {offsets = [0, 17024], sizes = [8, 128], strides = [1, 1]} : vector<8x20096xf32> to vector<8x128xf32>
    %swap3A_2083 = arith.constant 290 : index
    %swap3A_2084 = arith.constant 0 : index
    %swap3A_2085 = arith.constant 0 : index
    %swap3A_2086 = vector.load %arg4[%swap3A_2083, %swap3A_2084, %swap3A_2085] : memref<473x8x128xf32, #tpu.memory_space<vmem>>, vector<1x8x128xf32>
    %swap3A_2087 = vector.shape_cast %swap3A_2086 : vector<1x8x128xf32> to vector<8x128xf32>
    %swap3A_2088 = vector.shape_cast %slice3A_2082 : vector<8x128xf32> to vector<1x8x128xf32>
    tpu.vector_store %arg4[%swap3A_2083, %swap3A_2084, %swap3A_2085], %swap3A_2088 {strides = array<i32>} : memref<473x8x128xf32, #tpu.memory_space<vmem>>, vector<1x8x128xf32>,
    %slice3A_2089 = vector.extract_strided_slice %concatenate3A_48 {offsets = [0, 17152], sizes = [8, 128], strides = [1, 1]} : vector<8x20096xf32> to vector<8x128xf32>
    %swap3A_2090 = arith.constant 291 : index
    %swap3A_2091 = arith.constant 0 : index
    %swap3A_2092 = arith.constant 0 : index
    %swap3A_2093 = vector.load %arg4[%swap3A_2090, %swap3A_2091, %swap3A_2092] : memref<473x8x128xf32, #tpu.memory_space<vmem>>, vector<1x8x128xf32>
    %swap3A_2094 = vector.shape_cast %swap3A_2093 : vector<1x8x128xf32> to vector<8x128xf32>
    %swap3A_2095 = vector.shape_cast %slice3A_2089 : vector<8x128xf32> to vector<1x8x128xf32>
    tpu.vector_store %arg4[%swap3A_2090, %swap3A_2091, %swap3A_2092], %swap3A_2095 {strides = array<i32>} : memref<473x8x128xf32, #tpu.memory_space<vmem>>, vector<1x8x128xf32>,
    %slice3A_2096 = vector.extract_strided_slice %concatenate3A_48 {offsets = [0, 17280], sizes = [8, 128], strides = [1, 1]} : vector<8x20096xf32> to vector<8x128xf32>
    %swap3A_2097 = arith.constant 292 : index
    %swap3A_2098 = arith.constant 0 : index
    %swap3A_2099 = arith.constant 0 : index
    %swap3A_2100 = vector.load %arg4[%swap3A_2097, %swap3A_2098, %swap3A_2099] : memref<473x8x128xf32, #tpu.memory_space<vmem>>, vector<1x8x128xf32>
    %swap3A_2101 = vector.shape_cast %swap3A_2100 : vector<1x8x128xf32> to vector<8x128xf32>
    %swap3A_2102 = vector.shape_cast %slice3A_2096 : vector<8x128xf32> to vector<1x8x128xf32>
    tpu.vector_store %arg4[%swap3A_2097, %swap3A_2098, %swap3A_2099], %swap3A_2102 {strides = array<i32>} : memref<473x8x128xf32, #tpu.memory_space<vmem>>, vector<1x8x128xf32>,
    %slice3A_2103 = vector.extract_strided_slice %concatenate3A_48 {offsets = [0, 17408], sizes = [8, 128], strides = [1, 1]} : vector<8x20096xf32> to vector<8x128xf32>
    %swap3A_2104 = arith.constant 293 : index
    %swap3A_2105 = arith.constant 0 : index
    %swap3A_2106 = arith.constant 0 : index
    %swap3A_2107 = vector.load %arg4[%swap3A_2104, %swap3A_2105, %swap3A_2106] : memref<473x8x128xf32, #tpu.memory_space<vmem>>, vector<1x8x128xf32>
    %swap3A_2108 = vector.shape_cast %swap3A_2107 : vector<1x8x128xf32> to vector<8x128xf32>
    %swap3A_2109 = vector.shape_cast %slice3A_2103 : vector<8x128xf32> to vector<1x8x128xf32>
    tpu.vector_store %arg4[%swap3A_2104, %swap3A_2105, %swap3A_2106], %swap3A_2109 {strides = array<i32>} : memref<473x8x128xf32, #tpu.memory_space<vmem>>, vector<1x8x128xf32>,
    %slice3A_2110 = vector.extract_strided_slice %concatenate3A_48 {offsets = [0, 17536], sizes = [8, 128], strides = [1, 1]} : vector<8x20096xf32> to vector<8x128xf32>
    %swap3A_2111 = arith.constant 294 : index
    %swap3A_2112 = arith.constant 0 : index
    %swap3A_2113 = arith.constant 0 : index
    %swap3A_2114 = vector.load %arg4[%swap3A_2111, %swap3A_2112, %swap3A_2113] : memref<473x8x128xf32, #tpu.memory_space<vmem>>, vector<1x8x128xf32>
    %swap3A_2115 = vector.shape_cast %swap3A_2114 : vector<1x8x128xf32> to vector<8x128xf32>
    %swap3A_2116 = vector.shape_cast %slice3A_2110 : vector<8x128xf32> to vector<1x8x128xf32>
    tpu.vector_store %arg4[%swap3A_2111, %swap3A_2112, %swap3A_2113], %swap3A_2116 {strides = array<i32>} : memref<473x8x128xf32, #tpu.memory_space<vmem>>, vector<1x8x128xf32>,
    %slice3A_2117 = vector.extract_strided_slice %concatenate3A_48 {offsets = [0, 17664], sizes = [8, 128], strides = [1, 1]} : vector<8x20096xf32> to vector<8x128xf32>
    %swap3A_2118 = arith.constant 295 : index
    %swap3A_2119 = arith.constant 0 : index
    %swap3A_2120 = arith.constant 0 : index
    %swap3A_2121 = vector.load %arg4[%swap3A_2118, %swap3A_2119, %swap3A_2120] : memref<473x8x128xf32, #tpu.memory_space<vmem>>, vector<1x8x128xf32>
    %swap3A_2122 = vector.shape_cast %swap3A_2121 : vector<1x8x128xf32> to vector<8x128xf32>
    %swap3A_2123 = vector.shape_cast %slice3A_2117 : vector<8x128xf32> to vector<1x8x128xf32>
    tpu.vector_store %arg4[%swap3A_2118, %swap3A_2119, %swap3A_2120], %swap3A_2123 {strides = array<i32>} : memref<473x8x128xf32, #tpu.memory_space<vmem>>, vector<1x8x128xf32>,
    %slice3A_2124 = vector.extract_strided_slice %concatenate3A_48 {offsets = [0, 17792], sizes = [8, 128], strides = [1, 1]} : vector<8x20096xf32> to vector<8x128xf32>
    %swap3A_2125 = arith.constant 296 : index
    %swap3A_2126 = arith.constant 0 : index
    %swap3A_2127 = arith.constant 0 : index
    %swap3A_2128 = vector.load %arg4[%swap3A_2125, %swap3A_2126, %swap3A_2127] : memref<473x8x128xf32, #tpu.memory_space<vmem>>, vector<1x8x128xf32>
    %swap3A_2129 = vector.shape_cast %swap3A_2128 : vector<1x8x128xf32> to vector<8x128xf32>
    %swap3A_2130 = vector.shape_cast %slice3A_2124 : vector<8x128xf32> to vector<1x8x128xf32>
    tpu.vector_store %arg4[%swap3A_2125, %swap3A_2126, %swap3A_2127], %swap3A_2130 {strides = array<i32>} : memref<473x8x128xf32, #tpu.memory_space<vmem>>, vector<1x8x128xf32>,
    %slice3A_2131 = vector.extract_strided_slice %concatenate3A_48 {offsets = [0, 17920], sizes = [8, 128], strides = [1, 1]} : vector<8x20096xf32> to vector<8x128xf32>
    %swap3A_2132 = arith.constant 297 : index
    %swap3A_2133 = arith.constant 0 : index
    %swap3A_2134 = arith.constant 0 : index
    %swap3A_2135 = vector.load %arg4[%swap3A_2132, %swap3A_2133, %swap3A_2134] : memref<473x8x128xf32, #tpu.memory_space<vmem>>, vector<1x8x128xf32>
    %swap3A_2136 = vector.shape_cast %swap3A_2135 : vector<1x8x128xf32> to vector<8x128xf32>
    %swap3A_2137 = vector.shape_cast %slice3A_2131 : vector<8x128xf32> to vector<1x8x128xf32>
    tpu.vector_store %arg4[%swap3A_2132, %swap3A_2133, %swap3A_2134], %swap3A_2137 {strides = array<i32>} : memref<473x8x128xf32, #tpu.memory_space<vmem>>, vector<1x8x128xf32>,
    %slice3A_2138 = vector.extract_strided_slice %concatenate3A_48 {offsets = [0, 18048], sizes = [8, 128], strides = [1, 1]} : vector<8x20096xf32> to vector<8x128xf32>
    %swap3A_2139 = arith.constant 298 : index
    %swap3A_2140 = arith.constant 0 : index
    %swap3A_2141 = arith.constant 0 : index
    %swap3A_2142 = vector.load %arg4[%swap3A_2139, %swap3A_2140, %swap3A_2141] : memref<473x8x128xf32, #tpu.memory_space<vmem>>, vector<1x8x128xf32>
    %swap3A_2143 = vector.shape_cast %swap3A_2142 : vector<1x8x128xf32> to vector<8x128xf32>
    %swap3A_2144 = vector.shape_cast %slice3A_2138 : vector<8x128xf32> to vector<1x8x128xf32>
    tpu.vector_store %arg4[%swap3A_2139, %swap3A_2140, %swap3A_2141], %swap3A_2144 {strides = array<i32>} : memref<473x8x128xf32, #tpu.memory_space<vmem>>, vector<1x8x128xf32>,
    %slice3A_2145 = vector.extract_strided_slice %concatenate3A_48 {offsets = [0, 18176], sizes = [8, 128], strides = [1, 1]} : vector<8x20096xf32> to vector<8x128xf32>
    %swap3A_2146 = arith.constant 299 : index
    %swap3A_2147 = arith.constant 0 : index
    %swap3A_2148 = arith.constant 0 : index
    %swap3A_2149 = vector.load %arg4[%swap3A_2146, %swap3A_2147, %swap3A_2148] : memref<473x8x128xf32, #tpu.memory_space<vmem>>, vector<1x8x128xf32>
    %swap3A_2150 = vector.shape_cast %swap3A_2149 : vector<1x8x128xf32> to vector<8x128xf32>
    %swap3A_2151 = vector.shape_cast %slice3A_2145 : vector<8x128xf32> to vector<1x8x128xf32>
    tpu.vector_store %arg4[%swap3A_2146, %swap3A_2147, %swap3A_2148], %swap3A_2151 {strides = array<i32>} : memref<473x8x128xf32, #tpu.memory_space<vmem>>, vector<1x8x128xf32>,
    %slice3A_2152 = vector.extract_strided_slice %concatenate3A_48 {offsets = [0, 18304], sizes = [8, 128], strides = [1, 1]} : vector<8x20096xf32> to vector<8x128xf32>
    %swap3A_2153 = arith.constant 300 : index
    %swap3A_2154 = arith.constant 0 : index
    %swap3A_2155 = arith.constant 0 : index
    %swap3A_2156 = vector.load %arg4[%swap3A_2153, %swap3A_2154, %swap3A_2155] : memref<473x8x128xf32, #tpu.memory_space<vmem>>, vector<1x8x128xf32>
    %swap3A_2157 = vector.shape_cast %swap3A_2156 : vector<1x8x128xf32> to vector<8x128xf32>
    %swap3A_2158 = vector.shape_cast %slice3A_2152 : vector<8x128xf32> to vector<1x8x128xf32>
    tpu.vector_store %arg4[%swap3A_2153, %swap3A_2154, %swap3A_2155], %swap3A_2158 {strides = array<i32>} : memref<473x8x128xf32, #tpu.memory_space<vmem>>, vector<1x8x128xf32>,
    %slice3A_2159 = vector.extract_strided_slice %concatenate3A_48 {offsets = [0, 18432], sizes = [8, 128], strides = [1, 1]} : vector<8x20096xf32> to vector<8x128xf32>
    %swap3A_2160 = arith.constant 301 : index
    %swap3A_2161 = arith.constant 0 : index
    %swap3A_2162 = arith.constant 0 : index
    %swap3A_2163 = vector.load %arg4[%swap3A_2160, %swap3A_2161, %swap3A_2162] : memref<473x8x128xf32, #tpu.memory_space<vmem>>, vector<1x8x128xf32>
    %swap3A_2164 = vector.shape_cast %swap3A_2163 : vector<1x8x128xf32> to vector<8x128xf32>
    %swap3A_2165 = vector.shape_cast %slice3A_2159 : vector<8x128xf32> to vector<1x8x128xf32>
    tpu.vector_store %arg4[%swap3A_2160, %swap3A_2161, %swap3A_2162], %swap3A_2165 {strides = array<i32>} : memref<473x8x128xf32, #tpu.memory_space<vmem>>, vector<1x8x128xf32>,
    %slice3A_2166 = vector.extract_strided_slice %concatenate3A_48 {offsets = [0, 18560], sizes = [8, 128], strides = [1, 1]} : vector<8x20096xf32> to vector<8x128xf32>
    %swap3A_2167 = arith.constant 302 : index
    %swap3A_2168 = arith.constant 0 : index
    %swap3A_2169 = arith.constant 0 : index
    %swap3A_2170 = vector.load %arg4[%swap3A_2167, %swap3A_2168, %swap3A_2169] : memref<473x8x128xf32, #tpu.memory_space<vmem>>, vector<1x8x128xf32>
    %swap3A_2171 = vector.shape_cast %swap3A_2170 : vector<1x8x128xf32> to vector<8x128xf32>
    %swap3A_2172 = vector.shape_cast %slice3A_2166 : vector<8x128xf32> to vector<1x8x128xf32>
    tpu.vector_store %arg4[%swap3A_2167, %swap3A_2168, %swap3A_2169], %swap3A_2172 {strides = array<i32>} : memref<473x8x128xf32, #tpu.memory_space<vmem>>, vector<1x8x128xf32>,
    %slice3A_2173 = vector.extract_strided_slice %concatenate3A_48 {offsets = [0, 18688], sizes = [8, 128], strides = [1, 1]} : vector<8x20096xf32> to vector<8x128xf32>
    %swap3A_2174 = arith.constant 303 : index
    %swap3A_2175 = arith.constant 0 : index
    %swap3A_2176 = arith.constant 0 : index
    %swap3A_2177 = vector.load %arg4[%swap3A_2174, %swap3A_2175, %swap3A_2176] : memref<473x8x128xf32, #tpu.memory_space<vmem>>, vector<1x8x128xf32>
    %swap3A_2178 = vector.shape_cast %swap3A_2177 : vector<1x8x128xf32> to vector<8x128xf32>
    %swap3A_2179 = vector.shape_cast %slice3A_2173 : vector<8x128xf32> to vector<1x8x128xf32>
    tpu.vector_store %arg4[%swap3A_2174, %swap3A_2175, %swap3A_2176], %swap3A_2179 {strides = array<i32>} : memref<473x8x128xf32, #tpu.memory_space<vmem>>, vector<1x8x128xf32>,
    %slice3A_2180 = vector.extract_strided_slice %concatenate3A_48 {offsets = [0, 18816], sizes = [8, 128], strides = [1, 1]} : vector<8x20096xf32> to vector<8x128xf32>
    %swap3A_2181 = arith.constant 304 : index
    %swap3A_2182 = arith.constant 0 : index
    %swap3A_2183 = arith.constant 0 : index
    %swap3A_2184 = vector.load %arg4[%swap3A_2181, %swap3A_2182, %swap3A_2183] : memref<473x8x128xf32, #tpu.memory_space<vmem>>, vector<1x8x128xf32>
    %swap3A_2185 = vector.shape_cast %swap3A_2184 : vector<1x8x128xf32> to vector<8x128xf32>
    %swap3A_2186 = vector.shape_cast %slice3A_2180 : vector<8x128xf32> to vector<1x8x128xf32>
    tpu.vector_store %arg4[%swap3A_2181, %swap3A_2182, %swap3A_2183], %swap3A_2186 {strides = array<i32>} : memref<473x8x128xf32, #tpu.memory_space<vmem>>, vector<1x8x128xf32>,
    %slice3A_2187 = vector.extract_strided_slice %concatenate3A_48 {offsets = [0, 18944], sizes = [8, 128], strides = [1, 1]} : vector<8x20096xf32> to vector<8x128xf32>
    %swap3A_2188 = arith.constant 305 : index
    %swap3A_2189 = arith.constant 0 : index
    %swap3A_2190 = arith.constant 0 : index
    %swap3A_2191 = vector.load %arg4[%swap3A_2188, %swap3A_2189, %swap3A_2190] : memref<473x8x128xf32, #tpu.memory_space<vmem>>, vector<1x8x128xf32>
    %swap3A_2192 = vector.shape_cast %swap3A_2191 : vector<1x8x128xf32> to vector<8x128xf32>
    %swap3A_2193 = vector.shape_cast %slice3A_2187 : vector<8x128xf32> to vector<1x8x128xf32>
    tpu.vector_store %arg4[%swap3A_2188, %swap3A_2189, %swap3A_2190], %swap3A_2193 {strides = array<i32>} : memref<473x8x128xf32, #tpu.memory_space<vmem>>, vector<1x8x128xf32>,
    %slice3A_2194 = vector.extract_strided_slice %concatenate3A_48 {offsets = [0, 19072], sizes = [8, 128], strides = [1, 1]} : vector<8x20096xf32> to vector<8x128xf32>
    %swap3A_2195 = arith.constant 306 : index
    %swap3A_2196 = arith.constant 0 : index
    %swap3A_2197 = arith.constant 0 : index
    %swap3A_2198 = vector.load %arg4[%swap3A_2195, %swap3A_2196, %swap3A_2197] : memref<473x8x128xf32, #tpu.memory_space<vmem>>, vector<1x8x128xf32>
    %swap3A_2199 = vector.shape_cast %swap3A_2198 : vector<1x8x128xf32> to vector<8x128xf32>
    %swap3A_2200 = vector.shape_cast %slice3A_2194 : vector<8x128xf32> to vector<1x8x128xf32>
    tpu.vector_store %arg4[%swap3A_2195, %swap3A_2196, %swap3A_2197], %swap3A_2200 {strides = array<i32>} : memref<473x8x128xf32, #tpu.memory_space<vmem>>, vector<1x8x128xf32>,
    %slice3A_2201 = vector.extract_strided_slice %concatenate3A_48 {offsets = [0, 19200], sizes = [8, 128], strides = [1, 1]} : vector<8x20096xf32> to vector<8x128xf32>
    %swap3A_2202 = arith.constant 307 : index
    %swap3A_2203 = arith.constant 0 : index
    %swap3A_2204 = arith.constant 0 : index
    %swap3A_2205 = vector.load %arg4[%swap3A_2202, %swap3A_2203, %swap3A_2204] : memref<473x8x128xf32, #tpu.memory_space<vmem>>, vector<1x8x128xf32>
    %swap3A_2206 = vector.shape_cast %swap3A_2205 : vector<1x8x128xf32> to vector<8x128xf32>
    %swap3A_2207 = vector.shape_cast %slice3A_2201 : vector<8x128xf32> to vector<1x8x128xf32>
    tpu.vector_store %arg4[%swap3A_2202, %swap3A_2203, %swap3A_2204], %swap3A_2207 {strides = array<i32>} : memref<473x8x128xf32, #tpu.memory_space<vmem>>, vector<1x8x128xf32>,
    %slice3A_2208 = vector.extract_strided_slice %concatenate3A_48 {offsets = [0, 19328], sizes = [8, 128], strides = [1, 1]} : vector<8x20096xf32> to vector<8x128xf32>
    %swap3A_2209 = arith.constant 308 : index
    %swap3A_2210 = arith.constant 0 : index
    %swap3A_2211 = arith.constant 0 : index
    %swap3A_2212 = vector.load %arg4[%swap3A_2209, %swap3A_2210, %swap3A_2211] : memref<473x8x128xf32, #tpu.memory_space<vmem>>, vector<1x8x128xf32>
    %swap3A_2213 = vector.shape_cast %swap3A_2212 : vector<1x8x128xf32> to vector<8x128xf32>
    %swap3A_2214 = vector.shape_cast %slice3A_2208 : vector<8x128xf32> to vector<1x8x128xf32>
    tpu.vector_store %arg4[%swap3A_2209, %swap3A_2210, %swap3A_2211], %swap3A_2214 {strides = array<i32>} : memref<473x8x128xf32, #tpu.memory_space<vmem>>, vector<1x8x128xf32>,
    %slice3A_2215 = vector.extract_strided_slice %concatenate3A_48 {offsets = [0, 19456], sizes = [8, 128], strides = [1, 1]} : vector<8x20096xf32> to vector<8x128xf32>
    %swap3A_2216 = arith.constant 309 : index
    %swap3A_2217 = arith.constant 0 : index
    %swap3A_2218 = arith.constant 0 : index
    %swap3A_2219 = vector.load %arg4[%swap3A_2216, %swap3A_2217, %swap3A_2218] : memref<473x8x128xf32, #tpu.memory_space<vmem>>, vector<1x8x128xf32>
    %swap3A_2220 = vector.shape_cast %swap3A_2219 : vector<1x8x128xf32> to vector<8x128xf32>
    %swap3A_2221 = vector.shape_cast %slice3A_2215 : vector<8x128xf32> to vector<1x8x128xf32>
    tpu.vector_store %arg4[%swap3A_2216, %swap3A_2217, %swap3A_2218], %swap3A_2221 {strides = array<i32>} : memref<473x8x128xf32, #tpu.memory_space<vmem>>, vector<1x8x128xf32>,
    %slice3A_2222 = vector.extract_strided_slice %concatenate3A_48 {offsets = [0, 19584], sizes = [8, 128], strides = [1, 1]} : vector<8x20096xf32> to vector<8x128xf32>
    %swap3A_2223 = arith.constant 310 : index
    %swap3A_2224 = arith.constant 0 : index
    %swap3A_2225 = arith.constant 0 : index
    %swap3A_2226 = vector.load %arg4[%swap3A_2223, %swap3A_2224, %swap3A_2225] : memref<473x8x128xf32, #tpu.memory_space<vmem>>, vector<1x8x128xf32>
    %swap3A_2227 = vector.shape_cast %swap3A_2226 : vector<1x8x128xf32> to vector<8x128xf32>
    %swap3A_2228 = vector.shape_cast %slice3A_2222 : vector<8x128xf32> to vector<1x8x128xf32>
    tpu.vector_store %arg4[%swap3A_2223, %swap3A_2224, %swap3A_2225], %swap3A_2228 {strides = array<i32>} : memref<473x8x128xf32, #tpu.memory_space<vmem>>, vector<1x8x128xf32>,
    %slice3A_2229 = vector.extract_strided_slice %concatenate3A_48 {offsets = [0, 19712], sizes = [8, 128], strides = [1, 1]} : vector<8x20096xf32> to vector<8x128xf32>
    %swap3A_2230 = arith.constant 311 : index
    %swap3A_2231 = arith.constant 0 : index
    %swap3A_2232 = arith.constant 0 : index
    %swap3A_2233 = vector.load %arg4[%swap3A_2230, %swap3A_2231, %swap3A_2232] : memref<473x8x128xf32, #tpu.memory_space<vmem>>, vector<1x8x128xf32>
    %swap3A_2234 = vector.shape_cast %swap3A_2233 : vector<1x8x128xf32> to vector<8x128xf32>
    %swap3A_2235 = vector.shape_cast %slice3A_2229 : vector<8x128xf32> to vector<1x8x128xf32>
    tpu.vector_store %arg4[%swap3A_2230, %swap3A_2231, %swap3A_2232], %swap3A_2235 {strides = array<i32>} : memref<473x8x128xf32, #tpu.memory_space<vmem>>, vector<1x8x128xf32>,
    %slice3A_2236 = vector.extract_strided_slice %concatenate3A_48 {offsets = [0, 19840], sizes = [8, 128], strides = [1, 1]} : vector<8x20096xf32> to vector<8x128xf32>
    %swap3A_2237 = arith.constant 312 : index
    %swap3A_2238 = arith.constant 0 : index
    %swap3A_2239 = arith.constant 0 : index
    %swap3A_2240 = vector.load %arg4[%swap3A_2237, %swap3A_2238, %swap3A_2239] : memref<473x8x128xf32, #tpu.memory_space<vmem>>, vector<1x8x128xf32>
    %swap3A_2241 = vector.shape_cast %swap3A_2240 : vector<1x8x128xf32> to vector<8x128xf32>
    %swap3A_2242 = vector.shape_cast %slice3A_2236 : vector<8x128xf32> to vector<1x8x128xf32>
    tpu.vector_store %arg4[%swap3A_2237, %swap3A_2238, %swap3A_2239], %swap3A_2242 {strides = array<i32>} : memref<473x8x128xf32, #tpu.memory_space<vmem>>, vector<1x8x128xf32>,
    %slice3A_2243 = vector.extract_strided_slice %concatenate3A_48 {offsets = [0, 19968], sizes = [8, 128], strides = [1, 1]} : vector<8x20096xf32> to vector<8x128xf32>
    %swap3A_2244 = arith.constant 313 : index
    %swap3A_2245 = arith.constant 0 : index
    %swap3A_2246 = arith.constant 0 : index
    %swap3A_2247 = vector.load %arg4[%swap3A_2244, %swap3A_2245, %swap3A_2246] : memref<473x8x128xf32, #tpu.memory_space<vmem>>, vector<1x8x128xf32>
    %swap3A_2248 = vector.shape_cast %swap3A_2247 : vector<1x8x128xf32> to vector<8x128xf32>
    %swap3A_2249 = vector.shape_cast %slice3A_2243 : vector<8x128xf32> to vector<1x8x128xf32>
    tpu.vector_store %arg4[%swap3A_2244, %swap3A_2245, %swap3A_2246], %swap3A_2249 {strides = array<i32>} : memref<473x8x128xf32, #tpu.memory_space<vmem>>, vector<1x8x128xf32>,
    %slice3A_2250 = vector.extract_strided_slice %concatenate3A_49 {offsets = [0, 0], sizes = [8, 128], strides = [1, 1]} : vector<8x20096xf32> to vector<8x128xf32>
    %swap3A_2251 = arith.constant 314 : index
    %swap3A_2252 = arith.constant 0 : index
    %swap3A_2253 = arith.constant 0 : index
    %swap3A_2254 = vector.load %arg4[%swap3A_2251, %swap3A_2252, %swap3A_2253] : memref<473x8x128xf32, #tpu.memory_space<vmem>>, vector<1x8x128xf32>
    %swap3A_2255 = vector.shape_cast %swap3A_2254 : vector<1x8x128xf32> to vector<8x128xf32>
    %swap3A_2256 = vector.shape_cast %slice3A_2250 : vector<8x128xf32> to vector<1x8x128xf32>
    tpu.vector_store %arg4[%swap3A_2251, %swap3A_2252, %swap3A_2253], %swap3A_2256 {strides = array<i32>} : memref<473x8x128xf32, #tpu.memory_space<vmem>>, vector<1x8x128xf32>,
    %slice3A_2257 = vector.extract_strided_slice %concatenate3A_49 {offsets = [0, 128], sizes = [8, 128], strides = [1, 1]} : vector<8x20096xf32> to vector<8x128xf32>
    %swap3A_2258 = arith.constant 315 : index
    %swap3A_2259 = arith.constant 0 : index
    %swap3A_2260 = arith.constant 0 : index
    %swap3A_2261 = vector.load %arg4[%swap3A_2258, %swap3A_2259, %swap3A_2260] : memref<473x8x128xf32, #tpu.memory_space<vmem>>, vector<1x8x128xf32>
    %swap3A_2262 = vector.shape_cast %swap3A_2261 : vector<1x8x128xf32> to vector<8x128xf32>
    %swap3A_2263 = vector.shape_cast %slice3A_2257 : vector<8x128xf32> to vector<1x8x128xf32>
    tpu.vector_store %arg4[%swap3A_2258, %swap3A_2259, %swap3A_2260], %swap3A_2263 {strides = array<i32>} : memref<473x8x128xf32, #tpu.memory_space<vmem>>, vector<1x8x128xf32>,
    %slice3A_2264 = vector.extract_strided_slice %concatenate3A_49 {offsets = [0, 256], sizes = [8, 128], strides = [1, 1]} : vector<8x20096xf32> to vector<8x128xf32>
    %swap3A_2265 = arith.constant 316 : index
    %swap3A_2266 = arith.constant 0 : index
    %swap3A_2267 = arith.constant 0 : index
    %swap3A_2268 = vector.load %arg4[%swap3A_2265, %swap3A_2266, %swap3A_2267] : memref<473x8x128xf32, #tpu.memory_space<vmem>>, vector<1x8x128xf32>
    %swap3A_2269 = vector.shape_cast %swap3A_2268 : vector<1x8x128xf32> to vector<8x128xf32>
    %swap3A_2270 = vector.shape_cast %slice3A_2264 : vector<8x128xf32> to vector<1x8x128xf32>
    tpu.vector_store %arg4[%swap3A_2265, %swap3A_2266, %swap3A_2267], %swap3A_2270 {strides = array<i32>} : memref<473x8x128xf32, #tpu.memory_space<vmem>>, vector<1x8x128xf32>,
    %slice3A_2271 = vector.extract_strided_slice %concatenate3A_49 {offsets = [0, 384], sizes = [8, 128], strides = [1, 1]} : vector<8x20096xf32> to vector<8x128xf32>
    %swap3A_2272 = arith.constant 317 : index
    %swap3A_2273 = arith.constant 0 : index
    %swap3A_2274 = arith.constant 0 : index
    %swap3A_2275 = vector.load %arg4[%swap3A_2272, %swap3A_2273, %swap3A_2274] : memref<473x8x128xf32, #tpu.memory_space<vmem>>, vector<1x8x128xf32>
    %swap3A_2276 = vector.shape_cast %swap3A_2275 : vector<1x8x128xf32> to vector<8x128xf32>
    %swap3A_2277 = vector.shape_cast %slice3A_2271 : vector<8x128xf32> to vector<1x8x128xf32>
    tpu.vector_store %arg4[%swap3A_2272, %swap3A_2273, %swap3A_2274], %swap3A_2277 {strides = array<i32>} : memref<473x8x128xf32, #tpu.memory_space<vmem>>, vector<1x8x128xf32>,
    %slice3A_2278 = vector.extract_strided_slice %concatenate3A_49 {offsets = [0, 512], sizes = [8, 128], strides = [1, 1]} : vector<8x20096xf32> to vector<8x128xf32>
    %swap3A_2279 = arith.constant 318 : index
    %swap3A_2280 = arith.constant 0 : index
    %swap3A_2281 = arith.constant 0 : index
    %swap3A_2282 = vector.load %arg4[%swap3A_2279, %swap3A_2280, %swap3A_2281] : memref<473x8x128xf32, #tpu.memory_space<vmem>>, vector<1x8x128xf32>
    %swap3A_2283 = vector.shape_cast %swap3A_2282 : vector<1x8x128xf32> to vector<8x128xf32>
    %swap3A_2284 = vector.shape_cast %slice3A_2278 : vector<8x128xf32> to vector<1x8x128xf32>
    tpu.vector_store %arg4[%swap3A_2279, %swap3A_2280, %swap3A_2281], %swap3A_2284 {strides = array<i32>} : memref<473x8x128xf32, #tpu.memory_space<vmem>>, vector<1x8x128xf32>,
    %slice3A_2285 = vector.extract_strided_slice %concatenate3A_49 {offsets = [0, 640], sizes = [8, 128], strides = [1, 1]} : vector<8x20096xf32> to vector<8x128xf32>
    %swap3A_2286 = arith.constant 319 : index
    %swap3A_2287 = arith.constant 0 : index
    %swap3A_2288 = arith.constant 0 : index
    %swap3A_2289 = vector.load %arg4[%swap3A_2286, %swap3A_2287, %swap3A_2288] : memref<473x8x128xf32, #tpu.memory_space<vmem>>, vector<1x8x128xf32>
    %swap3A_2290 = vector.shape_cast %swap3A_2289 : vector<1x8x128xf32> to vector<8x128xf32>
    %swap3A_2291 = vector.shape_cast %slice3A_2285 : vector<8x128xf32> to vector<1x8x128xf32>
    tpu.vector_store %arg4[%swap3A_2286, %swap3A_2287, %swap3A_2288], %swap3A_2291 {strides = array<i32>} : memref<473x8x128xf32, #tpu.memory_space<vmem>>, vector<1x8x128xf32>,
    %slice3A_2292 = vector.extract_strided_slice %concatenate3A_49 {offsets = [0, 768], sizes = [8, 128], strides = [1, 1]} : vector<8x20096xf32> to vector<8x128xf32>
    %swap3A_2293 = arith.constant 320 : index
    %swap3A_2294 = arith.constant 0 : index
    %swap3A_2295 = arith.constant 0 : index
    %swap3A_2296 = vector.load %arg4[%swap3A_2293, %swap3A_2294, %swap3A_2295] : memref<473x8x128xf32, #tpu.memory_space<vmem>>, vector<1x8x128xf32>
    %swap3A_2297 = vector.shape_cast %swap3A_2296 : vector<1x8x128xf32> to vector<8x128xf32>
    %swap3A_2298 = vector.shape_cast %slice3A_2292 : vector<8x128xf32> to vector<1x8x128xf32>
    tpu.vector_store %arg4[%swap3A_2293, %swap3A_2294, %swap3A_2295], %swap3A_2298 {strides = array<i32>} : memref<473x8x128xf32, #tpu.memory_space<vmem>>, vector<1x8x128xf32>,
    %slice3A_2299 = vector.extract_strided_slice %concatenate3A_49 {offsets = [0, 896], sizes = [8, 128], strides = [1, 1]} : vector<8x20096xf32> to vector<8x128xf32>
    %swap3A_2300 = arith.constant 321 : index
    %swap3A_2301 = arith.constant 0 : index
    %swap3A_2302 = arith.constant 0 : index
    %swap3A_2303 = vector.load %arg4[%swap3A_2300, %swap3A_2301, %swap3A_2302] : memref<473x8x128xf32, #tpu.memory_space<vmem>>, vector<1x8x128xf32>
    %swap3A_2304 = vector.shape_cast %swap3A_2303 : vector<1x8x128xf32> to vector<8x128xf32>
    %swap3A_2305 = vector.shape_cast %slice3A_2299 : vector<8x128xf32> to vector<1x8x128xf32>
    tpu.vector_store %arg4[%swap3A_2300, %swap3A_2301, %swap3A_2302], %swap3A_2305 {strides = array<i32>} : memref<473x8x128xf32, #tpu.memory_space<vmem>>, vector<1x8x128xf32>,
    %slice3A_2306 = vector.extract_strided_slice %concatenate3A_49 {offsets = [0, 1024], sizes = [8, 128], strides = [1, 1]} : vector<8x20096xf32> to vector<8x128xf32>
    %swap3A_2307 = arith.constant 322 : index
    %swap3A_2308 = arith.constant 0 : index
    %swap3A_2309 = arith.constant 0 : index
    %swap3A_2310 = vector.load %arg4[%swap3A_2307, %swap3A_2308, %swap3A_2309] : memref<473x8x128xf32, #tpu.memory_space<vmem>>, vector<1x8x128xf32>
    %swap3A_2311 = vector.shape_cast %swap3A_2310 : vector<1x8x128xf32> to vector<8x128xf32>
    %swap3A_2312 = vector.shape_cast %slice3A_2306 : vector<8x128xf32> to vector<1x8x128xf32>
    tpu.vector_store %arg4[%swap3A_2307, %swap3A_2308, %swap3A_2309], %swap3A_2312 {strides = array<i32>} : memref<473x8x128xf32, #tpu.memory_space<vmem>>, vector<1x8x128xf32>,
    %slice3A_2313 = vector.extract_strided_slice %concatenate3A_49 {offsets = [0, 1152], sizes = [8, 128], strides = [1, 1]} : vector<8x20096xf32> to vector<8x128xf32>
    %swap3A_2314 = arith.constant 323 : index
    %swap3A_2315 = arith.constant 0 : index
    %swap3A_2316 = arith.constant 0 : index
    %swap3A_2317 = vector.load %arg4[%swap3A_2314, %swap3A_2315, %swap3A_2316] : memref<473x8x128xf32, #tpu.memory_space<vmem>>, vector<1x8x128xf32>
    %swap3A_2318 = vector.shape_cast %swap3A_2317 : vector<1x8x128xf32> to vector<8x128xf32>
    %swap3A_2319 = vector.shape_cast %slice3A_2313 : vector<8x128xf32> to vector<1x8x128xf32>
    tpu.vector_store %arg4[%swap3A_2314, %swap3A_2315, %swap3A_2316], %swap3A_2319 {strides = array<i32>} : memref<473x8x128xf32, #tpu.memory_space<vmem>>, vector<1x8x128xf32>,
    %slice3A_2320 = vector.extract_strided_slice %concatenate3A_49 {offsets = [0, 1280], sizes = [8, 128], strides = [1, 1]} : vector<8x20096xf32> to vector<8x128xf32>
    %swap3A_2321 = arith.constant 324 : index
    %swap3A_2322 = arith.constant 0 : index
    %swap3A_2323 = arith.constant 0 : index
    %swap3A_2324 = vector.load %arg4[%swap3A_2321, %swap3A_2322, %swap3A_2323] : memref<473x8x128xf32, #tpu.memory_space<vmem>>, vector<1x8x128xf32>
    %swap3A_2325 = vector.shape_cast %swap3A_2324 : vector<1x8x128xf32> to vector<8x128xf32>
    %swap3A_2326 = vector.shape_cast %slice3A_2320 : vector<8x128xf32> to vector<1x8x128xf32>
    tpu.vector_store %arg4[%swap3A_2321, %swap3A_2322, %swap3A_2323], %swap3A_2326 {strides = array<i32>} : memref<473x8x128xf32, #tpu.memory_space<vmem>>, vector<1x8x128xf32>,
    %slice3A_2327 = vector.extract_strided_slice %concatenate3A_49 {offsets = [0, 1408], sizes = [8, 128], strides = [1, 1]} : vector<8x20096xf32> to vector<8x128xf32>
    %swap3A_2328 = arith.constant 325 : index
    %swap3A_2329 = arith.constant 0 : index
    %swap3A_2330 = arith.constant 0 : index
    %swap3A_2331 = vector.load %arg4[%swap3A_2328, %swap3A_2329, %swap3A_2330] : memref<473x8x128xf32, #tpu.memory_space<vmem>>, vector<1x8x128xf32>
    %swap3A_2332 = vector.shape_cast %swap3A_2331 : vector<1x8x128xf32> to vector<8x128xf32>
    %swap3A_2333 = vector.shape_cast %slice3A_2327 : vector<8x128xf32> to vector<1x8x128xf32>
    tpu.vector_store %arg4[%swap3A_2328, %swap3A_2329, %swap3A_2330], %swap3A_2333 {strides = array<i32>} : memref<473x8x128xf32, #tpu.memory_space<vmem>>, vector<1x8x128xf32>,
    %slice3A_2334 = vector.extract_strided_slice %concatenate3A_49 {offsets = [0, 1536], sizes = [8, 128], strides = [1, 1]} : vector<8x20096xf32> to vector<8x128xf32>
    %swap3A_2335 = arith.constant 326 : index
    %swap3A_2336 = arith.constant 0 : index
    %swap3A_2337 = arith.constant 0 : index
    %swap3A_2338 = vector.load %arg4[%swap3A_2335, %swap3A_2336, %swap3A_2337] : memref<473x8x128xf32, #tpu.memory_space<vmem>>, vector<1x8x128xf32>
    %swap3A_2339 = vector.shape_cast %swap3A_2338 : vector<1x8x128xf32> to vector<8x128xf32>
    %swap3A_2340 = vector.shape_cast %slice3A_2334 : vector<8x128xf32> to vector<1x8x128xf32>
    tpu.vector_store %arg4[%swap3A_2335, %swap3A_2336, %swap3A_2337], %swap3A_2340 {strides = array<i32>} : memref<473x8x128xf32, #tpu.memory_space<vmem>>, vector<1x8x128xf32>,
    %slice3A_2341 = vector.extract_strided_slice %concatenate3A_49 {offsets = [0, 1664], sizes = [8, 128], strides = [1, 1]} : vector<8x20096xf32> to vector<8x128xf32>
    %swap3A_2342 = arith.constant 327 : index
    %swap3A_2343 = arith.constant 0 : index
    %swap3A_2344 = arith.constant 0 : index
    %swap3A_2345 = vector.load %arg4[%swap3A_2342, %swap3A_2343, %swap3A_2344] : memref<473x8x128xf32, #tpu.memory_space<vmem>>, vector<1x8x128xf32>
    %swap3A_2346 = vector.shape_cast %swap3A_2345 : vector<1x8x128xf32> to vector<8x128xf32>
    %swap3A_2347 = vector.shape_cast %slice3A_2341 : vector<8x128xf32> to vector<1x8x128xf32>
    tpu.vector_store %arg4[%swap3A_2342, %swap3A_2343, %swap3A_2344], %swap3A_2347 {strides = array<i32>} : memref<473x8x128xf32, #tpu.memory_space<vmem>>, vector<1x8x128xf32>,
    %slice3A_2348 = vector.extract_strided_slice %concatenate3A_49 {offsets = [0, 1792], sizes = [8, 128], strides = [1, 1]} : vector<8x20096xf32> to vector<8x128xf32>
    %swap3A_2349 = arith.constant 328 : index
    %swap3A_2350 = arith.constant 0 : index
    %swap3A_2351 = arith.constant 0 : index
    %swap3A_2352 = vector.load %arg4[%swap3A_2349, %swap3A_2350, %swap3A_2351] : memref<473x8x128xf32, #tpu.memory_space<vmem>>, vector<1x8x128xf32>
    %swap3A_2353 = vector.shape_cast %swap3A_2352 : vector<1x8x128xf32> to vector<8x128xf32>
    %swap3A_2354 = vector.shape_cast %slice3A_2348 : vector<8x128xf32> to vector<1x8x128xf32>
    tpu.vector_store %arg4[%swap3A_2349, %swap3A_2350, %swap3A_2351], %swap3A_2354 {strides = array<i32>} : memref<473x8x128xf32, #tpu.memory_space<vmem>>, vector<1x8x128xf32>,
    %slice3A_2355 = vector.extract_strided_slice %concatenate3A_49 {offsets = [0, 1920], sizes = [8, 128], strides = [1, 1]} : vector<8x20096xf32> to vector<8x128xf32>
    %swap3A_2356 = arith.constant 329 : index
    %swap3A_2357 = arith.constant 0 : index
    %swap3A_2358 = arith.constant 0 : index
    %swap3A_2359 = vector.load %arg4[%swap3A_2356, %swap3A_2357, %swap3A_2358] : memref<473x8x128xf32, #tpu.memory_space<vmem>>, vector<1x8x128xf32>
    %swap3A_2360 = vector.shape_cast %swap3A_2359 : vector<1x8x128xf32> to vector<8x128xf32>
    %swap3A_2361 = vector.shape_cast %slice3A_2355 : vector<8x128xf32> to vector<1x8x128xf32>
    tpu.vector_store %arg4[%swap3A_2356, %swap3A_2357, %swap3A_2358], %swap3A_2361 {strides = array<i32>} : memref<473x8x128xf32, #tpu.memory_space<vmem>>, vector<1x8x128xf32>,
    %slice3A_2362 = vector.extract_strided_slice %concatenate3A_49 {offsets = [0, 2048], sizes = [8, 128], strides = [1, 1]} : vector<8x20096xf32> to vector<8x128xf32>
    %swap3A_2363 = arith.constant 330 : index
    %swap3A_2364 = arith.constant 0 : index
    %swap3A_2365 = arith.constant 0 : index
    %swap3A_2366 = vector.load %arg4[%swap3A_2363, %swap3A_2364, %swap3A_2365] : memref<473x8x128xf32, #tpu.memory_space<vmem>>, vector<1x8x128xf32>
    %swap3A_2367 = vector.shape_cast %swap3A_2366 : vector<1x8x128xf32> to vector<8x128xf32>
    %swap3A_2368 = vector.shape_cast %slice3A_2362 : vector<8x128xf32> to vector<1x8x128xf32>
    tpu.vector_store %arg4[%swap3A_2363, %swap3A_2364, %swap3A_2365], %swap3A_2368 {strides = array<i32>} : memref<473x8x128xf32, #tpu.memory_space<vmem>>, vector<1x8x128xf32>,
    %slice3A_2369 = vector.extract_strided_slice %concatenate3A_49 {offsets = [0, 2176], sizes = [8, 128], strides = [1, 1]} : vector<8x20096xf32> to vector<8x128xf32>
    %swap3A_2370 = arith.constant 331 : index
    %swap3A_2371 = arith.constant 0 : index
    %swap3A_2372 = arith.constant 0 : index
    %swap3A_2373 = vector.load %arg4[%swap3A_2370, %swap3A_2371, %swap3A_2372] : memref<473x8x128xf32, #tpu.memory_space<vmem>>, vector<1x8x128xf32>
    %swap3A_2374 = vector.shape_cast %swap3A_2373 : vector<1x8x128xf32> to vector<8x128xf32>
    %swap3A_2375 = vector.shape_cast %slice3A_2369 : vector<8x128xf32> to vector<1x8x128xf32>
    tpu.vector_store %arg4[%swap3A_2370, %swap3A_2371, %swap3A_2372], %swap3A_2375 {strides = array<i32>} : memref<473x8x128xf32, #tpu.memory_space<vmem>>, vector<1x8x128xf32>,
    %slice3A_2376 = vector.extract_strided_slice %concatenate3A_49 {offsets = [0, 2304], sizes = [8, 128], strides = [1, 1]} : vector<8x20096xf32> to vector<8x128xf32>
    %swap3A_2377 = arith.constant 332 : index
    %swap3A_2378 = arith.constant 0 : index
    %swap3A_2379 = arith.constant 0 : index
    %swap3A_2380 = vector.load %arg4[%swap3A_2377, %swap3A_2378, %swap3A_2379] : memref<473x8x128xf32, #tpu.memory_space<vmem>>, vector<1x8x128xf32>
    %swap3A_2381 = vector.shape_cast %swap3A_2380 : vector<1x8x128xf32> to vector<8x128xf32>
    %swap3A_2382 = vector.shape_cast %slice3A_2376 : vector<8x128xf32> to vector<1x8x128xf32>
    tpu.vector_store %arg4[%swap3A_2377, %swap3A_2378, %swap3A_2379], %swap3A_2382 {strides = array<i32>} : memref<473x8x128xf32, #tpu.memory_space<vmem>>, vector<1x8x128xf32>,
    %slice3A_2383 = vector.extract_strided_slice %concatenate3A_49 {offsets = [0, 2432], sizes = [8, 128], strides = [1, 1]} : vector<8x20096xf32> to vector<8x128xf32>
    %swap3A_2384 = arith.constant 333 : index
    %swap3A_2385 = arith.constant 0 : index
    %swap3A_2386 = arith.constant 0 : index
    %swap3A_2387 = vector.load %arg4[%swap3A_2384, %swap3A_2385, %swap3A_2386] : memref<473x8x128xf32, #tpu.memory_space<vmem>>, vector<1x8x128xf32>
    %swap3A_2388 = vector.shape_cast %swap3A_2387 : vector<1x8x128xf32> to vector<8x128xf32>
    %swap3A_2389 = vector.shape_cast %slice3A_2383 : vector<8x128xf32> to vector<1x8x128xf32>
    tpu.vector_store %arg4[%swap3A_2384, %swap3A_2385, %swap3A_2386], %swap3A_2389 {strides = array<i32>} : memref<473x8x128xf32, #tpu.memory_space<vmem>>, vector<1x8x128xf32>,
    %slice3A_2390 = vector.extract_strided_slice %concatenate3A_49 {offsets = [0, 2560], sizes = [8, 128], strides = [1, 1]} : vector<8x20096xf32> to vector<8x128xf32>
    %swap3A_2391 = arith.constant 334 : index
    %swap3A_2392 = arith.constant 0 : index
    %swap3A_2393 = arith.constant 0 : index
    %swap3A_2394 = vector.load %arg4[%swap3A_2391, %swap3A_2392, %swap3A_2393] : memref<473x8x128xf32, #tpu.memory_space<vmem>>, vector<1x8x128xf32>
    %swap3A_2395 = vector.shape_cast %swap3A_2394 : vector<1x8x128xf32> to vector<8x128xf32>
    %swap3A_2396 = vector.shape_cast %slice3A_2390 : vector<8x128xf32> to vector<1x8x128xf32>
    tpu.vector_store %arg4[%swap3A_2391, %swap3A_2392, %swap3A_2393], %swap3A_2396 {strides = array<i32>} : memref<473x8x128xf32, #tpu.memory_space<vmem>>, vector<1x8x128xf32>,
    %slice3A_2397 = vector.extract_strided_slice %concatenate3A_49 {offsets = [0, 2688], sizes = [8, 128], strides = [1, 1]} : vector<8x20096xf32> to vector<8x128xf32>
    %swap3A_2398 = arith.constant 335 : index
    %swap3A_2399 = arith.constant 0 : index
    %swap3A_2400 = arith.constant 0 : index
    %swap3A_2401 = vector.load %arg4[%swap3A_2398, %swap3A_2399, %swap3A_2400] : memref<473x8x128xf32, #tpu.memory_space<vmem>>, vector<1x8x128xf32>
    %swap3A_2402 = vector.shape_cast %swap3A_2401 : vector<1x8x128xf32> to vector<8x128xf32>
    %swap3A_2403 = vector.shape_cast %slice3A_2397 : vector<8x128xf32> to vector<1x8x128xf32>
    tpu.vector_store %arg4[%swap3A_2398, %swap3A_2399, %swap3A_2400], %swap3A_2403 {strides = array<i32>} : memref<473x8x128xf32, #tpu.memory_space<vmem>>, vector<1x8x128xf32>,
    %slice3A_2404 = vector.extract_strided_slice %concatenate3A_49 {offsets = [0, 2816], sizes = [8, 128], strides = [1, 1]} : vector<8x20096xf32> to vector<8x128xf32>
    %swap3A_2405 = arith.constant 336 : index
    %swap3A_2406 = arith.constant 0 : index
    %swap3A_2407 = arith.constant 0 : index
    %swap3A_2408 = vector.load %arg4[%swap3A_2405, %swap3A_2406, %swap3A_2407] : memref<473x8x128xf32, #tpu.memory_space<vmem>>, vector<1x8x128xf32>
    %swap3A_2409 = vector.shape_cast %swap3A_2408 : vector<1x8x128xf32> to vector<8x128xf32>
    %swap3A_2410 = vector.shape_cast %slice3A_2404 : vector<8x128xf32> to vector<1x8x128xf32>
    tpu.vector_store %arg4[%swap3A_2405, %swap3A_2406, %swap3A_2407], %swap3A_2410 {strides = array<i32>} : memref<473x8x128xf32, #tpu.memory_space<vmem>>, vector<1x8x128xf32>,
    %slice3A_2411 = vector.extract_strided_slice %concatenate3A_49 {offsets = [0, 2944], sizes = [8, 128], strides = [1, 1]} : vector<8x20096xf32> to vector<8x128xf32>
    %swap3A_2412 = arith.constant 337 : index
    %swap3A_2413 = arith.constant 0 : index
    %swap3A_2414 = arith.constant 0 : index
    %swap3A_2415 = vector.load %arg4[%swap3A_2412, %swap3A_2413, %swap3A_2414] : memref<473x8x128xf32, #tpu.memory_space<vmem>>, vector<1x8x128xf32>
    %swap3A_2416 = vector.shape_cast %swap3A_2415 : vector<1x8x128xf32> to vector<8x128xf32>
    %swap3A_2417 = vector.shape_cast %slice3A_2411 : vector<8x128xf32> to vector<1x8x128xf32>
    tpu.vector_store %arg4[%swap3A_2412, %swap3A_2413, %swap3A_2414], %swap3A_2417 {strides = array<i32>} : memref<473x8x128xf32, #tpu.memory_space<vmem>>, vector<1x8x128xf32>,
    %slice3A_2418 = vector.extract_strided_slice %concatenate3A_49 {offsets = [0, 3072], sizes = [8, 128], strides = [1, 1]} : vector<8x20096xf32> to vector<8x128xf32>
    %swap3A_2419 = arith.constant 338 : index
    %swap3A_2420 = arith.constant 0 : index
    %swap3A_2421 = arith.constant 0 : index
    %swap3A_2422 = vector.load %arg4[%swap3A_2419, %swap3A_2420, %swap3A_2421] : memref<473x8x128xf32, #tpu.memory_space<vmem>>, vector<1x8x128xf32>
    %swap3A_2423 = vector.shape_cast %swap3A_2422 : vector<1x8x128xf32> to vector<8x128xf32>
    %swap3A_2424 = vector.shape_cast %slice3A_2418 : vector<8x128xf32> to vector<1x8x128xf32>
    tpu.vector_store %arg4[%swap3A_2419, %swap3A_2420, %swap3A_2421], %swap3A_2424 {strides = array<i32>} : memref<473x8x128xf32, #tpu.memory_space<vmem>>, vector<1x8x128xf32>,
    %slice3A_2425 = vector.extract_strided_slice %concatenate3A_49 {offsets = [0, 3200], sizes = [8, 128], strides = [1, 1]} : vector<8x20096xf32> to vector<8x128xf32>
    %swap3A_2426 = arith.constant 339 : index
    %swap3A_2427 = arith.constant 0 : index
    %swap3A_2428 = arith.constant 0 : index
    %swap3A_2429 = vector.load %arg4[%swap3A_2426, %swap3A_2427, %swap3A_2428] : memref<473x8x128xf32, #tpu.memory_space<vmem>>, vector<1x8x128xf32>
    %swap3A_2430 = vector.shape_cast %swap3A_2429 : vector<1x8x128xf32> to vector<8x128xf32>
    %swap3A_2431 = vector.shape_cast %slice3A_2425 : vector<8x128xf32> to vector<1x8x128xf32>
    tpu.vector_store %arg4[%swap3A_2426, %swap3A_2427, %swap3A_2428], %swap3A_2431 {strides = array<i32>} : memref<473x8x128xf32, #tpu.memory_space<vmem>>, vector<1x8x128xf32>,
    %slice3A_2432 = vector.extract_strided_slice %concatenate3A_49 {offsets = [0, 3328], sizes = [8, 128], strides = [1, 1]} : vector<8x20096xf32> to vector<8x128xf32>
    %swap3A_2433 = arith.constant 340 : index
    %swap3A_2434 = arith.constant 0 : index
    %swap3A_2435 = arith.constant 0 : index
    %swap3A_2436 = vector.load %arg4[%swap3A_2433, %swap3A_2434, %swap3A_2435] : memref<473x8x128xf32, #tpu.memory_space<vmem>>, vector<1x8x128xf32>
    %swap3A_2437 = vector.shape_cast %swap3A_2436 : vector<1x8x128xf32> to vector<8x128xf32>
    %swap3A_2438 = vector.shape_cast %slice3A_2432 : vector<8x128xf32> to vector<1x8x128xf32>
    tpu.vector_store %arg4[%swap3A_2433, %swap3A_2434, %swap3A_2435], %swap3A_2438 {strides = array<i32>} : memref<473x8x128xf32, #tpu.memory_space<vmem>>, vector<1x8x128xf32>,
    %slice3A_2439 = vector.extract_strided_slice %concatenate3A_49 {offsets = [0, 3456], sizes = [8, 128], strides = [1, 1]} : vector<8x20096xf32> to vector<8x128xf32>
    %swap3A_2440 = arith.constant 341 : index
    %swap3A_2441 = arith.constant 0 : index
    %swap3A_2442 = arith.constant 0 : index
    %swap3A_2443 = vector.load %arg4[%swap3A_2440, %swap3A_2441, %swap3A_2442] : memref<473x8x128xf32, #tpu.memory_space<vmem>>, vector<1x8x128xf32>
    %swap3A_2444 = vector.shape_cast %swap3A_2443 : vector<1x8x128xf32> to vector<8x128xf32>
    %swap3A_2445 = vector.shape_cast %slice3A_2439 : vector<8x128xf32> to vector<1x8x128xf32>
    tpu.vector_store %arg4[%swap3A_2440, %swap3A_2441, %swap3A_2442], %swap3A_2445 {strides = array<i32>} : memref<473x8x128xf32, #tpu.memory_space<vmem>>, vector<1x8x128xf32>,
    %slice3A_2446 = vector.extract_strided_slice %concatenate3A_49 {offsets = [0, 3584], sizes = [8, 128], strides = [1, 1]} : vector<8x20096xf32> to vector<8x128xf32>
    %swap3A_2447 = arith.constant 342 : index
    %swap3A_2448 = arith.constant 0 : index
    %swap3A_2449 = arith.constant 0 : index
    %swap3A_2450 = vector.load %arg4[%swap3A_2447, %swap3A_2448, %swap3A_2449] : memref<473x8x128xf32, #tpu.memory_space<vmem>>, vector<1x8x128xf32>
    %swap3A_2451 = vector.shape_cast %swap3A_2450 : vector<1x8x128xf32> to vector<8x128xf32>
    %swap3A_2452 = vector.shape_cast %slice3A_2446 : vector<8x128xf32> to vector<1x8x128xf32>
    tpu.vector_store %arg4[%swap3A_2447, %swap3A_2448, %swap3A_2449], %swap3A_2452 {strides = array<i32>} : memref<473x8x128xf32, #tpu.memory_space<vmem>>, vector<1x8x128xf32>,
    %slice3A_2453 = vector.extract_strided_slice %concatenate3A_49 {offsets = [0, 3712], sizes = [8, 128], strides = [1, 1]} : vector<8x20096xf32> to vector<8x128xf32>
    %swap3A_2454 = arith.constant 343 : index
    %swap3A_2455 = arith.constant 0 : index
    %swap3A_2456 = arith.constant 0 : index
    %swap3A_2457 = vector.load %arg4[%swap3A_2454, %swap3A_2455, %swap3A_2456] : memref<473x8x128xf32, #tpu.memory_space<vmem>>, vector<1x8x128xf32>
    %swap3A_2458 = vector.shape_cast %swap3A_2457 : vector<1x8x128xf32> to vector<8x128xf32>
    %swap3A_2459 = vector.shape_cast %slice3A_2453 : vector<8x128xf32> to vector<1x8x128xf32>
    tpu.vector_store %arg4[%swap3A_2454, %swap3A_2455, %swap3A_2456], %swap3A_2459 {strides = array<i32>} : memref<473x8x128xf32, #tpu.memory_space<vmem>>, vector<1x8x128xf32>,
    %slice3A_2460 = vector.extract_strided_slice %concatenate3A_49 {offsets = [0, 3840], sizes = [8, 128], strides = [1, 1]} : vector<8x20096xf32> to vector<8x128xf32>
    %swap3A_2461 = arith.constant 344 : index
    %swap3A_2462 = arith.constant 0 : index
    %swap3A_2463 = arith.constant 0 : index
    %swap3A_2464 = vector.load %arg4[%swap3A_2461, %swap3A_2462, %swap3A_2463] : memref<473x8x128xf32, #tpu.memory_space<vmem>>, vector<1x8x128xf32>
    %swap3A_2465 = vector.shape_cast %swap3A_2464 : vector<1x8x128xf32> to vector<8x128xf32>
    %swap3A_2466 = vector.shape_cast %slice3A_2460 : vector<8x128xf32> to vector<1x8x128xf32>
    tpu.vector_store %arg4[%swap3A_2461, %swap3A_2462, %swap3A_2463], %swap3A_2466 {strides = array<i32>} : memref<473x8x128xf32, #tpu.memory_space<vmem>>, vector<1x8x128xf32>,
    %slice3A_2467 = vector.extract_strided_slice %concatenate3A_49 {offsets = [0, 3968], sizes = [8, 128], strides = [1, 1]} : vector<8x20096xf32> to vector<8x128xf32>
    %swap3A_2468 = arith.constant 345 : index
    %swap3A_2469 = arith.constant 0 : index
    %swap3A_2470 = arith.constant 0 : index
    %swap3A_2471 = vector.load %arg4[%swap3A_2468, %swap3A_2469, %swap3A_2470] : memref<473x8x128xf32, #tpu.memory_space<vmem>>, vector<1x8x128xf32>
    %swap3A_2472 = vector.shape_cast %swap3A_2471 : vector<1x8x128xf32> to vector<8x128xf32>
    %swap3A_2473 = vector.shape_cast %slice3A_2467 : vector<8x128xf32> to vector<1x8x128xf32>
    tpu.vector_store %arg4[%swap3A_2468, %swap3A_2469, %swap3A_2470], %swap3A_2473 {strides = array<i32>} : memref<473x8x128xf32, #tpu.memory_space<vmem>>, vector<1x8x128xf32>,
    %slice3A_2474 = vector.extract_strided_slice %concatenate3A_49 {offsets = [0, 4096], sizes = [8, 128], strides = [1, 1]} : vector<8x20096xf32> to vector<8x128xf32>
    %swap3A_2475 = arith.constant 346 : index
    %swap3A_2476 = arith.constant 0 : index
    %swap3A_2477 = arith.constant 0 : index
    %swap3A_2478 = vector.load %arg4[%swap3A_2475, %swap3A_2476, %swap3A_2477] : memref<473x8x128xf32, #tpu.memory_space<vmem>>, vector<1x8x128xf32>
    %swap3A_2479 = vector.shape_cast %swap3A_2478 : vector<1x8x128xf32> to vector<8x128xf32>
    %swap3A_2480 = vector.shape_cast %slice3A_2474 : vector<8x128xf32> to vector<1x8x128xf32>
    tpu.vector_store %arg4[%swap3A_2475, %swap3A_2476, %swap3A_2477], %swap3A_2480 {strides = array<i32>} : memref<473x8x128xf32, #tpu.memory_space<vmem>>, vector<1x8x128xf32>,
    %slice3A_2481 = vector.extract_strided_slice %concatenate3A_49 {offsets = [0, 4224], sizes = [8, 128], strides = [1, 1]} : vector<8x20096xf32> to vector<8x128xf32>
    %swap3A_2482 = arith.constant 347 : index
    %swap3A_2483 = arith.constant 0 : index
    %swap3A_2484 = arith.constant 0 : index
    %swap3A_2485 = vector.load %arg4[%swap3A_2482, %swap3A_2483, %swap3A_2484] : memref<473x8x128xf32, #tpu.memory_space<vmem>>, vector<1x8x128xf32>
    %swap3A_2486 = vector.shape_cast %swap3A_2485 : vector<1x8x128xf32> to vector<8x128xf32>
    %swap3A_2487 = vector.shape_cast %slice3A_2481 : vector<8x128xf32> to vector<1x8x128xf32>
    tpu.vector_store %arg4[%swap3A_2482, %swap3A_2483, %swap3A_2484], %swap3A_2487 {strides = array<i32>} : memref<473x8x128xf32, #tpu.memory_space<vmem>>, vector<1x8x128xf32>,
    %slice3A_2488 = vector.extract_strided_slice %concatenate3A_49 {offsets = [0, 4352], sizes = [8, 128], strides = [1, 1]} : vector<8x20096xf32> to vector<8x128xf32>
    %swap3A_2489 = arith.constant 348 : index
    %swap3A_2490 = arith.constant 0 : index
    %swap3A_2491 = arith.constant 0 : index
    %swap3A_2492 = vector.load %arg4[%swap3A_2489, %swap3A_2490, %swap3A_2491] : memref<473x8x128xf32, #tpu.memory_space<vmem>>, vector<1x8x128xf32>
    %swap3A_2493 = vector.shape_cast %swap3A_2492 : vector<1x8x128xf32> to vector<8x128xf32>
    %swap3A_2494 = vector.shape_cast %slice3A_2488 : vector<8x128xf32> to vector<1x8x128xf32>
    tpu.vector_store %arg4[%swap3A_2489, %swap3A_2490, %swap3A_2491], %swap3A_2494 {strides = array<i32>} : memref<473x8x128xf32, #tpu.memory_space<vmem>>, vector<1x8x128xf32>,
    %slice3A_2495 = vector.extract_strided_slice %concatenate3A_49 {offsets = [0, 4480], sizes = [8, 128], strides = [1, 1]} : vector<8x20096xf32> to vector<8x128xf32>
    %swap3A_2496 = arith.constant 349 : index
    %swap3A_2497 = arith.constant 0 : index
    %swap3A_2498 = arith.constant 0 : index
    %swap3A_2499 = vector.load %arg4[%swap3A_2496, %swap3A_2497, %swap3A_2498] : memref<473x8x128xf32, #tpu.memory_space<vmem>>, vector<1x8x128xf32>
    %swap3A_2500 = vector.shape_cast %swap3A_2499 : vector<1x8x128xf32> to vector<8x128xf32>
    %swap3A_2501 = vector.shape_cast %slice3A_2495 : vector<8x128xf32> to vector<1x8x128xf32>
    tpu.vector_store %arg4[%swap3A_2496, %swap3A_2497, %swap3A_2498], %swap3A_2501 {strides = array<i32>} : memref<473x8x128xf32, #tpu.memory_space<vmem>>, vector<1x8x128xf32>,
    %slice3A_2502 = vector.extract_strided_slice %concatenate3A_49 {offsets = [0, 4608], sizes = [8, 128], strides = [1, 1]} : vector<8x20096xf32> to vector<8x128xf32>
    %swap3A_2503 = arith.constant 350 : index
    %swap3A_2504 = arith.constant 0 : index
    %swap3A_2505 = arith.constant 0 : index
    %swap3A_2506 = vector.load %arg4[%swap3A_2503, %swap3A_2504, %swap3A_2505] : memref<473x8x128xf32, #tpu.memory_space<vmem>>, vector<1x8x128xf32>
    %swap3A_2507 = vector.shape_cast %swap3A_2506 : vector<1x8x128xf32> to vector<8x128xf32>
    %swap3A_2508 = vector.shape_cast %slice3A_2502 : vector<8x128xf32> to vector<1x8x128xf32>
    tpu.vector_store %arg4[%swap3A_2503, %swap3A_2504, %swap3A_2505], %swap3A_2508 {strides = array<i32>} : memref<473x8x128xf32, #tpu.memory_space<vmem>>, vector<1x8x128xf32>,
    %slice3A_2509 = vector.extract_strided_slice %concatenate3A_49 {offsets = [0, 4736], sizes = [8, 128], strides = [1, 1]} : vector<8x20096xf32> to vector<8x128xf32>
    %swap3A_2510 = arith.constant 351 : index
    %swap3A_2511 = arith.constant 0 : index
    %swap3A_2512 = arith.constant 0 : index
    %swap3A_2513 = vector.load %arg4[%swap3A_2510, %swap3A_2511, %swap3A_2512] : memref<473x8x128xf32, #tpu.memory_space<vmem>>, vector<1x8x128xf32>
    %swap3A_2514 = vector.shape_cast %swap3A_2513 : vector<1x8x128xf32> to vector<8x128xf32>
    %swap3A_2515 = vector.shape_cast %slice3A_2509 : vector<8x128xf32> to vector<1x8x128xf32>
    tpu.vector_store %arg4[%swap3A_2510, %swap3A_2511, %swap3A_2512], %swap3A_2515 {strides = array<i32>} : memref<473x8x128xf32, #tpu.memory_space<vmem>>, vector<1x8x128xf32>,
    %slice3A_2516 = vector.extract_strided_slice %concatenate3A_49 {offsets = [0, 4864], sizes = [8, 128], strides = [1, 1]} : vector<8x20096xf32> to vector<8x128xf32>
    %swap3A_2517 = arith.constant 352 : index
    %swap3A_2518 = arith.constant 0 : index
    %swap3A_2519 = arith.constant 0 : index
    %swap3A_2520 = vector.load %arg4[%swap3A_2517, %swap3A_2518, %swap3A_2519] : memref<473x8x128xf32, #tpu.memory_space<vmem>>, vector<1x8x128xf32>
    %swap3A_2521 = vector.shape_cast %swap3A_2520 : vector<1x8x128xf32> to vector<8x128xf32>
    %swap3A_2522 = vector.shape_cast %slice3A_2516 : vector<8x128xf32> to vector<1x8x128xf32>
    tpu.vector_store %arg4[%swap3A_2517, %swap3A_2518, %swap3A_2519], %swap3A_2522 {strides = array<i32>} : memref<473x8x128xf32, #tpu.memory_space<vmem>>, vector<1x8x128xf32>,
    %slice3A_2523 = vector.extract_strided_slice %concatenate3A_49 {offsets = [0, 4992], sizes = [8, 128], strides = [1, 1]} : vector<8x20096xf32> to vector<8x128xf32>
    %swap3A_2524 = arith.constant 353 : index
    %swap3A_2525 = arith.constant 0 : index
    %swap3A_2526 = arith.constant 0 : index
    %swap3A_2527 = vector.load %arg4[%swap3A_2524, %swap3A_2525, %swap3A_2526] : memref<473x8x128xf32, #tpu.memory_space<vmem>>, vector<1x8x128xf32>
    %swap3A_2528 = vector.shape_cast %swap3A_2527 : vector<1x8x128xf32> to vector<8x128xf32>
    %swap3A_2529 = vector.shape_cast %slice3A_2523 : vector<8x128xf32> to vector<1x8x128xf32>
    tpu.vector_store %arg4[%swap3A_2524, %swap3A_2525, %swap3A_2526], %swap3A_2529 {strides = array<i32>} : memref<473x8x128xf32, #tpu.memory_space<vmem>>, vector<1x8x128xf32>,
    %slice3A_2530 = vector.extract_strided_slice %concatenate3A_49 {offsets = [0, 5120], sizes = [8, 128], strides = [1, 1]} : vector<8x20096xf32> to vector<8x128xf32>
    %swap3A_2531 = arith.constant 354 : index
    %swap3A_2532 = arith.constant 0 : index
    %swap3A_2533 = arith.constant 0 : index
    %swap3A_2534 = vector.load %arg4[%swap3A_2531, %swap3A_2532, %swap3A_2533] : memref<473x8x128xf32, #tpu.memory_space<vmem>>, vector<1x8x128xf32>
    %swap3A_2535 = vector.shape_cast %swap3A_2534 : vector<1x8x128xf32> to vector<8x128xf32>
    %swap3A_2536 = vector.shape_cast %slice3A_2530 : vector<8x128xf32> to vector<1x8x128xf32>
    tpu.vector_store %arg4[%swap3A_2531, %swap3A_2532, %swap3A_2533], %swap3A_2536 {strides = array<i32>} : memref<473x8x128xf32, #tpu.memory_space<vmem>>, vector<1x8x128xf32>,
    %slice3A_2537 = vector.extract_strided_slice %concatenate3A_49 {offsets = [0, 5248], sizes = [8, 128], strides = [1, 1]} : vector<8x20096xf32> to vector<8x128xf32>
    %swap3A_2538 = arith.constant 355 : index
    %swap3A_2539 = arith.constant 0 : index
    %swap3A_2540 = arith.constant 0 : index
    %swap3A_2541 = vector.load %arg4[%swap3A_2538, %swap3A_2539, %swap3A_2540] : memref<473x8x128xf32, #tpu.memory_space<vmem>>, vector<1x8x128xf32>
    %swap3A_2542 = vector.shape_cast %swap3A_2541 : vector<1x8x128xf32> to vector<8x128xf32>
    %swap3A_2543 = vector.shape_cast %slice3A_2537 : vector<8x128xf32> to vector<1x8x128xf32>
    tpu.vector_store %arg4[%swap3A_2538, %swap3A_2539, %swap3A_2540], %swap3A_2543 {strides = array<i32>} : memref<473x8x128xf32, #tpu.memory_space<vmem>>, vector<1x8x128xf32>,
    %slice3A_2544 = vector.extract_strided_slice %concatenate3A_49 {offsets = [0, 5376], sizes = [8, 128], strides = [1, 1]} : vector<8x20096xf32> to vector<8x128xf32>
    %swap3A_2545 = arith.constant 356 : index
    %swap3A_2546 = arith.constant 0 : index
    %swap3A_2547 = arith.constant 0 : index
    %swap3A_2548 = vector.load %arg4[%swap3A_2545, %swap3A_2546, %swap3A_2547] : memref<473x8x128xf32, #tpu.memory_space<vmem>>, vector<1x8x128xf32>
    %swap3A_2549 = vector.shape_cast %swap3A_2548 : vector<1x8x128xf32> to vector<8x128xf32>
    %swap3A_2550 = vector.shape_cast %slice3A_2544 : vector<8x128xf32> to vector<1x8x128xf32>
    tpu.vector_store %arg4[%swap3A_2545, %swap3A_2546, %swap3A_2547], %swap3A_2550 {strides = array<i32>} : memref<473x8x128xf32, #tpu.memory_space<vmem>>, vector<1x8x128xf32>,
    %slice3A_2551 = vector.extract_strided_slice %concatenate3A_49 {offsets = [0, 5504], sizes = [8, 128], strides = [1, 1]} : vector<8x20096xf32> to vector<8x128xf32>
    %swap3A_2552 = arith.constant 357 : index
    %swap3A_2553 = arith.constant 0 : index
    %swap3A_2554 = arith.constant 0 : index
    %swap3A_2555 = vector.load %arg4[%swap3A_2552, %swap3A_2553, %swap3A_2554] : memref<473x8x128xf32, #tpu.memory_space<vmem>>, vector<1x8x128xf32>
    %swap3A_2556 = vector.shape_cast %swap3A_2555 : vector<1x8x128xf32> to vector<8x128xf32>
    %swap3A_2557 = vector.shape_cast %slice3A_2551 : vector<8x128xf32> to vector<1x8x128xf32>
    tpu.vector_store %arg4[%swap3A_2552, %swap3A_2553, %swap3A_2554], %swap3A_2557 {strides = array<i32>} : memref<473x8x128xf32, #tpu.memory_space<vmem>>, vector<1x8x128xf32>,
    %slice3A_2558 = vector.extract_strided_slice %concatenate3A_49 {offsets = [0, 5632], sizes = [8, 128], strides = [1, 1]} : vector<8x20096xf32> to vector<8x128xf32>
    %swap3A_2559 = arith.constant 358 : index
    %swap3A_2560 = arith.constant 0 : index
    %swap3A_2561 = arith.constant 0 : index
    %swap3A_2562 = vector.load %arg4[%swap3A_2559, %swap3A_2560, %swap3A_2561] : memref<473x8x128xf32, #tpu.memory_space<vmem>>, vector<1x8x128xf32>
    %swap3A_2563 = vector.shape_cast %swap3A_2562 : vector<1x8x128xf32> to vector<8x128xf32>
    %swap3A_2564 = vector.shape_cast %slice3A_2558 : vector<8x128xf32> to vector<1x8x128xf32>
    tpu.vector_store %arg4[%swap3A_2559, %swap3A_2560, %swap3A_2561], %swap3A_2564 {strides = array<i32>} : memref<473x8x128xf32, #tpu.memory_space<vmem>>, vector<1x8x128xf32>,
    %slice3A_2565 = vector.extract_strided_slice %concatenate3A_49 {offsets = [0, 5760], sizes = [8, 128], strides = [1, 1]} : vector<8x20096xf32> to vector<8x128xf32>
    %swap3A_2566 = arith.constant 359 : index
    %swap3A_2567 = arith.constant 0 : index
    %swap3A_2568 = arith.constant 0 : index
    %swap3A_2569 = vector.load %arg4[%swap3A_2566, %swap3A_2567, %swap3A_2568] : memref<473x8x128xf32, #tpu.memory_space<vmem>>, vector<1x8x128xf32>
    %swap3A_2570 = vector.shape_cast %swap3A_2569 : vector<1x8x128xf32> to vector<8x128xf32>
    %swap3A_2571 = vector.shape_cast %slice3A_2565 : vector<8x128xf32> to vector<1x8x128xf32>
    tpu.vector_store %arg4[%swap3A_2566, %swap3A_2567, %swap3A_2568], %swap3A_2571 {strides = array<i32>} : memref<473x8x128xf32, #tpu.memory_space<vmem>>, vector<1x8x128xf32>,
    %slice3A_2572 = vector.extract_strided_slice %concatenate3A_49 {offsets = [0, 5888], sizes = [8, 128], strides = [1, 1]} : vector<8x20096xf32> to vector<8x128xf32>
    %swap3A_2573 = arith.constant 360 : index
    %swap3A_2574 = arith.constant 0 : index
    %swap3A_2575 = arith.constant 0 : index
    %swap3A_2576 = vector.load %arg4[%swap3A_2573, %swap3A_2574, %swap3A_2575] : memref<473x8x128xf32, #tpu.memory_space<vmem>>, vector<1x8x128xf32>
    %swap3A_2577 = vector.shape_cast %swap3A_2576 : vector<1x8x128xf32> to vector<8x128xf32>
    %swap3A_2578 = vector.shape_cast %slice3A_2572 : vector<8x128xf32> to vector<1x8x128xf32>
    tpu.vector_store %arg4[%swap3A_2573, %swap3A_2574, %swap3A_2575], %swap3A_2578 {strides = array<i32>} : memref<473x8x128xf32, #tpu.memory_space<vmem>>, vector<1x8x128xf32>,
    %slice3A_2579 = vector.extract_strided_slice %concatenate3A_49 {offsets = [0, 6016], sizes = [8, 128], strides = [1, 1]} : vector<8x20096xf32> to vector<8x128xf32>
    %swap3A_2580 = arith.constant 361 : index
    %swap3A_2581 = arith.constant 0 : index
    %swap3A_2582 = arith.constant 0 : index
    %swap3A_2583 = vector.load %arg4[%swap3A_2580, %swap3A_2581, %swap3A_2582] : memref<473x8x128xf32, #tpu.memory_space<vmem>>, vector<1x8x128xf32>
    %swap3A_2584 = vector.shape_cast %swap3A_2583 : vector<1x8x128xf32> to vector<8x128xf32>
    %swap3A_2585 = vector.shape_cast %slice3A_2579 : vector<8x128xf32> to vector<1x8x128xf32>
    tpu.vector_store %arg4[%swap3A_2580, %swap3A_2581, %swap3A_2582], %swap3A_2585 {strides = array<i32>} : memref<473x8x128xf32, #tpu.memory_space<vmem>>, vector<1x8x128xf32>,
    %slice3A_2586 = vector.extract_strided_slice %concatenate3A_49 {offsets = [0, 6144], sizes = [8, 128], strides = [1, 1]} : vector<8x20096xf32> to vector<8x128xf32>
    %swap3A_2587 = arith.constant 362 : index
    %swap3A_2588 = arith.constant 0 : index
    %swap3A_2589 = arith.constant 0 : index
    %swap3A_2590 = vector.load %arg4[%swap3A_2587, %swap3A_2588, %swap3A_2589] : memref<473x8x128xf32, #tpu.memory_space<vmem>>, vector<1x8x128xf32>
    %swap3A_2591 = vector.shape_cast %swap3A_2590 : vector<1x8x128xf32> to vector<8x128xf32>
    %swap3A_2592 = vector.shape_cast %slice3A_2586 : vector<8x128xf32> to vector<1x8x128xf32>
    tpu.vector_store %arg4[%swap3A_2587, %swap3A_2588, %swap3A_2589], %swap3A_2592 {strides = array<i32>} : memref<473x8x128xf32, #tpu.memory_space<vmem>>, vector<1x8x128xf32>,
    %slice3A_2593 = vector.extract_strided_slice %concatenate3A_49 {offsets = [0, 6272], sizes = [8, 128], strides = [1, 1]} : vector<8x20096xf32> to vector<8x128xf32>
    %swap3A_2594 = arith.constant 363 : index
    %swap3A_2595 = arith.constant 0 : index
    %swap3A_2596 = arith.constant 0 : index
    %swap3A_2597 = vector.load %arg4[%swap3A_2594, %swap3A_2595, %swap3A_2596] : memref<473x8x128xf32, #tpu.memory_space<vmem>>, vector<1x8x128xf32>
    %swap3A_2598 = vector.shape_cast %swap3A_2597 : vector<1x8x128xf32> to vector<8x128xf32>
    %swap3A_2599 = vector.shape_cast %slice3A_2593 : vector<8x128xf32> to vector<1x8x128xf32>
    tpu.vector_store %arg4[%swap3A_2594, %swap3A_2595, %swap3A_2596], %swap3A_2599 {strides = array<i32>} : memref<473x8x128xf32, #tpu.memory_space<vmem>>, vector<1x8x128xf32>,
    %slice3A_2600 = vector.extract_strided_slice %concatenate3A_49 {offsets = [0, 6400], sizes = [8, 128], strides = [1, 1]} : vector<8x20096xf32> to vector<8x128xf32>
    %swap3A_2601 = arith.constant 364 : index
    %swap3A_2602 = arith.constant 0 : index
    %swap3A_2603 = arith.constant 0 : index
    %swap3A_2604 = vector.load %arg4[%swap3A_2601, %swap3A_2602, %swap3A_2603] : memref<473x8x128xf32, #tpu.memory_space<vmem>>, vector<1x8x128xf32>
    %swap3A_2605 = vector.shape_cast %swap3A_2604 : vector<1x8x128xf32> to vector<8x128xf32>
    %swap3A_2606 = vector.shape_cast %slice3A_2600 : vector<8x128xf32> to vector<1x8x128xf32>
    tpu.vector_store %arg4[%swap3A_2601, %swap3A_2602, %swap3A_2603], %swap3A_2606 {strides = array<i32>} : memref<473x8x128xf32, #tpu.memory_space<vmem>>, vector<1x8x128xf32>,
    %slice3A_2607 = vector.extract_strided_slice %concatenate3A_49 {offsets = [0, 6528], sizes = [8, 128], strides = [1, 1]} : vector<8x20096xf32> to vector<8x128xf32>
    %swap3A_2608 = arith.constant 365 : index
    %swap3A_2609 = arith.constant 0 : index
    %swap3A_2610 = arith.constant 0 : index
    %swap3A_2611 = vector.load %arg4[%swap3A_2608, %swap3A_2609, %swap3A_2610] : memref<473x8x128xf32, #tpu.memory_space<vmem>>, vector<1x8x128xf32>
    %swap3A_2612 = vector.shape_cast %swap3A_2611 : vector<1x8x128xf32> to vector<8x128xf32>
    %swap3A_2613 = vector.shape_cast %slice3A_2607 : vector<8x128xf32> to vector<1x8x128xf32>
    tpu.vector_store %arg4[%swap3A_2608, %swap3A_2609, %swap3A_2610], %swap3A_2613 {strides = array<i32>} : memref<473x8x128xf32, #tpu.memory_space<vmem>>, vector<1x8x128xf32>,
    %slice3A_2614 = vector.extract_strided_slice %concatenate3A_49 {offsets = [0, 6656], sizes = [8, 128], strides = [1, 1]} : vector<8x20096xf32> to vector<8x128xf32>
    %swap3A_2615 = arith.constant 366 : index
    %swap3A_2616 = arith.constant 0 : index
    %swap3A_2617 = arith.constant 0 : index
    %swap3A_2618 = vector.load %arg4[%swap3A_2615, %swap3A_2616, %swap3A_2617] : memref<473x8x128xf32, #tpu.memory_space<vmem>>, vector<1x8x128xf32>
    %swap3A_2619 = vector.shape_cast %swap3A_2618 : vector<1x8x128xf32> to vector<8x128xf32>
    %swap3A_2620 = vector.shape_cast %slice3A_2614 : vector<8x128xf32> to vector<1x8x128xf32>
    tpu.vector_store %arg4[%swap3A_2615, %swap3A_2616, %swap3A_2617], %swap3A_2620 {strides = array<i32>} : memref<473x8x128xf32, #tpu.memory_space<vmem>>, vector<1x8x128xf32>,
    %slice3A_2621 = vector.extract_strided_slice %concatenate3A_49 {offsets = [0, 6784], sizes = [8, 128], strides = [1, 1]} : vector<8x20096xf32> to vector<8x128xf32>
    %swap3A_2622 = arith.constant 367 : index
    %swap3A_2623 = arith.constant 0 : index
    %swap3A_2624 = arith.constant 0 : index
    %swap3A_2625 = vector.load %arg4[%swap3A_2622, %swap3A_2623, %swap3A_2624] : memref<473x8x128xf32, #tpu.memory_space<vmem>>, vector<1x8x128xf32>
    %swap3A_2626 = vector.shape_cast %swap3A_2625 : vector<1x8x128xf32> to vector<8x128xf32>
    %swap3A_2627 = vector.shape_cast %slice3A_2621 : vector<8x128xf32> to vector<1x8x128xf32>
    tpu.vector_store %arg4[%swap3A_2622, %swap3A_2623, %swap3A_2624], %swap3A_2627 {strides = array<i32>} : memref<473x8x128xf32, #tpu.memory_space<vmem>>, vector<1x8x128xf32>,
    %slice3A_2628 = vector.extract_strided_slice %concatenate3A_49 {offsets = [0, 6912], sizes = [8, 128], strides = [1, 1]} : vector<8x20096xf32> to vector<8x128xf32>
    %swap3A_2629 = arith.constant 368 : index
    %swap3A_2630 = arith.constant 0 : index
    %swap3A_2631 = arith.constant 0 : index
    %swap3A_2632 = vector.load %arg4[%swap3A_2629, %swap3A_2630, %swap3A_2631] : memref<473x8x128xf32, #tpu.memory_space<vmem>>, vector<1x8x128xf32>
    %swap3A_2633 = vector.shape_cast %swap3A_2632 : vector<1x8x128xf32> to vector<8x128xf32>
    %swap3A_2634 = vector.shape_cast %slice3A_2628 : vector<8x128xf32> to vector<1x8x128xf32>
    tpu.vector_store %arg4[%swap3A_2629, %swap3A_2630, %swap3A_2631], %swap3A_2634 {strides = array<i32>} : memref<473x8x128xf32, #tpu.memory_space<vmem>>, vector<1x8x128xf32>,
    %slice3A_2635 = vector.extract_strided_slice %concatenate3A_49 {offsets = [0, 7040], sizes = [8, 128], strides = [1, 1]} : vector<8x20096xf32> to vector<8x128xf32>
    %swap3A_2636 = arith.constant 369 : index
    %swap3A_2637 = arith.constant 0 : index
    %swap3A_2638 = arith.constant 0 : index
    %swap3A_2639 = vector.load %arg4[%swap3A_2636, %swap3A_2637, %swap3A_2638] : memref<473x8x128xf32, #tpu.memory_space<vmem>>, vector<1x8x128xf32>
    %swap3A_2640 = vector.shape_cast %swap3A_2639 : vector<1x8x128xf32> to vector<8x128xf32>
    %swap3A_2641 = vector.shape_cast %slice3A_2635 : vector<8x128xf32> to vector<1x8x128xf32>
    tpu.vector_store %arg4[%swap3A_2636, %swap3A_2637, %swap3A_2638], %swap3A_2641 {strides = array<i32>} : memref<473x8x128xf32, #tpu.memory_space<vmem>>, vector<1x8x128xf32>,
    %slice3A_2642 = vector.extract_strided_slice %concatenate3A_49 {offsets = [0, 7168], sizes = [8, 128], strides = [1, 1]} : vector<8x20096xf32> to vector<8x128xf32>
    %swap3A_2643 = arith.constant 370 : index
    %swap3A_2644 = arith.constant 0 : index
    %swap3A_2645 = arith.constant 0 : index
    %swap3A_2646 = vector.load %arg4[%swap3A_2643, %swap3A_2644, %swap3A_2645] : memref<473x8x128xf32, #tpu.memory_space<vmem>>, vector<1x8x128xf32>
    %swap3A_2647 = vector.shape_cast %swap3A_2646 : vector<1x8x128xf32> to vector<8x128xf32>
    %swap3A_2648 = vector.shape_cast %slice3A_2642 : vector<8x128xf32> to vector<1x8x128xf32>
    tpu.vector_store %arg4[%swap3A_2643, %swap3A_2644, %swap3A_2645], %swap3A_2648 {strides = array<i32>} : memref<473x8x128xf32, #tpu.memory_space<vmem>>, vector<1x8x128xf32>,
    %slice3A_2649 = vector.extract_strided_slice %concatenate3A_49 {offsets = [0, 7296], sizes = [8, 128], strides = [1, 1]} : vector<8x20096xf32> to vector<8x128xf32>
    %swap3A_2650 = arith.constant 371 : index
    %swap3A_2651 = arith.constant 0 : index
    %swap3A_2652 = arith.constant 0 : index
    %swap3A_2653 = vector.load %arg4[%swap3A_2650, %swap3A_2651, %swap3A_2652] : memref<473x8x128xf32, #tpu.memory_space<vmem>>, vector<1x8x128xf32>
    %swap3A_2654 = vector.shape_cast %swap3A_2653 : vector<1x8x128xf32> to vector<8x128xf32>
    %swap3A_2655 = vector.shape_cast %slice3A_2649 : vector<8x128xf32> to vector<1x8x128xf32>
    tpu.vector_store %arg4[%swap3A_2650, %swap3A_2651, %swap3A_2652], %swap3A_2655 {strides = array<i32>} : memref<473x8x128xf32, #tpu.memory_space<vmem>>, vector<1x8x128xf32>,
    %slice3A_2656 = vector.extract_strided_slice %concatenate3A_49 {offsets = [0, 7424], sizes = [8, 128], strides = [1, 1]} : vector<8x20096xf32> to vector<8x128xf32>
    %swap3A_2657 = arith.constant 372 : index
    %swap3A_2658 = arith.constant 0 : index
    %swap3A_2659 = arith.constant 0 : index
    %swap3A_2660 = vector.load %arg4[%swap3A_2657, %swap3A_2658, %swap3A_2659] : memref<473x8x128xf32, #tpu.memory_space<vmem>>, vector<1x8x128xf32>
    %swap3A_2661 = vector.shape_cast %swap3A_2660 : vector<1x8x128xf32> to vector<8x128xf32>
    %swap3A_2662 = vector.shape_cast %slice3A_2656 : vector<8x128xf32> to vector<1x8x128xf32>
    tpu.vector_store %arg4[%swap3A_2657, %swap3A_2658, %swap3A_2659], %swap3A_2662 {strides = array<i32>} : memref<473x8x128xf32, #tpu.memory_space<vmem>>, vector<1x8x128xf32>,
    %slice3A_2663 = vector.extract_strided_slice %concatenate3A_49 {offsets = [0, 7552], sizes = [8, 128], strides = [1, 1]} : vector<8x20096xf32> to vector<8x128xf32>
    %swap3A_2664 = arith.constant 373 : index
    %swap3A_2665 = arith.constant 0 : index
    %swap3A_2666 = arith.constant 0 : index
    %swap3A_2667 = vector.load %arg4[%swap3A_2664, %swap3A_2665, %swap3A_2666] : memref<473x8x128xf32, #tpu.memory_space<vmem>>, vector<1x8x128xf32>
    %swap3A_2668 = vector.shape_cast %swap3A_2667 : vector<1x8x128xf32> to vector<8x128xf32>
    %swap3A_2669 = vector.shape_cast %slice3A_2663 : vector<8x128xf32> to vector<1x8x128xf32>
    tpu.vector_store %arg4[%swap3A_2664, %swap3A_2665, %swap3A_2666], %swap3A_2669 {strides = array<i32>} : memref<473x8x128xf32, #tpu.memory_space<vmem>>, vector<1x8x128xf32>,
    %slice3A_2670 = vector.extract_strided_slice %concatenate3A_49 {offsets = [0, 7680], sizes = [8, 128], strides = [1, 1]} : vector<8x20096xf32> to vector<8x128xf32>
    %swap3A_2671 = arith.constant 374 : index
    %swap3A_2672 = arith.constant 0 : index
    %swap3A_2673 = arith.constant 0 : index
    %swap3A_2674 = vector.load %arg4[%swap3A_2671, %swap3A_2672, %swap3A_2673] : memref<473x8x128xf32, #tpu.memory_space<vmem>>, vector<1x8x128xf32>
    %swap3A_2675 = vector.shape_cast %swap3A_2674 : vector<1x8x128xf32> to vector<8x128xf32>
    %swap3A_2676 = vector.shape_cast %slice3A_2670 : vector<8x128xf32> to vector<1x8x128xf32>
    tpu.vector_store %arg4[%swap3A_2671, %swap3A_2672, %swap3A_2673], %swap3A_2676 {strides = array<i32>} : memref<473x8x128xf32, #tpu.memory_space<vmem>>, vector<1x8x128xf32>,
    %slice3A_2677 = vector.extract_strided_slice %concatenate3A_49 {offsets = [0, 7808], sizes = [8, 128], strides = [1, 1]} : vector<8x20096xf32> to vector<8x128xf32>
    %swap3A_2678 = arith.constant 375 : index
    %swap3A_2679 = arith.constant 0 : index
    %swap3A_2680 = arith.constant 0 : index
    %swap3A_2681 = vector.load %arg4[%swap3A_2678, %swap3A_2679, %swap3A_2680] : memref<473x8x128xf32, #tpu.memory_space<vmem>>, vector<1x8x128xf32>
    %swap3A_2682 = vector.shape_cast %swap3A_2681 : vector<1x8x128xf32> to vector<8x128xf32>
    %swap3A_2683 = vector.shape_cast %slice3A_2677 : vector<8x128xf32> to vector<1x8x128xf32>
    tpu.vector_store %arg4[%swap3A_2678, %swap3A_2679, %swap3A_2680], %swap3A_2683 {strides = array<i32>} : memref<473x8x128xf32, #tpu.memory_space<vmem>>, vector<1x8x128xf32>,
    %slice3A_2684 = vector.extract_strided_slice %concatenate3A_49 {offsets = [0, 7936], sizes = [8, 128], strides = [1, 1]} : vector<8x20096xf32> to vector<8x128xf32>
    %swap3A_2685 = arith.constant 376 : index
    %swap3A_2686 = arith.constant 0 : index
    %swap3A_2687 = arith.constant 0 : index
    %swap3A_2688 = vector.load %arg4[%swap3A_2685, %swap3A_2686, %swap3A_2687] : memref<473x8x128xf32, #tpu.memory_space<vmem>>, vector<1x8x128xf32>
    %swap3A_2689 = vector.shape_cast %swap3A_2688 : vector<1x8x128xf32> to vector<8x128xf32>
    %swap3A_2690 = vector.shape_cast %slice3A_2684 : vector<8x128xf32> to vector<1x8x128xf32>
    tpu.vector_store %arg4[%swap3A_2685, %swap3A_2686, %swap3A_2687], %swap3A_2690 {strides = array<i32>} : memref<473x8x128xf32, #tpu.memory_space<vmem>>, vector<1x8x128xf32>,
    %slice3A_2691 = vector.extract_strided_slice %concatenate3A_49 {offsets = [0, 8064], sizes = [8, 128], strides = [1, 1]} : vector<8x20096xf32> to vector<8x128xf32>
    %swap3A_2692 = arith.constant 377 : index
    %swap3A_2693 = arith.constant 0 : index
    %swap3A_2694 = arith.constant 0 : index
    %swap3A_2695 = vector.load %arg4[%swap3A_2692, %swap3A_2693, %swap3A_2694] : memref<473x8x128xf32, #tpu.memory_space<vmem>>, vector<1x8x128xf32>
    %swap3A_2696 = vector.shape_cast %swap3A_2695 : vector<1x8x128xf32> to vector<8x128xf32>
    %swap3A_2697 = vector.shape_cast %slice3A_2691 : vector<8x128xf32> to vector<1x8x128xf32>
    tpu.vector_store %arg4[%swap3A_2692, %swap3A_2693, %swap3A_2694], %swap3A_2697 {strides = array<i32>} : memref<473x8x128xf32, #tpu.memory_space<vmem>>, vector<1x8x128xf32>,
    %slice3A_2698 = vector.extract_strided_slice %concatenate3A_49 {offsets = [0, 8192], sizes = [8, 128], strides = [1, 1]} : vector<8x20096xf32> to vector<8x128xf32>
    %swap3A_2699 = arith.constant 378 : index
    %swap3A_2700 = arith.constant 0 : index
    %swap3A_2701 = arith.constant 0 : index
    %swap3A_2702 = vector.load %arg4[%swap3A_2699, %swap3A_2700, %swap3A_2701] : memref<473x8x128xf32, #tpu.memory_space<vmem>>, vector<1x8x128xf32>
    %swap3A_2703 = vector.shape_cast %swap3A_2702 : vector<1x8x128xf32> to vector<8x128xf32>
    %swap3A_2704 = vector.shape_cast %slice3A_2698 : vector<8x128xf32> to vector<1x8x128xf32>
    tpu.vector_store %arg4[%swap3A_2699, %swap3A_2700, %swap3A_2701], %swap3A_2704 {strides = array<i32>} : memref<473x8x128xf32, #tpu.memory_space<vmem>>, vector<1x8x128xf32>,
    %slice3A_2705 = vector.extract_strided_slice %concatenate3A_49 {offsets = [0, 8320], sizes = [8, 128], strides = [1, 1]} : vector<8x20096xf32> to vector<8x128xf32>
    %swap3A_2706 = arith.constant 379 : index
    %swap3A_2707 = arith.constant 0 : index
    %swap3A_2708 = arith.constant 0 : index
    %swap3A_2709 = vector.load %arg4[%swap3A_2706, %swap3A_2707, %swap3A_2708] : memref<473x8x128xf32, #tpu.memory_space<vmem>>, vector<1x8x128xf32>
    %swap3A_2710 = vector.shape_cast %swap3A_2709 : vector<1x8x128xf32> to vector<8x128xf32>
    %swap3A_2711 = vector.shape_cast %slice3A_2705 : vector<8x128xf32> to vector<1x8x128xf32>
    tpu.vector_store %arg4[%swap3A_2706, %swap3A_2707, %swap3A_2708], %swap3A_2711 {strides = array<i32>} : memref<473x8x128xf32, #tpu.memory_space<vmem>>, vector<1x8x128xf32>,
    %slice3A_2712 = vector.extract_strided_slice %concatenate3A_49 {offsets = [0, 8448], sizes = [8, 128], strides = [1, 1]} : vector<8x20096xf32> to vector<8x128xf32>
    %swap3A_2713 = arith.constant 380 : index
    %swap3A_2714 = arith.constant 0 : index
    %swap3A_2715 = arith.constant 0 : index
    %swap3A_2716 = vector.load %arg4[%swap3A_2713, %swap3A_2714, %swap3A_2715] : memref<473x8x128xf32, #tpu.memory_space<vmem>>, vector<1x8x128xf32>
    %swap3A_2717 = vector.shape_cast %swap3A_2716 : vector<1x8x128xf32> to vector<8x128xf32>
    %swap3A_2718 = vector.shape_cast %slice3A_2712 : vector<8x128xf32> to vector<1x8x128xf32>
    tpu.vector_store %arg4[%swap3A_2713, %swap3A_2714, %swap3A_2715], %swap3A_2718 {strides = array<i32>} : memref<473x8x128xf32, #tpu.memory_space<vmem>>, vector<1x8x128xf32>,
    %slice3A_2719 = vector.extract_strided_slice %concatenate3A_49 {offsets = [0, 8576], sizes = [8, 128], strides = [1, 1]} : vector<8x20096xf32> to vector<8x128xf32>
    %swap3A_2720 = arith.constant 381 : index
    %swap3A_2721 = arith.constant 0 : index
    %swap3A_2722 = arith.constant 0 : index
    %swap3A_2723 = vector.load %arg4[%swap3A_2720, %swap3A_2721, %swap3A_2722] : memref<473x8x128xf32, #tpu.memory_space<vmem>>, vector<1x8x128xf32>
    %swap3A_2724 = vector.shape_cast %swap3A_2723 : vector<1x8x128xf32> to vector<8x128xf32>
    %swap3A_2725 = vector.shape_cast %slice3A_2719 : vector<8x128xf32> to vector<1x8x128xf32>
    tpu.vector_store %arg4[%swap3A_2720, %swap3A_2721, %swap3A_2722], %swap3A_2725 {strides = array<i32>} : memref<473x8x128xf32, #tpu.memory_space<vmem>>, vector<1x8x128xf32>,
    %slice3A_2726 = vector.extract_strided_slice %concatenate3A_49 {offsets = [0, 8704], sizes = [8, 128], strides = [1, 1]} : vector<8x20096xf32> to vector<8x128xf32>
    %swap3A_2727 = arith.constant 382 : index
    %swap3A_2728 = arith.constant 0 : index
    %swap3A_2729 = arith.constant 0 : index
    %swap3A_2730 = vector.load %arg4[%swap3A_2727, %swap3A_2728, %swap3A_2729] : memref<473x8x128xf32, #tpu.memory_space<vmem>>, vector<1x8x128xf32>
    %swap3A_2731 = vector.shape_cast %swap3A_2730 : vector<1x8x128xf32> to vector<8x128xf32>
    %swap3A_2732 = vector.shape_cast %slice3A_2726 : vector<8x128xf32> to vector<1x8x128xf32>
    tpu.vector_store %arg4[%swap3A_2727, %swap3A_2728, %swap3A_2729], %swap3A_2732 {strides = array<i32>} : memref<473x8x128xf32, #tpu.memory_space<vmem>>, vector<1x8x128xf32>,
    %slice3A_2733 = vector.extract_strided_slice %concatenate3A_49 {offsets = [0, 8832], sizes = [8, 128], strides = [1, 1]} : vector<8x20096xf32> to vector<8x128xf32>
    %swap3A_2734 = arith.constant 383 : index
    %swap3A_2735 = arith.constant 0 : index
    %swap3A_2736 = arith.constant 0 : index
    %swap3A_2737 = vector.load %arg4[%swap3A_2734, %swap3A_2735, %swap3A_2736] : memref<473x8x128xf32, #tpu.memory_space<vmem>>, vector<1x8x128xf32>
    %swap3A_2738 = vector.shape_cast %swap3A_2737 : vector<1x8x128xf32> to vector<8x128xf32>
    %swap3A_2739 = vector.shape_cast %slice3A_2733 : vector<8x128xf32> to vector<1x8x128xf32>
    tpu.vector_store %arg4[%swap3A_2734, %swap3A_2735, %swap3A_2736], %swap3A_2739 {strides = array<i32>} : memref<473x8x128xf32, #tpu.memory_space<vmem>>, vector<1x8x128xf32>,
    %slice3A_2740 = vector.extract_strided_slice %concatenate3A_49 {offsets = [0, 8960], sizes = [8, 128], strides = [1, 1]} : vector<8x20096xf32> to vector<8x128xf32>
    %swap3A_2741 = arith.constant 384 : index
    %swap3A_2742 = arith.constant 0 : index
    %swap3A_2743 = arith.constant 0 : index
    %swap3A_2744 = vector.load %arg4[%swap3A_2741, %swap3A_2742, %swap3A_2743] : memref<473x8x128xf32, #tpu.memory_space<vmem>>, vector<1x8x128xf32>
    %swap3A_2745 = vector.shape_cast %swap3A_2744 : vector<1x8x128xf32> to vector<8x128xf32>
    %swap3A_2746 = vector.shape_cast %slice3A_2740 : vector<8x128xf32> to vector<1x8x128xf32>
    tpu.vector_store %arg4[%swap3A_2741, %swap3A_2742, %swap3A_2743], %swap3A_2746 {strides = array<i32>} : memref<473x8x128xf32, #tpu.memory_space<vmem>>, vector<1x8x128xf32>,
    %slice3A_2747 = vector.extract_strided_slice %concatenate3A_49 {offsets = [0, 9088], sizes = [8, 128], strides = [1, 1]} : vector<8x20096xf32> to vector<8x128xf32>
    %swap3A_2748 = arith.constant 385 : index
    %swap3A_2749 = arith.constant 0 : index
    %swap3A_2750 = arith.constant 0 : index
    %swap3A_2751 = vector.load %arg4[%swap3A_2748, %swap3A_2749, %swap3A_2750] : memref<473x8x128xf32, #tpu.memory_space<vmem>>, vector<1x8x128xf32>
    %swap3A_2752 = vector.shape_cast %swap3A_2751 : vector<1x8x128xf32> to vector<8x128xf32>
    %swap3A_2753 = vector.shape_cast %slice3A_2747 : vector<8x128xf32> to vector<1x8x128xf32>
    tpu.vector_store %arg4[%swap3A_2748, %swap3A_2749, %swap3A_2750], %swap3A_2753 {strides = array<i32>} : memref<473x8x128xf32, #tpu.memory_space<vmem>>, vector<1x8x128xf32>,
    %slice3A_2754 = vector.extract_strided_slice %concatenate3A_49 {offsets = [0, 9216], sizes = [8, 128], strides = [1, 1]} : vector<8x20096xf32> to vector<8x128xf32>
    %swap3A_2755 = arith.constant 386 : index
    %swap3A_2756 = arith.constant 0 : index
    %swap3A_2757 = arith.constant 0 : index
    %swap3A_2758 = vector.load %arg4[%swap3A_2755, %swap3A_2756, %swap3A_2757] : memref<473x8x128xf32, #tpu.memory_space<vmem>>, vector<1x8x128xf32>
    %swap3A_2759 = vector.shape_cast %swap3A_2758 : vector<1x8x128xf32> to vector<8x128xf32>
    %swap3A_2760 = vector.shape_cast %slice3A_2754 : vector<8x128xf32> to vector<1x8x128xf32>
    tpu.vector_store %arg4[%swap3A_2755, %swap3A_2756, %swap3A_2757], %swap3A_2760 {strides = array<i32>} : memref<473x8x128xf32, #tpu.memory_space<vmem>>, vector<1x8x128xf32>,
    %slice3A_2761 = vector.extract_strided_slice %concatenate3A_49 {offsets = [0, 9344], sizes = [8, 128], strides = [1, 1]} : vector<8x20096xf32> to vector<8x128xf32>
    %swap3A_2762 = arith.constant 387 : index
    %swap3A_2763 = arith.constant 0 : index
    %swap3A_2764 = arith.constant 0 : index
    %swap3A_2765 = vector.load %arg4[%swap3A_2762, %swap3A_2763, %swap3A_2764] : memref<473x8x128xf32, #tpu.memory_space<vmem>>, vector<1x8x128xf32>
    %swap3A_2766 = vector.shape_cast %swap3A_2765 : vector<1x8x128xf32> to vector<8x128xf32>
    %swap3A_2767 = vector.shape_cast %slice3A_2761 : vector<8x128xf32> to vector<1x8x128xf32>
    tpu.vector_store %arg4[%swap3A_2762, %swap3A_2763, %swap3A_2764], %swap3A_2767 {strides = array<i32>} : memref<473x8x128xf32, #tpu.memory_space<vmem>>, vector<1x8x128xf32>,
    %slice3A_2768 = vector.extract_strided_slice %concatenate3A_49 {offsets = [0, 9472], sizes = [8, 128], strides = [1, 1]} : vector<8x20096xf32> to vector<8x128xf32>
    %swap3A_2769 = arith.constant 388 : index
    %swap3A_2770 = arith.constant 0 : index
    %swap3A_2771 = arith.constant 0 : index
    %swap3A_2772 = vector.load %arg4[%swap3A_2769, %swap3A_2770, %swap3A_2771] : memref<473x8x128xf32, #tpu.memory_space<vmem>>, vector<1x8x128xf32>
    %swap3A_2773 = vector.shape_cast %swap3A_2772 : vector<1x8x128xf32> to vector<8x128xf32>
    %swap3A_2774 = vector.shape_cast %slice3A_2768 : vector<8x128xf32> to vector<1x8x128xf32>
    tpu.vector_store %arg4[%swap3A_2769, %swap3A_2770, %swap3A_2771], %swap3A_2774 {strides = array<i32>} : memref<473x8x128xf32, #tpu.memory_space<vmem>>, vector<1x8x128xf32>,
    %slice3A_2775 = vector.extract_strided_slice %concatenate3A_49 {offsets = [0, 9600], sizes = [8, 128], strides = [1, 1]} : vector<8x20096xf32> to vector<8x128xf32>
    %swap3A_2776 = arith.constant 389 : index
    %swap3A_2777 = arith.constant 0 : index
    %swap3A_2778 = arith.constant 0 : index
    %swap3A_2779 = vector.load %arg4[%swap3A_2776, %swap3A_2777, %swap3A_2778] : memref<473x8x128xf32, #tpu.memory_space<vmem>>, vector<1x8x128xf32>
    %swap3A_2780 = vector.shape_cast %swap3A_2779 : vector<1x8x128xf32> to vector<8x128xf32>
    %swap3A_2781 = vector.shape_cast %slice3A_2775 : vector<8x128xf32> to vector<1x8x128xf32>
    tpu.vector_store %arg4[%swap3A_2776, %swap3A_2777, %swap3A_2778], %swap3A_2781 {strides = array<i32>} : memref<473x8x128xf32, #tpu.memory_space<vmem>>, vector<1x8x128xf32>,
    %slice3A_2782 = vector.extract_strided_slice %concatenate3A_49 {offsets = [0, 9728], sizes = [8, 128], strides = [1, 1]} : vector<8x20096xf32> to vector<8x128xf32>
    %swap3A_2783 = arith.constant 390 : index
    %swap3A_2784 = arith.constant 0 : index
    %swap3A_2785 = arith.constant 0 : index
    %swap3A_2786 = vector.load %arg4[%swap3A_2783, %swap3A_2784, %swap3A_2785] : memref<473x8x128xf32, #tpu.memory_space<vmem>>, vector<1x8x128xf32>
    %swap3A_2787 = vector.shape_cast %swap3A_2786 : vector<1x8x128xf32> to vector<8x128xf32>
    %swap3A_2788 = vector.shape_cast %slice3A_2782 : vector<8x128xf32> to vector<1x8x128xf32>
    tpu.vector_store %arg4[%swap3A_2783, %swap3A_2784, %swap3A_2785], %swap3A_2788 {strides = array<i32>} : memref<473x8x128xf32, #tpu.memory_space<vmem>>, vector<1x8x128xf32>,
    %slice3A_2789 = vector.extract_strided_slice %concatenate3A_49 {offsets = [0, 9856], sizes = [8, 128], strides = [1, 1]} : vector<8x20096xf32> to vector<8x128xf32>
    %swap3A_2790 = arith.constant 391 : index
    %swap3A_2791 = arith.constant 0 : index
    %swap3A_2792 = arith.constant 0 : index
    %swap3A_2793 = vector.load %arg4[%swap3A_2790, %swap3A_2791, %swap3A_2792] : memref<473x8x128xf32, #tpu.memory_space<vmem>>, vector<1x8x128xf32>
    %swap3A_2794 = vector.shape_cast %swap3A_2793 : vector<1x8x128xf32> to vector<8x128xf32>
    %swap3A_2795 = vector.shape_cast %slice3A_2789 : vector<8x128xf32> to vector<1x8x128xf32>
    tpu.vector_store %arg4[%swap3A_2790, %swap3A_2791, %swap3A_2792], %swap3A_2795 {strides = array<i32>} : memref<473x8x128xf32, #tpu.memory_space<vmem>>, vector<1x8x128xf32>,
    %slice3A_2796 = vector.extract_strided_slice %concatenate3A_49 {offsets = [0, 9984], sizes = [8, 128], strides = [1, 1]} : vector<8x20096xf32> to vector<8x128xf32>
    %swap3A_2797 = arith.constant 392 : index
    %swap3A_2798 = arith.constant 0 : index
    %swap3A_2799 = arith.constant 0 : index
    %swap3A_2800 = vector.load %arg4[%swap3A_2797, %swap3A_2798, %swap3A_2799] : memref<473x8x128xf32, #tpu.memory_space<vmem>>, vector<1x8x128xf32>
    %swap3A_2801 = vector.shape_cast %swap3A_2800 : vector<1x8x128xf32> to vector<8x128xf32>
    %swap3A_2802 = vector.shape_cast %slice3A_2796 : vector<8x128xf32> to vector<1x8x128xf32>
    tpu.vector_store %arg4[%swap3A_2797, %swap3A_2798, %swap3A_2799], %swap3A_2802 {strides = array<i32>} : memref<473x8x128xf32, #tpu.memory_space<vmem>>, vector<1x8x128xf32>,
    %slice3A_2803 = vector.extract_strided_slice %concatenate3A_49 {offsets = [0, 10112], sizes = [8, 128], strides = [1, 1]} : vector<8x20096xf32> to vector<8x128xf32>
    %swap3A_2804 = arith.constant 393 : index
    %swap3A_2805 = arith.constant 0 : index
    %swap3A_2806 = arith.constant 0 : index
    %swap3A_2807 = vector.load %arg4[%swap3A_2804, %swap3A_2805, %swap3A_2806] : memref<473x8x128xf32, #tpu.memory_space<vmem>>, vector<1x8x128xf32>
    %swap3A_2808 = vector.shape_cast %swap3A_2807 : vector<1x8x128xf32> to vector<8x128xf32>
    %swap3A_2809 = vector.shape_cast %slice3A_2803 : vector<8x128xf32> to vector<1x8x128xf32>
    tpu.vector_store %arg4[%swap3A_2804, %swap3A_2805, %swap3A_2806], %swap3A_2809 {strides = array<i32>} : memref<473x8x128xf32, #tpu.memory_space<vmem>>, vector<1x8x128xf32>,
    %slice3A_2810 = vector.extract_strided_slice %concatenate3A_49 {offsets = [0, 10240], sizes = [8, 128], strides = [1, 1]} : vector<8x20096xf32> to vector<8x128xf32>
    %swap3A_2811 = arith.constant 394 : index
    %swap3A_2812 = arith.constant 0 : index
    %swap3A_2813 = arith.constant 0 : index
    %swap3A_2814 = vector.load %arg4[%swap3A_2811, %swap3A_2812, %swap3A_2813] : memref<473x8x128xf32, #tpu.memory_space<vmem>>, vector<1x8x128xf32>
    %swap3A_2815 = vector.shape_cast %swap3A_2814 : vector<1x8x128xf32> to vector<8x128xf32>
    %swap3A_2816 = vector.shape_cast %slice3A_2810 : vector<8x128xf32> to vector<1x8x128xf32>
    tpu.vector_store %arg4[%swap3A_2811, %swap3A_2812, %swap3A_2813], %swap3A_2816 {strides = array<i32>} : memref<473x8x128xf32, #tpu.memory_space<vmem>>, vector<1x8x128xf32>,
    %slice3A_2817 = vector.extract_strided_slice %concatenate3A_49 {offsets = [0, 10368], sizes = [8, 128], strides = [1, 1]} : vector<8x20096xf32> to vector<8x128xf32>
    %swap3A_2818 = arith.constant 395 : index
    %swap3A_2819 = arith.constant 0 : index
    %swap3A_2820 = arith.constant 0 : index
    %swap3A_2821 = vector.load %arg4[%swap3A_2818, %swap3A_2819, %swap3A_2820] : memref<473x8x128xf32, #tpu.memory_space<vmem>>, vector<1x8x128xf32>
    %swap3A_2822 = vector.shape_cast %swap3A_2821 : vector<1x8x128xf32> to vector<8x128xf32>
    %swap3A_2823 = vector.shape_cast %slice3A_2817 : vector<8x128xf32> to vector<1x8x128xf32>
    tpu.vector_store %arg4[%swap3A_2818, %swap3A_2819, %swap3A_2820], %swap3A_2823 {strides = array<i32>} : memref<473x8x128xf32, #tpu.memory_space<vmem>>, vector<1x8x128xf32>,
    %slice3A_2824 = vector.extract_strided_slice %concatenate3A_49 {offsets = [0, 10496], sizes = [8, 128], strides = [1, 1]} : vector<8x20096xf32> to vector<8x128xf32>
    %swap3A_2825 = arith.constant 396 : index
    %swap3A_2826 = arith.constant 0 : index
    %swap3A_2827 = arith.constant 0 : index
    %swap3A_2828 = vector.load %arg4[%swap3A_2825, %swap3A_2826, %swap3A_2827] : memref<473x8x128xf32, #tpu.memory_space<vmem>>, vector<1x8x128xf32>
    %swap3A_2829 = vector.shape_cast %swap3A_2828 : vector<1x8x128xf32> to vector<8x128xf32>
    %swap3A_2830 = vector.shape_cast %slice3A_2824 : vector<8x128xf32> to vector<1x8x128xf32>
    tpu.vector_store %arg4[%swap3A_2825, %swap3A_2826, %swap3A_2827], %swap3A_2830 {strides = array<i32>} : memref<473x8x128xf32, #tpu.memory_space<vmem>>, vector<1x8x128xf32>,
    %slice3A_2831 = vector.extract_strided_slice %concatenate3A_49 {offsets = [0, 10624], sizes = [8, 128], strides = [1, 1]} : vector<8x20096xf32> to vector<8x128xf32>
    %swap3A_2832 = arith.constant 397 : index
    %swap3A_2833 = arith.constant 0 : index
    %swap3A_2834 = arith.constant 0 : index
    %swap3A_2835 = vector.load %arg4[%swap3A_2832, %swap3A_2833, %swap3A_2834] : memref<473x8x128xf32, #tpu.memory_space<vmem>>, vector<1x8x128xf32>
    %swap3A_2836 = vector.shape_cast %swap3A_2835 : vector<1x8x128xf32> to vector<8x128xf32>
    %swap3A_2837 = vector.shape_cast %slice3A_2831 : vector<8x128xf32> to vector<1x8x128xf32>
    tpu.vector_store %arg4[%swap3A_2832, %swap3A_2833, %swap3A_2834], %swap3A_2837 {strides = array<i32>} : memref<473x8x128xf32, #tpu.memory_space<vmem>>, vector<1x8x128xf32>,
    %slice3A_2838 = vector.extract_strided_slice %concatenate3A_49 {offsets = [0, 10752], sizes = [8, 128], strides = [1, 1]} : vector<8x20096xf32> to vector<8x128xf32>
    %swap3A_2839 = arith.constant 398 : index
    %swap3A_2840 = arith.constant 0 : index
    %swap3A_2841 = arith.constant 0 : index
    %swap3A_2842 = vector.load %arg4[%swap3A_2839, %swap3A_2840, %swap3A_2841] : memref<473x8x128xf32, #tpu.memory_space<vmem>>, vector<1x8x128xf32>
    %swap3A_2843 = vector.shape_cast %swap3A_2842 : vector<1x8x128xf32> to vector<8x128xf32>
    %swap3A_2844 = vector.shape_cast %slice3A_2838 : vector<8x128xf32> to vector<1x8x128xf32>
    tpu.vector_store %arg4[%swap3A_2839, %swap3A_2840, %swap3A_2841], %swap3A_2844 {strides = array<i32>} : memref<473x8x128xf32, #tpu.memory_space<vmem>>, vector<1x8x128xf32>,
    %slice3A_2845 = vector.extract_strided_slice %concatenate3A_49 {offsets = [0, 10880], sizes = [8, 128], strides = [1, 1]} : vector<8x20096xf32> to vector<8x128xf32>
    %swap3A_2846 = arith.constant 399 : index
    %swap3A_2847 = arith.constant 0 : index
    %swap3A_2848 = arith.constant 0 : index
    %swap3A_2849 = vector.load %arg4[%swap3A_2846, %swap3A_2847, %swap3A_2848] : memref<473x8x128xf32, #tpu.memory_space<vmem>>, vector<1x8x128xf32>
    %swap3A_2850 = vector.shape_cast %swap3A_2849 : vector<1x8x128xf32> to vector<8x128xf32>
    %swap3A_2851 = vector.shape_cast %slice3A_2845 : vector<8x128xf32> to vector<1x8x128xf32>
    tpu.vector_store %arg4[%swap3A_2846, %swap3A_2847, %swap3A_2848], %swap3A_2851 {strides = array<i32>} : memref<473x8x128xf32, #tpu.memory_space<vmem>>, vector<1x8x128xf32>,
    %slice3A_2852 = vector.extract_strided_slice %concatenate3A_49 {offsets = [0, 11008], sizes = [8, 128], strides = [1, 1]} : vector<8x20096xf32> to vector<8x128xf32>
    %swap3A_2853 = arith.constant 400 : index
    %swap3A_2854 = arith.constant 0 : index
    %swap3A_2855 = arith.constant 0 : index
    %swap3A_2856 = vector.load %arg4[%swap3A_2853, %swap3A_2854, %swap3A_2855] : memref<473x8x128xf32, #tpu.memory_space<vmem>>, vector<1x8x128xf32>
    %swap3A_2857 = vector.shape_cast %swap3A_2856 : vector<1x8x128xf32> to vector<8x128xf32>
    %swap3A_2858 = vector.shape_cast %slice3A_2852 : vector<8x128xf32> to vector<1x8x128xf32>
    tpu.vector_store %arg4[%swap3A_2853, %swap3A_2854, %swap3A_2855], %swap3A_2858 {strides = array<i32>} : memref<473x8x128xf32, #tpu.memory_space<vmem>>, vector<1x8x128xf32>,
    %slice3A_2859 = vector.extract_strided_slice %concatenate3A_49 {offsets = [0, 11136], sizes = [8, 128], strides = [1, 1]} : vector<8x20096xf32> to vector<8x128xf32>
    %swap3A_2860 = arith.constant 401 : index
    %swap3A_2861 = arith.constant 0 : index
    %swap3A_2862 = arith.constant 0 : index
    %swap3A_2863 = vector.load %arg4[%swap3A_2860, %swap3A_2861, %swap3A_2862] : memref<473x8x128xf32, #tpu.memory_space<vmem>>, vector<1x8x128xf32>
    %swap3A_2864 = vector.shape_cast %swap3A_2863 : vector<1x8x128xf32> to vector<8x128xf32>
    %swap3A_2865 = vector.shape_cast %slice3A_2859 : vector<8x128xf32> to vector<1x8x128xf32>
    tpu.vector_store %arg4[%swap3A_2860, %swap3A_2861, %swap3A_2862], %swap3A_2865 {strides = array<i32>} : memref<473x8x128xf32, #tpu.memory_space<vmem>>, vector<1x8x128xf32>,
    %slice3A_2866 = vector.extract_strided_slice %concatenate3A_49 {offsets = [0, 11264], sizes = [8, 128], strides = [1, 1]} : vector<8x20096xf32> to vector<8x128xf32>
    %swap3A_2867 = arith.constant 402 : index
    %swap3A_2868 = arith.constant 0 : index
    %swap3A_2869 = arith.constant 0 : index
    %swap3A_2870 = vector.load %arg4[%swap3A_2867, %swap3A_2868, %swap3A_2869] : memref<473x8x128xf32, #tpu.memory_space<vmem>>, vector<1x8x128xf32>
    %swap3A_2871 = vector.shape_cast %swap3A_2870 : vector<1x8x128xf32> to vector<8x128xf32>
    %swap3A_2872 = vector.shape_cast %slice3A_2866 : vector<8x128xf32> to vector<1x8x128xf32>
    tpu.vector_store %arg4[%swap3A_2867, %swap3A_2868, %swap3A_2869], %swap3A_2872 {strides = array<i32>} : memref<473x8x128xf32, #tpu.memory_space<vmem>>, vector<1x8x128xf32>,
    %slice3A_2873 = vector.extract_strided_slice %concatenate3A_49 {offsets = [0, 11392], sizes = [8, 128], strides = [1, 1]} : vector<8x20096xf32> to vector<8x128xf32>
    %swap3A_2874 = arith.constant 403 : index
    %swap3A_2875 = arith.constant 0 : index
    %swap3A_2876 = arith.constant 0 : index
    %swap3A_2877 = vector.load %arg4[%swap3A_2874, %swap3A_2875, %swap3A_2876] : memref<473x8x128xf32, #tpu.memory_space<vmem>>, vector<1x8x128xf32>
    %swap3A_2878 = vector.shape_cast %swap3A_2877 : vector<1x8x128xf32> to vector<8x128xf32>
    %swap3A_2879 = vector.shape_cast %slice3A_2873 : vector<8x128xf32> to vector<1x8x128xf32>
    tpu.vector_store %arg4[%swap3A_2874, %swap3A_2875, %swap3A_2876], %swap3A_2879 {strides = array<i32>} : memref<473x8x128xf32, #tpu.memory_space<vmem>>, vector<1x8x128xf32>,
    %slice3A_2880 = vector.extract_strided_slice %concatenate3A_49 {offsets = [0, 11520], sizes = [8, 128], strides = [1, 1]} : vector<8x20096xf32> to vector<8x128xf32>
    %swap3A_2881 = arith.constant 404 : index
    %swap3A_2882 = arith.constant 0 : index
    %swap3A_2883 = arith.constant 0 : index
    %swap3A_2884 = vector.load %arg4[%swap3A_2881, %swap3A_2882, %swap3A_2883] : memref<473x8x128xf32, #tpu.memory_space<vmem>>, vector<1x8x128xf32>
    %swap3A_2885 = vector.shape_cast %swap3A_2884 : vector<1x8x128xf32> to vector<8x128xf32>
    %swap3A_2886 = vector.shape_cast %slice3A_2880 : vector<8x128xf32> to vector<1x8x128xf32>
    tpu.vector_store %arg4[%swap3A_2881, %swap3A_2882, %swap3A_2883], %swap3A_2886 {strides = array<i32>} : memref<473x8x128xf32, #tpu.memory_space<vmem>>, vector<1x8x128xf32>,
    %slice3A_2887 = vector.extract_strided_slice %concatenate3A_49 {offsets = [0, 11648], sizes = [8, 128], strides = [1, 1]} : vector<8x20096xf32> to vector<8x128xf32>
    %swap3A_2888 = arith.constant 405 : index
    %swap3A_2889 = arith.constant 0 : index
    %swap3A_2890 = arith.constant 0 : index
    %swap3A_2891 = vector.load %arg4[%swap3A_2888, %swap3A_2889, %swap3A_2890] : memref<473x8x128xf32, #tpu.memory_space<vmem>>, vector<1x8x128xf32>
    %swap3A_2892 = vector.shape_cast %swap3A_2891 : vector<1x8x128xf32> to vector<8x128xf32>
    %swap3A_2893 = vector.shape_cast %slice3A_2887 : vector<8x128xf32> to vector<1x8x128xf32>
    tpu.vector_store %arg4[%swap3A_2888, %swap3A_2889, %swap3A_2890], %swap3A_2893 {strides = array<i32>} : memref<473x8x128xf32, #tpu.memory_space<vmem>>, vector<1x8x128xf32>,
    %slice3A_2894 = vector.extract_strided_slice %concatenate3A_49 {offsets = [0, 11776], sizes = [8, 128], strides = [1, 1]} : vector<8x20096xf32> to vector<8x128xf32>
    %swap3A_2895 = arith.constant 406 : index
    %swap3A_2896 = arith.constant 0 : index
    %swap3A_2897 = arith.constant 0 : index
    %swap3A_2898 = vector.load %arg4[%swap3A_2895, %swap3A_2896, %swap3A_2897] : memref<473x8x128xf32, #tpu.memory_space<vmem>>, vector<1x8x128xf32>
    %swap3A_2899 = vector.shape_cast %swap3A_2898 : vector<1x8x128xf32> to vector<8x128xf32>
    %swap3A_2900 = vector.shape_cast %slice3A_2894 : vector<8x128xf32> to vector<1x8x128xf32>
    tpu.vector_store %arg4[%swap3A_2895, %swap3A_2896, %swap3A_2897], %swap3A_2900 {strides = array<i32>} : memref<473x8x128xf32, #tpu.memory_space<vmem>>, vector<1x8x128xf32>,
    %slice3A_2901 = vector.extract_strided_slice %concatenate3A_49 {offsets = [0, 11904], sizes = [8, 128], strides = [1, 1]} : vector<8x20096xf32> to vector<8x128xf32>
    %swap3A_2902 = arith.constant 407 : index
    %swap3A_2903 = arith.constant 0 : index
    %swap3A_2904 = arith.constant 0 : index
    %swap3A_2905 = vector.load %arg4[%swap3A_2902, %swap3A_2903, %swap3A_2904] : memref<473x8x128xf32, #tpu.memory_space<vmem>>, vector<1x8x128xf32>
    %swap3A_2906 = vector.shape_cast %swap3A_2905 : vector<1x8x128xf32> to vector<8x128xf32>
    %swap3A_2907 = vector.shape_cast %slice3A_2901 : vector<8x128xf32> to vector<1x8x128xf32>
    tpu.vector_store %arg4[%swap3A_2902, %swap3A_2903, %swap3A_2904], %swap3A_2907 {strides = array<i32>} : memref<473x8x128xf32, #tpu.memory_space<vmem>>, vector<1x8x128xf32>,
    %slice3A_2908 = vector.extract_strided_slice %concatenate3A_49 {offsets = [0, 12032], sizes = [8, 128], strides = [1, 1]} : vector<8x20096xf32> to vector<8x128xf32>
    %swap3A_2909 = arith.constant 408 : index
    %swap3A_2910 = arith.constant 0 : index
    %swap3A_2911 = arith.constant 0 : index
    %swap3A_2912 = vector.load %arg4[%swap3A_2909, %swap3A_2910, %swap3A_2911] : memref<473x8x128xf32, #tpu.memory_space<vmem>>, vector<1x8x128xf32>
    %swap3A_2913 = vector.shape_cast %swap3A_2912 : vector<1x8x128xf32> to vector<8x128xf32>
    %swap3A_2914 = vector.shape_cast %slice3A_2908 : vector<8x128xf32> to vector<1x8x128xf32>
    tpu.vector_store %arg4[%swap3A_2909, %swap3A_2910, %swap3A_2911], %swap3A_2914 {strides = array<i32>} : memref<473x8x128xf32, #tpu.memory_space<vmem>>, vector<1x8x128xf32>,
    %slice3A_2915 = vector.extract_strided_slice %concatenate3A_49 {offsets = [0, 12160], sizes = [8, 128], strides = [1, 1]} : vector<8x20096xf32> to vector<8x128xf32>
    %swap3A_2916 = arith.constant 409 : index
    %swap3A_2917 = arith.constant 0 : index
    %swap3A_2918 = arith.constant 0 : index
    %swap3A_2919 = vector.load %arg4[%swap3A_2916, %swap3A_2917, %swap3A_2918] : memref<473x8x128xf32, #tpu.memory_space<vmem>>, vector<1x8x128xf32>
    %swap3A_2920 = vector.shape_cast %swap3A_2919 : vector<1x8x128xf32> to vector<8x128xf32>
    %swap3A_2921 = vector.shape_cast %slice3A_2915 : vector<8x128xf32> to vector<1x8x128xf32>
    tpu.vector_store %arg4[%swap3A_2916, %swap3A_2917, %swap3A_2918], %swap3A_2921 {strides = array<i32>} : memref<473x8x128xf32, #tpu.memory_space<vmem>>, vector<1x8x128xf32>,
    %slice3A_2922 = vector.extract_strided_slice %concatenate3A_49 {offsets = [0, 12288], sizes = [8, 128], strides = [1, 1]} : vector<8x20096xf32> to vector<8x128xf32>
    %swap3A_2923 = arith.constant 410 : index
    %swap3A_2924 = arith.constant 0 : index
    %swap3A_2925 = arith.constant 0 : index
    %swap3A_2926 = vector.load %arg4[%swap3A_2923, %swap3A_2924, %swap3A_2925] : memref<473x8x128xf32, #tpu.memory_space<vmem>>, vector<1x8x128xf32>
    %swap3A_2927 = vector.shape_cast %swap3A_2926 : vector<1x8x128xf32> to vector<8x128xf32>
    %swap3A_2928 = vector.shape_cast %slice3A_2922 : vector<8x128xf32> to vector<1x8x128xf32>
    tpu.vector_store %arg4[%swap3A_2923, %swap3A_2924, %swap3A_2925], %swap3A_2928 {strides = array<i32>} : memref<473x8x128xf32, #tpu.memory_space<vmem>>, vector<1x8x128xf32>,
    %slice3A_2929 = vector.extract_strided_slice %concatenate3A_49 {offsets = [0, 12416], sizes = [8, 128], strides = [1, 1]} : vector<8x20096xf32> to vector<8x128xf32>
    %swap3A_2930 = arith.constant 411 : index
    %swap3A_2931 = arith.constant 0 : index
    %swap3A_2932 = arith.constant 0 : index
    %swap3A_2933 = vector.load %arg4[%swap3A_2930, %swap3A_2931, %swap3A_2932] : memref<473x8x128xf32, #tpu.memory_space<vmem>>, vector<1x8x128xf32>
    %swap3A_2934 = vector.shape_cast %swap3A_2933 : vector<1x8x128xf32> to vector<8x128xf32>
    %swap3A_2935 = vector.shape_cast %slice3A_2929 : vector<8x128xf32> to vector<1x8x128xf32>
    tpu.vector_store %arg4[%swap3A_2930, %swap3A_2931, %swap3A_2932], %swap3A_2935 {strides = array<i32>} : memref<473x8x128xf32, #tpu.memory_space<vmem>>, vector<1x8x128xf32>,
    %slice3A_2936 = vector.extract_strided_slice %concatenate3A_49 {offsets = [0, 12544], sizes = [8, 128], strides = [1, 1]} : vector<8x20096xf32> to vector<8x128xf32>
    %swap3A_2937 = arith.constant 412 : index
    %swap3A_2938 = arith.constant 0 : index
    %swap3A_2939 = arith.constant 0 : index
    %swap3A_2940 = vector.load %arg4[%swap3A_2937, %swap3A_2938, %swap3A_2939] : memref<473x8x128xf32, #tpu.memory_space<vmem>>, vector<1x8x128xf32>
    %swap3A_2941 = vector.shape_cast %swap3A_2940 : vector<1x8x128xf32> to vector<8x128xf32>
    %swap3A_2942 = vector.shape_cast %slice3A_2936 : vector<8x128xf32> to vector<1x8x128xf32>
    tpu.vector_store %arg4[%swap3A_2937, %swap3A_2938, %swap3A_2939], %swap3A_2942 {strides = array<i32>} : memref<473x8x128xf32, #tpu.memory_space<vmem>>, vector<1x8x128xf32>,
    %slice3A_2943 = vector.extract_strided_slice %concatenate3A_49 {offsets = [0, 12672], sizes = [8, 128], strides = [1, 1]} : vector<8x20096xf32> to vector<8x128xf32>
    %swap3A_2944 = arith.constant 413 : index
    %swap3A_2945 = arith.constant 0 : index
    %swap3A_2946 = arith.constant 0 : index
    %swap3A_2947 = vector.load %arg4[%swap3A_2944, %swap3A_2945, %swap3A_2946] : memref<473x8x128xf32, #tpu.memory_space<vmem>>, vector<1x8x128xf32>
    %swap3A_2948 = vector.shape_cast %swap3A_2947 : vector<1x8x128xf32> to vector<8x128xf32>
    %swap3A_2949 = vector.shape_cast %slice3A_2943 : vector<8x128xf32> to vector<1x8x128xf32>
    tpu.vector_store %arg4[%swap3A_2944, %swap3A_2945, %swap3A_2946], %swap3A_2949 {strides = array<i32>} : memref<473x8x128xf32, #tpu.memory_space<vmem>>, vector<1x8x128xf32>,
    %slice3A_2950 = vector.extract_strided_slice %concatenate3A_49 {offsets = [0, 12800], sizes = [8, 128], strides = [1, 1]} : vector<8x20096xf32> to vector<8x128xf32>
    %swap3A_2951 = arith.constant 414 : index
    %swap3A_2952 = arith.constant 0 : index
    %swap3A_2953 = arith.constant 0 : index
    %swap3A_2954 = vector.load %arg4[%swap3A_2951, %swap3A_2952, %swap3A_2953] : memref<473x8x128xf32, #tpu.memory_space<vmem>>, vector<1x8x128xf32>
    %swap3A_2955 = vector.shape_cast %swap3A_2954 : vector<1x8x128xf32> to vector<8x128xf32>
    %swap3A_2956 = vector.shape_cast %slice3A_2950 : vector<8x128xf32> to vector<1x8x128xf32>
    tpu.vector_store %arg4[%swap3A_2951, %swap3A_2952, %swap3A_2953], %swap3A_2956 {strides = array<i32>} : memref<473x8x128xf32, #tpu.memory_space<vmem>>, vector<1x8x128xf32>,
    %slice3A_2957 = vector.extract_strided_slice %concatenate3A_49 {offsets = [0, 12928], sizes = [8, 128], strides = [1, 1]} : vector<8x20096xf32> to vector<8x128xf32>
    %swap3A_2958 = arith.constant 415 : index
    %swap3A_2959 = arith.constant 0 : index
    %swap3A_2960 = arith.constant 0 : index
    %swap3A_2961 = vector.load %arg4[%swap3A_2958, %swap3A_2959, %swap3A_2960] : memref<473x8x128xf32, #tpu.memory_space<vmem>>, vector<1x8x128xf32>
    %swap3A_2962 = vector.shape_cast %swap3A_2961 : vector<1x8x128xf32> to vector<8x128xf32>
    %swap3A_2963 = vector.shape_cast %slice3A_2957 : vector<8x128xf32> to vector<1x8x128xf32>
    tpu.vector_store %arg4[%swap3A_2958, %swap3A_2959, %swap3A_2960], %swap3A_2963 {strides = array<i32>} : memref<473x8x128xf32, #tpu.memory_space<vmem>>, vector<1x8x128xf32>,
    %slice3A_2964 = vector.extract_strided_slice %concatenate3A_49 {offsets = [0, 13056], sizes = [8, 128], strides = [1, 1]} : vector<8x20096xf32> to vector<8x128xf32>
    %swap3A_2965 = arith.constant 416 : index
    %swap3A_2966 = arith.constant 0 : index
    %swap3A_2967 = arith.constant 0 : index
    %swap3A_2968 = vector.load %arg4[%swap3A_2965, %swap3A_2966, %swap3A_2967] : memref<473x8x128xf32, #tpu.memory_space<vmem>>, vector<1x8x128xf32>
    %swap3A_2969 = vector.shape_cast %swap3A_2968 : vector<1x8x128xf32> to vector<8x128xf32>
    %swap3A_2970 = vector.shape_cast %slice3A_2964 : vector<8x128xf32> to vector<1x8x128xf32>
    tpu.vector_store %arg4[%swap3A_2965, %swap3A_2966, %swap3A_2967], %swap3A_2970 {strides = array<i32>} : memref<473x8x128xf32, #tpu.memory_space<vmem>>, vector<1x8x128xf32>,
    %slice3A_2971 = vector.extract_strided_slice %concatenate3A_49 {offsets = [0, 13184], sizes = [8, 128], strides = [1, 1]} : vector<8x20096xf32> to vector<8x128xf32>
    %swap3A_2972 = arith.constant 417 : index
    %swap3A_2973 = arith.constant 0 : index
    %swap3A_2974 = arith.constant 0 : index
    %swap3A_2975 = vector.load %arg4[%swap3A_2972, %swap3A_2973, %swap3A_2974] : memref<473x8x128xf32, #tpu.memory_space<vmem>>, vector<1x8x128xf32>
    %swap3A_2976 = vector.shape_cast %swap3A_2975 : vector<1x8x128xf32> to vector<8x128xf32>
    %swap3A_2977 = vector.shape_cast %slice3A_2971 : vector<8x128xf32> to vector<1x8x128xf32>
    tpu.vector_store %arg4[%swap3A_2972, %swap3A_2973, %swap3A_2974], %swap3A_2977 {strides = array<i32>} : memref<473x8x128xf32, #tpu.memory_space<vmem>>, vector<1x8x128xf32>,
    %slice3A_2978 = vector.extract_strided_slice %concatenate3A_49 {offsets = [0, 13312], sizes = [8, 128], strides = [1, 1]} : vector<8x20096xf32> to vector<8x128xf32>
    %swap3A_2979 = arith.constant 418 : index
    %swap3A_2980 = arith.constant 0 : index
    %swap3A_2981 = arith.constant 0 : index
    %swap3A_2982 = vector.load %arg4[%swap3A_2979, %swap3A_2980, %swap3A_2981] : memref<473x8x128xf32, #tpu.memory_space<vmem>>, vector<1x8x128xf32>
    %swap3A_2983 = vector.shape_cast %swap3A_2982 : vector<1x8x128xf32> to vector<8x128xf32>
    %swap3A_2984 = vector.shape_cast %slice3A_2978 : vector<8x128xf32> to vector<1x8x128xf32>
    tpu.vector_store %arg4[%swap3A_2979, %swap3A_2980, %swap3A_2981], %swap3A_2984 {strides = array<i32>} : memref<473x8x128xf32, #tpu.memory_space<vmem>>, vector<1x8x128xf32>,
    %slice3A_2985 = vector.extract_strided_slice %concatenate3A_49 {offsets = [0, 13440], sizes = [8, 128], strides = [1, 1]} : vector<8x20096xf32> to vector<8x128xf32>
    %swap3A_2986 = arith.constant 419 : index
    %swap3A_2987 = arith.constant 0 : index
    %swap3A_2988 = arith.constant 0 : index
    %swap3A_2989 = vector.load %arg4[%swap3A_2986, %swap3A_2987, %swap3A_2988] : memref<473x8x128xf32, #tpu.memory_space<vmem>>, vector<1x8x128xf32>
    %swap3A_2990 = vector.shape_cast %swap3A_2989 : vector<1x8x128xf32> to vector<8x128xf32>
    %swap3A_2991 = vector.shape_cast %slice3A_2985 : vector<8x128xf32> to vector<1x8x128xf32>
    tpu.vector_store %arg4[%swap3A_2986, %swap3A_2987, %swap3A_2988], %swap3A_2991 {strides = array<i32>} : memref<473x8x128xf32, #tpu.memory_space<vmem>>, vector<1x8x128xf32>,
    %slice3A_2992 = vector.extract_strided_slice %concatenate3A_49 {offsets = [0, 13568], sizes = [8, 128], strides = [1, 1]} : vector<8x20096xf32> to vector<8x128xf32>
    %swap3A_2993 = arith.constant 420 : index
    %swap3A_2994 = arith.constant 0 : index
    %swap3A_2995 = arith.constant 0 : index
    %swap3A_2996 = vector.load %arg4[%swap3A_2993, %swap3A_2994, %swap3A_2995] : memref<473x8x128xf32, #tpu.memory_space<vmem>>, vector<1x8x128xf32>
    %swap3A_2997 = vector.shape_cast %swap3A_2996 : vector<1x8x128xf32> to vector<8x128xf32>
    %swap3A_2998 = vector.shape_cast %slice3A_2992 : vector<8x128xf32> to vector<1x8x128xf32>
    tpu.vector_store %arg4[%swap3A_2993, %swap3A_2994, %swap3A_2995], %swap3A_2998 {strides = array<i32>} : memref<473x8x128xf32, #tpu.memory_space<vmem>>, vector<1x8x128xf32>,
    %slice3A_2999 = vector.extract_strided_slice %concatenate3A_49 {offsets = [0, 13696], sizes = [8, 128], strides = [1, 1]} : vector<8x20096xf32> to vector<8x128xf32>
    %swap3A_3000 = arith.constant 421 : index
    %swap3A_3001 = arith.constant 0 : index
    %swap3A_3002 = arith.constant 0 : index
    %swap3A_3003 = vector.load %arg4[%swap3A_3000, %swap3A_3001, %swap3A_3002] : memref<473x8x128xf32, #tpu.memory_space<vmem>>, vector<1x8x128xf32>
    %swap3A_3004 = vector.shape_cast %swap3A_3003 : vector<1x8x128xf32> to vector<8x128xf32>
    %swap3A_3005 = vector.shape_cast %slice3A_2999 : vector<8x128xf32> to vector<1x8x128xf32>
    tpu.vector_store %arg4[%swap3A_3000, %swap3A_3001, %swap3A_3002], %swap3A_3005 {strides = array<i32>} : memref<473x8x128xf32, #tpu.memory_space<vmem>>, vector<1x8x128xf32>,
    %slice3A_3006 = vector.extract_strided_slice %concatenate3A_49 {offsets = [0, 13824], sizes = [8, 128], strides = [1, 1]} : vector<8x20096xf32> to vector<8x128xf32>
    %swap3A_3007 = arith.constant 422 : index
    %swap3A_3008 = arith.constant 0 : index
    %swap3A_3009 = arith.constant 0 : index
    %swap3A_3010 = vector.load %arg4[%swap3A_3007, %swap3A_3008, %swap3A_3009] : memref<473x8x128xf32, #tpu.memory_space<vmem>>, vector<1x8x128xf32>
    %swap3A_3011 = vector.shape_cast %swap3A_3010 : vector<1x8x128xf32> to vector<8x128xf32>
    %swap3A_3012 = vector.shape_cast %slice3A_3006 : vector<8x128xf32> to vector<1x8x128xf32>
    tpu.vector_store %arg4[%swap3A_3007, %swap3A_3008, %swap3A_3009], %swap3A_3012 {strides = array<i32>} : memref<473x8x128xf32, #tpu.memory_space<vmem>>, vector<1x8x128xf32>,
    %slice3A_3013 = vector.extract_strided_slice %concatenate3A_49 {offsets = [0, 13952], sizes = [8, 128], strides = [1, 1]} : vector<8x20096xf32> to vector<8x128xf32>
    %swap3A_3014 = arith.constant 423 : index
    %swap3A_3015 = arith.constant 0 : index
    %swap3A_3016 = arith.constant 0 : index
    %swap3A_3017 = vector.load %arg4[%swap3A_3014, %swap3A_3015, %swap3A_3016] : memref<473x8x128xf32, #tpu.memory_space<vmem>>, vector<1x8x128xf32>
    %swap3A_3018 = vector.shape_cast %swap3A_3017 : vector<1x8x128xf32> to vector<8x128xf32>
    %swap3A_3019 = vector.shape_cast %slice3A_3013 : vector<8x128xf32> to vector<1x8x128xf32>
    tpu.vector_store %arg4[%swap3A_3014, %swap3A_3015, %swap3A_3016], %swap3A_3019 {strides = array<i32>} : memref<473x8x128xf32, #tpu.memory_space<vmem>>, vector<1x8x128xf32>,
    %slice3A_3020 = vector.extract_strided_slice %concatenate3A_49 {offsets = [0, 14080], sizes = [8, 128], strides = [1, 1]} : vector<8x20096xf32> to vector<8x128xf32>
    %swap3A_3021 = arith.constant 424 : index
    %swap3A_3022 = arith.constant 0 : index
    %swap3A_3023 = arith.constant 0 : index
    %swap3A_3024 = vector.load %arg4[%swap3A_3021, %swap3A_3022, %swap3A_3023] : memref<473x8x128xf32, #tpu.memory_space<vmem>>, vector<1x8x128xf32>
    %swap3A_3025 = vector.shape_cast %swap3A_3024 : vector<1x8x128xf32> to vector<8x128xf32>
    %swap3A_3026 = vector.shape_cast %slice3A_3020 : vector<8x128xf32> to vector<1x8x128xf32>
    tpu.vector_store %arg4[%swap3A_3021, %swap3A_3022, %swap3A_3023], %swap3A_3026 {strides = array<i32>} : memref<473x8x128xf32, #tpu.memory_space<vmem>>, vector<1x8x128xf32>,
    %slice3A_3027 = vector.extract_strided_slice %concatenate3A_49 {offsets = [0, 14208], sizes = [8, 128], strides = [1, 1]} : vector<8x20096xf32> to vector<8x128xf32>
    %swap3A_3028 = arith.constant 425 : index
    %swap3A_3029 = arith.constant 0 : index
    %swap3A_3030 = arith.constant 0 : index
    %swap3A_3031 = vector.load %arg4[%swap3A_3028, %swap3A_3029, %swap3A_3030] : memref<473x8x128xf32, #tpu.memory_space<vmem>>, vector<1x8x128xf32>
    %swap3A_3032 = vector.shape_cast %swap3A_3031 : vector<1x8x128xf32> to vector<8x128xf32>
    %swap3A_3033 = vector.shape_cast %slice3A_3027 : vector<8x128xf32> to vector<1x8x128xf32>
    tpu.vector_store %arg4[%swap3A_3028, %swap3A_3029, %swap3A_3030], %swap3A_3033 {strides = array<i32>} : memref<473x8x128xf32, #tpu.memory_space<vmem>>, vector<1x8x128xf32>,
    %slice3A_3034 = vector.extract_strided_slice %concatenate3A_49 {offsets = [0, 14336], sizes = [8, 128], strides = [1, 1]} : vector<8x20096xf32> to vector<8x128xf32>
    %swap3A_3035 = arith.constant 426 : index
    %swap3A_3036 = arith.constant 0 : index
    %swap3A_3037 = arith.constant 0 : index
    %swap3A_3038 = vector.load %arg4[%swap3A_3035, %swap3A_3036, %swap3A_3037] : memref<473x8x128xf32, #tpu.memory_space<vmem>>, vector<1x8x128xf32>
    %swap3A_3039 = vector.shape_cast %swap3A_3038 : vector<1x8x128xf32> to vector<8x128xf32>
    %swap3A_3040 = vector.shape_cast %slice3A_3034 : vector<8x128xf32> to vector<1x8x128xf32>
    tpu.vector_store %arg4[%swap3A_3035, %swap3A_3036, %swap3A_3037], %swap3A_3040 {strides = array<i32>} : memref<473x8x128xf32, #tpu.memory_space<vmem>>, vector<1x8x128xf32>,
    %slice3A_3041 = vector.extract_strided_slice %concatenate3A_49 {offsets = [0, 14464], sizes = [8, 128], strides = [1, 1]} : vector<8x20096xf32> to vector<8x128xf32>
    %swap3A_3042 = arith.constant 427 : index
    %swap3A_3043 = arith.constant 0 : index
    %swap3A_3044 = arith.constant 0 : index
    %swap3A_3045 = vector.load %arg4[%swap3A_3042, %swap3A_3043, %swap3A_3044] : memref<473x8x128xf32, #tpu.memory_space<vmem>>, vector<1x8x128xf32>
    %swap3A_3046 = vector.shape_cast %swap3A_3045 : vector<1x8x128xf32> to vector<8x128xf32>
    %swap3A_3047 = vector.shape_cast %slice3A_3041 : vector<8x128xf32> to vector<1x8x128xf32>
    tpu.vector_store %arg4[%swap3A_3042, %swap3A_3043, %swap3A_3044], %swap3A_3047 {strides = array<i32>} : memref<473x8x128xf32, #tpu.memory_space<vmem>>, vector<1x8x128xf32>,
    %slice3A_3048 = vector.extract_strided_slice %concatenate3A_49 {offsets = [0, 14592], sizes = [8, 128], strides = [1, 1]} : vector<8x20096xf32> to vector<8x128xf32>
    %swap3A_3049 = arith.constant 428 : index
    %swap3A_3050 = arith.constant 0 : index
    %swap3A_3051 = arith.constant 0 : index
    %swap3A_3052 = vector.load %arg4[%swap3A_3049, %swap3A_3050, %swap3A_3051] : memref<473x8x128xf32, #tpu.memory_space<vmem>>, vector<1x8x128xf32>
    %swap3A_3053 = vector.shape_cast %swap3A_3052 : vector<1x8x128xf32> to vector<8x128xf32>
    %swap3A_3054 = vector.shape_cast %slice3A_3048 : vector<8x128xf32> to vector<1x8x128xf32>
    tpu.vector_store %arg4[%swap3A_3049, %swap3A_3050, %swap3A_3051], %swap3A_3054 {strides = array<i32>} : memref<473x8x128xf32, #tpu.memory_space<vmem>>, vector<1x8x128xf32>,
    %slice3A_3055 = vector.extract_strided_slice %concatenate3A_49 {offsets = [0, 14720], sizes = [8, 128], strides = [1, 1]} : vector<8x20096xf32> to vector<8x128xf32>
    %swap3A_3056 = arith.constant 429 : index
    %swap3A_3057 = arith.constant 0 : index
    %swap3A_3058 = arith.constant 0 : index
    %swap3A_3059 = vector.load %arg4[%swap3A_3056, %swap3A_3057, %swap3A_3058] : memref<473x8x128xf32, #tpu.memory_space<vmem>>, vector<1x8x128xf32>
    %swap3A_3060 = vector.shape_cast %swap3A_3059 : vector<1x8x128xf32> to vector<8x128xf32>
    %swap3A_3061 = vector.shape_cast %slice3A_3055 : vector<8x128xf32> to vector<1x8x128xf32>
    tpu.vector_store %arg4[%swap3A_3056, %swap3A_3057, %swap3A_3058], %swap3A_3061 {strides = array<i32>} : memref<473x8x128xf32, #tpu.memory_space<vmem>>, vector<1x8x128xf32>,
    %slice3A_3062 = vector.extract_strided_slice %concatenate3A_49 {offsets = [0, 14848], sizes = [8, 128], strides = [1, 1]} : vector<8x20096xf32> to vector<8x128xf32>
    %swap3A_3063 = arith.constant 430 : index
    %swap3A_3064 = arith.constant 0 : index
    %swap3A_3065 = arith.constant 0 : index
    %swap3A_3066 = vector.load %arg4[%swap3A_3063, %swap3A_3064, %swap3A_3065] : memref<473x8x128xf32, #tpu.memory_space<vmem>>, vector<1x8x128xf32>
    %swap3A_3067 = vector.shape_cast %swap3A_3066 : vector<1x8x128xf32> to vector<8x128xf32>
    %swap3A_3068 = vector.shape_cast %slice3A_3062 : vector<8x128xf32> to vector<1x8x128xf32>
    tpu.vector_store %arg4[%swap3A_3063, %swap3A_3064, %swap3A_3065], %swap3A_3068 {strides = array<i32>} : memref<473x8x128xf32, #tpu.memory_space<vmem>>, vector<1x8x128xf32>,
    %slice3A_3069 = vector.extract_strided_slice %concatenate3A_49 {offsets = [0, 14976], sizes = [8, 128], strides = [1, 1]} : vector<8x20096xf32> to vector<8x128xf32>
    %swap3A_3070 = arith.constant 431 : index
    %swap3A_3071 = arith.constant 0 : index
    %swap3A_3072 = arith.constant 0 : index
    %swap3A_3073 = vector.load %arg4[%swap3A_3070, %swap3A_3071, %swap3A_3072] : memref<473x8x128xf32, #tpu.memory_space<vmem>>, vector<1x8x128xf32>
    %swap3A_3074 = vector.shape_cast %swap3A_3073 : vector<1x8x128xf32> to vector<8x128xf32>
    %swap3A_3075 = vector.shape_cast %slice3A_3069 : vector<8x128xf32> to vector<1x8x128xf32>
    tpu.vector_store %arg4[%swap3A_3070, %swap3A_3071, %swap3A_3072], %swap3A_3075 {strides = array<i32>} : memref<473x8x128xf32, #tpu.memory_space<vmem>>, vector<1x8x128xf32>,
    %slice3A_3076 = vector.extract_strided_slice %concatenate3A_49 {offsets = [0, 15104], sizes = [8, 128], strides = [1, 1]} : vector<8x20096xf32> to vector<8x128xf32>
    %swap3A_3077 = arith.constant 432 : index
    %swap3A_3078 = arith.constant 0 : index
    %swap3A_3079 = arith.constant 0 : index
    %swap3A_3080 = vector.load %arg4[%swap3A_3077, %swap3A_3078, %swap3A_3079] : memref<473x8x128xf32, #tpu.memory_space<vmem>>, vector<1x8x128xf32>
    %swap3A_3081 = vector.shape_cast %swap3A_3080 : vector<1x8x128xf32> to vector<8x128xf32>
    %swap3A_3082 = vector.shape_cast %slice3A_3076 : vector<8x128xf32> to vector<1x8x128xf32>
    tpu.vector_store %arg4[%swap3A_3077, %swap3A_3078, %swap3A_3079], %swap3A_3082 {strides = array<i32>} : memref<473x8x128xf32, #tpu.memory_space<vmem>>, vector<1x8x128xf32>,
    %slice3A_3083 = vector.extract_strided_slice %concatenate3A_49 {offsets = [0, 15232], sizes = [8, 128], strides = [1, 1]} : vector<8x20096xf32> to vector<8x128xf32>
    %swap3A_3084 = arith.constant 433 : index
    %swap3A_3085 = arith.constant 0 : index
    %swap3A_3086 = arith.constant 0 : index
    %swap3A_3087 = vector.load %arg4[%swap3A_3084, %swap3A_3085, %swap3A_3086] : memref<473x8x128xf32, #tpu.memory_space<vmem>>, vector<1x8x128xf32>
    %swap3A_3088 = vector.shape_cast %swap3A_3087 : vector<1x8x128xf32> to vector<8x128xf32>
    %swap3A_3089 = vector.shape_cast %slice3A_3083 : vector<8x128xf32> to vector<1x8x128xf32>
    tpu.vector_store %arg4[%swap3A_3084, %swap3A_3085, %swap3A_3086], %swap3A_3089 {strides = array<i32>} : memref<473x8x128xf32, #tpu.memory_space<vmem>>, vector<1x8x128xf32>,
    %slice3A_3090 = vector.extract_strided_slice %concatenate3A_49 {offsets = [0, 15360], sizes = [8, 128], strides = [1, 1]} : vector<8x20096xf32> to vector<8x128xf32>
    %swap3A_3091 = arith.constant 434 : index
    %swap3A_3092 = arith.constant 0 : index
    %swap3A_3093 = arith.constant 0 : index
    %swap3A_3094 = vector.load %arg4[%swap3A_3091, %swap3A_3092, %swap3A_3093] : memref<473x8x128xf32, #tpu.memory_space<vmem>>, vector<1x8x128xf32>
    %swap3A_3095 = vector.shape_cast %swap3A_3094 : vector<1x8x128xf32> to vector<8x128xf32>
    %swap3A_3096 = vector.shape_cast %slice3A_3090 : vector<8x128xf32> to vector<1x8x128xf32>
    tpu.vector_store %arg4[%swap3A_3091, %swap3A_3092, %swap3A_3093], %swap3A_3096 {strides = array<i32>} : memref<473x8x128xf32, #tpu.memory_space<vmem>>, vector<1x8x128xf32>,
    %slice3A_3097 = vector.extract_strided_slice %concatenate3A_49 {offsets = [0, 15488], sizes = [8, 128], strides = [1, 1]} : vector<8x20096xf32> to vector<8x128xf32>
    %swap3A_3098 = arith.constant 435 : index
    %swap3A_3099 = arith.constant 0 : index
    %swap3A_3100 = arith.constant 0 : index
    %swap3A_3101 = vector.load %arg4[%swap3A_3098, %swap3A_3099, %swap3A_3100] : memref<473x8x128xf32, #tpu.memory_space<vmem>>, vector<1x8x128xf32>
    %swap3A_3102 = vector.shape_cast %swap3A_3101 : vector<1x8x128xf32> to vector<8x128xf32>
    %swap3A_3103 = vector.shape_cast %slice3A_3097 : vector<8x128xf32> to vector<1x8x128xf32>
    tpu.vector_store %arg4[%swap3A_3098, %swap3A_3099, %swap3A_3100], %swap3A_3103 {strides = array<i32>} : memref<473x8x128xf32, #tpu.memory_space<vmem>>, vector<1x8x128xf32>,
    %slice3A_3104 = vector.extract_strided_slice %concatenate3A_49 {offsets = [0, 15616], sizes = [8, 128], strides = [1, 1]} : vector<8x20096xf32> to vector<8x128xf32>
    %swap3A_3105 = arith.constant 436 : index
    %swap3A_3106 = arith.constant 0 : index
    %swap3A_3107 = arith.constant 0 : index
    %swap3A_3108 = vector.load %arg4[%swap3A_3105, %swap3A_3106, %swap3A_3107] : memref<473x8x128xf32, #tpu.memory_space<vmem>>, vector<1x8x128xf32>
    %swap3A_3109 = vector.shape_cast %swap3A_3108 : vector<1x8x128xf32> to vector<8x128xf32>
    %swap3A_3110 = vector.shape_cast %slice3A_3104 : vector<8x128xf32> to vector<1x8x128xf32>
    tpu.vector_store %arg4[%swap3A_3105, %swap3A_3106, %swap3A_3107], %swap3A_3110 {strides = array<i32>} : memref<473x8x128xf32, #tpu.memory_space<vmem>>, vector<1x8x128xf32>,
    %slice3A_3111 = vector.extract_strided_slice %concatenate3A_49 {offsets = [0, 15744], sizes = [8, 128], strides = [1, 1]} : vector<8x20096xf32> to vector<8x128xf32>
    %swap3A_3112 = arith.constant 437 : index
    %swap3A_3113 = arith.constant 0 : index
    %swap3A_3114 = arith.constant 0 : index
    %swap3A_3115 = vector.load %arg4[%swap3A_3112, %swap3A_3113, %swap3A_3114] : memref<473x8x128xf32, #tpu.memory_space<vmem>>, vector<1x8x128xf32>
    %swap3A_3116 = vector.shape_cast %swap3A_3115 : vector<1x8x128xf32> to vector<8x128xf32>
    %swap3A_3117 = vector.shape_cast %slice3A_3111 : vector<8x128xf32> to vector<1x8x128xf32>
    tpu.vector_store %arg4[%swap3A_3112, %swap3A_3113, %swap3A_3114], %swap3A_3117 {strides = array<i32>} : memref<473x8x128xf32, #tpu.memory_space<vmem>>, vector<1x8x128xf32>,
    %slice3A_3118 = vector.extract_strided_slice %concatenate3A_49 {offsets = [0, 15872], sizes = [8, 128], strides = [1, 1]} : vector<8x20096xf32> to vector<8x128xf32>
    %swap3A_3119 = arith.constant 438 : index
    %swap3A_3120 = arith.constant 0 : index
    %swap3A_3121 = arith.constant 0 : index
    %swap3A_3122 = vector.load %arg4[%swap3A_3119, %swap3A_3120, %swap3A_3121] : memref<473x8x128xf32, #tpu.memory_space<vmem>>, vector<1x8x128xf32>
    %swap3A_3123 = vector.shape_cast %swap3A_3122 : vector<1x8x128xf32> to vector<8x128xf32>
    %swap3A_3124 = vector.shape_cast %slice3A_3118 : vector<8x128xf32> to vector<1x8x128xf32>
    tpu.vector_store %arg4[%swap3A_3119, %swap3A_3120, %swap3A_3121], %swap3A_3124 {strides = array<i32>} : memref<473x8x128xf32, #tpu.memory_space<vmem>>, vector<1x8x128xf32>,
    %slice3A_3125 = vector.extract_strided_slice %concatenate3A_49 {offsets = [0, 16000], sizes = [8, 128], strides = [1, 1]} : vector<8x20096xf32> to vector<8x128xf32>
    %swap3A_3126 = arith.constant 439 : index
    %swap3A_3127 = arith.constant 0 : index
    %swap3A_3128 = arith.constant 0 : index
    %swap3A_3129 = vector.load %arg4[%swap3A_3126, %swap3A_3127, %swap3A_3128] : memref<473x8x128xf32, #tpu.memory_space<vmem>>, vector<1x8x128xf32>
    %swap3A_3130 = vector.shape_cast %swap3A_3129 : vector<1x8x128xf32> to vector<8x128xf32>
    %swap3A_3131 = vector.shape_cast %slice3A_3125 : vector<8x128xf32> to vector<1x8x128xf32>
    tpu.vector_store %arg4[%swap3A_3126, %swap3A_3127, %swap3A_3128], %swap3A_3131 {strides = array<i32>} : memref<473x8x128xf32, #tpu.memory_space<vmem>>, vector<1x8x128xf32>,
    %slice3A_3132 = vector.extract_strided_slice %concatenate3A_49 {offsets = [0, 16128], sizes = [8, 128], strides = [1, 1]} : vector<8x20096xf32> to vector<8x128xf32>
    %swap3A_3133 = arith.constant 440 : index
    %swap3A_3134 = arith.constant 0 : index
    %swap3A_3135 = arith.constant 0 : index
    %swap3A_3136 = vector.load %arg4[%swap3A_3133, %swap3A_3134, %swap3A_3135] : memref<473x8x128xf32, #tpu.memory_space<vmem>>, vector<1x8x128xf32>
    %swap3A_3137 = vector.shape_cast %swap3A_3136 : vector<1x8x128xf32> to vector<8x128xf32>
    %swap3A_3138 = vector.shape_cast %slice3A_3132 : vector<8x128xf32> to vector<1x8x128xf32>
    tpu.vector_store %arg4[%swap3A_3133, %swap3A_3134, %swap3A_3135], %swap3A_3138 {strides = array<i32>} : memref<473x8x128xf32, #tpu.memory_space<vmem>>, vector<1x8x128xf32>,
    %slice3A_3139 = vector.extract_strided_slice %concatenate3A_49 {offsets = [0, 16256], sizes = [8, 128], strides = [1, 1]} : vector<8x20096xf32> to vector<8x128xf32>
    %swap3A_3140 = arith.constant 441 : index
    %swap3A_3141 = arith.constant 0 : index
    %swap3A_3142 = arith.constant 0 : index
    %swap3A_3143 = vector.load %arg4[%swap3A_3140, %swap3A_3141, %swap3A_3142] : memref<473x8x128xf32, #tpu.memory_space<vmem>>, vector<1x8x128xf32>
    %swap3A_3144 = vector.shape_cast %swap3A_3143 : vector<1x8x128xf32> to vector<8x128xf32>
    %swap3A_3145 = vector.shape_cast %slice3A_3139 : vector<8x128xf32> to vector<1x8x128xf32>
    tpu.vector_store %arg4[%swap3A_3140, %swap3A_3141, %swap3A_3142], %swap3A_3145 {strides = array<i32>} : memref<473x8x128xf32, #tpu.memory_space<vmem>>, vector<1x8x128xf32>,
    %slice3A_3146 = vector.extract_strided_slice %concatenate3A_49 {offsets = [0, 16384], sizes = [8, 128], strides = [1, 1]} : vector<8x20096xf32> to vector<8x128xf32>
    %swap3A_3147 = arith.constant 442 : index
    %swap3A_3148 = arith.constant 0 : index
    %swap3A_3149 = arith.constant 0 : index
    %swap3A_3150 = vector.load %arg4[%swap3A_3147, %swap3A_3148, %swap3A_3149] : memref<473x8x128xf32, #tpu.memory_space<vmem>>, vector<1x8x128xf32>
    %swap3A_3151 = vector.shape_cast %swap3A_3150 : vector<1x8x128xf32> to vector<8x128xf32>
    %swap3A_3152 = vector.shape_cast %slice3A_3146 : vector<8x128xf32> to vector<1x8x128xf32>
    tpu.vector_store %arg4[%swap3A_3147, %swap3A_3148, %swap3A_3149], %swap3A_3152 {strides = array<i32>} : memref<473x8x128xf32, #tpu.memory_space<vmem>>, vector<1x8x128xf32>,
    %slice3A_3153 = vector.extract_strided_slice %concatenate3A_49 {offsets = [0, 16512], sizes = [8, 128], strides = [1, 1]} : vector<8x20096xf32> to vector<8x128xf32>
    %swap3A_3154 = arith.constant 443 : index
    %swap3A_3155 = arith.constant 0 : index
    %swap3A_3156 = arith.constant 0 : index
    %swap3A_3157 = vector.load %arg4[%swap3A_3154, %swap3A_3155, %swap3A_3156] : memref<473x8x128xf32, #tpu.memory_space<vmem>>, vector<1x8x128xf32>
    %swap3A_3158 = vector.shape_cast %swap3A_3157 : vector<1x8x128xf32> to vector<8x128xf32>
    %swap3A_3159 = vector.shape_cast %slice3A_3153 : vector<8x128xf32> to vector<1x8x128xf32>
    tpu.vector_store %arg4[%swap3A_3154, %swap3A_3155, %swap3A_3156], %swap3A_3159 {strides = array<i32>} : memref<473x8x128xf32, #tpu.memory_space<vmem>>, vector<1x8x128xf32>,
    %slice3A_3160 = vector.extract_strided_slice %concatenate3A_49 {offsets = [0, 16640], sizes = [8, 128], strides = [1, 1]} : vector<8x20096xf32> to vector<8x128xf32>
    %swap3A_3161 = arith.constant 444 : index
    %swap3A_3162 = arith.constant 0 : index
    %swap3A_3163 = arith.constant 0 : index
    %swap3A_3164 = vector.load %arg4[%swap3A_3161, %swap3A_3162, %swap3A_3163] : memref<473x8x128xf32, #tpu.memory_space<vmem>>, vector<1x8x128xf32>
    %swap3A_3165 = vector.shape_cast %swap3A_3164 : vector<1x8x128xf32> to vector<8x128xf32>
    %swap3A_3166 = vector.shape_cast %slice3A_3160 : vector<8x128xf32> to vector<1x8x128xf32>
    tpu.vector_store %arg4[%swap3A_3161, %swap3A_3162, %swap3A_3163], %swap3A_3166 {strides = array<i32>} : memref<473x8x128xf32, #tpu.memory_space<vmem>>, vector<1x8x128xf32>,
    %slice3A_3167 = vector.extract_strided_slice %concatenate3A_49 {offsets = [0, 16768], sizes = [8, 128], strides = [1, 1]} : vector<8x20096xf32> to vector<8x128xf32>
    %swap3A_3168 = arith.constant 445 : index
    %swap3A_3169 = arith.constant 0 : index
    %swap3A_3170 = arith.constant 0 : index
    %swap3A_3171 = vector.load %arg4[%swap3A_3168, %swap3A_3169, %swap3A_3170] : memref<473x8x128xf32, #tpu.memory_space<vmem>>, vector<1x8x128xf32>
    %swap3A_3172 = vector.shape_cast %swap3A_3171 : vector<1x8x128xf32> to vector<8x128xf32>
    %swap3A_3173 = vector.shape_cast %slice3A_3167 : vector<8x128xf32> to vector<1x8x128xf32>
    tpu.vector_store %arg4[%swap3A_3168, %swap3A_3169, %swap3A_3170], %swap3A_3173 {strides = array<i32>} : memref<473x8x128xf32, #tpu.memory_space<vmem>>, vector<1x8x128xf32>,
    %slice3A_3174 = vector.extract_strided_slice %concatenate3A_49 {offsets = [0, 16896], sizes = [8, 128], strides = [1, 1]} : vector<8x20096xf32> to vector<8x128xf32>
    %swap3A_3175 = arith.constant 446 : index
    %swap3A_3176 = arith.constant 0 : index
    %swap3A_3177 = arith.constant 0 : index
    %swap3A_3178 = vector.load %arg4[%swap3A_3175, %swap3A_3176, %swap3A_3177] : memref<473x8x128xf32, #tpu.memory_space<vmem>>, vector<1x8x128xf32>
    %swap3A_3179 = vector.shape_cast %swap3A_3178 : vector<1x8x128xf32> to vector<8x128xf32>
    %swap3A_3180 = vector.shape_cast %slice3A_3174 : vector<8x128xf32> to vector<1x8x128xf32>
    tpu.vector_store %arg4[%swap3A_3175, %swap3A_3176, %swap3A_3177], %swap3A_3180 {strides = array<i32>} : memref<473x8x128xf32, #tpu.memory_space<vmem>>, vector<1x8x128xf32>,
    %slice3A_3181 = vector.extract_strided_slice %concatenate3A_49 {offsets = [0, 17024], sizes = [8, 128], strides = [1, 1]} : vector<8x20096xf32> to vector<8x128xf32>
    %swap3A_3182 = arith.constant 447 : index
    %swap3A_3183 = arith.constant 0 : index
    %swap3A_3184 = arith.constant 0 : index
    %swap3A_3185 = vector.load %arg4[%swap3A_3182, %swap3A_3183, %swap3A_3184] : memref<473x8x128xf32, #tpu.memory_space<vmem>>, vector<1x8x128xf32>
    %swap3A_3186 = vector.shape_cast %swap3A_3185 : vector<1x8x128xf32> to vector<8x128xf32>
    %swap3A_3187 = vector.shape_cast %slice3A_3181 : vector<8x128xf32> to vector<1x8x128xf32>
    tpu.vector_store %arg4[%swap3A_3182, %swap3A_3183, %swap3A_3184], %swap3A_3187 {strides = array<i32>} : memref<473x8x128xf32, #tpu.memory_space<vmem>>, vector<1x8x128xf32>,
    %slice3A_3188 = vector.extract_strided_slice %concatenate3A_49 {offsets = [0, 17152], sizes = [8, 128], strides = [1, 1]} : vector<8x20096xf32> to vector<8x128xf32>
    %swap3A_3189 = arith.constant 448 : index
    %swap3A_3190 = arith.constant 0 : index
    %swap3A_3191 = arith.constant 0 : index
    %swap3A_3192 = vector.load %arg4[%swap3A_3189, %swap3A_3190, %swap3A_3191] : memref<473x8x128xf32, #tpu.memory_space<vmem>>, vector<1x8x128xf32>
    %swap3A_3193 = vector.shape_cast %swap3A_3192 : vector<1x8x128xf32> to vector<8x128xf32>
    %swap3A_3194 = vector.shape_cast %slice3A_3188 : vector<8x128xf32> to vector<1x8x128xf32>
    tpu.vector_store %arg4[%swap3A_3189, %swap3A_3190, %swap3A_3191], %swap3A_3194 {strides = array<i32>} : memref<473x8x128xf32, #tpu.memory_space<vmem>>, vector<1x8x128xf32>,
    %slice3A_3195 = vector.extract_strided_slice %concatenate3A_49 {offsets = [0, 17280], sizes = [8, 128], strides = [1, 1]} : vector<8x20096xf32> to vector<8x128xf32>
    %swap3A_3196 = arith.constant 449 : index
    %swap3A_3197 = arith.constant 0 : index
    %swap3A_3198 = arith.constant 0 : index
    %swap3A_3199 = vector.load %arg4[%swap3A_3196, %swap3A_3197, %swap3A_3198] : memref<473x8x128xf32, #tpu.memory_space<vmem>>, vector<1x8x128xf32>
    %swap3A_3200 = vector.shape_cast %swap3A_3199 : vector<1x8x128xf32> to vector<8x128xf32>
    %swap3A_3201 = vector.shape_cast %slice3A_3195 : vector<8x128xf32> to vector<1x8x128xf32>
    tpu.vector_store %arg4[%swap3A_3196, %swap3A_3197, %swap3A_3198], %swap3A_3201 {strides = array<i32>} : memref<473x8x128xf32, #tpu.memory_space<vmem>>, vector<1x8x128xf32>,
    %slice3A_3202 = vector.extract_strided_slice %concatenate3A_49 {offsets = [0, 17408], sizes = [8, 128], strides = [1, 1]} : vector<8x20096xf32> to vector<8x128xf32>
    %swap3A_3203 = arith.constant 450 : index
    %swap3A_3204 = arith.constant 0 : index
    %swap3A_3205 = arith.constant 0 : index
    %swap3A_3206 = vector.load %arg4[%swap3A_3203, %swap3A_3204, %swap3A_3205] : memref<473x8x128xf32, #tpu.memory_space<vmem>>, vector<1x8x128xf32>
    %swap3A_3207 = vector.shape_cast %swap3A_3206 : vector<1x8x128xf32> to vector<8x128xf32>
    %swap3A_3208 = vector.shape_cast %slice3A_3202 : vector<8x128xf32> to vector<1x8x128xf32>
    tpu.vector_store %arg4[%swap3A_3203, %swap3A_3204, %swap3A_3205], %swap3A_3208 {strides = array<i32>} : memref<473x8x128xf32, #tpu.memory_space<vmem>>, vector<1x8x128xf32>,
    %slice3A_3209 = vector.extract_strided_slice %concatenate3A_49 {offsets = [0, 17536], sizes = [8, 128], strides = [1, 1]} : vector<8x20096xf32> to vector<8x128xf32>
    %swap3A_3210 = arith.constant 451 : index
    %swap3A_3211 = arith.constant 0 : index
    %swap3A_3212 = arith.constant 0 : index
    %swap3A_3213 = vector.load %arg4[%swap3A_3210, %swap3A_3211, %swap3A_3212] : memref<473x8x128xf32, #tpu.memory_space<vmem>>, vector<1x8x128xf32>
    %swap3A_3214 = vector.shape_cast %swap3A_3213 : vector<1x8x128xf32> to vector<8x128xf32>
    %swap3A_3215 = vector.shape_cast %slice3A_3209 : vector<8x128xf32> to vector<1x8x128xf32>
    tpu.vector_store %arg4[%swap3A_3210, %swap3A_3211, %swap3A_3212], %swap3A_3215 {strides = array<i32>} : memref<473x8x128xf32, #tpu.memory_space<vmem>>, vector<1x8x128xf32>,
    %slice3A_3216 = vector.extract_strided_slice %concatenate3A_49 {offsets = [0, 17664], sizes = [8, 128], strides = [1, 1]} : vector<8x20096xf32> to vector<8x128xf32>
    %swap3A_3217 = arith.constant 452 : index
    %swap3A_3218 = arith.constant 0 : index
    %swap3A_3219 = arith.constant 0 : index
    %swap3A_3220 = vector.load %arg4[%swap3A_3217, %swap3A_3218, %swap3A_3219] : memref<473x8x128xf32, #tpu.memory_space<vmem>>, vector<1x8x128xf32>
    %swap3A_3221 = vector.shape_cast %swap3A_3220 : vector<1x8x128xf32> to vector<8x128xf32>
    %swap3A_3222 = vector.shape_cast %slice3A_3216 : vector<8x128xf32> to vector<1x8x128xf32>
    tpu.vector_store %arg4[%swap3A_3217, %swap3A_3218, %swap3A_3219], %swap3A_3222 {strides = array<i32>} : memref<473x8x128xf32, #tpu.memory_space<vmem>>, vector<1x8x128xf32>,
    %slice3A_3223 = vector.extract_strided_slice %concatenate3A_49 {offsets = [0, 17792], sizes = [8, 128], strides = [1, 1]} : vector<8x20096xf32> to vector<8x128xf32>
    %swap3A_3224 = arith.constant 453 : index
    %swap3A_3225 = arith.constant 0 : index
    %swap3A_3226 = arith.constant 0 : index
    %swap3A_3227 = vector.load %arg4[%swap3A_3224, %swap3A_3225, %swap3A_3226] : memref<473x8x128xf32, #tpu.memory_space<vmem>>, vector<1x8x128xf32>
    %swap3A_3228 = vector.shape_cast %swap3A_3227 : vector<1x8x128xf32> to vector<8x128xf32>
    %swap3A_3229 = vector.shape_cast %slice3A_3223 : vector<8x128xf32> to vector<1x8x128xf32>
    tpu.vector_store %arg4[%swap3A_3224, %swap3A_3225, %swap3A_3226], %swap3A_3229 {strides = array<i32>} : memref<473x8x128xf32, #tpu.memory_space<vmem>>, vector<1x8x128xf32>,
    %slice3A_3230 = vector.extract_strided_slice %concatenate3A_49 {offsets = [0, 17920], sizes = [8, 128], strides = [1, 1]} : vector<8x20096xf32> to vector<8x128xf32>
    %swap3A_3231 = arith.constant 454 : index
    %swap3A_3232 = arith.constant 0 : index
    %swap3A_3233 = arith.constant 0 : index
    %swap3A_3234 = vector.load %arg4[%swap3A_3231, %swap3A_3232, %swap3A_3233] : memref<473x8x128xf32, #tpu.memory_space<vmem>>, vector<1x8x128xf32>
    %swap3A_3235 = vector.shape_cast %swap3A_3234 : vector<1x8x128xf32> to vector<8x128xf32>
    %swap3A_3236 = vector.shape_cast %slice3A_3230 : vector<8x128xf32> to vector<1x8x128xf32>
    tpu.vector_store %arg4[%swap3A_3231, %swap3A_3232, %swap3A_3233], %swap3A_3236 {strides = array<i32>} : memref<473x8x128xf32, #tpu.memory_space<vmem>>, vector<1x8x128xf32>,
    %slice3A_3237 = vector.extract_strided_slice %concatenate3A_49 {offsets = [0, 18048], sizes = [8, 128], strides = [1, 1]} : vector<8x20096xf32> to vector<8x128xf32>
    %swap3A_3238 = arith.constant 455 : index
    %swap3A_3239 = arith.constant 0 : index
    %swap3A_3240 = arith.constant 0 : index
    %swap3A_3241 = vector.load %arg4[%swap3A_3238, %swap3A_3239, %swap3A_3240] : memref<473x8x128xf32, #tpu.memory_space<vmem>>, vector<1x8x128xf32>
    %swap3A_3242 = vector.shape_cast %swap3A_3241 : vector<1x8x128xf32> to vector<8x128xf32>
    %swap3A_3243 = vector.shape_cast %slice3A_3237 : vector<8x128xf32> to vector<1x8x128xf32>
    tpu.vector_store %arg4[%swap3A_3238, %swap3A_3239, %swap3A_3240], %swap3A_3243 {strides = array<i32>} : memref<473x8x128xf32, #tpu.memory_space<vmem>>, vector<1x8x128xf32>,
    %slice3A_3244 = vector.extract_strided_slice %concatenate3A_49 {offsets = [0, 18176], sizes = [8, 128], strides = [1, 1]} : vector<8x20096xf32> to vector<8x128xf32>
    %swap3A_3245 = arith.constant 456 : index
    %swap3A_3246 = arith.constant 0 : index
    %swap3A_3247 = arith.constant 0 : index
    %swap3A_3248 = vector.load %arg4[%swap3A_3245, %swap3A_3246, %swap3A_3247] : memref<473x8x128xf32, #tpu.memory_space<vmem>>, vector<1x8x128xf32>
    %swap3A_3249 = vector.shape_cast %swap3A_3248 : vector<1x8x128xf32> to vector<8x128xf32>
    %swap3A_3250 = vector.shape_cast %slice3A_3244 : vector<8x128xf32> to vector<1x8x128xf32>
    tpu.vector_store %arg4[%swap3A_3245, %swap3A_3246, %swap3A_3247], %swap3A_3250 {strides = array<i32>} : memref<473x8x128xf32, #tpu.memory_space<vmem>>, vector<1x8x128xf32>,
    %slice3A_3251 = vector.extract_strided_slice %concatenate3A_49 {offsets = [0, 18304], sizes = [8, 128], strides = [1, 1]} : vector<8x20096xf32> to vector<8x128xf32>
    %swap3A_3252 = arith.constant 457 : index
    %swap3A_3253 = arith.constant 0 : index
    %swap3A_3254 = arith.constant 0 : index
    %swap3A_3255 = vector.load %arg4[%swap3A_3252, %swap3A_3253, %swap3A_3254] : memref<473x8x128xf32, #tpu.memory_space<vmem>>, vector<1x8x128xf32>
    %swap3A_3256 = vector.shape_cast %swap3A_3255 : vector<1x8x128xf32> to vector<8x128xf32>
    %swap3A_3257 = vector.shape_cast %slice3A_3251 : vector<8x128xf32> to vector<1x8x128xf32>
    tpu.vector_store %arg4[%swap3A_3252, %swap3A_3253, %swap3A_3254], %swap3A_3257 {strides = array<i32>} : memref<473x8x128xf32, #tpu.memory_space<vmem>>, vector<1x8x128xf32>,
    %slice3A_3258 = vector.extract_strided_slice %concatenate3A_49 {offsets = [0, 18432], sizes = [8, 128], strides = [1, 1]} : vector<8x20096xf32> to vector<8x128xf32>
    %swap3A_3259 = arith.constant 458 : index
    %swap3A_3260 = arith.constant 0 : index
    %swap3A_3261 = arith.constant 0 : index
    %swap3A_3262 = vector.load %arg4[%swap3A_3259, %swap3A_3260, %swap3A_3261] : memref<473x8x128xf32, #tpu.memory_space<vmem>>, vector<1x8x128xf32>
    %swap3A_3263 = vector.shape_cast %swap3A_3262 : vector<1x8x128xf32> to vector<8x128xf32>
    %swap3A_3264 = vector.shape_cast %slice3A_3258 : vector<8x128xf32> to vector<1x8x128xf32>
    tpu.vector_store %arg4[%swap3A_3259, %swap3A_3260, %swap3A_3261], %swap3A_3264 {strides = array<i32>} : memref<473x8x128xf32, #tpu.memory_space<vmem>>, vector<1x8x128xf32>,
    %slice3A_3265 = vector.extract_strided_slice %concatenate3A_49 {offsets = [0, 18560], sizes = [8, 128], strides = [1, 1]} : vector<8x20096xf32> to vector<8x128xf32>
    %swap3A_3266 = arith.constant 459 : index
    %swap3A_3267 = arith.constant 0 : index
    %swap3A_3268 = arith.constant 0 : index
    %swap3A_3269 = vector.load %arg4[%swap3A_3266, %swap3A_3267, %swap3A_3268] : memref<473x8x128xf32, #tpu.memory_space<vmem>>, vector<1x8x128xf32>
    %swap3A_3270 = vector.shape_cast %swap3A_3269 : vector<1x8x128xf32> to vector<8x128xf32>
    %swap3A_3271 = vector.shape_cast %slice3A_3265 : vector<8x128xf32> to vector<1x8x128xf32>
    tpu.vector_store %arg4[%swap3A_3266, %swap3A_3267, %swap3A_3268], %swap3A_3271 {strides = array<i32>} : memref<473x8x128xf32, #tpu.memory_space<vmem>>, vector<1x8x128xf32>,
    %slice3A_3272 = vector.extract_strided_slice %concatenate3A_49 {offsets = [0, 18688], sizes = [8, 128], strides = [1, 1]} : vector<8x20096xf32> to vector<8x128xf32>
    %swap3A_3273 = arith.constant 460 : index
    %swap3A_3274 = arith.constant 0 : index
    %swap3A_3275 = arith.constant 0 : index
    %swap3A_3276 = vector.load %arg4[%swap3A_3273, %swap3A_3274, %swap3A_3275] : memref<473x8x128xf32, #tpu.memory_space<vmem>>, vector<1x8x128xf32>
    %swap3A_3277 = vector.shape_cast %swap3A_3276 : vector<1x8x128xf32> to vector<8x128xf32>
    %swap3A_3278 = vector.shape_cast %slice3A_3272 : vector<8x128xf32> to vector<1x8x128xf32>
    tpu.vector_store %arg4[%swap3A_3273, %swap3A_3274, %swap3A_3275], %swap3A_3278 {strides = array<i32>} : memref<473x8x128xf32, #tpu.memory_space<vmem>>, vector<1x8x128xf32>,
    %slice3A_3279 = vector.extract_strided_slice %concatenate3A_49 {offsets = [0, 18816], sizes = [8, 128], strides = [1, 1]} : vector<8x20096xf32> to vector<8x128xf32>
    %swap3A_3280 = arith.constant 461 : index
    %swap3A_3281 = arith.constant 0 : index
    %swap3A_3282 = arith.constant 0 : index
    %swap3A_3283 = vector.load %arg4[%swap3A_3280, %swap3A_3281, %swap3A_3282] : memref<473x8x128xf32, #tpu.memory_space<vmem>>, vector<1x8x128xf32>
    %swap3A_3284 = vector.shape_cast %swap3A_3283 : vector<1x8x128xf32> to vector<8x128xf32>
    %swap3A_3285 = vector.shape_cast %slice3A_3279 : vector<8x128xf32> to vector<1x8x128xf32>
    tpu.vector_store %arg4[%swap3A_3280, %swap3A_3281, %swap3A_3282], %swap3A_3285 {strides = array<i32>} : memref<473x8x128xf32, #tpu.memory_space<vmem>>, vector<1x8x128xf32>,
    %slice3A_3286 = vector.extract_strided_slice %concatenate3A_49 {offsets = [0, 18944], sizes = [8, 128], strides = [1, 1]} : vector<8x20096xf32> to vector<8x128xf32>
    %swap3A_3287 = arith.constant 462 : index
    %swap3A_3288 = arith.constant 0 : index
    %swap3A_3289 = arith.constant 0 : index
    %swap3A_3290 = vector.load %arg4[%swap3A_3287, %swap3A_3288, %swap3A_3289] : memref<473x8x128xf32, #tpu.memory_space<vmem>>, vector<1x8x128xf32>
    %swap3A_3291 = vector.shape_cast %swap3A_3290 : vector<1x8x128xf32> to vector<8x128xf32>
    %swap3A_3292 = vector.shape_cast %slice3A_3286 : vector<8x128xf32> to vector<1x8x128xf32>
    tpu.vector_store %arg4[%swap3A_3287, %swap3A_3288, %swap3A_3289], %swap3A_3292 {strides = array<i32>} : memref<473x8x128xf32, #tpu.memory_space<vmem>>, vector<1x8x128xf32>,
    %slice3A_3293 = vector.extract_strided_slice %concatenate3A_49 {offsets = [0, 19072], sizes = [8, 128], strides = [1, 1]} : vector<8x20096xf32> to vector<8x128xf32>
    %swap3A_3294 = arith.constant 463 : index
    %swap3A_3295 = arith.constant 0 : index
    %swap3A_3296 = arith.constant 0 : index
    %swap3A_3297 = vector.load %arg4[%swap3A_3294, %swap3A_3295, %swap3A_3296] : memref<473x8x128xf32, #tpu.memory_space<vmem>>, vector<1x8x128xf32>
    %swap3A_3298 = vector.shape_cast %swap3A_3297 : vector<1x8x128xf32> to vector<8x128xf32>
    %swap3A_3299 = vector.shape_cast %slice3A_3293 : vector<8x128xf32> to vector<1x8x128xf32>
    tpu.vector_store %arg4[%swap3A_3294, %swap3A_3295, %swap3A_3296], %swap3A_3299 {strides = array<i32>} : memref<473x8x128xf32, #tpu.memory_space<vmem>>, vector<1x8x128xf32>,
    %slice3A_3300 = vector.extract_strided_slice %concatenate3A_49 {offsets = [0, 19200], sizes = [8, 128], strides = [1, 1]} : vector<8x20096xf32> to vector<8x128xf32>
    %swap3A_3301 = arith.constant 464 : index
    %swap3A_3302 = arith.constant 0 : index
    %swap3A_3303 = arith.constant 0 : index
    %swap3A_3304 = vector.load %arg4[%swap3A_3301, %swap3A_3302, %swap3A_3303] : memref<473x8x128xf32, #tpu.memory_space<vmem>>, vector<1x8x128xf32>
    %swap3A_3305 = vector.shape_cast %swap3A_3304 : vector<1x8x128xf32> to vector<8x128xf32>
    %swap3A_3306 = vector.shape_cast %slice3A_3300 : vector<8x128xf32> to vector<1x8x128xf32>
    tpu.vector_store %arg4[%swap3A_3301, %swap3A_3302, %swap3A_3303], %swap3A_3306 {strides = array<i32>} : memref<473x8x128xf32, #tpu.memory_space<vmem>>, vector<1x8x128xf32>,
    %slice3A_3307 = vector.extract_strided_slice %concatenate3A_49 {offsets = [0, 19328], sizes = [8, 128], strides = [1, 1]} : vector<8x20096xf32> to vector<8x128xf32>
    %swap3A_3308 = arith.constant 465 : index
    %swap3A_3309 = arith.constant 0 : index
    %swap3A_3310 = arith.constant 0 : index
    %swap3A_3311 = vector.load %arg4[%swap3A_3308, %swap3A_3309, %swap3A_3310] : memref<473x8x128xf32, #tpu.memory_space<vmem>>, vector<1x8x128xf32>
    %swap3A_3312 = vector.shape_cast %swap3A_3311 : vector<1x8x128xf32> to vector<8x128xf32>
    %swap3A_3313 = vector.shape_cast %slice3A_3307 : vector<8x128xf32> to vector<1x8x128xf32>
    tpu.vector_store %arg4[%swap3A_3308, %swap3A_3309, %swap3A_3310], %swap3A_3313 {strides = array<i32>} : memref<473x8x128xf32, #tpu.memory_space<vmem>>, vector<1x8x128xf32>,
    %slice3A_3314 = vector.extract_strided_slice %concatenate3A_49 {offsets = [0, 19456], sizes = [8, 128], strides = [1, 1]} : vector<8x20096xf32> to vector<8x128xf32>
    %swap3A_3315 = arith.constant 466 : index
    %swap3A_3316 = arith.constant 0 : index
    %swap3A_3317 = arith.constant 0 : index
    %swap3A_3318 = vector.load %arg4[%swap3A_3315, %swap3A_3316, %swap3A_3317] : memref<473x8x128xf32, #tpu.memory_space<vmem>>, vector<1x8x128xf32>
    %swap3A_3319 = vector.shape_cast %swap3A_3318 : vector<1x8x128xf32> to vector<8x128xf32>
    %swap3A_3320 = vector.shape_cast %slice3A_3314 : vector<8x128xf32> to vector<1x8x128xf32>
    tpu.vector_store %arg4[%swap3A_3315, %swap3A_3316, %swap3A_3317], %swap3A_3320 {strides = array<i32>} : memref<473x8x128xf32, #tpu.memory_space<vmem>>, vector<1x8x128xf32>,
    %slice3A_3321 = vector.extract_strided_slice %concatenate3A_49 {offsets = [0, 19584], sizes = [8, 128], strides = [1, 1]} : vector<8x20096xf32> to vector<8x128xf32>
    %swap3A_3322 = arith.constant 467 : index
    %swap3A_3323 = arith.constant 0 : index
    %swap3A_3324 = arith.constant 0 : index
    %swap3A_3325 = vector.load %arg4[%swap3A_3322, %swap3A_3323, %swap3A_3324] : memref<473x8x128xf32, #tpu.memory_space<vmem>>, vector<1x8x128xf32>
    %swap3A_3326 = vector.shape_cast %swap3A_3325 : vector<1x8x128xf32> to vector<8x128xf32>
    %swap3A_3327 = vector.shape_cast %slice3A_3321 : vector<8x128xf32> to vector<1x8x128xf32>
    tpu.vector_store %arg4[%swap3A_3322, %swap3A_3323, %swap3A_3324], %swap3A_3327 {strides = array<i32>} : memref<473x8x128xf32, #tpu.memory_space<vmem>>, vector<1x8x128xf32>,
    %slice3A_3328 = vector.extract_strided_slice %concatenate3A_49 {offsets = [0, 19712], sizes = [8, 128], strides = [1, 1]} : vector<8x20096xf32> to vector<8x128xf32>
    %swap3A_3329 = arith.constant 468 : index
    %swap3A_3330 = arith.constant 0 : index
    %swap3A_3331 = arith.constant 0 : index
    %swap3A_3332 = vector.load %arg4[%swap3A_3329, %swap3A_3330, %swap3A_3331] : memref<473x8x128xf32, #tpu.memory_space<vmem>>, vector<1x8x128xf32>
    %swap3A_3333 = vector.shape_cast %swap3A_3332 : vector<1x8x128xf32> to vector<8x128xf32>
    %swap3A_3334 = vector.shape_cast %slice3A_3328 : vector<8x128xf32> to vector<1x8x128xf32>
    tpu.vector_store %arg4[%swap3A_3329, %swap3A_3330, %swap3A_3331], %swap3A_3334 {strides = array<i32>} : memref<473x8x128xf32, #tpu.memory_space<vmem>>, vector<1x8x128xf32>,
    %slice3A_3335 = vector.extract_strided_slice %concatenate3A_49 {offsets = [0, 19840], sizes = [8, 128], strides = [1, 1]} : vector<8x20096xf32> to vector<8x128xf32>
    %swap3A_3336 = arith.constant 469 : index
    %swap3A_3337 = arith.constant 0 : index
    %swap3A_3338 = arith.constant 0 : index
    %swap3A_3339 = vector.load %arg4[%swap3A_3336, %swap3A_3337, %swap3A_3338] : memref<473x8x128xf32, #tpu.memory_space<vmem>>, vector<1x8x128xf32>
    %swap3A_3340 = vector.shape_cast %swap3A_3339 : vector<1x8x128xf32> to vector<8x128xf32>
    %swap3A_3341 = vector.shape_cast %slice3A_3335 : vector<8x128xf32> to vector<1x8x128xf32>
    tpu.vector_store %arg4[%swap3A_3336, %swap3A_3337, %swap3A_3338], %swap3A_3341 {strides = array<i32>} : memref<473x8x128xf32, #tpu.memory_space<vmem>>, vector<1x8x128xf32>,
    %slice3A_3342 = vector.extract_strided_slice %concatenate3A_49 {offsets = [0, 19968], sizes = [8, 128], strides = [1, 1]} : vector<8x20096xf32> to vector<8x128xf32>
    %swap3A_3343 = arith.constant 470 : index
    %swap3A_3344 = arith.constant 0 : index
    %swap3A_3345 = arith.constant 0 : index
    %swap3A_3346 = vector.load %arg4[%swap3A_3343, %swap3A_3344, %swap3A_3345] : memref<473x8x128xf32, #tpu.memory_space<vmem>>, vector<1x8x128xf32>
    %swap3A_3347 = vector.shape_cast %swap3A_3346 : vector<1x8x128xf32> to vector<8x128xf32>
    %swap3A_3348 = vector.shape_cast %slice3A_3342 : vector<8x128xf32> to vector<1x8x128xf32>
    tpu.vector_store %arg4[%swap3A_3343, %swap3A_3344, %swap3A_3345], %swap3A_3348 {strides = array<i32>} : memref<473x8x128xf32, #tpu.memory_space<vmem>>, vector<1x8x128xf32>,
    %slice3A_3349 = vector.extract_strided_slice %concatenate3A_53 {offsets = [0, 0], sizes = [8, 128], strides = [1, 1]} : vector<8x256xf32> to vector<8x128xf32>
    %swap3A_3350 = arith.constant 471 : index
    %swap3A_3351 = arith.constant 0 : index
    %swap3A_3352 = arith.constant 0 : index
    %swap3A_3353 = vector.load %arg4[%swap3A_3350, %swap3A_3351, %swap3A_3352] : memref<473x8x128xf32, #tpu.memory_space<vmem>>, vector<1x8x128xf32>
    %swap3A_3354 = vector.shape_cast %swap3A_3353 : vector<1x8x128xf32> to vector<8x128xf32>
    %swap3A_3355 = vector.shape_cast %slice3A_3349 : vector<8x128xf32> to vector<1x8x128xf32>
    tpu.vector_store %arg4[%swap3A_3350, %swap3A_3351, %swap3A_3352], %swap3A_3355 {strides = array<i32>} : memref<473x8x128xf32, #tpu.memory_space<vmem>>, vector<1x8x128xf32>,
    %slice3A_3356 = vector.extract_strided_slice %concatenate3A_53 {offsets = [0, 128], sizes = [8, 128], strides = [1, 1]} : vector<8x256xf32> to vector<8x128xf32>
    %swap3A_3357 = arith.constant 472 : index
    %swap3A_3358 = arith.constant 0 : index
    %swap3A_3359 = arith.constant 0 : index
    %swap3A_3360 = vector.load %arg4[%swap3A_3357, %swap3A_3358, %swap3A_3359] : memref<473x8x128xf32, #tpu.memory_space<vmem>>, vector<1x8x128xf32>
    %swap3A_3361 = vector.shape_cast %swap3A_3360 : vector<1x8x128xf32> to vector<8x128xf32>
    %swap3A_3362 = vector.shape_cast %slice3A_3356 : vector<8x128xf32> to vector<1x8x128xf32>
    tpu.vector_store %arg4[%swap3A_3357, %swap3A_3358, %swap3A_3359], %swap3A_3362 {strides = array<i32>} : memref<473x8x128xf32, #tpu.memory_space<vmem>>, vector<1x8x128xf32>,
    return
  }
}

</mosaic_0001>

<sc_bundles>
// kernel: kernel.4.cloned.1.call-start
scs
__scs_entry_jumppad:
0x0: {  	(pc) =	sbr.rel $0x88, $3  }
0x1: {  	(tag) =	ssettag $0x0;
	lr =	simm.s32 $0x1  }
0x2: {  	[smem:$0x3F9E] =	sst lr;
	_ =	strace $0xD0000000  }
0x3: {  	_ = 	snop  }
0x4: {  	_ = 	snop  }
0x5: {  	_ = 	snop  }
0x6: {  	_ = 	snop  }
0x7: {  	_ = 	snop  }
__scs_overlays_trampoline_lowered:
0x8: {  	[smem:$0x3FAD] =	sst s0  }
0x9: {  	[smem:$0x3FAE] =	sst s1  }
0xa: {  	[smem:$0x3FAF] =	sst s2  }
0xb: {  	[smem:$0x3FB0] =	sst s3  }
0xc: {  	[smem:$0x3FB1] =	sst s4  }
0xd: {  	[smem:$0x3FB2] =	sst s5  }
0xe: {  	[smem:$0x3FB3] =	sst s6  }
0xf: {  	[smem:$0x3FB4] =	sst s7  }
0x10: {  	[smem:$0x3FB5] =	sst s8  }
0x11: {  	[smem:$0x3FB6] =	sst s9;
	s0 =	simm.s32 @!p0 $0x0  }
0x12: {  	s1 =	sld [smem:$0x3F9C];
	s0 =	simm.s32 @p0 $0x1  }
0x13: {  	[smem:$0x3FB7] =	sst s0;
	s0 =	simm.s32 @!p1 $0x0  }
0x14: {  	s2 =	sld [smem:$0x3F9B];
	s0 =	simm.s32 @p1 $0x1  }
0x15: {  	[smem:$0x3FB8] =	sst s0;
	s0 =	simm.s32 @!p2 $0x0  }
0x16: {  	s3 =	sld [smem:$0x3FDB];
	s0 =	simm.s32 @p2 $0x1  }
0x17: {  	s4 =	simm.s32 $0x1BF5;
	[smem:$0x3FBA] =	sst s0  }
0x18: {  	s0 =	sld [smem:$0x3F9D];
	_ =	swait.ge [sflag:s4], $0x0  }
0x19: {  	s7 =	sld [smem:$0x3F9E]  }
0x1a: {  	s8 =	sadd.s32 $0xFFFFE003, lr  }
0x1b: {  	s9 =	sadd.s32 $0xFFFFFEF7, lr;
	s5 =	simm.s32 $0xFFFFFFFF;
	p2 =	slt.u32 s8, $0xFFFFF086  }
0x1c: {  	p1 =	slt.u32 s9, $0xF7A;
	s5 =	simm.s32 @!p2 $0x0  }
0x1d: {  	s5 =	simm.s32 @p1 $0x1;
	p0 =	seq.s32 s7, s2  }
0x1e: {  	s7 =	smul.u32 @!p0 $0xF7A, s2;
	p2 =	seq.s32 @!p0 s5, $0x0  }
0x1f: {  	s9 =	smul.u32 $0xF7A, s1;
	s8 =	simm.s32 @!p0 $0x1BF5;
	p2 =	por !p2, p0  }
0x20: {  	[sflag:s8] =	ssyncset.s32 @!p0 $0xFFFFF086;
	s6 =	sadd.s32 @!p0 s3, s7;
	s7 =	simm.s32 @!p0 $0x108  }
0x21: {  	s3 =	sadd.s32 s3, s9;
	s6 =	sadd.s32 @!p0 $0x88, s6;
	s7 =	simm.s32 @p2 $0x1082  }
0x22: {  	[simem:s7], [sflag:s8] =	dma.local @!p0 [hbm:s6], $0xF7A  }
0x23: {  	s9 =	sor.u32 $0xD0000000, s2;
	s6 =	simm.s32 $0x108;
	_ =	swait.ge @!p0 [sflag:s8], $0x0  }
0x24: {  	s3 =	sadd.s32 $0x88, s3;
	s6 =	simm.s32 @!p1 $0x1082;
	[sflag:s4] =	ssyncset.s32 $0xFFFFF086  }
0x25: {  	[simem:s6], [sflag:s4] =	dma.local [hbm:s3], $0xF7A  }
0x26: {  	[smem:$0x3F9E] =	sst s1;
	(tag) =	ssettag s2;
	_ =	strace s9  }
0x27: {  	s1 =	sld [smem:$0x3FAE]  }
0x28: {  	s2 =	sld [smem:$0x3FAF]  }
0x29: {  	s4 =	sld [smem:$0x3FB1]  }
0x2a: {  	p0 =	seq.s32 s5, $0x0;
	s5 =	sld [smem:$0x3FB2]  }
0x2b: {  	s6 =	sld [smem:$0x3FB3]  }
0x2c: {  	s7 =	sld [smem:$0x3FB4]  }
0x2d: {  	s3 =	simm.s32 $0x108;
	s8 =	sld [smem:$0x3FB5]  }
0x2e: {  	s3 =	simm.s32 @!p0 $0x1082;
	s9 =	sld [smem:$0x3FB6]  }
0x2f: {  	lr =	sadd.s32 s0, s3;
	s0 =	sld [smem:$0x3FAD]  }
0x30: {  	s3 =	sld [smem:$0x3FB0]  }
0x31: {  	[smem:$0x3FB9] =	sst s10  }
0x32: {  	s10 =	sld [smem:$0x3FB7];
	_ =	sdelay $0x3  }
0x33: {  	p0 =	seq.s32 s10, $0x1;
	s10 =	sld [smem:$0x3FB9];
	_ =	sdelay $0x3  }
0x34: {  	[smem:$0x3FB9] =	sst s10  }
0x35: {  	s10 =	sld [smem:$0x3FB8];
	_ =	sdelay $0x3  }
0x36: {  	p1 =	seq.s32 s10, $0x1;
	s10 =	sld [smem:$0x3FB9];
	_ =	sdelay $0x3  }
0x37: {  	[smem:$0x3FB9] =	sst s10  }
0x38: {  	s10 =	sld [smem:$0x3FBA]  }
0x39: {  	_ = 	snop;
	(pc) =	sbr.ind lr, $3  }
0x3a: {  	_ = 	snop  }
0x3b: {  	_ = 	snop  }
0x3c: {  	p2 =	seq.s32 s10, $0x1;
	s10 =	sld [smem:$0x3FB9]  }
0x3d: {  	_ =	shalt  }
0x3e: {  	_ =	shalt  }
0x3f: {  	_ =	shalt  }
0x40: {  	_ =	shalt  }
0x41: {  	_ =	shalt  }
0x42: {  	_ =	shalt  }
0x43: {  	_ =	shalt  }
0x44: {  	_ =	shalt  }
0x45: {  	_ =	shalt  }
0x46: {  	_ =	shalt  }
0x47: {  	_ =	shalt  }
0x48: {  	_ =	shalt  }
0x49: {  	_ =	shalt  }
0x4a: {  	_ =	shalt  }
0x4b: {  	_ =	shalt  }
0x4c: {  	_ =	shalt  }
0x4d: {  	_ =	shalt  }
0x4e: {  	_ =	shalt  }
0x4f: {  	_ =	shalt  }
0x50: {  	_ =	shalt  }
0x51: {  	_ =	shalt  }
0x52: {  	_ =	shalt  }
0x53: {  	_ =	shalt  }
0x54: {  	_ =	shalt  }
0x55: {  	_ =	shalt  }
0x56: {  	_ =	shalt  }
0x57: {  	_ =	shalt  }
0x58: {  	_ =	shalt  }
0x59: {  	_ =	shalt  }
0x5a: {  	_ =	shalt  }
0x5b: {  	_ =	shalt  }
0x5c: {  	_ =	shalt  }
0x5d: {  	_ =	shalt  }
0x5e: {  	_ =	shalt  }
0x5f: {  	_ =	shalt  }
0x60: {  	_ =	shalt  }
0x61: {  	_ =	shalt  }
0x62: {  	_ =	shalt  }
0x63: {  	_ =	shalt  }
0x64: {  	_ =	shalt  }
0x65: {  	_ =	shalt  }
0x66: {  	_ =	shalt  }
0x67: {  	_ =	shalt  }
0x68: {  	_ =	shalt  }
0x69: {  	_ =	shalt  }
0x6a: {  	_ =	shalt  }
0x6b: {  	_ =	shalt  }
0x6c: {  	_ =	shalt  }
0x6d: {  	_ =	shalt  }
0x6e: {  	_ =	shalt  }
0x6f: {  	_ =	shalt  }
0x70: {  	_ =	shalt  }
0x71: {  	_ =	shalt  }
0x72: {  	_ =	shalt  }
0x73: {  	_ =	shalt  }
0x74: {  	_ =	shalt  }
0x75: {  	_ =	shalt  }
0x76: {  	_ =	shalt  }
0x77: {  	_ =	shalt  }
0x78: {  	_ =	shalt  }
0x79: {  	_ =	shalt  }
0x7a: {  	_ =	shalt  }
0x7b: {  	_ =	shalt  }
0x7c: {  	_ =	shalt  }
0x7d: {  	_ =	shalt  }
0x7e: {  	_ =	shalt  }
0x7f: {  	_ =	shalt  }
0x80: {  	_ =	shalt  }
0x81: {  	_ =	shalt  }
0x82: {  	_ =	shalt  }
0x83: {  	_ =	shalt  }
0x84: {  	_ =	shalt  }
0x85: {  	_ =	shalt  }
0x86: {  	_ =	shalt  }
0x87: {  	_ =	shalt  }
.Lfunc_end0:
.L_simem_size_0:
called_computation_lowered:
.L_overlay_start_0:
0x88: {  	s2 =	sld [smem:$0x3FD9]  }
0x89: {  	s3 =	sld [smem:$0x3FFE];
	_ =	sdelay $0x1  }
0x8a: {  	s1 =	srdreg.scid  }
0x8b: {  	s0 =	sand.u32 $0x1, s1  }
0x8c: {  	s14 =	sshll.u32 s0, $0xA;
	s2 =	sadd.s32 s3, s2  }
0x8d: {  	s2 =	sadd.s32 s2, s14  }
0x8e: {  	[smem:$0x3FC5] =	sst s2  }
0x8f: {  	_ = 	snop  }
0x90: {  	s2 =	sld [smem:$0x3FD0];
	_ =	sdelay $0x2  }
0x91: {  	s15 =	simm.s32 $0xA;
	s4 =	simm.s32 $0x10  }
0x92: {  	[smem:s4], [sflag:s15] =	dma.local [hbm:s2], $0x1  }
0x93: {  	_ =	swait.eq [sflag:s15], $0x1  }
0x94: {  	[sflag:s15] =	ssyncset.done $0x0  }
0x95: {  	[sflag:s15] =	ssyncadd.s32 $0xFFFFFFFF  }
0x96: {  	s16 =	sld [smem:$0x10];
	(tm) =	ssettm $0x1  }
0x97: {  	s17 =	sld [smem:$0x3FFB];
	_ =	sdelay $0x3  }
0x98: {  	_ =	strace s17  }
0x99: {  	s3 =	sld [smem:$0x3FFC];
	_ =	sdelay $0x3  }
0x9a: {  	_ =	strace s3  }
0x9b: {  	s3 =	sld [smem:$0x3FFD];
	_ =	sdelay $0x3  }
0x9c: {  	_ =	strace s3  }
0x9d: {  	_ =	strace $0x8FFFFFFF  }
0x9e: {  	s18 =	sld [smem:$0x3FDB];
	_ =	sdelay $0x1  }
0x9f: {  	s19 =	simm.s32 $_scs_section_size  }
0xa0: {  	s5 =	simm.s32 $_size__tile_overlayer_lowered;
	s6 =	simm.s32 $_tile_overlayer_lowered  }
0xa1: {  	s22 =	simm.s32 $0x1BFF;
	s21 =	sshll.u32 s6, $0x1;
	s3 =	sadd.s32 s19, s18  }
0xa2: {  	s7 =	simm.s32 $0x0;
	s20 =	sshll.u32 s5, $0x1;
	s5 =	sadd.s32 s21, s3  }
0xa3: {  	[timem:s7], [sflag:s22] =	dma.local [hbm:s5], s20  }
0xa4: {  	_ =	swait.ge [sflag:s22], s20  }
0xa5: {  	s4 =	ssub.s32 $0x0, s20;
	[sflag:s22] =	ssyncset.done $0x0  }
0xa6: {  	[sflag:s22] =	ssyncadd.s32 s4;
	_ =	sdelay $0x1  }
0xa7: {  	s23 =	simm.s32 $0x1B8B  }
0xa8: {  	_ =	swait.ge [sflag:s23], $0x1  }
0xa9: {  	[sflag:s23] =	ssyncset.done $0x0  }
0xaa: {  	s25 =	simm.s32 $0x1B8E;
	s24 =	sld [smem:$0x3FFE];
	[sflag:s23] =	ssyncadd.s32 $0xFFFFFFFF  }
0xab: {  	s26 =	simm.s32 $execute0_lowered;
	[smem:$0x3FD2] =	sst s25  }
0xac: {  	s5 =	sshll.u32 s26, $0x1;
	_ =	strace $0x80000046;
	[dreg:$0x1] =	wrdreg $0xFFFFFFFF  }
0xad: {  	s28 =	simm.s32 $_size_execute0_lowered;
	s3 =	sadd.s32 s3, s5;
	[dreg:$0x0] =	wrdreg $0x0  }
0xae: {  	s5 =	sshll.u32 s28, $0x1;
	[dreg:$0x2] =	wrdreg s3  }
0xaf: {  	[dreg:$0x3] =	wrdreg s5  }
0xb0: {  	[dreg:$0x4] =	wrdreg $0xC0  }
0xb1: {  	_ =	task [dreg:s7], $0x5FFFF  }
0xb2: {  	[dreg:$0x1] =	wrdreg $0xFFFFFFFF  }
0xb3: {  	[dreg:$0x0] =	wrdreg $0x60  }
0xb4: {  	[dreg:$0x2] =	wrdreg s24  }
0xb5: {  	[dreg:$0x3] =	wrdreg s16  }
0xb6: {  	[dreg:$0x4] =	wrdreg $0x9  }
0xb7: {  	_ =	task.clear_ibuf [dreg:s7], $0x5FFFF;
	_ =	strace $0x90000046  }
0xb8: {  	s29 =	simm.s32 $0x9;
	_ =	strace $0x80000048  }
0xb9: {  	_ =	swait.ge [sflag:s29], $0x1  }
0xba: {  	[sflag:s29] =	ssyncadd.s32 $0xFFFFFFFF  }
0xbb: {  	_ =	strace $0x90000048  }
0xbc: {  	_ =	sfence  }
0xbd: {  	s30 =	sld [smem:$0x0];
	_ =	sdelay $0x2  }
0xbe: {  	s31 =	sshll.u32 s1, $0xD;
	s1 =	sshrl.u32 s1, $0x2  }
0xbf: {  	s3 =	sand.u32 $0x4000, s31;
	s1 =	sadd.s32 s1, s30  }
0xc0: {  	s0 =	sor.u32 s3, s0;
	s1 =	sshll.u32 s1, $0x11  }
0xc1: {  	s0 =	sor.u32 s1, s0  }
0xc2: {  	s0 =	sadd.s32 $0x8F2B, s0  }
0xc3: {  	[sflag:s0] =	ssyncadd.remote.s32 $0x1  }
0xc4: {  	_ =	sfence.sel $0xFFFF  }
0xc5: {  	[dreg:$0x0] =	wrdreg $0xFFFFFFFF;
	(pc) =	sbr.abs _section_cstart, $3  }
0xc6: {  	[dreg:$0x1] =	wrdreg $0xFFFFFFFF  }
0xc7: {  	_ =	task.clear_ibuf [dreg:s7], $0x2FFFF;
	_ =	strace $0x9FFFFFFF  }
0xc8: {  	(tm) =	ssettm $0x7FFFFFFF  }
0xc9: {  	_ =	shalt  }
tec
execute0_lowered:
.L_overlay_start_1:
0x0: {  	(tag) =	ssettag $0x1  }
0x1: {  	s1 =	stileid.u32  }
0x2: {  	p0 =	sgt.u32 s1, $0x3  }
.Ltmp0:
0x3: {  	_ = 	snop;
	(pc) =	sbr.rel @p0 .LBB2_5-.Ltmp0, $4  }
0x4: {  	s3 =	rddreg [dreg:$0x0]  }
0x5: {  	s4 =	rddreg [dreg:$0x1];
	s2 =	simm.s32 $0x0  }
0x6: {  	[smem:$0x7FF] =	sst s2  }
0x7: {  	s0 =	rddreg [dreg:$0x2];
	_ =	strace $0x80000047  }
0x8: {  	s5 =	srdreg.scid  }
0x9: {  	s6 =	sshll.u32 s1, $0x1;
	s3 =	sadd.s32 $0xC00, s3;
	s9 =	simm.s32 $0x80  }
0xa: {  	s10 =	simm.s32 $0x400;
	s11 =	simm.s32 $0x5000;
	s12 =	simm.s32 $0xA000  }
0xb: {  	s13 =	simm.s32 $0xF000;
	s14 =	simm.s32 $0x1;
	s5 =	sand.u32 $0x1, s5  }
0xc: {  	s15 =	simm.s32 $0xF180;
	s16 =	simm.s32 $0x2;
	s6 =	sor.u32 s5, s6  }
0xd: {  	s5 =	ssub.s32 $0x2, s5;
	s7 =	smul.u32 $0x30, s6;
	s6 =	sshll.u32 s6, $0x4  }
0xe: {  	s17 =	simm.s32 $0x0;
	s8 =	sshrl.u32 s5, $0x1;
	s3 =	sadd.s32 s3, s6  }
0xf: {  	s8 =	ssub.s32 s5, s8;
	s4 =	sadd.s32 s4, s7;
	s5 =	sadd.s32 $0xEB80, s3  }
0x10: {  	v0 =	vimm.f32 $0.0e+00;
	v1 =	vimm.f32 $3.000000010e+38;
	s6 =	sadd.s32 $0x9D00, s3;
	s7 =	sadd.s32 $0x4E80, s3;
	s8 =	smax.u32 s8, $0x1  }
.LBB2_2:
0x11: {  	s18 =	simm.s32 $0x0  }
0x12: {  	[tilespmem:s18], [sflag:$0x1] =	stream.strided.gather [hbm4b:s3+s9], $0x4E80, s10, s9, $0x38;
	[tilespmem:$0xF300] =	vst v63  }
0x13: {  	_ = 	snop  }
0x14: {  	[tilespmem:s11], [sflag:$0x1] =	stream.strided.gather [hbm4b:s7+s9], $0x4E80, s10, s9, $0x38;
	[tilespmem:$0xF300] =	vst v63  }
0x15: {  	_ = 	snop  }
0x16: {  	[tilespmem:s12], [sflag:$0x1] =	stream.strided.gather [hbm4b:s6+s9], $0x4E80, s10, s9, $0x38;
	[tilespmem:$0xF300] =	vst v63  }
0x17: {  	_ = 	snop  }
0x18: {  	[tilespmem:s13], [sflag:$0x1] =	stream.strided.gather [hbm4b:s5+s9], $0x100, s10, s9, $0x38;
	[tilespmem:$0xF300] =	vst v63  }
0x19: {  	[tilespmem:$0xF180] =	vst v0  }
0x1a: {  	[tilespmem:$0xF190] =	vst v0  }
0x1b: {  	[tilespmem:$0xF1A0] =	vst v0  }
0x1c: {  	[tilespmem:$0xF1B0] =	vst v0  }
0x1d: {  	[tilespmem:$0xF1C0] =	vst v0  }
0x1e: {  	[tilespmem:$0xF1D0] =	vst v0  }
0x1f: {  	[tilespmem:$0xF1E0] =	vst v0  }
0x20: {  	[tilespmem:$0xF1F0] =	vst v0  }
0x21: {  	[tilespmem:$0xF200] =	vst v0  }
0x22: {  	[tilespmem:$0xF210] =	vst v0  }
0x23: {  	[tilespmem:$0xF220] =	vst v0  }
0x24: {  	[tilespmem:$0xF230] =	vst v0  }
0x25: {  	[tilespmem:$0xF240] =	vst v0  }
0x26: {  	[tilespmem:$0xF250] =	vst v0  }
0x27: {  	[tilespmem:$0xF260] =	vst v0  }
0x28: {  	[tilespmem:$0xF270] =	vst v0  }
0x29: {  	[tilespmem:$0xF280] =	vst v0  }
0x2a: {  	[tilespmem:$0xF290] =	vst v0  }
0x2b: {  	[tilespmem:$0xF2A0] =	vst v0  }
0x2c: {  	[tilespmem:$0xF2B0] =	vst v0  }
0x2d: {  	[tilespmem:$0xF2C0] =	vst v0  }
0x2e: {  	[tilespmem:$0xF2D0] =	vst v0  }
0x2f: {  	[tilespmem:$0xF2E0] =	vst v0  }
0x30: {  	[tilespmem:$0xF2F0] =	vst v0  }
0x31: {  	[tilespmem:$0xF100] =	vst v1  }
0x32: {  	[tilespmem:$0xF110] =	vst v1  }
0x33: {  	[tilespmem:$0xF120] =	vst v1  }
0x34: {  	[tilespmem:$0xF130] =	vst v1  }
0x35: {  	_ =	swait.ge [sflag:s14], $0x4E80  }
0x36: {  	[sflag:s14] =	ssyncset.done $0x0  }
0x37: {  	[sflag:s14] =	ssyncadd.s32 $0xFFFFB180  }
0x38: {  	_ =	swait.ge [sflag:s14], $0x4E80  }
0x39: {  	[sflag:s14] =	ssyncset.done $0x0  }
0x3a: {  	[sflag:s14] =	ssyncadd.s32 $0xFFFFB180  }
0x3b: {  	_ =	swait.ge [sflag:s14], $0x4E80  }
0x3c: {  	[sflag:s14] =	ssyncset.done $0x0  }
0x3d: {  	[sflag:s14] =	ssyncadd.s32 $0xFFFFB180  }
0x3e: {  	_ =	swait.ge [sflag:s14], $0x100  }
0x3f: {  	[sflag:s14] =	ssyncset.done $0x0  }
0x40: {  	[sflag:s14] =	ssyncadd.s32 $0xFFFFFF00  }
.LBB2_3:
0x41: {  	v3 =	vld [tilespmem:$0xF000]  }
0x42: {  	v4 =	vld [tilespmem:$0xF010]  }
0x43: {  	v5 =	vld [tilespmem:$0xF020]  }
0x44: {  	v6 =	vld [tilespmem:$0xF030]  }
0x45: {  	v7 =	vld [tilespmem:$0xF040]  }
0x46: {  	v8 =	vld [tilespmem:$0xF050]  }
0x47: {  	v9 =	vld [tilespmem:$0xF060];
	v2 =	vmax.f32 v3, v4  }
0x48: {  	v10 =	vld [tilespmem:$0xF070];
	v2 =	vmax.f32 v2, v5  }
0x49: {  	v11 =	vld [tilespmem:$0xF080];
	v2 =	vmax.f32 v2, v6  }
0x4a: {  	v12 =	vld [tilespmem:$0xF090];
	v2 =	vmax.f32 v2, v7  }
0x4b: {  	v2 =	vmax.f32 v2, v8  }
0x4c: {  	v2 =	vmax.f32 v2, v9  }
0x4d: {  	v2 =	vmax.f32 v2, v10  }
0x4e: {  	v2 =	vmax.f32 v2, v11  }
0x4f: {  	v2 =	vmax.f32 v2, v12  }
0x50: {  	(xrf0) =	vmax.scan.msk.f32 $0xffff, v2;
	_ =	sdelay $0x5  }
0x51: {  	v13, _, _ =	vpop (xrf0)  }
0x52: {  	v2 =	vbroadcast v13, $0xF;
	_ =	sdelay $0x1  }
0x53: {  	vm0 =	veq.f32 v12, v2  }
0x54: {  	vm8 =	veq.f32 v11, v2;
	v12 =	vmctz.xlane vm0  }
0x55: {  	(v2sf) =	vpush v13, $0xF;
	v11 =	vmctz.xlane vm8  }
0x56: {  	vm9 =	veq.f32 v10, v2;
	(v2sf) =	vpush v12, $0x0  }
0x57: {  	vm10 =	veq.f32 v9, v2;
	v10 =	vmctz.xlane vm9;
	(v2sf) =	vpush v11, $0x0  }
0x58: {  	v9 =	vmctz.xlane vm10  }
0x59: {  	vm11 =	veq.f32 v8, v2;
	(v2sf) =	vpush v10, $0x0  }
0x5a: {  	vm12 =	veq.f32 v7, v2;
	v8 =	vmctz.xlane vm11;
	(v2sf) =	vpush v9, $0x0  }
0x5b: {  	v7 =	vmctz.xlane vm12  }
0x5c: {  	vm13 =	veq.f32 v6, v2;
	(v2sf) =	vpush v8, $0x0  }
0x5d: {  	vm14 =	veq.f32 v5, v2;
	v6 =	vmctz.xlane vm13;
	(v2sf) =	vpush v7, $0x0  }
0x5e: {  	v5 =	vmctz.xlane vm14  }
0x5f: {  	vm15 =	veq.f32 v4, v2;
	(v2sf) =	vpush v6, $0x0  }
0x60: {  	vm4 =	veq.f32 v3, v2;
	v4 =	vmctz.xlane vm15;
	(v2sf) =	vpush v5, $0x0  }
0x61: {  	v3 =	vmctz.xlane vm4  }
0x62: {  	(v2sf) =	vpush v4, $0x0  }
0x63: {  	(v2sf) =	vpush v3, $0x0  }
0x64: {  	s19 =	spop (v2sf)  }
0x65: {  	s20 =	spop (v2sf)  }
0x66: {  	s21 =	spop (v2sf);
	p0 =	slt.u32 s20, $0x10;
	s20 =	sadd.s32 $0x90, s20  }
0x67: {  	s20 =	simm.s32 @!p0 $0x3B9ACA00;
	p0 =	slt.u32 s21, $0x10;
	s21 =	sadd.s32 $0x80, s21  }
0x68: {  	s25 =	spop (v2sf);
	s20 =	smov.u32 @p0 s21  }
0x69: {  	p0 =	slt.u32 s25, $0x10;
	s21 =	sadd.s32 $0x70, s25;
	s22 =	spop (v2sf)  }
0x6a: {  	s20 =	smov.u32 @p0 s21;
	p0 =	slt.u32 s22, $0x10;
	s21 =	sadd.s32 $0x60, s22  }
0x6b: {  	s26 =	spop (v2sf);
	s20 =	smov.u32 @p0 s21  }
0x6c: {  	p0 =	slt.u32 s26, $0x10;
	s21 =	sadd.s32 $0x50, s26;
	s28 =	spop (v2sf)  }
0x6d: {  	s20 =	smov.u32 @p0 s21;
	p0 =	slt.u32 s28, $0x10;
	s21 =	sadd.s32 $0x40, s28  }
0x6e: {  	s29 =	spop (v2sf);
	s20 =	smov.u32 @p0 s21  }
0x6f: {  	p0 =	slt.u32 s29, $0x10;
	s21 =	sadd.s32 $0x30, s29;
	s30 =	spop (v2sf)  }
0x70: {  	s20 =	smov.u32 @p0 s21;
	p0 =	slt.u32 s30, $0x10;
	s21 =	sadd.s32 $0x20, s30  }
0x71: {  	s31 =	spop (v2sf);
	s20 =	smov.u32 @p0 s21  }
0x72: {  	p0 =	slt.u32 s31, $0x10;
	s21 =	sadd.s32 $0x10, s31;
	s22 =	spop (v2sf)  }
0x73: {  	s20 =	smov.u32 @p0 s21;
	p0 =	slt.u32 s22, $0x10  }
0x74: {  	s20 =	smov.u32 @p0 s22  }
0x75: {  	s22 =	sshll.u32 s20, $0x9  }
0x76: {  	s21 =	sshra.s32 s22, $0x2  }
0x77: {  	v3 =	vld [tilespmem:s21+$0x70]  }
0x78: {  	v4 =	vld [tilespmem:s21+$0x60];
	_ =	sdelay $0x1  }
0x79: {  	v5 =	vld [tilespmem:s21+$0x50]  }
0x7a: {  	v6 =	vld [tilespmem:s21+$0x40]  }
0x7b: {  	vm5 =	veq.f32 v3, v2  }
0x7c: {  	v7 =	vld [tilespmem:s21+$0x30];
	vm6 =	veq.f32 v4, v2;
	v51 =	vmctz.xlane vm5  }
0x7d: {  	v9 =	vld [tilespmem:s21+$0x20];
	v52 =	vmctz.xlane vm6  }
0x7e: {  	vm7 =	veq.f32 v5, v2;
	(v2sf) =	vpush v51, $0x0  }
0x7f: {  	v8 =	vld [tilespmem:s21+$0x10];
	vm8 =	veq.f32 v6, v2;
	v53 =	vmctz.xlane vm7;
	(v2sf) =	vpush v52, $0x0  }
0x80: {  	v11 =	vld [tilespmem:s21+$0x0];
	v54 =	vmctz.xlane vm8  }
0x81: {  	vm9 =	veq.f32 v7, v2;
	(v2sf) =	vpush v53, $0x0  }
0x82: {  	vm10 =	veq.f32 v9, v2;
	v55 =	vmctz.xlane vm9;
	(v2sf) =	vpush v54, $0x0  }
0x83: {  	v56 =	vmctz.xlane vm10  }
0x84: {  	vm11 =	veq.f32 v8, v2;
	(v2sf) =	vpush v55, $0x0  }
0x85: {  	vm12 =	veq.f32 v11, v2;
	v57 =	vmctz.xlane vm11;
	(v2sf) =	vpush v56, $0x0  }
0x86: {  	v58 =	vmctz.xlane vm12  }
0x87: {  	(v2sf) =	vpush v57, $0x0  }
0x88: {  	(v2sf) =	vpush v58, $0x0;
	_ =	sdelay $0x4  }
0x89: {  	s23 =	spop (v2sf)  }
0x8a: {  	s24 =	spop (v2sf);
	p0 =	slt.u32 s23, $0x10;
	s21 =	sadd.s32 $0x70, s23  }
0x8b: {  	s21 =	simm.s32 @!p0 $0x3B9ACA00;
	p0 =	slt.u32 s24, $0x10;
	s22 =	sadd.s32 $0x60, s24  }
0x8c: {  	s23 =	spop (v2sf);
	s21 =	smov.u32 @p0 s22  }
0x8d: {  	s25 =	spop (v2sf);
	p0 =	slt.u32 s23, $0x10;
	s23 =	sadd.s32 $0x50, s23  }
0x8e: {  	s21 =	smov.u32 @p0 s23;
	p0 =	slt.u32 s25, $0x10;
	s22 =	sadd.s32 $0x40, s25  }
0x8f: {  	s26 =	spop (v2sf);
	s21 =	smov.u32 @p0 s22  }
0x90: {  	s28 =	spop (v2sf);
	p0 =	slt.u32 s26, $0x10;
	s23 =	sadd.s32 $0x30, s26  }
0x91: {  	s21 =	smov.u32 @p0 s23;
	p0 =	slt.u32 s28, $0x10;
	s22 =	sadd.s32 $0x20, s28  }
0x92: {  	s29 =	spop (v2sf);
	s21 =	smov.u32 @p0 s22  }
0x93: {  	p0 =	slt.u32 s29, $0x10;
	s22 =	sadd.s32 $0x10, s29;
	s23 =	spop (v2sf)  }
0x94: {  	s21 =	smov.u32 @p0 s22;
	p0 =	slt.u32 s23, $0x10  }
0x95: {  	s21 =	smov.u32 @p0 s23  }
0x96: {  	v10 =	vmov s21  }
0x97: {  	s30 =	sshll.u32 s20, $0x7;
	v59 =	vand.u32 $0xFFFFFF80, v10  }
0x98: {  	v60 =	vand.u32 $0x7F, v10;
	v12 =	vadd.s32 s30, v59  }
0x99: {  	v12 =	vor.u32 v60, v12;
	_ =	sdelay $0x4  }
0x9a: {  	v13 =	vld.idx.msk [tilespmem:v12+s11+$0x0], $0xffff  }
0x9b: {  	v14 =	vld.idx.msk [tilespmem:v12+s12+$0x0], $0xffff;
	_ =	sdelay $0x2  }
0x9c: {  	v15 =	vld [tilespmem:$0xF100]  }
0x9d: {  	v16 =	vld [tilespmem:$0xF110]  }
0x9e: {  	v18 =	vld [tilespmem:$0xF120];
	v17 =	vadd.f32 v14, v13  }
0x9f: {  	v19 =	vld [tilespmem:$0xF130]  }
0xa0: {  	v17 =	vmul.f32 $5.000000000e-01, v17;
	_ =	sdelay $0x1  }
0xa1: {  	v15 =	vsub.f32 v15, v17;
	v16 =	vsub.f32 v16, v17  }
0xa2: {  	v18 =	vsub.f32 v18, v17  }
0xa3: {  	v19 =	vsub.f32 v19, v17;
	v15 =	vand.u32 $0x7FFFFFFF, v15;
	v16 =	vand.u32 $0x7FFFFFFF, v16  }
0xa4: {  	v61 =	vand.u32 $0x7FFFFFFF, v18;
	vm13 =	vle.f32 v15, $1.600000000e+01;
	vm1 =	vle.f32 v16, $1.600000000e+01  }
0xa5: {  	v62 =	vand.u32 $0x7FFFFFFF, v19;
	vm14 =	vle.f32 v61, $1.600000000e+01;
	vm0 =	vmor vm13, vm1  }
0xa6: {  	p0 =	sle.f32 s19, $-5.000000080e+29;
	vm15 =	vle.f32 v62, $1.600000000e+01;
	vm0 =	vmor vm0, vm14  }
0xa7: {  	vm0 =	vmor vm0, vm15  }
0xa8: {  	v16 =	vlaneseq.u32 @!p0;
	v63 =	vmpcnt.ones.xlane vm0  }
0xa9: {  	v11 =	vmax.f32 @!p0 v11, $-1.000000020e+30;
	v15 =	vor.u32 @!p0 $0x10, v16  }
0xaa: {  	vm1 =	veq.s32 @!p0 v10, v15;
	vm0 =	veq.s32 @!p0 v10, v16;
	(v2sf) =	vpush v63, $0x0  }
0xab: {  	v15 =	vor.u32 @!p0 $0x20, v16;
	v8 =	vsel @!p0 vm1, $0xF149F2CA, v8;
	v11 =	vsel @!p0 vm0, $0xF149F2CA, v11  }
0xac: {  	vm0 =	veq.s32 @!p0 v10, v15;
	v8 =	vmax.f32 @!p0 v11, v8;
	v11 =	vor.u32 @!p0 $0x30, v16  }
0xad: {  	v9 =	vsel @!p0 vm0, $0xF149F2CA, v9;
	vm0 =	veq.s32 @!p0 v10, v11;
	v11 =	vor.u32 @!p0 $0x40, v16  }
0xae: {  	v8 =	vmax.f32 @!p0 v8, v9;
	v7 =	vsel @!p0 vm0, $0xF149F2CA, v7;
	vm0 =	veq.s32 @!p0 v10, v11  }
0xaf: {  	v7 =	vmax.f32 @!p0 v8, v7;
	v6 =	vsel @!p0 vm0, $0xF149F2CA, v6;
	v8 =	vor.u32 @!p0 $0x50, v16  }
0xb0: {  	v6 =	vmax.f32 @!p0 v7, v6;
	vm0 =	veq.s32 @!p0 v10, v8;
	v7 =	vor.u32 @!p0 $0x60, v16  }
0xb1: {  	v5 =	vsel @!p0 vm0, $0xF149F2CA, v5;
	vm0 =	veq.s32 @!p0 v10, v7;
	v7 =	vor.u32 @!p0 $0x70, v16  }
0xb2: {  	v5 =	vmax.f32 @!p0 v6, v5;
	v4 =	vsel @!p0 vm0, $0xF149F2CA, v4;
	vm0 =	veq.s32 @!p0 v10, v7  }
0xb3: {  	v4 =	vmax.f32 @!p0 v5, v4;
	v3 =	vsel @!p0 vm0, $0xF149F2CA, v3  }
0xb4: {  	v3 =	vmax.f32 @!p0 v4, v3  }
0xb5: {  	(xrf0) =	vmax.scan.msk.f32 @!p0 $0xffff, v3;
	_ =	sdelay $0x3  }
0xb6: {  	s31 =	spop (v2sf)  }
0xb7: {  	p1 =	por !p0, !p0;
	p2 =	seq.s32 s31, $0x0  }
0xb8: {  	v4 =	vmov @!p0 s20;
	v3, _, _ =	vpop @!p0 (xrf0);
	p1 =	por !p2, !p1  }
0xb9: {  	s22 =	simm.s32 $0x1;
	v3 =	vadd.f32 @!p0 $0.0e+00, v3;
	p1 =	por !p1, !p1  }
0xba: {  	v8 =	vimm.f32 @!p0 $-1.000000020e+30;
	s20 =	sshll.u32 @p1 s18, $0x2;
	v6 =	vlaneseq.u32 @p1;
	s21 =	sshll.u32 @p1 s18, $0x1;
	s22 =	simm.s32 @!p1 $0x0  }
0xbb: {  	v3 =	vbroadcast @!p0 v3, $0xF;
	v5 =	vmov @p1 s18;
	v7 =	vadd.s32 @p1 s20, v6;
	s20 =	sadd.s32 @p1 $0x100, s21;
	s21 =	simm.s32 @!p0 $0x0;
	s18 =	sadd.s32 s22, s18  }
0xbc: {  	v6 =	vadd.s32 @p1 s20, v6;
	[tilespmem:v12+s21+$0x0] =	vst.idx.msk @!p0 $0x1, v8;
	s20 =	simm.s32 @!p0 $0xF000;
	p2 =	sgt.u32 s18, $0x31  }
0xbd: {  	[tilespmem:v4+s20+$0x0] =	vst.idx.msk @!p0 $0x1, v3;
	p0 =	sle.f32 @!p2 s19, $-5.000000080e+29;
	_ =	sdelay $0x1  }
0xbe: {  	p0 =	por p2, p0  }
.Ltmp1:
0xbf: {  	vm0 =	vcmask @p1 $0x3F08;
	(pc) =	sbr.rel @!p0 .LBB2_3-.Ltmp1, $4  }
0xc0: {  	vm1 =	vmmov @p1 $0x1;
	s20 =	simm.s32 @p1 $0xF100;
	v3 =	vsel @p1 vm0, $0x3F800000, v14  }
0xc1: {  	s19 =	simm.s32 @p1 $0xF180;
	v3 =	vsel @p1 vm1, v13, v3;
	[tilespmem:v5+s20+$0x0] =	vst.idx.msk @p1 $0x1, v17  }
0xc2: {  	v2 =	vnsel @p1 vm1, $0x3F800000, v2;
	[tilespmem:v7+s19+$0x0] =	vst.idx.msk @p1 $0x7, v3  }
0xc3: {  	[tilespmem:v6+s19+$0x0] =	vst.idx.msk @p1 $0x3, v2  }
0xc4: {  	s17 =	sadd.s32 $0x1, s17  }
0xc5: {  	p0 =	sne.s32 s17, s8  }
.Ltmp2:
0xc6: {  	_ = 	snop;
	(pc) =	sbr.rel @p0 .LBB2_2-.Ltmp2, $4  }
0xc7: {  	[hbm4b:s4+s2] =	stream.linear.scatter [tilespmem:s15], [sflag:$0x2], $0x180, $0x38;
	[tilespmem:$0xF300] =	vst v63  }
0xc8: {  	_ =	swait.ge [sflag:s16], $0x180  }
0xc9: {  	[sflag:s16] =	ssyncset.done $0x0  }
0xca: {  	[sflag:s16] =	ssyncadd.s32 $0xFFFFFE80  }
.LBB2_5:
0xcb: {  	_ =	sfence.sel $0x180000  }
0xcc: {  	[bflag:$0x0] =	sbarrier.arrive $0xFFFF  }
0xcd: {  	p0 =	sne.s32 s1, $0x0;
	_ =	strace $0x90000047  }
0xce: {  	s0 =	sadd.s32 @!p0 $0x100000, s0;
	[bflag:$0x2] =	sbarrier.arrive $0xFFFF  }
0xcf: {  	[sflag:s0] =	ssyncadd.tile.s32 @!p0 $0x1;
	_ =	shalt  }
.Lfunc_end2:
_tile_overlayer_lowered:
.L_overlay_start_2:
0xd0: {  	(tag) =	ssettag $0x2  }
0xd1: {  	s0 =	rddreg [dreg:$0x0];
	s2 =	stileid.u32  }
0xd2: {  	s1 =	rddreg [dreg:$0x1];
	p0 =	sne.s32 s2, $0x0  }
0xd3: {  	s3 =	rddreg [dreg:$0x2];
	[bflag:$0x3] =	sbarrier.arrive $0xFFFF;
	s2 =	simm.s32 @!p0 $0x1C02  }
0xd4: {  	[timem:s3], [sflag:s2] =	dma.local @!p0 [hbm:s0], s1  }
0xd5: {  	s0 =	simm.s32 @!p0 $0x2  }
0xd6: {  	_ =	swait.ge @!p0 [sflag:s0], s1  }
0xd7: {  	s1 =	ssub.s32 @!p0 $0x0, s1;
	[sflag:s0] =	ssyncset.done @!p0 $0x0  }
0xd8: {  	[sflag:s0] =	ssyncadd.s32 @!p0 s1  }
0xd9: {  	[bflag:$0x3] =	sbarrier.arrive $0xFFFF  }
0xda: {  	_ =	shalt  }

</sc_bundles>
